<compile_context>
chip_gen: v7x
topology: tpu7x:2x2x1
jax: 0.10.2.dev20260603
libtpu: 0.0.44.dev20260713+nightly
codegen_flags: <defaults>
</compile_context>

<pallas_src>
import functools

import jax
import jax.numpy as jnp
from jax import lax
from jax.experimental import pallas as pl
from jax.experimental.pallas import tpu as pltpu
from jax.experimental.pallas import tpu_sc as plsc

C = 16
D0 = D1 = D2 = 160
P = D0 * D1 * D2
S0 = D1 * D2
S1 = D2
N_RAYS = 1048576

NC, NS, L = 2, 16, 16
NW = NC * NS


def _make_sc_kernel(n_rays, k):
    rpw = n_rays // NW
    nch = rpw // k
    kh = k // 2
    g_half = kh // L
    nq = 2 * 8

    mesh = plsc.VectorSubcoreMesh(
        core_axis_name="c", subcore_axis_name="s",
        num_cores=NC, num_subcores=NS)

    @functools.partial(
        pl.kernel,
        out_type=jax.ShapeDtypeStruct((n_rays, C), jnp.float32),
        mesh=mesh,
        scratch_types=[
            pltpu.VMEM((3 * k,), jnp.float32),
            pltpu.VMEM((nq, 1, kh), jnp.int32),
            pltpu.VMEM((nq * kh,), jnp.float32),
            pltpu.VMEM((8 * k, C), jnp.float32),
            pltpu.VMEM((k, C), jnp.float32),
            pltpu.VMEM((8 * L,), jnp.float32),
            pltpu.SemaphoreType.DMA,
        ],
        compiler_params=pltpu.CompilerParams(
            use_tc_tiling_on_sc=False, needs_layout_passes=False),
    )
    def sc_kernel(rayt, tab, prm, out, rv, idxv, wv, rowsv, outv, prmv, sem):
        wid = lax.axis_index("s") * NC + lax.axis_index("c")
        base = wid * rpw
        pltpu.sync_copy(prm, prmv)
        iot = lax.iota(jnp.int32, L)
        csplat = [jnp.full((L,), c, jnp.int32) for c in range(C)]

        @pl.loop(0, nch)
        def _chunk(ci):
            off = base + ci * k
            pltpu.sync_copy(rayt.at[pl.ds(off, k)], rv.at[pl.ds(0, k)])
            pltpu.sync_copy(rayt.at[pl.ds(n_rays + off, k)],
                            rv.at[pl.ds(k, k)])
            pltpu.sync_copy(rayt.at[pl.ds(2 * n_rays + off, k)],
                            rv.at[pl.ds(2 * k, k)])

            sc0 = prmv[pl.ds(0 * L, L)]
            sc1 = prmv[pl.ds(1 * L, L)]
            sc2 = prmv[pl.ds(2 * L, L)]
            of0 = prmv[pl.ds(3 * L, L)]
            of1 = prmv[pl.ds(4 * L, L)]
            of2 = prmv[pl.ds(5 * L, L)]

            for h in range(2):
                @pl.loop(0, g_half)
                def _grp(gg, h=h):
                    r = h * kh + gg * L
                    x0 = rv[pl.ds(0 * k + r, L)]
                    x1 = rv[pl.ds(1 * k + r, L)]
                    x2 = rv[pl.ds(2 * k + r, L)]
                    p0 = x0 * sc0 + of0
                    p1 = x1 * sc1 + of1
                    p2 = x2 * sc2 + of2
                    b0 = p0.astype(jnp.int32)
                    b1 = p1.astype(jnp.int32)
                    b2 = p2.astype(jnp.int32)
                    w0 = p0 - b0.astype(jnp.float32)
                    w1 = p1 - b1.astype(jnp.float32)
                    w2 = p2 - b2.astype(jnp.float32)
                    o0, o1, o2 = 1.0 - w0, 1.0 - w1, 1.0 - w2
                    lin = b0 * S0 + b1 * S1 + b2
                    c00, c01 = o0 * o1, o0 * w1
                    c10, c11 = w0 * o1, w0 * w1
                    lins = (lin, lin + 1, lin + S1, lin + S1 + 1,
                            lin + S0, lin + S0 + 1,
                            lin + S0 + S1, lin + S0 + S1 + 1)
                    wts = (c00 * o2, c00 * w2, c01 * o2, c01 * w2,
                           c10 * o2, c10 * w2, c11 * o2, c11 * w2)
                    d = pl.ds(gg * L, L)
                    for j in range(8):
                        q = 2 * j + h
                        idxv[q, 0, d] = lins[j]
                        wv[pl.ds(q * kh + gg * L, L)] = wts[j]

            cps = []
            for q in range(nq):
                j, h = q // 2, q % 2
                dst = rowsv.at[pl.ds(j * k + h * kh, kh)]
                cps.append(pltpu.async_copy(tab.at[idxv.at[q, 0]], dst, sem))
            for cp in cps:
                cp.wait()

            for h in range(2):
                @pl.loop(0, g_half)
                def _cmb(gg, h=h):
                    rbase = h * kh + gg * L
                    ridx = rbase + iot
                    accs = [jnp.zeros((L,), jnp.float32) for _ in range(C)]
                    for j in range(8):
                        q = 2 * j + h
                        wj = wv[pl.ds(q * kh + gg * L, L)]
                        rows_idx = (j * k + rbase) + iot
                        for c in range(C):
                            v = plsc.load_gather(rowsv, [rows_idx, csplat[c]])
                            accs[c] = accs[c] + wj * v
                    for c in range(C):
                        plsc.store_scatter(outv, [ridx, csplat[c]], accs[c])

            pltpu.sync_copy(outv, out.at[pl.ds(off, k)])

    return sc_kernel


_sc_kernel = None


def kernel(ray, grid, ray_min, ray_max):
    global _sc_kernel
    if _sc_kernel is None:
        _sc_kernel = _make_sc_kernel(N_RAYS, 256)
    tab = grid.reshape(C, P).T
    rayt = ray.T.reshape(3 * ray.shape[0])
    sizes = jnp.array([D0 - 1, D1 - 1, D2 - 1], jnp.float32)
    scale = sizes / (ray_max - ray_min)
    offs = -ray_min * scale
    prm = jnp.concatenate(
        [jnp.repeat(scale, L), jnp.repeat(offs, L),
         jnp.zeros((2 * L,), jnp.float32)])
    return _sc_kernel(rayt, tab, prm)

# --- scband reference (transcript-rebuilt; emitter-appended) ---
"""Pipeline reference for scband-lf3-dgrid-70471823393086 (READ-ONLY COPY).

The authoritative reference and input builder live on the scoring server;
editing this copy changes nothing except your own understanding.
"""

import jax, jax.numpy as jnp
import numpy as np

C = 16
GS = (160, 160, 160)
N_RAYS = 1048576


def setup_inputs(seed: int = 0) -> dict:
    key = jax.random.key(seed)
    k1, k2 = jax.random.split(key)
    ray = jax.random.uniform(k1, (N_RAYS, 3), dtype=jnp.float32)
    grid = jax.random.normal(k2, (1, C, GS[0], GS[1], GS[2]), dtype=jnp.float32) * 0.1
    ray_min = jnp.zeros((3,), dtype=jnp.float32)
    ray_max = jnp.ones((3,), dtype=jnp.float32)
    return {"ray": ray, "grid": grid, "ray_min": ray_min, "ray_max": ray_max}


def _grid_sample_trilinear(ray, grid, ray_min, ray_max):
    # Faithful to torch F.grid_sample(mode='bilinear', align_corners=True,
    # padding_mode='zeros') after the flip((-1,)) in the module: ray[...,0]
    # indexes D0, ray[...,1] -> D1, ray[...,2] -> D2.
    Cc = grid.shape[1]
    D0, D1, D2 = grid.shape[2], grid.shape[3], grid.shape[4]
    shape = ray.shape[:-1]
    r = ray.reshape(-1, 3)
    frac = (r - ray_min) / (ray_max - ray_min)
    sizes = jnp.array([D0, D1, D2], dtype=jnp.float32)
    # align_corners=True: unnormalized = ((norm*2-1)+1)/2*(size-1) = frac*(size-1)
    pix = frac * (sizes - 1.0)
    bottom_f = jnp.floor(pix)
    w = pix - bottom_f
    omw = 1.0 - w
    bottom = bottom_f.astype(jnp.int32)
    top = bottom + 1
    grid_flat = grid.reshape(Cc, D0 * D1 * D2)
    s0, s1 = D1 * D2, D2
    P = D0 * D1 * D2

    b0, b1, b2 = bottom[:, 0], bottom[:, 1], bottom[:, 2]
    t0, t1, t2 = top[:, 0], top[:, 1], top[:, 2]
    w0, w1, w2 = w[:, 0], w[:, 1], w[:, 2]
    o0, o1, o2 = omw[:, 0], omw[:, 1], omw[:, 2]

    def corner(i0, i1, i2, wt):
        valid = (i0 >= 0) & (i0 < D0) & (i1 >= 0) & (i1 < D1) & (i2 >= 0) & (i2 < D2)
        lin = jnp.clip(i0 * s0 + i1 * s1 + i2, 0, P - 1)
        vals = jnp.take(grid_flat, lin, axis=1)  # [C, N] gather
        return vals * (wt * valid.astype(jnp.float32))[None, :]

    out = (
        corner(b0, b1, b2, o0 * o1 * o2)
        + corner(t0, b1, b2, w0 * o1 * o2)
        + corner(b0, t1, b2, o0 * w1 * o2)
        + corner(t0, t1, b2, w0 * w1 * o2)
        + corner(b0, b1, t2, o0 * o1 * w2)
        + corner(t0, b1, t2, w0 * o1 * w2)
        + corner(b0, t1, t2, o0 * w1 * w2)
        + corner(t0, t1, t2, w0 * w1 * w2)
    )  # [C, N]
    return out.T.reshape(*shape, Cc)


def reference(ray, grid, ray_min, ray_max):
    return _grid_sample_trilinear(ray, grid, ray_min, ray_max)

if __name__ == "__main__":
    import jax
    _d = setup_inputs()
    print(jax.jit(kernel)(*tuple(_d.values())))

</pallas_src>

<mosaic_0001>
#map = affine_map<(d0, d1) -> (0)>
#map1 = affine_map<(d0, d1) -> (0, 0)>
module attributes {stable_mosaic.version = 14 : i64} {
  func.func @sc_kernel(%arg0: i32, %arg1: i32, %arg2: memref<3145728xf32, #tpu.memory_space<hbm>>, %arg3: memref<4096000x16xf32, #tpu.memory_space<hbm>>, %arg4: memref<128xf32, #tpu.memory_space<hbm>>, %arg5: memref<1048576x16xf32, #tpu.memory_space<hbm>>, %arg6: memref<768xf32, #tpu.memory_space<vmem>>, %arg7: memref<16x1x128xi32, #tpu.memory_space<vmem>>, %arg8: memref<2048xf32, #tpu.memory_space<vmem>>, %arg9: memref<2048x16xf32, #tpu.memory_space<vmem>>, %arg10: memref<256x16xf32, #tpu.memory_space<vmem>>, %arg11: memref<128xf32, #tpu.memory_space<vmem>>, %arg12: memref<!tpu.dma_semaphore, #tpu.memory_space<semaphore_mem>>) attributes {dimension_semantics = [#tpu.dimension_semantics<core_parallel>, #tpu.dimension_semantics<subcore_parallel>], iteration_bounds = array<i64: 2, 16>, scalar_prefetch = 0 : i64, scratch_operands = 7 : i64, tpu.core_type = #tpu.core_type<sc_vector_subcore>, window_params = [{transform_indices = #map}, {transform_indices = #map1}, {transform_indices = #map}, {transform_indices = #map1}]} {
    %mul3A = arith.constant 2 : i32
    %mul3A_0 = arith.muli %arg1, %mul3A : i32
    %add3A = arith.addi %mul3A_0, %arg0 : i32
    %mul3A_1 = arith.constant 32768 : i32
    %mul3A_2 = arith.muli %add3A, %mul3A_1 : i32
    "tpu.region"() ({
      %run_scoped3A = tpu.sem_alloc : memref<!tpu.dma_semaphore, #tpu.memory_space<semaphore_mem>>
      tpu.enqueue_dma source(%arg4 : memref<128xf32, #tpu.memory_space<hbm>>) target(%arg11 : memref<128xf32, #tpu.memory_space<vmem>>) target_semaphore(%run_scoped3A : memref<!tpu.dma_semaphore, #tpu.memory_space<semaphore_mem>>)
      tpu.wait_dma2 semaphore(%run_scoped3A : memref<!tpu.dma_semaphore, #tpu.memory_space<semaphore_mem>>) src(%arg4 : memref<128xf32, #tpu.memory_space<hbm>>) dst(%arg11 : memref<128xf32, #tpu.memory_space<vmem>>)
      tpu.yield
    }) : () -> ()
    %iota3A = tpu.iota {dimensions = array<i32: 0>} : vector<16xi32>
    %broadcast_in_dim3A = arith.constant 0 : i32
    %broadcast_in_dim3A_3 = vector.broadcast %broadcast_in_dim3A : i32 to vector<16xi32>
    %broadcast_in_dim3A_4 = arith.constant 1 : i32
    %broadcast_in_dim3A_5 = vector.broadcast %broadcast_in_dim3A_4 : i32 to vector<16xi32>
    %broadcast_in_dim3A_6 = arith.constant 2 : i32
    %broadcast_in_dim3A_7 = vector.broadcast %broadcast_in_dim3A_6 : i32 to vector<16xi32>
    %broadcast_in_dim3A_8 = arith.constant 3 : i32
    %broadcast_in_dim3A_9 = vector.broadcast %broadcast_in_dim3A_8 : i32 to vector<16xi32>
    %broadcast_in_dim3A_10 = arith.constant 4 : i32
    %broadcast_in_dim3A_11 = vector.broadcast %broadcast_in_dim3A_10 : i32 to vector<16xi32>
    %broadcast_in_dim3A_12 = arith.constant 5 : i32
    %broadcast_in_dim3A_13 = vector.broadcast %broadcast_in_dim3A_12 : i32 to vector<16xi32>
    %broadcast_in_dim3A_14 = arith.constant 6 : i32
    %broadcast_in_dim3A_15 = vector.broadcast %broadcast_in_dim3A_14 : i32 to vector<16xi32>
    %broadcast_in_dim3A_16 = arith.constant 7 : i32
    %broadcast_in_dim3A_17 = vector.broadcast %broadcast_in_dim3A_16 : i32 to vector<16xi32>
    %broadcast_in_dim3A_18 = arith.constant 8 : i32
    %broadcast_in_dim3A_19 = vector.broadcast %broadcast_in_dim3A_18 : i32 to vector<16xi32>
    %broadcast_in_dim3A_20 = arith.constant 9 : i32
    %broadcast_in_dim3A_21 = vector.broadcast %broadcast_in_dim3A_20 : i32 to vector<16xi32>
    %broadcast_in_dim3A_22 = arith.constant 10 : i32
    %broadcast_in_dim3A_23 = vector.broadcast %broadcast_in_dim3A_22 : i32 to vector<16xi32>
    %broadcast_in_dim3A_24 = arith.constant 11 : i32
    %broadcast_in_dim3A_25 = vector.broadcast %broadcast_in_dim3A_24 : i32 to vector<16xi32>
    %broadcast_in_dim3A_26 = arith.constant 12 : i32
    %broadcast_in_dim3A_27 = vector.broadcast %broadcast_in_dim3A_26 : i32 to vector<16xi32>
    %broadcast_in_dim3A_28 = arith.constant 13 : i32
    %broadcast_in_dim3A_29 = vector.broadcast %broadcast_in_dim3A_28 : i32 to vector<16xi32>
    %broadcast_in_dim3A_30 = arith.constant 14 : i32
    %broadcast_in_dim3A_31 = vector.broadcast %broadcast_in_dim3A_30 : i32 to vector<16xi32>
    %broadcast_in_dim3A_32 = arith.constant 15 : i32
    %broadcast_in_dim3A_33 = vector.broadcast %broadcast_in_dim3A_32 : i32 to vector<16xi32>
    %scan3A = arith.constant 0 : i32
    %scan3A_34 = arith.constant 128 : i32
    %scan3A_35 = arith.addi %scan3A, %scan3A_34 : i32
    %scan3A_36 = arith.constant 1 : i32
    scf.for %scan3A_38 = %scan3A to %scan3A_35 step %scan3A_36  : i32 {
      %mul3A_39 = arith.constant 1 : i32
      %mul3A_40 = arith.muli %scan3A_38, %mul3A_39 : i32
      %add3A_41 = arith.constant 0 : i32
      %add3A_42 = arith.addi %add3A_41, %mul3A_40 : i32
      %mul3A_43 = arith.constant 256 : i32
      %mul3A_44 = arith.muli %add3A_42, %mul3A_43 : i32
      %add3A_45 = arith.addi %mul3A_2, %mul3A_44 : i32
      "tpu.region"() ({
        %run_scoped3A = tpu.sem_alloc : memref<!tpu.dma_semaphore, #tpu.memory_space<semaphore_mem>>
        %dma_start3A_431 = arith.constant 0 : i32
        %dma_start3A_432 = tpu.memref_slice %arg6[%dma_start3A_431] : memref<768xf32, #tpu.memory_space<vmem>> -> memref<256xf32, #tpu.memory_space<vmem>>
        %dma_start3A_433 = tpu.memref_slice %arg2[%add3A_45] : memref<3145728xf32, #tpu.memory_space<hbm>> -> memref<256xf32, #tpu.memory_space<hbm>>
        %dma_start3A_434 = arith.constant 0 : i32
        %dma_start3A_435 = tpu.memref_slice %arg6[%dma_start3A_434] : memref<768xf32, #tpu.memory_space<vmem>> -> memref<256xf32, #tpu.memory_space<vmem>>
        %dma_start3A_436 = tpu.memref_slice %arg2[%add3A_45] : memref<3145728xf32, #tpu.memory_space<hbm>> -> memref<256xf32, #tpu.memory_space<hbm>>
        tpu.enqueue_dma source(%dma_start3A_436 : memref<256xf32, #tpu.memory_space<hbm>>) target(%dma_start3A_435 : memref<256xf32, #tpu.memory_space<vmem>>) target_semaphore(%run_scoped3A : memref<!tpu.dma_semaphore, #tpu.memory_space<semaphore_mem>>)
        %dma_wait3A_437 = arith.constant 0 : i32
        %dma_wait3A_438 = tpu.memref_slice %arg6[%dma_wait3A_437] : memref<768xf32, #tpu.memory_space<vmem>> -> memref<256xf32, #tpu.memory_space<vmem>>
        %dma_wait3A_439 = tpu.memref_slice %arg2[%add3A_45] : memref<3145728xf32, #tpu.memory_space<hbm>> -> memref<256xf32, #tpu.memory_space<hbm>>
        %dma_wait3A_440 = arith.constant 0 : i32
        %dma_wait3A_441 = tpu.memref_slice %arg6[%dma_wait3A_440] : memref<768xf32, #tpu.memory_space<vmem>> -> memref<256xf32, #tpu.memory_space<vmem>>
        %dma_wait3A_442 = tpu.memref_slice %arg2[%add3A_45] : memref<3145728xf32, #tpu.memory_space<hbm>> -> memref<256xf32, #tpu.memory_space<hbm>>
        tpu.wait_dma2 semaphore(%run_scoped3A : memref<!tpu.dma_semaphore, #tpu.memory_space<semaphore_mem>>) src(%dma_wait3A_442 : memref<256xf32, #tpu.memory_space<hbm>>) dst(%dma_wait3A_441 : memref<256xf32, #tpu.memory_space<vmem>>)
        tpu.yield
      }) : () -> ()
      %add3A_46 = arith.constant 1048576 : i32
      %add3A_47 = arith.addi %add3A_46, %add3A_45 : i32
      "tpu.region"() ({
        %run_scoped3A = tpu.sem_alloc : memref<!tpu.dma_semaphore, #tpu.memory_space<semaphore_mem>>
        %dma_start3A_431 = arith.constant 256 : i32
        %dma_start3A_432 = tpu.memref_slice %arg6[%dma_start3A_431] : memref<768xf32, #tpu.memory_space<vmem>> -> memref<256xf32, #tpu.memory_space<vmem>>
        %dma_start3A_433 = tpu.memref_slice %arg2[%add3A_47] : memref<3145728xf32, #tpu.memory_space<hbm>> -> memref<256xf32, #tpu.memory_space<hbm>>
        %dma_start3A_434 = arith.constant 256 : i32
        %dma_start3A_435 = tpu.memref_slice %arg6[%dma_start3A_434] : memref<768xf32, #tpu.memory_space<vmem>> -> memref<256xf32, #tpu.memory_space<vmem>>
        %dma_start3A_436 = tpu.memref_slice %arg2[%add3A_47] : memref<3145728xf32, #tpu.memory_space<hbm>> -> memref<256xf32, #tpu.memory_space<hbm>>
        tpu.enqueue_dma source(%dma_start3A_436 : memref<256xf32, #tpu.memory_space<hbm>>) target(%dma_start3A_435 : memref<256xf32, #tpu.memory_space<vmem>>) target_semaphore(%run_scoped3A : memref<!tpu.dma_semaphore, #tpu.memory_space<semaphore_mem>>)
        %dma_wait3A_437 = arith.constant 256 : i32
        %dma_wait3A_438 = tpu.memref_slice %arg6[%dma_wait3A_437] : memref<768xf32, #tpu.memory_space<vmem>> -> memref<256xf32, #tpu.memory_space<vmem>>
        %dma_wait3A_439 = tpu.memref_slice %arg2[%add3A_47] : memref<3145728xf32, #tpu.memory_space<hbm>> -> memref<256xf32, #tpu.memory_space<hbm>>
        %dma_wait3A_440 = arith.constant 256 : i32
        %dma_wait3A_441 = tpu.memref_slice %arg6[%dma_wait3A_440] : memref<768xf32, #tpu.memory_space<vmem>> -> memref<256xf32, #tpu.memory_space<vmem>>
        %dma_wait3A_442 = tpu.memref_slice %arg2[%add3A_47] : memref<3145728xf32, #tpu.memory_space<hbm>> -> memref<256xf32, #tpu.memory_space<hbm>>
        tpu.wait_dma2 semaphore(%run_scoped3A : memref<!tpu.dma_semaphore, #tpu.memory_space<semaphore_mem>>) src(%dma_wait3A_442 : memref<256xf32, #tpu.memory_space<hbm>>) dst(%dma_wait3A_441 : memref<256xf32, #tpu.memory_space<vmem>>)
        tpu.yield
      }) : () -> ()
      %add3A_48 = arith.constant 2097152 : i32
      %add3A_49 = arith.addi %add3A_48, %add3A_45 : i32
      "tpu.region"() ({
        %run_scoped3A = tpu.sem_alloc : memref<!tpu.dma_semaphore, #tpu.memory_space<semaphore_mem>>
        %dma_start3A_431 = arith.constant 512 : i32
        %dma_start3A_432 = tpu.memref_slice %arg6[%dma_start3A_431] : memref<768xf32, #tpu.memory_space<vmem>> -> memref<256xf32, #tpu.memory_space<vmem>>
        %dma_start3A_433 = tpu.memref_slice %arg2[%add3A_49] : memref<3145728xf32, #tpu.memory_space<hbm>> -> memref<256xf32, #tpu.memory_space<hbm>>
        %dma_start3A_434 = arith.constant 512 : i32
        %dma_start3A_435 = tpu.memref_slice %arg6[%dma_start3A_434] : memref<768xf32, #tpu.memory_space<vmem>> -> memref<256xf32, #tpu.memory_space<vmem>>
        %dma_start3A_436 = tpu.memref_slice %arg2[%add3A_49] : memref<3145728xf32, #tpu.memory_space<hbm>> -> memref<256xf32, #tpu.memory_space<hbm>>
        tpu.enqueue_dma source(%dma_start3A_436 : memref<256xf32, #tpu.memory_space<hbm>>) target(%dma_start3A_435 : memref<256xf32, #tpu.memory_space<vmem>>) target_semaphore(%run_scoped3A : memref<!tpu.dma_semaphore, #tpu.memory_space<semaphore_mem>>)
        %dma_wait3A_437 = arith.constant 512 : i32
        %dma_wait3A_438 = tpu.memref_slice %arg6[%dma_wait3A_437] : memref<768xf32, #tpu.memory_space<vmem>> -> memref<256xf32, #tpu.memory_space<vmem>>
        %dma_wait3A_439 = tpu.memref_slice %arg2[%add3A_49] : memref<3145728xf32, #tpu.memory_space<hbm>> -> memref<256xf32, #tpu.memory_space<hbm>>
        %dma_wait3A_440 = arith.constant 512 : i32
        %dma_wait3A_441 = tpu.memref_slice %arg6[%dma_wait3A_440] : memref<768xf32, #tpu.memory_space<vmem>> -> memref<256xf32, #tpu.memory_space<vmem>>
        %dma_wait3A_442 = tpu.memref_slice %arg2[%add3A_49] : memref<3145728xf32, #tpu.memory_space<hbm>> -> memref<256xf32, #tpu.memory_space<hbm>>
        tpu.wait_dma2 semaphore(%run_scoped3A : memref<!tpu.dma_semaphore, #tpu.memory_space<semaphore_mem>>) src(%dma_wait3A_442 : memref<256xf32, #tpu.memory_space<hbm>>) dst(%dma_wait3A_441 : memref<256xf32, #tpu.memory_space<vmem>>)
        tpu.yield
      }) : () -> ()
      %get3A = arith.constant 0 : index
      %get3A_50 = tpu.vector_load %arg11[%get3A] {strides = array<i32>} : memref<128xf32, #tpu.memory_space<vmem>>, vector<16xf32>,
      %get3A_51 = arith.constant 16 : index
      %get3A_52 = tpu.vector_load %arg11[%get3A_51] {strides = array<i32>} : memref<128xf32, #tpu.memory_space<vmem>>, vector<16xf32>,
      %get3A_53 = arith.constant 32 : index
      %get3A_54 = tpu.vector_load %arg11[%get3A_53] {strides = array<i32>} : memref<128xf32, #tpu.memory_space<vmem>>, vector<16xf32>,
      %get3A_55 = arith.constant 48 : index
      %get3A_56 = tpu.vector_load %arg11[%get3A_55] {strides = array<i32>} : memref<128xf32, #tpu.memory_space<vmem>>, vector<16xf32>,
      %get3A_57 = arith.constant 64 : index
      %get3A_58 = tpu.vector_load %arg11[%get3A_57] {strides = array<i32>} : memref<128xf32, #tpu.memory_space<vmem>>, vector<16xf32>,
      %get3A_59 = arith.constant 80 : index
      %get3A_60 = tpu.vector_load %arg11[%get3A_59] {strides = array<i32>} : memref<128xf32, #tpu.memory_space<vmem>>, vector<16xf32>,
      %scan3A_61 = arith.constant 0 : i32
      %scan3A_62 = arith.constant 8 : i32
      %scan3A_63 = arith.addi %scan3A_61, %scan3A_62 : i32
      %scan3A_64 = arith.constant 1 : i32
      scf.for %scan3A_431 = %scan3A_61 to %scan3A_63 step %scan3A_64  : i32 {
        %mul3A_432 = arith.constant 1 : i32
        %mul3A_433 = arith.muli %scan3A_431, %mul3A_432 : i32
        %add3A_434 = arith.constant 0 : i32
        %add3A_435 = arith.addi %add3A_434, %mul3A_433 : i32
        %mul3A_436 = arith.constant 16 : i32
        %mul3A_437 = arith.muli %add3A_435, %mul3A_436 : i32
        %add3A_438 = arith.constant 0 : i32
        %add3A_439 = arith.addi %add3A_438, %mul3A_437 : i32
        %add3A_440 = arith.constant 0 : i32
        %add3A_441 = arith.addi %add3A_440, %add3A_439 : i32
        %get3A_442 = arith.index_cast %add3A_441 : i32 to index
        %get3A_443 = tpu.vector_load %arg6[%get3A_442] {strides = array<i32>} : memref<768xf32, #tpu.memory_space<vmem>>, vector<16xf32>,
        %add3A_444 = arith.constant 256 : i32
        %add3A_445 = arith.addi %add3A_444, %add3A_439 : i32
        %get3A_446 = arith.index_cast %add3A_445 : i32 to index
        %get3A_447 = tpu.vector_load %arg6[%get3A_446] {strides = array<i32>} : memref<768xf32, #tpu.memory_space<vmem>>, vector<16xf32>,
        %add3A_448 = arith.constant 512 : i32
        %add3A_449 = arith.addi %add3A_448, %add3A_439 : i32
        %get3A_450 = arith.index_cast %add3A_449 : i32 to index
        %get3A_451 = tpu.vector_load %arg6[%get3A_450] {strides = array<i32>} : memref<768xf32, #tpu.memory_space<vmem>>, vector<16xf32>,
        %mul3A_452 = arith.mulf %get3A_443, %get3A_50 : vector<16xf32>
        %add3A_453 = arith.addf %mul3A_452, %get3A_56 : vector<16xf32>
        %mul3A_454 = arith.mulf %get3A_447, %get3A_52 : vector<16xf32>
        %add3A_455 = arith.addf %mul3A_454, %get3A_58 : vector<16xf32>
        %mul3A_456 = arith.mulf %get3A_451, %get3A_54 : vector<16xf32>
        %add3A_457 = arith.addf %mul3A_456, %get3A_60 : vector<16xf32>
        %convert_element_type3A = arith.fptosi %add3A_453 : vector<16xf32> to vector<16xi32>
        %convert_element_type3A_458 = arith.fptosi %add3A_455 : vector<16xf32> to vector<16xi32>
        %convert_element_type3A_459 = arith.fptosi %add3A_457 : vector<16xf32> to vector<16xi32>
        %convert_element_type3A_460 = arith.sitofp %convert_element_type3A : vector<16xi32> to vector<16xf32>
        %sub3A = arith.subf %add3A_453, %convert_element_type3A_460 : vector<16xf32>
        %convert_element_type3A_461 = arith.sitofp %convert_element_type3A_458 : vector<16xi32> to vector<16xf32>
        %sub3A_462 = arith.subf %add3A_455, %convert_element_type3A_461 : vector<16xf32>
        %convert_element_type3A_463 = arith.sitofp %convert_element_type3A_459 : vector<16xi32> to vector<16xf32>
        %sub3A_464 = arith.subf %add3A_457, %convert_element_type3A_463 : vector<16xf32>
        %sub3A_465 = arith.constant 1.000000e+00 : f32
        %sub3A_466 = vector.broadcast %sub3A_465 : f32 to vector<16xf32>
        %sub3A_467 = arith.subf %sub3A_466, %sub3A : vector<16xf32>
        %sub3A_468 = arith.constant 1.000000e+00 : f32
        %sub3A_469 = vector.broadcast %sub3A_468 : f32 to vector<16xf32>
        %sub3A_470 = arith.subf %sub3A_469, %sub3A_462 : vector<16xf32>
        %sub3A_471 = arith.constant 1.000000e+00 : f32
        %sub3A_472 = vector.broadcast %sub3A_471 : f32 to vector<16xf32>
        %sub3A_473 = arith.subf %sub3A_472, %sub3A_464 : vector<16xf32>
        %mul3A_474 = arith.constant 25600 : i32
        %mul3A_475 = vector.broadcast %mul3A_474 : i32 to vector<16xi32>
        %mul3A_476 = arith.muli %convert_element_type3A, %mul3A_475 : vector<16xi32>
        %mul3A_477 = arith.constant 160 : i32
        %mul3A_478 = vector.broadcast %mul3A_477 : i32 to vector<16xi32>
        %mul3A_479 = arith.muli %convert_element_type3A_458, %mul3A_478 : vector<16xi32>
        %add3A_480 = arith.addi %mul3A_476, %mul3A_479 : vector<16xi32>
        %add3A_481 = arith.addi %add3A_480, %convert_element_type3A_459 : vector<16xi32>
        %mul3A_482 = arith.mulf %sub3A_467, %sub3A_470 : vector<16xf32>
        %mul3A_483 = arith.mulf %sub3A_467, %sub3A_462 : vector<16xf32>
        %mul3A_484 = arith.mulf %sub3A, %sub3A_470 : vector<16xf32>
        %mul3A_485 = arith.mulf %sub3A, %sub3A_462 : vector<16xf32>
        %add3A_486 = arith.constant 1 : i32
        %add3A_487 = vector.broadcast %add3A_486 : i32 to vector<16xi32>
        %add3A_488 = arith.addi %add3A_481, %add3A_487 : vector<16xi32>
        %add3A_489 = arith.constant 160 : i32
        %add3A_490 = vector.broadcast %add3A_489 : i32 to vector<16xi32>
        %add3A_491 = arith.addi %add3A_481, %add3A_490 : vector<16xi32>
        %add3A_492 = arith.constant 160 : i32
        %add3A_493 = vector.broadcast %add3A_492 : i32 to vector<16xi32>
        %add3A_494 = arith.addi %add3A_481, %add3A_493 : vector<16xi32>
        %add3A_495 = arith.constant 1 : i32
        %add3A_496 = vector.broadcast %add3A_495 : i32 to vector<16xi32>
        %add3A_497 = arith.addi %add3A_494, %add3A_496 : vector<16xi32>
        %add3A_498 = arith.constant 25600 : i32
        %add3A_499 = vector.broadcast %add3A_498 : i32 to vector<16xi32>
        %add3A_500 = arith.addi %add3A_481, %add3A_499 : vector<16xi32>
        %add3A_501 = arith.constant 25600 : i32
        %add3A_502 = vector.broadcast %add3A_501 : i32 to vector<16xi32>
        %add3A_503 = arith.addi %add3A_481, %add3A_502 : vector<16xi32>
        %add3A_504 = arith.constant 1 : i32
        %add3A_505 = vector.broadcast %add3A_504 : i32 to vector<16xi32>
        %add3A_506 = arith.addi %add3A_503, %add3A_505 : vector<16xi32>
        %add3A_507 = arith.constant 25600 : i32
        %add3A_508 = vector.broadcast %add3A_507 : i32 to vector<16xi32>
        %add3A_509 = arith.addi %add3A_481, %add3A_508 : vector<16xi32>
        %add3A_510 = arith.constant 160 : i32
        %add3A_511 = vector.broadcast %add3A_510 : i32 to vector<16xi32>
        %add3A_512 = arith.addi %add3A_509, %add3A_511 : vector<16xi32>
        %add3A_513 = arith.constant 25600 : i32
        %add3A_514 = vector.broadcast %add3A_513 : i32 to vector<16xi32>
        %add3A_515 = arith.addi %add3A_481, %add3A_514 : vector<16xi32>
        %add3A_516 = arith.constant 160 : i32
        %add3A_517 = vector.broadcast %add3A_516 : i32 to vector<16xi32>
        %add3A_518 = arith.addi %add3A_515, %add3A_517 : vector<16xi32>
        %add3A_519 = arith.constant 1 : i32
        %add3A_520 = vector.broadcast %add3A_519 : i32 to vector<16xi32>
        %add3A_521 = arith.addi %add3A_518, %add3A_520 : vector<16xi32>
        %mul3A_522 = arith.mulf %mul3A_482, %sub3A_473 : vector<16xf32>
        %mul3A_523 = arith.mulf %mul3A_482, %sub3A_464 : vector<16xf32>
        %mul3A_524 = arith.mulf %mul3A_483, %sub3A_473 : vector<16xf32>
        %mul3A_525 = arith.mulf %mul3A_483, %sub3A_464 : vector<16xf32>
        %mul3A_526 = arith.mulf %mul3A_484, %sub3A_473 : vector<16xf32>
        %mul3A_527 = arith.mulf %mul3A_484, %sub3A_464 : vector<16xf32>
        %mul3A_528 = arith.mulf %mul3A_485, %sub3A_473 : vector<16xf32>
        %mul3A_529 = arith.mulf %mul3A_485, %sub3A_464 : vector<16xf32>
        %mul3A_530 = arith.constant 16 : i32
        %mul3A_531 = arith.muli %add3A_435, %mul3A_530 : i32
        %swap3A = arith.constant 0 : i32
        %swap3A_532 = arith.constant 0 : i32
        %swap3A_533 = arith.index_cast %swap3A : i32 to index
        %swap3A_534 = arith.index_cast %swap3A_532 : i32 to index
        %swap3A_535 = arith.index_cast %mul3A_531 : i32 to index
        %swap3A_536 = tpu.vector_load %arg7[%swap3A_533, %swap3A_534, %swap3A_535] {strides = array<i32>} : memref<16x1x128xi32, #tpu.memory_space<vmem>>, vector<16xi32>,
        tpu.vector_store %arg7[%swap3A_533, %swap3A_534, %swap3A_535], %add3A_481 {strides = array<i32>} : memref<16x1x128xi32, #tpu.memory_space<vmem>>, vector<16xi32>,
        %mul3A_537 = arith.constant 16 : i32
        %mul3A_538 = arith.muli %add3A_435, %mul3A_537 : i32
        %add3A_539 = arith.constant 0 : i32
        %add3A_540 = arith.addi %add3A_539, %mul3A_538 : i32
        %swap3A_541 = arith.index_cast %add3A_540 : i32 to index
        %swap3A_542 = tpu.vector_load %arg8[%swap3A_541] {strides = array<i32>} : memref<2048xf32, #tpu.memory_space<vmem>>, vector<16xf32>,
        tpu.vector_store %arg8[%swap3A_541], %mul3A_522 {strides = array<i32>} : memref<2048xf32, #tpu.memory_space<vmem>>, vector<16xf32>,
        %swap3A_543 = arith.constant 2 : i32
        %swap3A_544 = arith.constant 0 : i32
        %swap3A_545 = arith.index_cast %swap3A_543 : i32 to index
        %swap3A_546 = arith.index_cast %swap3A_544 : i32 to index
        %swap3A_547 = arith.index_cast %mul3A_531 : i32 to index
        %swap3A_548 = tpu.vector_load %arg7[%swap3A_545, %swap3A_546, %swap3A_547] {strides = array<i32>} : memref<16x1x128xi32, #tpu.memory_space<vmem>>, vector<16xi32>,
        tpu.vector_store %arg7[%swap3A_545, %swap3A_546, %swap3A_547], %add3A_488 {strides = array<i32>} : memref<16x1x128xi32, #tpu.memory_space<vmem>>, vector<16xi32>,
        %mul3A_549 = arith.constant 16 : i32
        %mul3A_550 = arith.muli %add3A_435, %mul3A_549 : i32
        %add3A_551 = arith.constant 256 : i32
        %add3A_552 = arith.addi %add3A_551, %mul3A_550 : i32
        %swap3A_553 = arith.index_cast %add3A_552 : i32 to index
        %swap3A_554 = tpu.vector_load %arg8[%swap3A_553] {strides = array<i32>} : memref<2048xf32, #tpu.memory_space<vmem>>, vector<16xf32>,
        tpu.vector_store %arg8[%swap3A_553], %mul3A_523 {strides = array<i32>} : memref<2048xf32, #tpu.memory_space<vmem>>, vector<16xf32>,
        %swap3A_555 = arith.constant 4 : i32
        %swap3A_556 = arith.constant 0 : i32
        %swap3A_557 = arith.index_cast %swap3A_555 : i32 to index
        %swap3A_558 = arith.index_cast %swap3A_556 : i32 to index
        %swap3A_559 = arith.index_cast %mul3A_531 : i32 to index
        %swap3A_560 = tpu.vector_load %arg7[%swap3A_557, %swap3A_558, %swap3A_559] {strides = array<i32>} : memref<16x1x128xi32, #tpu.memory_space<vmem>>, vector<16xi32>,
        tpu.vector_store %arg7[%swap3A_557, %swap3A_558, %swap3A_559], %add3A_491 {strides = array<i32>} : memref<16x1x128xi32, #tpu.memory_space<vmem>>, vector<16xi32>,
        %mul3A_561 = arith.constant 16 : i32
        %mul3A_562 = arith.muli %add3A_435, %mul3A_561 : i32
        %add3A_563 = arith.constant 512 : i32
        %add3A_564 = arith.addi %add3A_563, %mul3A_562 : i32
        %swap3A_565 = arith.index_cast %add3A_564 : i32 to index
        %swap3A_566 = tpu.vector_load %arg8[%swap3A_565] {strides = array<i32>} : memref<2048xf32, #tpu.memory_space<vmem>>, vector<16xf32>,
        tpu.vector_store %arg8[%swap3A_565], %mul3A_524 {strides = array<i32>} : memref<2048xf32, #tpu.memory_space<vmem>>, vector<16xf32>,
        %swap3A_567 = arith.constant 6 : i32
        %swap3A_568 = arith.constant 0 : i32
        %swap3A_569 = arith.index_cast %swap3A_567 : i32 to index
        %swap3A_570 = arith.index_cast %swap3A_568 : i32 to index
        %swap3A_571 = arith.index_cast %mul3A_531 : i32 to index
        %swap3A_572 = tpu.vector_load %arg7[%swap3A_569, %swap3A_570, %swap3A_571] {strides = array<i32>} : memref<16x1x128xi32, #tpu.memory_space<vmem>>, vector<16xi32>,
        tpu.vector_store %arg7[%swap3A_569, %swap3A_570, %swap3A_571], %add3A_497 {strides = array<i32>} : memref<16x1x128xi32, #tpu.memory_space<vmem>>, vector<16xi32>,
        %mul3A_573 = arith.constant 16 : i32
        %mul3A_574 = arith.muli %add3A_435, %mul3A_573 : i32
        %add3A_575 = arith.constant 768 : i32
        %add3A_576 = arith.addi %add3A_575, %mul3A_574 : i32
        %swap3A_577 = arith.index_cast %add3A_576 : i32 to index
        %swap3A_578 = tpu.vector_load %arg8[%swap3A_577] {strides = array<i32>} : memref<2048xf32, #tpu.memory_space<vmem>>, vector<16xf32>,
        tpu.vector_store %arg8[%swap3A_577], %mul3A_525 {strides = array<i32>} : memref<2048xf32, #tpu.memory_space<vmem>>, vector<16xf32>,
        %swap3A_579 = arith.constant 8 : i32
        %swap3A_580 = arith.constant 0 : i32
        %swap3A_581 = arith.index_cast %swap3A_579 : i32 to index
        %swap3A_582 = arith.index_cast %swap3A_580 : i32 to index
        %swap3A_583 = arith.index_cast %mul3A_531 : i32 to index
        %swap3A_584 = tpu.vector_load %arg7[%swap3A_581, %swap3A_582, %swap3A_583] {strides = array<i32>} : memref<16x1x128xi32, #tpu.memory_space<vmem>>, vector<16xi32>,
        tpu.vector_store %arg7[%swap3A_581, %swap3A_582, %swap3A_583], %add3A_500 {strides = array<i32>} : memref<16x1x128xi32, #tpu.memory_space<vmem>>, vector<16xi32>,
        %mul3A_585 = arith.constant 16 : i32
        %mul3A_586 = arith.muli %add3A_435, %mul3A_585 : i32
        %add3A_587 = arith.constant 1024 : i32
        %add3A_588 = arith.addi %add3A_587, %mul3A_586 : i32
        %swap3A_589 = arith.index_cast %add3A_588 : i32 to index
        %swap3A_590 = tpu.vector_load %arg8[%swap3A_589] {strides = array<i32>} : memref<2048xf32, #tpu.memory_space<vmem>>, vector<16xf32>,
        tpu.vector_store %arg8[%swap3A_589], %mul3A_526 {strides = array<i32>} : memref<2048xf32, #tpu.memory_space<vmem>>, vector<16xf32>,
        %swap3A_591 = arith.constant 10 : i32
        %swap3A_592 = arith.constant 0 : i32
        %swap3A_593 = arith.index_cast %swap3A_591 : i32 to index
        %swap3A_594 = arith.index_cast %swap3A_592 : i32 to index
        %swap3A_595 = arith.index_cast %mul3A_531 : i32 to index
        %swap3A_596 = tpu.vector_load %arg7[%swap3A_593, %swap3A_594, %swap3A_595] {strides = array<i32>} : memref<16x1x128xi32, #tpu.memory_space<vmem>>, vector<16xi32>,
        tpu.vector_store %arg7[%swap3A_593, %swap3A_594, %swap3A_595], %add3A_506 {strides = array<i32>} : memref<16x1x128xi32, #tpu.memory_space<vmem>>, vector<16xi32>,
        %mul3A_597 = arith.constant 16 : i32
        %mul3A_598 = arith.muli %add3A_435, %mul3A_597 : i32
        %add3A_599 = arith.constant 1280 : i32
        %add3A_600 = arith.addi %add3A_599, %mul3A_598 : i32
        %swap3A_601 = arith.index_cast %add3A_600 : i32 to index
        %swap3A_602 = tpu.vector_load %arg8[%swap3A_601] {strides = array<i32>} : memref<2048xf32, #tpu.memory_space<vmem>>, vector<16xf32>,
        tpu.vector_store %arg8[%swap3A_601], %mul3A_527 {strides = array<i32>} : memref<2048xf32, #tpu.memory_space<vmem>>, vector<16xf32>,
        %swap3A_603 = arith.constant 12 : i32
        %swap3A_604 = arith.constant 0 : i32
        %swap3A_605 = arith.index_cast %swap3A_603 : i32 to index
        %swap3A_606 = arith.index_cast %swap3A_604 : i32 to index
        %swap3A_607 = arith.index_cast %mul3A_531 : i32 to index
        %swap3A_608 = tpu.vector_load %arg7[%swap3A_605, %swap3A_606, %swap3A_607] {strides = array<i32>} : memref<16x1x128xi32, #tpu.memory_space<vmem>>, vector<16xi32>,
        tpu.vector_store %arg7[%swap3A_605, %swap3A_606, %swap3A_607], %add3A_512 {strides = array<i32>} : memref<16x1x128xi32, #tpu.memory_space<vmem>>, vector<16xi32>,
        %mul3A_609 = arith.constant 16 : i32
        %mul3A_610 = arith.muli %add3A_435, %mul3A_609 : i32
        %add3A_611 = arith.constant 1536 : i32
        %add3A_612 = arith.addi %add3A_611, %mul3A_610 : i32
        %swap3A_613 = arith.index_cast %add3A_612 : i32 to index
        %swap3A_614 = tpu.vector_load %arg8[%swap3A_613] {strides = array<i32>} : memref<2048xf32, #tpu.memory_space<vmem>>, vector<16xf32>,
        tpu.vector_store %arg8[%swap3A_613], %mul3A_528 {strides = array<i32>} : memref<2048xf32, #tpu.memory_space<vmem>>, vector<16xf32>,
        %swap3A_615 = arith.constant 14 : i32
        %swap3A_616 = arith.constant 0 : i32
        %swap3A_617 = arith.index_cast %swap3A_615 : i32 to index
        %swap3A_618 = arith.index_cast %swap3A_616 : i32 to index
        %swap3A_619 = arith.index_cast %mul3A_531 : i32 to index
        %swap3A_620 = tpu.vector_load %arg7[%swap3A_617, %swap3A_618, %swap3A_619] {strides = array<i32>} : memref<16x1x128xi32, #tpu.memory_space<vmem>>, vector<16xi32>,
        tpu.vector_store %arg7[%swap3A_617, %swap3A_618, %swap3A_619], %add3A_521 {strides = array<i32>} : memref<16x1x128xi32, #tpu.memory_space<vmem>>, vector<16xi32>,
        %mul3A_621 = arith.constant 16 : i32
        %mul3A_622 = arith.muli %add3A_435, %mul3A_621 : i32
        %add3A_623 = arith.constant 1792 : i32
        %add3A_624 = arith.addi %add3A_623, %mul3A_622 : i32
        %swap3A_625 = arith.index_cast %add3A_624 : i32 to index
        %swap3A_626 = tpu.vector_load %arg8[%swap3A_625] {strides = array<i32>} : memref<2048xf32, #tpu.memory_space<vmem>>, vector<16xf32>,
        tpu.vector_store %arg8[%swap3A_625], %mul3A_529 {strides = array<i32>} : memref<2048xf32, #tpu.memory_space<vmem>>, vector<16xf32>,
      }
      %scan3A_65 = arith.constant 8 : i32
      %scan3A_66 = arith.constant 0 : i32
      %scan3A_67 = arith.constant 8 : i32
      %scan3A_68 = arith.addi %scan3A_66, %scan3A_67 : i32
      %scan3A_69 = arith.constant 1 : i32
      scf.for %scan3A_431 = %scan3A_66 to %scan3A_68 step %scan3A_69  : i32 {
        %mul3A_432 = arith.constant 1 : i32
        %mul3A_433 = arith.muli %scan3A_431, %mul3A_432 : i32
        %add3A_434 = arith.constant 0 : i32
        %add3A_435 = arith.addi %add3A_434, %mul3A_433 : i32
        %mul3A_436 = arith.constant 16 : i32
        %mul3A_437 = arith.muli %add3A_435, %mul3A_436 : i32
        %add3A_438 = arith.constant 128 : i32
        %add3A_439 = arith.addi %add3A_438, %mul3A_437 : i32
        %add3A_440 = arith.constant 0 : i32
        %add3A_441 = arith.addi %add3A_440, %add3A_439 : i32
        %get3A_442 = arith.index_cast %add3A_441 : i32 to index
        %get3A_443 = tpu.vector_load %arg6[%get3A_442] {strides = array<i32>} : memref<768xf32, #tpu.memory_space<vmem>>, vector<16xf32>,
        %add3A_444 = arith.constant 256 : i32
        %add3A_445 = arith.addi %add3A_444, %add3A_439 : i32
        %get3A_446 = arith.index_cast %add3A_445 : i32 to index
        %get3A_447 = tpu.vector_load %arg6[%get3A_446] {strides = array<i32>} : memref<768xf32, #tpu.memory_space<vmem>>, vector<16xf32>,
        %add3A_448 = arith.constant 512 : i32
        %add3A_449 = arith.addi %add3A_448, %add3A_439 : i32
        %get3A_450 = arith.index_cast %add3A_449 : i32 to index
        %get3A_451 = tpu.vector_load %arg6[%get3A_450] {strides = array<i32>} : memref<768xf32, #tpu.memory_space<vmem>>, vector<16xf32>,
        %mul3A_452 = arith.mulf %get3A_443, %get3A_50 : vector<16xf32>
        %add3A_453 = arith.addf %mul3A_452, %get3A_56 : vector<16xf32>
        %mul3A_454 = arith.mulf %get3A_447, %get3A_52 : vector<16xf32>
        %add3A_455 = arith.addf %mul3A_454, %get3A_58 : vector<16xf32>
        %mul3A_456 = arith.mulf %get3A_451, %get3A_54 : vector<16xf32>
        %add3A_457 = arith.addf %mul3A_456, %get3A_60 : vector<16xf32>
        %convert_element_type3A = arith.fptosi %add3A_453 : vector<16xf32> to vector<16xi32>
        %convert_element_type3A_458 = arith.fptosi %add3A_455 : vector<16xf32> to vector<16xi32>
        %convert_element_type3A_459 = arith.fptosi %add3A_457 : vector<16xf32> to vector<16xi32>
        %convert_element_type3A_460 = arith.sitofp %convert_element_type3A : vector<16xi32> to vector<16xf32>
        %sub3A = arith.subf %add3A_453, %convert_element_type3A_460 : vector<16xf32>
        %convert_element_type3A_461 = arith.sitofp %convert_element_type3A_458 : vector<16xi32> to vector<16xf32>
        %sub3A_462 = arith.subf %add3A_455, %convert_element_type3A_461 : vector<16xf32>
        %convert_element_type3A_463 = arith.sitofp %convert_element_type3A_459 : vector<16xi32> to vector<16xf32>
        %sub3A_464 = arith.subf %add3A_457, %convert_element_type3A_463 : vector<16xf32>
        %sub3A_465 = arith.constant 1.000000e+00 : f32
        %sub3A_466 = vector.broadcast %sub3A_465 : f32 to vector<16xf32>
        %sub3A_467 = arith.subf %sub3A_466, %sub3A : vector<16xf32>
        %sub3A_468 = arith.constant 1.000000e+00 : f32
        %sub3A_469 = vector.broadcast %sub3A_468 : f32 to vector<16xf32>
        %sub3A_470 = arith.subf %sub3A_469, %sub3A_462 : vector<16xf32>
        %sub3A_471 = arith.constant 1.000000e+00 : f32
        %sub3A_472 = vector.broadcast %sub3A_471 : f32 to vector<16xf32>
        %sub3A_473 = arith.subf %sub3A_472, %sub3A_464 : vector<16xf32>
        %mul3A_474 = arith.constant 25600 : i32
        %mul3A_475 = vector.broadcast %mul3A_474 : i32 to vector<16xi32>
        %mul3A_476 = arith.muli %convert_element_type3A, %mul3A_475 : vector<16xi32>
        %mul3A_477 = arith.constant 160 : i32
        %mul3A_478 = vector.broadcast %mul3A_477 : i32 to vector<16xi32>
        %mul3A_479 = arith.muli %convert_element_type3A_458, %mul3A_478 : vector<16xi32>
        %add3A_480 = arith.addi %mul3A_476, %mul3A_479 : vector<16xi32>
        %add3A_481 = arith.addi %add3A_480, %convert_element_type3A_459 : vector<16xi32>
        %mul3A_482 = arith.mulf %sub3A_467, %sub3A_470 : vector<16xf32>
        %mul3A_483 = arith.mulf %sub3A_467, %sub3A_462 : vector<16xf32>
        %mul3A_484 = arith.mulf %sub3A, %sub3A_470 : vector<16xf32>
        %mul3A_485 = arith.mulf %sub3A, %sub3A_462 : vector<16xf32>
        %add3A_486 = arith.constant 1 : i32
        %add3A_487 = vector.broadcast %add3A_486 : i32 to vector<16xi32>
        %add3A_488 = arith.addi %add3A_481, %add3A_487 : vector<16xi32>
        %add3A_489 = arith.constant 160 : i32
        %add3A_490 = vector.broadcast %add3A_489 : i32 to vector<16xi32>
        %add3A_491 = arith.addi %add3A_481, %add3A_490 : vector<16xi32>
        %add3A_492 = arith.constant 160 : i32
        %add3A_493 = vector.broadcast %add3A_492 : i32 to vector<16xi32>
        %add3A_494 = arith.addi %add3A_481, %add3A_493 : vector<16xi32>
        %add3A_495 = arith.constant 1 : i32
        %add3A_496 = vector.broadcast %add3A_495 : i32 to vector<16xi32>
        %add3A_497 = arith.addi %add3A_494, %add3A_496 : vector<16xi32>
        %add3A_498 = arith.constant 25600 : i32
        %add3A_499 = vector.broadcast %add3A_498 : i32 to vector<16xi32>
        %add3A_500 = arith.addi %add3A_481, %add3A_499 : vector<16xi32>
        %add3A_501 = arith.constant 25600 : i32
        %add3A_502 = vector.broadcast %add3A_501 : i32 to vector<16xi32>
        %add3A_503 = arith.addi %add3A_481, %add3A_502 : vector<16xi32>
        %add3A_504 = arith.constant 1 : i32
        %add3A_505 = vector.broadcast %add3A_504 : i32 to vector<16xi32>
        %add3A_506 = arith.addi %add3A_503, %add3A_505 : vector<16xi32>
        %add3A_507 = arith.constant 25600 : i32
        %add3A_508 = vector.broadcast %add3A_507 : i32 to vector<16xi32>
        %add3A_509 = arith.addi %add3A_481, %add3A_508 : vector<16xi32>
        %add3A_510 = arith.constant 160 : i32
        %add3A_511 = vector.broadcast %add3A_510 : i32 to vector<16xi32>
        %add3A_512 = arith.addi %add3A_509, %add3A_511 : vector<16xi32>
        %add3A_513 = arith.constant 25600 : i32
        %add3A_514 = vector.broadcast %add3A_513 : i32 to vector<16xi32>
        %add3A_515 = arith.addi %add3A_481, %add3A_514 : vector<16xi32>
        %add3A_516 = arith.constant 160 : i32
        %add3A_517 = vector.broadcast %add3A_516 : i32 to vector<16xi32>
        %add3A_518 = arith.addi %add3A_515, %add3A_517 : vector<16xi32>
        %add3A_519 = arith.constant 1 : i32
        %add3A_520 = vector.broadcast %add3A_519 : i32 to vector<16xi32>
        %add3A_521 = arith.addi %add3A_518, %add3A_520 : vector<16xi32>
        %mul3A_522 = arith.mulf %mul3A_482, %sub3A_473 : vector<16xf32>
        %mul3A_523 = arith.mulf %mul3A_482, %sub3A_464 : vector<16xf32>
        %mul3A_524 = arith.mulf %mul3A_483, %sub3A_473 : vector<16xf32>
        %mul3A_525 = arith.mulf %mul3A_483, %sub3A_464 : vector<16xf32>
        %mul3A_526 = arith.mulf %mul3A_484, %sub3A_473 : vector<16xf32>
        %mul3A_527 = arith.mulf %mul3A_484, %sub3A_464 : vector<16xf32>
        %mul3A_528 = arith.mulf %mul3A_485, %sub3A_473 : vector<16xf32>
        %mul3A_529 = arith.mulf %mul3A_485, %sub3A_464 : vector<16xf32>
        %mul3A_530 = arith.constant 16 : i32
        %mul3A_531 = arith.muli %add3A_435, %mul3A_530 : i32
        %swap3A = arith.constant 1 : i32
        %swap3A_532 = arith.constant 0 : i32
        %swap3A_533 = arith.index_cast %swap3A : i32 to index
        %swap3A_534 = arith.index_cast %swap3A_532 : i32 to index
        %swap3A_535 = arith.index_cast %mul3A_531 : i32 to index
        %swap3A_536 = tpu.vector_load %arg7[%swap3A_533, %swap3A_534, %swap3A_535] {strides = array<i32>} : memref<16x1x128xi32, #tpu.memory_space<vmem>>, vector<16xi32>,
        tpu.vector_store %arg7[%swap3A_533, %swap3A_534, %swap3A_535], %add3A_481 {strides = array<i32>} : memref<16x1x128xi32, #tpu.memory_space<vmem>>, vector<16xi32>,
        %mul3A_537 = arith.constant 16 : i32
        %mul3A_538 = arith.muli %add3A_435, %mul3A_537 : i32
        %add3A_539 = arith.constant 128 : i32
        %add3A_540 = arith.addi %add3A_539, %mul3A_538 : i32
        %swap3A_541 = arith.index_cast %add3A_540 : i32 to index
        %swap3A_542 = tpu.vector_load %arg8[%swap3A_541] {strides = array<i32>} : memref<2048xf32, #tpu.memory_space<vmem>>, vector<16xf32>,
        tpu.vector_store %arg8[%swap3A_541], %mul3A_522 {strides = array<i32>} : memref<2048xf32, #tpu.memory_space<vmem>>, vector<16xf32>,
        %swap3A_543 = arith.constant 3 : i32
        %swap3A_544 = arith.constant 0 : i32
        %swap3A_545 = arith.index_cast %swap3A_543 : i32 to index
        %swap3A_546 = arith.index_cast %swap3A_544 : i32 to index
        %swap3A_547 = arith.index_cast %mul3A_531 : i32 to index
        %swap3A_548 = tpu.vector_load %arg7[%swap3A_545, %swap3A_546, %swap3A_547] {strides = array<i32>} : memref<16x1x128xi32, #tpu.memory_space<vmem>>, vector<16xi32>,
        tpu.vector_store %arg7[%swap3A_545, %swap3A_546, %swap3A_547], %add3A_488 {strides = array<i32>} : memref<16x1x128xi32, #tpu.memory_space<vmem>>, vector<16xi32>,
        %mul3A_549 = arith.constant 16 : i32
        %mul3A_550 = arith.muli %add3A_435, %mul3A_549 : i32
        %add3A_551 = arith.constant 384 : i32
        %add3A_552 = arith.addi %add3A_551, %mul3A_550 : i32
        %swap3A_553 = arith.index_cast %add3A_552 : i32 to index
        %swap3A_554 = tpu.vector_load %arg8[%swap3A_553] {strides = array<i32>} : memref<2048xf32, #tpu.memory_space<vmem>>, vector<16xf32>,
        tpu.vector_store %arg8[%swap3A_553], %mul3A_523 {strides = array<i32>} : memref<2048xf32, #tpu.memory_space<vmem>>, vector<16xf32>,
        %swap3A_555 = arith.constant 5 : i32
        %swap3A_556 = arith.constant 0 : i32
        %swap3A_557 = arith.index_cast %swap3A_555 : i32 to index
        %swap3A_558 = arith.index_cast %swap3A_556 : i32 to index
        %swap3A_559 = arith.index_cast %mul3A_531 : i32 to index
        %swap3A_560 = tpu.vector_load %arg7[%swap3A_557, %swap3A_558, %swap3A_559] {strides = array<i32>} : memref<16x1x128xi32, #tpu.memory_space<vmem>>, vector<16xi32>,
        tpu.vector_store %arg7[%swap3A_557, %swap3A_558, %swap3A_559], %add3A_491 {strides = array<i32>} : memref<16x1x128xi32, #tpu.memory_space<vmem>>, vector<16xi32>,
        %mul3A_561 = arith.constant 16 : i32
        %mul3A_562 = arith.muli %add3A_435, %mul3A_561 : i32
        %add3A_563 = arith.constant 640 : i32
        %add3A_564 = arith.addi %add3A_563, %mul3A_562 : i32
        %swap3A_565 = arith.index_cast %add3A_564 : i32 to index
        %swap3A_566 = tpu.vector_load %arg8[%swap3A_565] {strides = array<i32>} : memref<2048xf32, #tpu.memory_space<vmem>>, vector<16xf32>,
        tpu.vector_store %arg8[%swap3A_565], %mul3A_524 {strides = array<i32>} : memref<2048xf32, #tpu.memory_space<vmem>>, vector<16xf32>,
        %swap3A_567 = arith.constant 7 : i32
        %swap3A_568 = arith.constant 0 : i32
        %swap3A_569 = arith.index_cast %swap3A_567 : i32 to index
        %swap3A_570 = arith.index_cast %swap3A_568 : i32 to index
        %swap3A_571 = arith.index_cast %mul3A_531 : i32 to index
        %swap3A_572 = tpu.vector_load %arg7[%swap3A_569, %swap3A_570, %swap3A_571] {strides = array<i32>} : memref<16x1x128xi32, #tpu.memory_space<vmem>>, vector<16xi32>,
        tpu.vector_store %arg7[%swap3A_569, %swap3A_570, %swap3A_571], %add3A_497 {strides = array<i32>} : memref<16x1x128xi32, #tpu.memory_space<vmem>>, vector<16xi32>,
        %mul3A_573 = arith.constant 16 : i32
        %mul3A_574 = arith.muli %add3A_435, %mul3A_573 : i32
        %add3A_575 = arith.constant 896 : i32
        %add3A_576 = arith.addi %add3A_575, %mul3A_574 : i32
        %swap3A_577 = arith.index_cast %add3A_576 : i32 to index
        %swap3A_578 = tpu.vector_load %arg8[%swap3A_577] {strides = array<i32>} : memref<2048xf32, #tpu.memory_space<vmem>>, vector<16xf32>,
        tpu.vector_store %arg8[%swap3A_577], %mul3A_525 {strides = array<i32>} : memref<2048xf32, #tpu.memory_space<vmem>>, vector<16xf32>,
        %swap3A_579 = arith.constant 9 : i32
        %swap3A_580 = arith.constant 0 : i32
        %swap3A_581 = arith.index_cast %swap3A_579 : i32 to index
        %swap3A_582 = arith.index_cast %swap3A_580 : i32 to index
        %swap3A_583 = arith.index_cast %mul3A_531 : i32 to index
        %swap3A_584 = tpu.vector_load %arg7[%swap3A_581, %swap3A_582, %swap3A_583] {strides = array<i32>} : memref<16x1x128xi32, #tpu.memory_space<vmem>>, vector<16xi32>,
        tpu.vector_store %arg7[%swap3A_581, %swap3A_582, %swap3A_583], %add3A_500 {strides = array<i32>} : memref<16x1x128xi32, #tpu.memory_space<vmem>>, vector<16xi32>,
        %mul3A_585 = arith.constant 16 : i32
        %mul3A_586 = arith.muli %add3A_435, %mul3A_585 : i32
        %add3A_587 = arith.constant 1152 : i32
        %add3A_588 = arith.addi %add3A_587, %mul3A_586 : i32
        %swap3A_589 = arith.index_cast %add3A_588 : i32 to index
        %swap3A_590 = tpu.vector_load %arg8[%swap3A_589] {strides = array<i32>} : memref<2048xf32, #tpu.memory_space<vmem>>, vector<16xf32>,
        tpu.vector_store %arg8[%swap3A_589], %mul3A_526 {strides = array<i32>} : memref<2048xf32, #tpu.memory_space<vmem>>, vector<16xf32>,
        %swap3A_591 = arith.constant 11 : i32
        %swap3A_592 = arith.constant 0 : i32
        %swap3A_593 = arith.index_cast %swap3A_591 : i32 to index
        %swap3A_594 = arith.index_cast %swap3A_592 : i32 to index
        %swap3A_595 = arith.index_cast %mul3A_531 : i32 to index
        %swap3A_596 = tpu.vector_load %arg7[%swap3A_593, %swap3A_594, %swap3A_595] {strides = array<i32>} : memref<16x1x128xi32, #tpu.memory_space<vmem>>, vector<16xi32>,
        tpu.vector_store %arg7[%swap3A_593, %swap3A_594, %swap3A_595], %add3A_506 {strides = array<i32>} : memref<16x1x128xi32, #tpu.memory_space<vmem>>, vector<16xi32>,
        %mul3A_597 = arith.constant 16 : i32
        %mul3A_598 = arith.muli %add3A_435, %mul3A_597 : i32
        %add3A_599 = arith.constant 1408 : i32
        %add3A_600 = arith.addi %add3A_599, %mul3A_598 : i32
        %swap3A_601 = arith.index_cast %add3A_600 : i32 to index
        %swap3A_602 = tpu.vector_load %arg8[%swap3A_601] {strides = array<i32>} : memref<2048xf32, #tpu.memory_space<vmem>>, vector<16xf32>,
        tpu.vector_store %arg8[%swap3A_601], %mul3A_527 {strides = array<i32>} : memref<2048xf32, #tpu.memory_space<vmem>>, vector<16xf32>,
        %swap3A_603 = arith.constant 13 : i32
        %swap3A_604 = arith.constant 0 : i32
        %swap3A_605 = arith.index_cast %swap3A_603 : i32 to index
        %swap3A_606 = arith.index_cast %swap3A_604 : i32 to index
        %swap3A_607 = arith.index_cast %mul3A_531 : i32 to index
        %swap3A_608 = tpu.vector_load %arg7[%swap3A_605, %swap3A_606, %swap3A_607] {strides = array<i32>} : memref<16x1x128xi32, #tpu.memory_space<vmem>>, vector<16xi32>,
        tpu.vector_store %arg7[%swap3A_605, %swap3A_606, %swap3A_607], %add3A_512 {strides = array<i32>} : memref<16x1x128xi32, #tpu.memory_space<vmem>>, vector<16xi32>,
        %mul3A_609 = arith.constant 16 : i32
        %mul3A_610 = arith.muli %add3A_435, %mul3A_609 : i32
        %add3A_611 = arith.constant 1664 : i32
        %add3A_612 = arith.addi %add3A_611, %mul3A_610 : i32
        %swap3A_613 = arith.index_cast %add3A_612 : i32 to index
        %swap3A_614 = tpu.vector_load %arg8[%swap3A_613] {strides = array<i32>} : memref<2048xf32, #tpu.memory_space<vmem>>, vector<16xf32>,
        tpu.vector_store %arg8[%swap3A_613], %mul3A_528 {strides = array<i32>} : memref<2048xf32, #tpu.memory_space<vmem>>, vector<16xf32>,
        %swap3A_615 = arith.constant 15 : i32
        %swap3A_616 = arith.constant 0 : i32
        %swap3A_617 = arith.index_cast %swap3A_615 : i32 to index
        %swap3A_618 = arith.index_cast %swap3A_616 : i32 to index
        %swap3A_619 = arith.index_cast %mul3A_531 : i32 to index
        %swap3A_620 = tpu.vector_load %arg7[%swap3A_617, %swap3A_618, %swap3A_619] {strides = array<i32>} : memref<16x1x128xi32, #tpu.memory_space<vmem>>, vector<16xi32>,
        tpu.vector_store %arg7[%swap3A_617, %swap3A_618, %swap3A_619], %add3A_521 {strides = array<i32>} : memref<16x1x128xi32, #tpu.memory_space<vmem>>, vector<16xi32>,
        %mul3A_621 = arith.constant 16 : i32
        %mul3A_622 = arith.muli %add3A_435, %mul3A_621 : i32
        %add3A_623 = arith.constant 1920 : i32
        %add3A_624 = arith.addi %add3A_623, %mul3A_622 : i32
        %swap3A_625 = arith.index_cast %add3A_624 : i32 to index
        %swap3A_626 = tpu.vector_load %arg8[%swap3A_625] {strides = array<i32>} : memref<2048xf32, #tpu.memory_space<vmem>>, vector<16xf32>,
        tpu.vector_store %arg8[%swap3A_625], %mul3A_529 {strides = array<i32>} : memref<2048xf32, #tpu.memory_space<vmem>>, vector<16xf32>,
      }
      %scan3A_70 = arith.constant 8 : i32
      %dma_start3A = arith.constant 0 : i32
      %dma_start3A_71 = arith.constant 0 : i32
      %dma_start3A_72 = arith.constant 0 : i32
      %dma_start3A_73 = arith.constant 0 : i32
      %dma_start3A_74 = tpu.memref_slice %arg9[%dma_start3A_72, %dma_start3A_73] : memref<2048x16xf32, #tpu.memory_space<vmem>> -> memref<128x16xf32, #tpu.memory_space<vmem>>
      %dma_start3A_75 = arith.constant 0 : i32
      %dma_start3A_76 = tpu.memref_slice %arg7[%dma_start3A, %dma_start3A_71, %dma_start3A_75] : memref<16x1x128xi32, #tpu.memory_space<vmem>> -> memref<1x1x128xi32, #tpu.memory_space<vmem>>
      %dma_start3A_77 = tpu.memref_squeeze %dma_start3A_76 : memref<1x1x128xi32, #tpu.memory_space<vmem>> -> memref<128xi32, #tpu.memory_space<vmem>>
      %dma_start3A_78 = arith.constant 0 : i32
      %dma_start3A_79 = arith.constant 0 : i32
      %dma_start3A_80 = tpu.memref_slice %arg3[%dma_start3A_78, %dma_start3A_79] : memref<4096000x16xf32, #tpu.memory_space<hbm>> -> memref<4096000x16xf32, #tpu.memory_space<hbm>>
      tpu.enqueue_indirect_dma source(%dma_start3A_80 : memref<4096000x16xf32, #tpu.memory_space<hbm>>) target(%dma_start3A_74 : memref<128x16xf32, #tpu.memory_space<vmem>>) offsets(%dma_start3A_77 : memref<128xi32, #tpu.memory_space<vmem>>) semaphore(%arg12 : memref<!tpu.dma_semaphore, #tpu.memory_space<semaphore_mem>>)
      %dma_start3A_81 = arith.constant 1 : i32
      %dma_start3A_82 = arith.constant 0 : i32
      %dma_start3A_83 = arith.constant 128 : i32
      %dma_start3A_84 = arith.constant 0 : i32
      %dma_start3A_85 = tpu.memref_slice %arg9[%dma_start3A_83, %dma_start3A_84] : memref<2048x16xf32, #tpu.memory_space<vmem>> -> memref<128x16xf32, #tpu.memory_space<vmem>>
      %dma_start3A_86 = arith.constant 0 : i32
      %dma_start3A_87 = tpu.memref_slice %arg7[%dma_start3A_81, %dma_start3A_82, %dma_start3A_86] : memref<16x1x128xi32, #tpu.memory_space<vmem>> -> memref<1x1x128xi32, #tpu.memory_space<vmem>>
      %dma_start3A_88 = tpu.memref_squeeze %dma_start3A_87 : memref<1x1x128xi32, #tpu.memory_space<vmem>> -> memref<128xi32, #tpu.memory_space<vmem>>
      %dma_start3A_89 = arith.constant 0 : i32
      %dma_start3A_90 = arith.constant 0 : i32
      %dma_start3A_91 = tpu.memref_slice %arg3[%dma_start3A_89, %dma_start3A_90] : memref<4096000x16xf32, #tpu.memory_space<hbm>> -> memref<4096000x16xf32, #tpu.memory_space<hbm>>
      tpu.enqueue_indirect_dma source(%dma_start3A_91 : memref<4096000x16xf32, #tpu.memory_space<hbm>>) target(%dma_start3A_85 : memref<128x16xf32, #tpu.memory_space<vmem>>) offsets(%dma_start3A_88 : memref<128xi32, #tpu.memory_space<vmem>>) semaphore(%arg12 : memref<!tpu.dma_semaphore, #tpu.memory_space<semaphore_mem>>)
      %dma_start3A_92 = arith.constant 2 : i32
      %dma_start3A_93 = arith.constant 0 : i32
      %dma_start3A_94 = arith.constant 256 : i32
      %dma_start3A_95 = arith.constant 0 : i32
      %dma_start3A_96 = tpu.memref_slice %arg9[%dma_start3A_94, %dma_start3A_95] : memref<2048x16xf32, #tpu.memory_space<vmem>> -> memref<128x16xf32, #tpu.memory_space<vmem>>
      %dma_start3A_97 = arith.constant 0 : i32
      %dma_start3A_98 = tpu.memref_slice %arg7[%dma_start3A_92, %dma_start3A_93, %dma_start3A_97] : memref<16x1x128xi32, #tpu.memory_space<vmem>> -> memref<1x1x128xi32, #tpu.memory_space<vmem>>
      %dma_start3A_99 = tpu.memref_squeeze %dma_start3A_98 : memref<1x1x128xi32, #tpu.memory_space<vmem>> -> memref<128xi32, #tpu.memory_space<vmem>>
      %dma_start3A_100 = arith.constant 0 : i32
      %dma_start3A_101 = arith.constant 0 : i32
      %dma_start3A_102 = tpu.memref_slice %arg3[%dma_start3A_100, %dma_start3A_101] : memref<4096000x16xf32, #tpu.memory_space<hbm>> -> memref<4096000x16xf32, #tpu.memory_space<hbm>>
      tpu.enqueue_indirect_dma source(%dma_start3A_102 : memref<4096000x16xf32, #tpu.memory_space<hbm>>) target(%dma_start3A_96 : memref<128x16xf32, #tpu.memory_space<vmem>>) offsets(%dma_start3A_99 : memref<128xi32, #tpu.memory_space<vmem>>) semaphore(%arg12 : memref<!tpu.dma_semaphore, #tpu.memory_space<semaphore_mem>>)
      %dma_start3A_103 = arith.constant 3 : i32
      %dma_start3A_104 = arith.constant 0 : i32
      %dma_start3A_105 = arith.constant 384 : i32
      %dma_start3A_106 = arith.constant 0 : i32
      %dma_start3A_107 = tpu.memref_slice %arg9[%dma_start3A_105, %dma_start3A_106] : memref<2048x16xf32, #tpu.memory_space<vmem>> -> memref<128x16xf32, #tpu.memory_space<vmem>>
      %dma_start3A_108 = arith.constant 0 : i32
      %dma_start3A_109 = tpu.memref_slice %arg7[%dma_start3A_103, %dma_start3A_104, %dma_start3A_108] : memref<16x1x128xi32, #tpu.memory_space<vmem>> -> memref<1x1x128xi32, #tpu.memory_space<vmem>>
      %dma_start3A_110 = tpu.memref_squeeze %dma_start3A_109 : memref<1x1x128xi32, #tpu.memory_space<vmem>> -> memref<128xi32, #tpu.memory_space<vmem>>
      %dma_start3A_111 = arith.constant 0 : i32
      %dma_start3A_112 = arith.constant 0 : i32
      %dma_start3A_113 = tpu.memref_slice %arg3[%dma_start3A_111, %dma_start3A_112] : memref<4096000x16xf32, #tpu.memory_space<hbm>> -> memref<4096000x16xf32, #tpu.memory_space<hbm>>
      tpu.enqueue_indirect_dma source(%dma_start3A_113 : memref<4096000x16xf32, #tpu.memory_space<hbm>>) target(%dma_start3A_107 : memref<128x16xf32, #tpu.memory_space<vmem>>) offsets(%dma_start3A_110 : memref<128xi32, #tpu.memory_space<vmem>>) semaphore(%arg12 : memref<!tpu.dma_semaphore, #tpu.memory_space<semaphore_mem>>)
      %dma_start3A_114 = arith.constant 4 : i32
      %dma_start3A_115 = arith.constant 0 : i32
      %dma_start3A_116 = arith.constant 512 : i32
      %dma_start3A_117 = arith.constant 0 : i32
      %dma_start3A_118 = tpu.memref_slice %arg9[%dma_start3A_116, %dma_start3A_117] : memref<2048x16xf32, #tpu.memory_space<vmem>> -> memref<128x16xf32, #tpu.memory_space<vmem>>
      %dma_start3A_119 = arith.constant 0 : i32
      %dma_start3A_120 = tpu.memref_slice %arg7[%dma_start3A_114, %dma_start3A_115, %dma_start3A_119] : memref<16x1x128xi32, #tpu.memory_space<vmem>> -> memref<1x1x128xi32, #tpu.memory_space<vmem>>
      %dma_start3A_121 = tpu.memref_squeeze %dma_start3A_120 : memref<1x1x128xi32, #tpu.memory_space<vmem>> -> memref<128xi32, #tpu.memory_space<vmem>>
      %dma_start3A_122 = arith.constant 0 : i32
      %dma_start3A_123 = arith.constant 0 : i32
      %dma_start3A_124 = tpu.memref_slice %arg3[%dma_start3A_122, %dma_start3A_123] : memref<4096000x16xf32, #tpu.memory_space<hbm>> -> memref<4096000x16xf32, #tpu.memory_space<hbm>>
      tpu.enqueue_indirect_dma source(%dma_start3A_124 : memref<4096000x16xf32, #tpu.memory_space<hbm>>) target(%dma_start3A_118 : memref<128x16xf32, #tpu.memory_space<vmem>>) offsets(%dma_start3A_121 : memref<128xi32, #tpu.memory_space<vmem>>) semaphore(%arg12 : memref<!tpu.dma_semaphore, #tpu.memory_space<semaphore_mem>>)
      %dma_start3A_125 = arith.constant 5 : i32
      %dma_start3A_126 = arith.constant 0 : i32
      %dma_start3A_127 = arith.constant 640 : i32
      %dma_start3A_128 = arith.constant 0 : i32
      %dma_start3A_129 = tpu.memref_slice %arg9[%dma_start3A_127, %dma_start3A_128] : memref<2048x16xf32, #tpu.memory_space<vmem>> -> memref<128x16xf32, #tpu.memory_space<vmem>>
      %dma_start3A_130 = arith.constant 0 : i32
      %dma_start3A_131 = tpu.memref_slice %arg7[%dma_start3A_125, %dma_start3A_126, %dma_start3A_130] : memref<16x1x128xi32, #tpu.memory_space<vmem>> -> memref<1x1x128xi32, #tpu.memory_space<vmem>>
      %dma_start3A_132 = tpu.memref_squeeze %dma_start3A_131 : memref<1x1x128xi32, #tpu.memory_space<vmem>> -> memref<128xi32, #tpu.memory_space<vmem>>
      %dma_start3A_133 = arith.constant 0 : i32
      %dma_start3A_134 = arith.constant 0 : i32
      %dma_start3A_135 = tpu.memref_slice %arg3[%dma_start3A_133, %dma_start3A_134] : memref<4096000x16xf32, #tpu.memory_space<hbm>> -> memref<4096000x16xf32, #tpu.memory_space<hbm>>
      tpu.enqueue_indirect_dma source(%dma_start3A_135 : memref<4096000x16xf32, #tpu.memory_space<hbm>>) target(%dma_start3A_129 : memref<128x16xf32, #tpu.memory_space<vmem>>) offsets(%dma_start3A_132 : memref<128xi32, #tpu.memory_space<vmem>>) semaphore(%arg12 : memref<!tpu.dma_semaphore, #tpu.memory_space<semaphore_mem>>)
      %dma_start3A_136 = arith.constant 6 : i32
      %dma_start3A_137 = arith.constant 0 : i32
      %dma_start3A_138 = arith.constant 768 : i32
      %dma_start3A_139 = arith.constant 0 : i32
      %dma_start3A_140 = tpu.memref_slice %arg9[%dma_start3A_138, %dma_start3A_139] : memref<2048x16xf32, #tpu.memory_space<vmem>> -> memref<128x16xf32, #tpu.memory_space<vmem>>
      %dma_start3A_141 = arith.constant 0 : i32
      %dma_start3A_142 = tpu.memref_slice %arg7[%dma_start3A_136, %dma_start3A_137, %dma_start3A_141] : memref<16x1x128xi32, #tpu.memory_space<vmem>> -> memref<1x1x128xi32, #tpu.memory_space<vmem>>
      %dma_start3A_143 = tpu.memref_squeeze %dma_start3A_142 : memref<1x1x128xi32, #tpu.memory_space<vmem>> -> memref<128xi32, #tpu.memory_space<vmem>>
      %dma_start3A_144 = arith.constant 0 : i32
      %dma_start3A_145 = arith.constant 0 : i32
      %dma_start3A_146 = tpu.memref_slice %arg3[%dma_start3A_144, %dma_start3A_145] : memref<4096000x16xf32, #tpu.memory_space<hbm>> -> memref<4096000x16xf32, #tpu.memory_space<hbm>>
      tpu.enqueue_indirect_dma source(%dma_start3A_146 : memref<4096000x16xf32, #tpu.memory_space<hbm>>) target(%dma_start3A_140 : memref<128x16xf32, #tpu.memory_space<vmem>>) offsets(%dma_start3A_143 : memref<128xi32, #tpu.memory_space<vmem>>) semaphore(%arg12 : memref<!tpu.dma_semaphore, #tpu.memory_space<semaphore_mem>>)
      %dma_start3A_147 = arith.constant 7 : i32
      %dma_start3A_148 = arith.constant 0 : i32
      %dma_start3A_149 = arith.constant 896 : i32
      %dma_start3A_150 = arith.constant 0 : i32
      %dma_start3A_151 = tpu.memref_slice %arg9[%dma_start3A_149, %dma_start3A_150] : memref<2048x16xf32, #tpu.memory_space<vmem>> -> memref<128x16xf32, #tpu.memory_space<vmem>>
      %dma_start3A_152 = arith.constant 0 : i32
      %dma_start3A_153 = tpu.memref_slice %arg7[%dma_start3A_147, %dma_start3A_148, %dma_start3A_152] : memref<16x1x128xi32, #tpu.memory_space<vmem>> -> memref<1x1x128xi32, #tpu.memory_space<vmem>>
      %dma_start3A_154 = tpu.memref_squeeze %dma_start3A_153 : memref<1x1x128xi32, #tpu.memory_space<vmem>> -> memref<128xi32, #tpu.memory_space<vmem>>
      %dma_start3A_155 = arith.constant 0 : i32
      %dma_start3A_156 = arith.constant 0 : i32
      %dma_start3A_157 = tpu.memref_slice %arg3[%dma_start3A_155, %dma_start3A_156] : memref<4096000x16xf32, #tpu.memory_space<hbm>> -> memref<4096000x16xf32, #tpu.memory_space<hbm>>
      tpu.enqueue_indirect_dma source(%dma_start3A_157 : memref<4096000x16xf32, #tpu.memory_space<hbm>>) target(%dma_start3A_151 : memref<128x16xf32, #tpu.memory_space<vmem>>) offsets(%dma_start3A_154 : memref<128xi32, #tpu.memory_space<vmem>>) semaphore(%arg12 : memref<!tpu.dma_semaphore, #tpu.memory_space<semaphore_mem>>)
      %dma_start3A_158 = arith.constant 8 : i32
      %dma_start3A_159 = arith.constant 0 : i32
      %dma_start3A_160 = arith.constant 1024 : i32
      %dma_start3A_161 = arith.constant 0 : i32
      %dma_start3A_162 = tpu.memref_slice %arg9[%dma_start3A_160, %dma_start3A_161] : memref<2048x16xf32, #tpu.memory_space<vmem>> -> memref<128x16xf32, #tpu.memory_space<vmem>>
      %dma_start3A_163 = arith.constant 0 : i32
      %dma_start3A_164 = tpu.memref_slice %arg7[%dma_start3A_158, %dma_start3A_159, %dma_start3A_163] : memref<16x1x128xi32, #tpu.memory_space<vmem>> -> memref<1x1x128xi32, #tpu.memory_space<vmem>>
      %dma_start3A_165 = tpu.memref_squeeze %dma_start3A_164 : memref<1x1x128xi32, #tpu.memory_space<vmem>> -> memref<128xi32, #tpu.memory_space<vmem>>
      %dma_start3A_166 = arith.constant 0 : i32
      %dma_start3A_167 = arith.constant 0 : i32
      %dma_start3A_168 = tpu.memref_slice %arg3[%dma_start3A_166, %dma_start3A_167] : memref<4096000x16xf32, #tpu.memory_space<hbm>> -> memref<4096000x16xf32, #tpu.memory_space<hbm>>
      tpu.enqueue_indirect_dma source(%dma_start3A_168 : memref<4096000x16xf32, #tpu.memory_space<hbm>>) target(%dma_start3A_162 : memref<128x16xf32, #tpu.memory_space<vmem>>) offsets(%dma_start3A_165 : memref<128xi32, #tpu.memory_space<vmem>>) semaphore(%arg12 : memref<!tpu.dma_semaphore, #tpu.memory_space<semaphore_mem>>)
      %dma_start3A_169 = arith.constant 9 : i32
      %dma_start3A_170 = arith.constant 0 : i32
      %dma_start3A_171 = arith.constant 1152 : i32
      %dma_start3A_172 = arith.constant 0 : i32
      %dma_start3A_173 = tpu.memref_slice %arg9[%dma_start3A_171, %dma_start3A_172] : memref<2048x16xf32, #tpu.memory_space<vmem>> -> memref<128x16xf32, #tpu.memory_space<vmem>>
      %dma_start3A_174 = arith.constant 0 : i32
      %dma_start3A_175 = tpu.memref_slice %arg7[%dma_start3A_169, %dma_start3A_170, %dma_start3A_174] : memref<16x1x128xi32, #tpu.memory_space<vmem>> -> memref<1x1x128xi32, #tpu.memory_space<vmem>>
      %dma_start3A_176 = tpu.memref_squeeze %dma_start3A_175 : memref<1x1x128xi32, #tpu.memory_space<vmem>> -> memref<128xi32, #tpu.memory_space<vmem>>
      %dma_start3A_177 = arith.constant 0 : i32
      %dma_start3A_178 = arith.constant 0 : i32
      %dma_start3A_179 = tpu.memref_slice %arg3[%dma_start3A_177, %dma_start3A_178] : memref<4096000x16xf32, #tpu.memory_space<hbm>> -> memref<4096000x16xf32, #tpu.memory_space<hbm>>
      tpu.enqueue_indirect_dma source(%dma_start3A_179 : memref<4096000x16xf32, #tpu.memory_space<hbm>>) target(%dma_start3A_173 : memref<128x16xf32, #tpu.memory_space<vmem>>) offsets(%dma_start3A_176 : memref<128xi32, #tpu.memory_space<vmem>>) semaphore(%arg12 : memref<!tpu.dma_semaphore, #tpu.memory_space<semaphore_mem>>)
      %dma_start3A_180 = arith.constant 10 : i32
      %dma_start3A_181 = arith.constant 0 : i32
      %dma_start3A_182 = arith.constant 1280 : i32
      %dma_start3A_183 = arith.constant 0 : i32
      %dma_start3A_184 = tpu.memref_slice %arg9[%dma_start3A_182, %dma_start3A_183] : memref<2048x16xf32, #tpu.memory_space<vmem>> -> memref<128x16xf32, #tpu.memory_space<vmem>>
      %dma_start3A_185 = arith.constant 0 : i32
      %dma_start3A_186 = tpu.memref_slice %arg7[%dma_start3A_180, %dma_start3A_181, %dma_start3A_185] : memref<16x1x128xi32, #tpu.memory_space<vmem>> -> memref<1x1x128xi32, #tpu.memory_space<vmem>>
      %dma_start3A_187 = tpu.memref_squeeze %dma_start3A_186 : memref<1x1x128xi32, #tpu.memory_space<vmem>> -> memref<128xi32, #tpu.memory_space<vmem>>
      %dma_start3A_188 = arith.constant 0 : i32
      %dma_start3A_189 = arith.constant 0 : i32
      %dma_start3A_190 = tpu.memref_slice %arg3[%dma_start3A_188, %dma_start3A_189] : memref<4096000x16xf32, #tpu.memory_space<hbm>> -> memref<4096000x16xf32, #tpu.memory_space<hbm>>
      tpu.enqueue_indirect_dma source(%dma_start3A_190 : memref<4096000x16xf32, #tpu.memory_space<hbm>>) target(%dma_start3A_184 : memref<128x16xf32, #tpu.memory_space<vmem>>) offsets(%dma_start3A_187 : memref<128xi32, #tpu.memory_space<vmem>>) semaphore(%arg12 : memref<!tpu.dma_semaphore, #tpu.memory_space<semaphore_mem>>)
      %dma_start3A_191 = arith.constant 11 : i32
      %dma_start3A_192 = arith.constant 0 : i32
      %dma_start3A_193 = arith.constant 1408 : i32
      %dma_start3A_194 = arith.constant 0 : i32
      %dma_start3A_195 = tpu.memref_slice %arg9[%dma_start3A_193, %dma_start3A_194] : memref<2048x16xf32, #tpu.memory_space<vmem>> -> memref<128x16xf32, #tpu.memory_space<vmem>>
      %dma_start3A_196 = arith.constant 0 : i32
      %dma_start3A_197 = tpu.memref_slice %arg7[%dma_start3A_191, %dma_start3A_192, %dma_start3A_196] : memref<16x1x128xi32, #tpu.memory_space<vmem>> -> memref<1x1x128xi32, #tpu.memory_space<vmem>>
      %dma_start3A_198 = tpu.memref_squeeze %dma_start3A_197 : memref<1x1x128xi32, #tpu.memory_space<vmem>> -> memref<128xi32, #tpu.memory_space<vmem>>
      %dma_start3A_199 = arith.constant 0 : i32
      %dma_start3A_200 = arith.constant 0 : i32
      %dma_start3A_201 = tpu.memref_slice %arg3[%dma_start3A_199, %dma_start3A_200] : memref<4096000x16xf32, #tpu.memory_space<hbm>> -> memref<4096000x16xf32, #tpu.memory_space<hbm>>
      tpu.enqueue_indirect_dma source(%dma_start3A_201 : memref<4096000x16xf32, #tpu.memory_space<hbm>>) target(%dma_start3A_195 : memref<128x16xf32, #tpu.memory_space<vmem>>) offsets(%dma_start3A_198 : memref<128xi32, #tpu.memory_space<vmem>>) semaphore(%arg12 : memref<!tpu.dma_semaphore, #tpu.memory_space<semaphore_mem>>)
      %dma_start3A_202 = arith.constant 12 : i32
      %dma_start3A_203 = arith.constant 0 : i32
      %dma_start3A_204 = arith.constant 1536 : i32
      %dma_start3A_205 = arith.constant 0 : i32
      %dma_start3A_206 = tpu.memref_slice %arg9[%dma_start3A_204, %dma_start3A_205] : memref<2048x16xf32, #tpu.memory_space<vmem>> -> memref<128x16xf32, #tpu.memory_space<vmem>>
      %dma_start3A_207 = arith.constant 0 : i32
      %dma_start3A_208 = tpu.memref_slice %arg7[%dma_start3A_202, %dma_start3A_203, %dma_start3A_207] : memref<16x1x128xi32, #tpu.memory_space<vmem>> -> memref<1x1x128xi32, #tpu.memory_space<vmem>>
      %dma_start3A_209 = tpu.memref_squeeze %dma_start3A_208 : memref<1x1x128xi32, #tpu.memory_space<vmem>> -> memref<128xi32, #tpu.memory_space<vmem>>
      %dma_start3A_210 = arith.constant 0 : i32
      %dma_start3A_211 = arith.constant 0 : i32
      %dma_start3A_212 = tpu.memref_slice %arg3[%dma_start3A_210, %dma_start3A_211] : memref<4096000x16xf32, #tpu.memory_space<hbm>> -> memref<4096000x16xf32, #tpu.memory_space<hbm>>
      tpu.enqueue_indirect_dma source(%dma_start3A_212 : memref<4096000x16xf32, #tpu.memory_space<hbm>>) target(%dma_start3A_206 : memref<128x16xf32, #tpu.memory_space<vmem>>) offsets(%dma_start3A_209 : memref<128xi32, #tpu.memory_space<vmem>>) semaphore(%arg12 : memref<!tpu.dma_semaphore, #tpu.memory_space<semaphore_mem>>)
      %dma_start3A_213 = arith.constant 13 : i32
      %dma_start3A_214 = arith.constant 0 : i32
      %dma_start3A_215 = arith.constant 1664 : i32
      %dma_start3A_216 = arith.constant 0 : i32
      %dma_start3A_217 = tpu.memref_slice %arg9[%dma_start3A_215, %dma_start3A_216] : memref<2048x16xf32, #tpu.memory_space<vmem>> -> memref<128x16xf32, #tpu.memory_space<vmem>>
      %dma_start3A_218 = arith.constant 0 : i32
      %dma_start3A_219 = tpu.memref_slice %arg7[%dma_start3A_213, %dma_start3A_214, %dma_start3A_218] : memref<16x1x128xi32, #tpu.memory_space<vmem>> -> memref<1x1x128xi32, #tpu.memory_space<vmem>>
      %dma_start3A_220 = tpu.memref_squeeze %dma_start3A_219 : memref<1x1x128xi32, #tpu.memory_space<vmem>> -> memref<128xi32, #tpu.memory_space<vmem>>
      %dma_start3A_221 = arith.constant 0 : i32
      %dma_start3A_222 = arith.constant 0 : i32
      %dma_start3A_223 = tpu.memref_slice %arg3[%dma_start3A_221, %dma_start3A_222] : memref<4096000x16xf32, #tpu.memory_space<hbm>> -> memref<4096000x16xf32, #tpu.memory_space<hbm>>
      tpu.enqueue_indirect_dma source(%dma_start3A_223 : memref<4096000x16xf32, #tpu.memory_space<hbm>>) target(%dma_start3A_217 : memref<128x16xf32, #tpu.memory_space<vmem>>) offsets(%dma_start3A_220 : memref<128xi32, #tpu.memory_space<vmem>>) semaphore(%arg12 : memref<!tpu.dma_semaphore, #tpu.memory_space<semaphore_mem>>)
      %dma_start3A_224 = arith.constant 14 : i32
      %dma_start3A_225 = arith.constant 0 : i32
      %dma_start3A_226 = arith.constant 1792 : i32
      %dma_start3A_227 = arith.constant 0 : i32
      %dma_start3A_228 = tpu.memref_slice %arg9[%dma_start3A_226, %dma_start3A_227] : memref<2048x16xf32, #tpu.memory_space<vmem>> -> memref<128x16xf32, #tpu.memory_space<vmem>>
      %dma_start3A_229 = arith.constant 0 : i32
      %dma_start3A_230 = tpu.memref_slice %arg7[%dma_start3A_224, %dma_start3A_225, %dma_start3A_229] : memref<16x1x128xi32, #tpu.memory_space<vmem>> -> memref<1x1x128xi32, #tpu.memory_space<vmem>>
      %dma_start3A_231 = tpu.memref_squeeze %dma_start3A_230 : memref<1x1x128xi32, #tpu.memory_space<vmem>> -> memref<128xi32, #tpu.memory_space<vmem>>
      %dma_start3A_232 = arith.constant 0 : i32
      %dma_start3A_233 = arith.constant 0 : i32
      %dma_start3A_234 = tpu.memref_slice %arg3[%dma_start3A_232, %dma_start3A_233] : memref<4096000x16xf32, #tpu.memory_space<hbm>> -> memref<4096000x16xf32, #tpu.memory_space<hbm>>
      tpu.enqueue_indirect_dma source(%dma_start3A_234 : memref<4096000x16xf32, #tpu.memory_space<hbm>>) target(%dma_start3A_228 : memref<128x16xf32, #tpu.memory_space<vmem>>) offsets(%dma_start3A_231 : memref<128xi32, #tpu.memory_space<vmem>>) semaphore(%arg12 : memref<!tpu.dma_semaphore, #tpu.memory_space<semaphore_mem>>)
      %dma_start3A_235 = arith.constant 15 : i32
      %dma_start3A_236 = arith.constant 0 : i32
      %dma_start3A_237 = arith.constant 1920 : i32
      %dma_start3A_238 = arith.constant 0 : i32
      %dma_start3A_239 = tpu.memref_slice %arg9[%dma_start3A_237, %dma_start3A_238] : memref<2048x16xf32, #tpu.memory_space<vmem>> -> memref<128x16xf32, #tpu.memory_space<vmem>>
      %dma_start3A_240 = arith.constant 0 : i32
      %dma_start3A_241 = tpu.memref_slice %arg7[%dma_start3A_235, %dma_start3A_236, %dma_start3A_240] : memref<16x1x128xi32, #tpu.memory_space<vmem>> -> memref<1x1x128xi32, #tpu.memory_space<vmem>>
      %dma_start3A_242 = tpu.memref_squeeze %dma_start3A_241 : memref<1x1x128xi32, #tpu.memory_space<vmem>> -> memref<128xi32, #tpu.memory_space<vmem>>
      %dma_start3A_243 = arith.constant 0 : i32
      %dma_start3A_244 = arith.constant 0 : i32
      %dma_start3A_245 = tpu.memref_slice %arg3[%dma_start3A_243, %dma_start3A_244] : memref<4096000x16xf32, #tpu.memory_space<hbm>> -> memref<4096000x16xf32, #tpu.memory_space<hbm>>
      tpu.enqueue_indirect_dma source(%dma_start3A_245 : memref<4096000x16xf32, #tpu.memory_space<hbm>>) target(%dma_start3A_239 : memref<128x16xf32, #tpu.memory_space<vmem>>) offsets(%dma_start3A_242 : memref<128xi32, #tpu.memory_space<vmem>>) semaphore(%arg12 : memref<!tpu.dma_semaphore, #tpu.memory_space<semaphore_mem>>)
      %dma_wait3A = arith.constant 0 : i32
      %dma_wait3A_246 = arith.constant 0 : i32
      %dma_wait3A_247 = arith.constant 0 : i32
      %dma_wait3A_248 = arith.constant 0 : i32
      %dma_wait3A_249 = tpu.memref_slice %arg9[%dma_wait3A_247, %dma_wait3A_248] : memref<2048x16xf32, #tpu.memory_space<vmem>> -> memref<128x16xf32, #tpu.memory_space<vmem>>
      %dma_wait3A_250 = arith.constant 0 : i32
      %dma_wait3A_251 = tpu.memref_slice %arg7[%dma_wait3A, %dma_wait3A_246, %dma_wait3A_250] : memref<16x1x128xi32, #tpu.memory_space<vmem>> -> memref<1x1x128xi32, #tpu.memory_space<vmem>>
      %dma_wait3A_252 = tpu.memref_squeeze %dma_wait3A_251 : memref<1x1x128xi32, #tpu.memory_space<vmem>> -> memref<128xi32, #tpu.memory_space<vmem>>
      %dma_wait3A_253 = arith.constant 0 : i32
      %dma_wait3A_254 = arith.constant 0 : i32
      %dma_wait3A_255 = tpu.memref_slice %arg3[%dma_wait3A_253, %dma_wait3A_254] : memref<4096000x16xf32, #tpu.memory_space<hbm>> -> memref<4096000x16xf32, #tpu.memory_space<hbm>>
      tpu.wait_indirect_dma semaphore(%arg12 : memref<!tpu.dma_semaphore, #tpu.memory_space<semaphore_mem>>) src(%dma_wait3A_255 : memref<4096000x16xf32, #tpu.memory_space<hbm>>) dst(%dma_wait3A_249 : memref<128x16xf32, #tpu.memory_space<vmem>>)
      %dma_wait3A_256 = arith.constant 1 : i32
      %dma_wait3A_257 = arith.constant 0 : i32
      %dma_wait3A_258 = arith.constant 128 : i32
      %dma_wait3A_259 = arith.constant 0 : i32
      %dma_wait3A_260 = tpu.memref_slice %arg9[%dma_wait3A_258, %dma_wait3A_259] : memref<2048x16xf32, #tpu.memory_space<vmem>> -> memref<128x16xf32, #tpu.memory_space<vmem>>
      %dma_wait3A_261 = arith.constant 0 : i32
      %dma_wait3A_262 = tpu.memref_slice %arg7[%dma_wait3A_256, %dma_wait3A_257, %dma_wait3A_261] : memref<16x1x128xi32, #tpu.memory_space<vmem>> -> memref<1x1x128xi32, #tpu.memory_space<vmem>>
      %dma_wait3A_263 = tpu.memref_squeeze %dma_wait3A_262 : memref<1x1x128xi32, #tpu.memory_space<vmem>> -> memref<128xi32, #tpu.memory_space<vmem>>
      %dma_wait3A_264 = arith.constant 0 : i32
      %dma_wait3A_265 = arith.constant 0 : i32
      %dma_wait3A_266 = tpu.memref_slice %arg3[%dma_wait3A_264, %dma_wait3A_265] : memref<4096000x16xf32, #tpu.memory_space<hbm>> -> memref<4096000x16xf32, #tpu.memory_space<hbm>>
      tpu.wait_indirect_dma semaphore(%arg12 : memref<!tpu.dma_semaphore, #tpu.memory_space<semaphore_mem>>) src(%dma_wait3A_266 : memref<4096000x16xf32, #tpu.memory_space<hbm>>) dst(%dma_wait3A_260 : memref<128x16xf32, #tpu.memory_space<vmem>>)
      %dma_wait3A_267 = arith.constant 2 : i32
      %dma_wait3A_268 = arith.constant 0 : i32
      %dma_wait3A_269 = arith.constant 256 : i32
      %dma_wait3A_270 = arith.constant 0 : i32
      %dma_wait3A_271 = tpu.memref_slice %arg9[%dma_wait3A_269, %dma_wait3A_270] : memref<2048x16xf32, #tpu.memory_space<vmem>> -> memref<128x16xf32, #tpu.memory_space<vmem>>
      %dma_wait3A_272 = arith.constant 0 : i32
      %dma_wait3A_273 = tpu.memref_slice %arg7[%dma_wait3A_267, %dma_wait3A_268, %dma_wait3A_272] : memref<16x1x128xi32, #tpu.memory_space<vmem>> -> memref<1x1x128xi32, #tpu.memory_space<vmem>>
      %dma_wait3A_274 = tpu.memref_squeeze %dma_wait3A_273 : memref<1x1x128xi32, #tpu.memory_space<vmem>> -> memref<128xi32, #tpu.memory_space<vmem>>
      %dma_wait3A_275 = arith.constant 0 : i32
      %dma_wait3A_276 = arith.constant 0 : i32
      %dma_wait3A_277 = tpu.memref_slice %arg3[%dma_wait3A_275, %dma_wait3A_276] : memref<4096000x16xf32, #tpu.memory_space<hbm>> -> memref<4096000x16xf32, #tpu.memory_space<hbm>>
      tpu.wait_indirect_dma semaphore(%arg12 : memref<!tpu.dma_semaphore, #tpu.memory_space<semaphore_mem>>) src(%dma_wait3A_277 : memref<4096000x16xf32, #tpu.memory_space<hbm>>) dst(%dma_wait3A_271 : memref<128x16xf32, #tpu.memory_space<vmem>>)
      %dma_wait3A_278 = arith.constant 3 : i32
      %dma_wait3A_279 = arith.constant 0 : i32
      %dma_wait3A_280 = arith.constant 384 : i32
      %dma_wait3A_281 = arith.constant 0 : i32
      %dma_wait3A_282 = tpu.memref_slice %arg9[%dma_wait3A_280, %dma_wait3A_281] : memref<2048x16xf32, #tpu.memory_space<vmem>> -> memref<128x16xf32, #tpu.memory_space<vmem>>
      %dma_wait3A_283 = arith.constant 0 : i32
      %dma_wait3A_284 = tpu.memref_slice %arg7[%dma_wait3A_278, %dma_wait3A_279, %dma_wait3A_283] : memref<16x1x128xi32, #tpu.memory_space<vmem>> -> memref<1x1x128xi32, #tpu.memory_space<vmem>>
      %dma_wait3A_285 = tpu.memref_squeeze %dma_wait3A_284 : memref<1x1x128xi32, #tpu.memory_space<vmem>> -> memref<128xi32, #tpu.memory_space<vmem>>
      %dma_wait3A_286 = arith.constant 0 : i32
      %dma_wait3A_287 = arith.constant 0 : i32
      %dma_wait3A_288 = tpu.memref_slice %arg3[%dma_wait3A_286, %dma_wait3A_287] : memref<4096000x16xf32, #tpu.memory_space<hbm>> -> memref<4096000x16xf32, #tpu.memory_space<hbm>>
      tpu.wait_indirect_dma semaphore(%arg12 : memref<!tpu.dma_semaphore, #tpu.memory_space<semaphore_mem>>) src(%dma_wait3A_288 : memref<4096000x16xf32, #tpu.memory_space<hbm>>) dst(%dma_wait3A_282 : memref<128x16xf32, #tpu.memory_space<vmem>>)
      %dma_wait3A_289 = arith.constant 4 : i32
      %dma_wait3A_290 = arith.constant 0 : i32
      %dma_wait3A_291 = arith.constant 512 : i32
      %dma_wait3A_292 = arith.constant 0 : i32
      %dma_wait3A_293 = tpu.memref_slice %arg9[%dma_wait3A_291, %dma_wait3A_292] : memref<2048x16xf32, #tpu.memory_space<vmem>> -> memref<128x16xf32, #tpu.memory_space<vmem>>
      %dma_wait3A_294 = arith.constant 0 : i32
      %dma_wait3A_295 = tpu.memref_slice %arg7[%dma_wait3A_289, %dma_wait3A_290, %dma_wait3A_294] : memref<16x1x128xi32, #tpu.memory_space<vmem>> -> memref<1x1x128xi32, #tpu.memory_space<vmem>>
      %dma_wait3A_296 = tpu.memref_squeeze %dma_wait3A_295 : memref<1x1x128xi32, #tpu.memory_space<vmem>> -> memref<128xi32, #tpu.memory_space<vmem>>
      %dma_wait3A_297 = arith.constant 0 : i32
      %dma_wait3A_298 = arith.constant 0 : i32
      %dma_wait3A_299 = tpu.memref_slice %arg3[%dma_wait3A_297, %dma_wait3A_298] : memref<4096000x16xf32, #tpu.memory_space<hbm>> -> memref<4096000x16xf32, #tpu.memory_space<hbm>>
      tpu.wait_indirect_dma semaphore(%arg12 : memref<!tpu.dma_semaphore, #tpu.memory_space<semaphore_mem>>) src(%dma_wait3A_299 : memref<4096000x16xf32, #tpu.memory_space<hbm>>) dst(%dma_wait3A_293 : memref<128x16xf32, #tpu.memory_space<vmem>>)
      %dma_wait3A_300 = arith.constant 5 : i32
      %dma_wait3A_301 = arith.constant 0 : i32
      %dma_wait3A_302 = arith.constant 640 : i32
      %dma_wait3A_303 = arith.constant 0 : i32
      %dma_wait3A_304 = tpu.memref_slice %arg9[%dma_wait3A_302, %dma_wait3A_303] : memref<2048x16xf32, #tpu.memory_space<vmem>> -> memref<128x16xf32, #tpu.memory_space<vmem>>
      %dma_wait3A_305 = arith.constant 0 : i32
      %dma_wait3A_306 = tpu.memref_slice %arg7[%dma_wait3A_300, %dma_wait3A_301, %dma_wait3A_305] : memref<16x1x128xi32, #tpu.memory_space<vmem>> -> memref<1x1x128xi32, #tpu.memory_space<vmem>>
      %dma_wait3A_307 = tpu.memref_squeeze %dma_wait3A_306 : memref<1x1x128xi32, #tpu.memory_space<vmem>> -> memref<128xi32, #tpu.memory_space<vmem>>
      %dma_wait3A_308 = arith.constant 0 : i32
      %dma_wait3A_309 = arith.constant 0 : i32
      %dma_wait3A_310 = tpu.memref_slice %arg3[%dma_wait3A_308, %dma_wait3A_309] : memref<4096000x16xf32, #tpu.memory_space<hbm>> -> memref<4096000x16xf32, #tpu.memory_space<hbm>>
      tpu.wait_indirect_dma semaphore(%arg12 : memref<!tpu.dma_semaphore, #tpu.memory_space<semaphore_mem>>) src(%dma_wait3A_310 : memref<4096000x16xf32, #tpu.memory_space<hbm>>) dst(%dma_wait3A_304 : memref<128x16xf32, #tpu.memory_space<vmem>>)
      %dma_wait3A_311 = arith.constant 6 : i32
      %dma_wait3A_312 = arith.constant 0 : i32
      %dma_wait3A_313 = arith.constant 768 : i32
      %dma_wait3A_314 = arith.constant 0 : i32
      %dma_wait3A_315 = tpu.memref_slice %arg9[%dma_wait3A_313, %dma_wait3A_314] : memref<2048x16xf32, #tpu.memory_space<vmem>> -> memref<128x16xf32, #tpu.memory_space<vmem>>
      %dma_wait3A_316 = arith.constant 0 : i32
      %dma_wait3A_317 = tpu.memref_slice %arg7[%dma_wait3A_311, %dma_wait3A_312, %dma_wait3A_316] : memref<16x1x128xi32, #tpu.memory_space<vmem>> -> memref<1x1x128xi32, #tpu.memory_space<vmem>>
      %dma_wait3A_318 = tpu.memref_squeeze %dma_wait3A_317 : memref<1x1x128xi32, #tpu.memory_space<vmem>> -> memref<128xi32, #tpu.memory_space<vmem>>
      %dma_wait3A_319 = arith.constant 0 : i32
      %dma_wait3A_320 = arith.constant 0 : i32
      %dma_wait3A_321 = tpu.memref_slice %arg3[%dma_wait3A_319, %dma_wait3A_320] : memref<4096000x16xf32, #tpu.memory_space<hbm>> -> memref<4096000x16xf32, #tpu.memory_space<hbm>>
      tpu.wait_indirect_dma semaphore(%arg12 : memref<!tpu.dma_semaphore, #tpu.memory_space<semaphore_mem>>) src(%dma_wait3A_321 : memref<4096000x16xf32, #tpu.memory_space<hbm>>) dst(%dma_wait3A_315 : memref<128x16xf32, #tpu.memory_space<vmem>>)
      %dma_wait3A_322 = arith.constant 7 : i32
      %dma_wait3A_323 = arith.constant 0 : i32
      %dma_wait3A_324 = arith.constant 896 : i32
      %dma_wait3A_325 = arith.constant 0 : i32
      %dma_wait3A_326 = tpu.memref_slice %arg9[%dma_wait3A_324, %dma_wait3A_325] : memref<2048x16xf32, #tpu.memory_space<vmem>> -> memref<128x16xf32, #tpu.memory_space<vmem>>
      %dma_wait3A_327 = arith.constant 0 : i32
      %dma_wait3A_328 = tpu.memref_slice %arg7[%dma_wait3A_322, %dma_wait3A_323, %dma_wait3A_327] : memref<16x1x128xi32, #tpu.memory_space<vmem>> -> memref<1x1x128xi32, #tpu.memory_space<vmem>>
      %dma_wait3A_329 = tpu.memref_squeeze %dma_wait3A_328 : memref<1x1x128xi32, #tpu.memory_space<vmem>> -> memref<128xi32, #tpu.memory_space<vmem>>
      %dma_wait3A_330 = arith.constant 0 : i32
      %dma_wait3A_331 = arith.constant 0 : i32
      %dma_wait3A_332 = tpu.memref_slice %arg3[%dma_wait3A_330, %dma_wait3A_331] : memref<4096000x16xf32, #tpu.memory_space<hbm>> -> memref<4096000x16xf32, #tpu.memory_space<hbm>>
      tpu.wait_indirect_dma semaphore(%arg12 : memref<!tpu.dma_semaphore, #tpu.memory_space<semaphore_mem>>) src(%dma_wait3A_332 : memref<4096000x16xf32, #tpu.memory_space<hbm>>) dst(%dma_wait3A_326 : memref<128x16xf32, #tpu.memory_space<vmem>>)
      %dma_wait3A_333 = arith.constant 8 : i32
      %dma_wait3A_334 = arith.constant 0 : i32
      %dma_wait3A_335 = arith.constant 1024 : i32
      %dma_wait3A_336 = arith.constant 0 : i32
      %dma_wait3A_337 = tpu.memref_slice %arg9[%dma_wait3A_335, %dma_wait3A_336] : memref<2048x16xf32, #tpu.memory_space<vmem>> -> memref<128x16xf32, #tpu.memory_space<vmem>>
      %dma_wait3A_338 = arith.constant 0 : i32
      %dma_wait3A_339 = tpu.memref_slice %arg7[%dma_wait3A_333, %dma_wait3A_334, %dma_wait3A_338] : memref<16x1x128xi32, #tpu.memory_space<vmem>> -> memref<1x1x128xi32, #tpu.memory_space<vmem>>
      %dma_wait3A_340 = tpu.memref_squeeze %dma_wait3A_339 : memref<1x1x128xi32, #tpu.memory_space<vmem>> -> memref<128xi32, #tpu.memory_space<vmem>>
      %dma_wait3A_341 = arith.constant 0 : i32
      %dma_wait3A_342 = arith.constant 0 : i32
      %dma_wait3A_343 = tpu.memref_slice %arg3[%dma_wait3A_341, %dma_wait3A_342] : memref<4096000x16xf32, #tpu.memory_space<hbm>> -> memref<4096000x16xf32, #tpu.memory_space<hbm>>
      tpu.wait_indirect_dma semaphore(%arg12 : memref<!tpu.dma_semaphore, #tpu.memory_space<semaphore_mem>>) src(%dma_wait3A_343 : memref<4096000x16xf32, #tpu.memory_space<hbm>>) dst(%dma_wait3A_337 : memref<128x16xf32, #tpu.memory_space<vmem>>)
      %dma_wait3A_344 = arith.constant 9 : i32
      %dma_wait3A_345 = arith.constant 0 : i32
      %dma_wait3A_346 = arith.constant 1152 : i32
      %dma_wait3A_347 = arith.constant 0 : i32
      %dma_wait3A_348 = tpu.memref_slice %arg9[%dma_wait3A_346, %dma_wait3A_347] : memref<2048x16xf32, #tpu.memory_space<vmem>> -> memref<128x16xf32, #tpu.memory_space<vmem>>
      %dma_wait3A_349 = arith.constant 0 : i32
      %dma_wait3A_350 = tpu.memref_slice %arg7[%dma_wait3A_344, %dma_wait3A_345, %dma_wait3A_349] : memref<16x1x128xi32, #tpu.memory_space<vmem>> -> memref<1x1x128xi32, #tpu.memory_space<vmem>>
      %dma_wait3A_351 = tpu.memref_squeeze %dma_wait3A_350 : memref<1x1x128xi32, #tpu.memory_space<vmem>> -> memref<128xi32, #tpu.memory_space<vmem>>
      %dma_wait3A_352 = arith.constant 0 : i32
      %dma_wait3A_353 = arith.constant 0 : i32
      %dma_wait3A_354 = tpu.memref_slice %arg3[%dma_wait3A_352, %dma_wait3A_353] : memref<4096000x16xf32, #tpu.memory_space<hbm>> -> memref<4096000x16xf32, #tpu.memory_space<hbm>>
      tpu.wait_indirect_dma semaphore(%arg12 : memref<!tpu.dma_semaphore, #tpu.memory_space<semaphore_mem>>) src(%dma_wait3A_354 : memref<4096000x16xf32, #tpu.memory_space<hbm>>) dst(%dma_wait3A_348 : memref<128x16xf32, #tpu.memory_space<vmem>>)
      %dma_wait3A_355 = arith.constant 10 : i32
      %dma_wait3A_356 = arith.constant 0 : i32
      %dma_wait3A_357 = arith.constant 1280 : i32
      %dma_wait3A_358 = arith.constant 0 : i32
      %dma_wait3A_359 = tpu.memref_slice %arg9[%dma_wait3A_357, %dma_wait3A_358] : memref<2048x16xf32, #tpu.memory_space<vmem>> -> memref<128x16xf32, #tpu.memory_space<vmem>>
      %dma_wait3A_360 = arith.constant 0 : i32
      %dma_wait3A_361 = tpu.memref_slice %arg7[%dma_wait3A_355, %dma_wait3A_356, %dma_wait3A_360] : memref<16x1x128xi32, #tpu.memory_space<vmem>> -> memref<1x1x128xi32, #tpu.memory_space<vmem>>
      %dma_wait3A_362 = tpu.memref_squeeze %dma_wait3A_361 : memref<1x1x128xi32, #tpu.memory_space<vmem>> -> memref<128xi32, #tpu.memory_space<vmem>>
      %dma_wait3A_363 = arith.constant 0 : i32
      %dma_wait3A_364 = arith.constant 0 : i32
      %dma_wait3A_365 = tpu.memref_slice %arg3[%dma_wait3A_363, %dma_wait3A_364] : memref<4096000x16xf32, #tpu.memory_space<hbm>> -> memref<4096000x16xf32, #tpu.memory_space<hbm>>
      tpu.wait_indirect_dma semaphore(%arg12 : memref<!tpu.dma_semaphore, #tpu.memory_space<semaphore_mem>>) src(%dma_wait3A_365 : memref<4096000x16xf32, #tpu.memory_space<hbm>>) dst(%dma_wait3A_359 : memref<128x16xf32, #tpu.memory_space<vmem>>)
      %dma_wait3A_366 = arith.constant 11 : i32
      %dma_wait3A_367 = arith.constant 0 : i32
      %dma_wait3A_368 = arith.constant 1408 : i32
      %dma_wait3A_369 = arith.constant 0 : i32
      %dma_wait3A_370 = tpu.memref_slice %arg9[%dma_wait3A_368, %dma_wait3A_369] : memref<2048x16xf32, #tpu.memory_space<vmem>> -> memref<128x16xf32, #tpu.memory_space<vmem>>
      %dma_wait3A_371 = arith.constant 0 : i32
      %dma_wait3A_372 = tpu.memref_slice %arg7[%dma_wait3A_366, %dma_wait3A_367, %dma_wait3A_371] : memref<16x1x128xi32, #tpu.memory_space<vmem>> -> memref<1x1x128xi32, #tpu.memory_space<vmem>>
      %dma_wait3A_373 = tpu.memref_squeeze %dma_wait3A_372 : memref<1x1x128xi32, #tpu.memory_space<vmem>> -> memref<128xi32, #tpu.memory_space<vmem>>
      %dma_wait3A_374 = arith.constant 0 : i32
      %dma_wait3A_375 = arith.constant 0 : i32
      %dma_wait3A_376 = tpu.memref_slice %arg3[%dma_wait3A_374, %dma_wait3A_375] : memref<4096000x16xf32, #tpu.memory_space<hbm>> -> memref<4096000x16xf32, #tpu.memory_space<hbm>>
      tpu.wait_indirect_dma semaphore(%arg12 : memref<!tpu.dma_semaphore, #tpu.memory_space<semaphore_mem>>) src(%dma_wait3A_376 : memref<4096000x16xf32, #tpu.memory_space<hbm>>) dst(%dma_wait3A_370 : memref<128x16xf32, #tpu.memory_space<vmem>>)
      %dma_wait3A_377 = arith.constant 12 : i32
      %dma_wait3A_378 = arith.constant 0 : i32
      %dma_wait3A_379 = arith.constant 1536 : i32
      %dma_wait3A_380 = arith.constant 0 : i32
      %dma_wait3A_381 = tpu.memref_slice %arg9[%dma_wait3A_379, %dma_wait3A_380] : memref<2048x16xf32, #tpu.memory_space<vmem>> -> memref<128x16xf32, #tpu.memory_space<vmem>>
      %dma_wait3A_382 = arith.constant 0 : i32
      %dma_wait3A_383 = tpu.memref_slice %arg7[%dma_wait3A_377, %dma_wait3A_378, %dma_wait3A_382] : memref<16x1x128xi32, #tpu.memory_space<vmem>> -> memref<1x1x128xi32, #tpu.memory_space<vmem>>
      %dma_wait3A_384 = tpu.memref_squeeze %dma_wait3A_383 : memref<1x1x128xi32, #tpu.memory_space<vmem>> -> memref<128xi32, #tpu.memory_space<vmem>>
      %dma_wait3A_385 = arith.constant 0 : i32
      %dma_wait3A_386 = arith.constant 0 : i32
      %dma_wait3A_387 = tpu.memref_slice %arg3[%dma_wait3A_385, %dma_wait3A_386] : memref<4096000x16xf32, #tpu.memory_space<hbm>> -> memref<4096000x16xf32, #tpu.memory_space<hbm>>
      tpu.wait_indirect_dma semaphore(%arg12 : memref<!tpu.dma_semaphore, #tpu.memory_space<semaphore_mem>>) src(%dma_wait3A_387 : memref<4096000x16xf32, #tpu.memory_space<hbm>>) dst(%dma_wait3A_381 : memref<128x16xf32, #tpu.memory_space<vmem>>)
      %dma_wait3A_388 = arith.constant 13 : i32
      %dma_wait3A_389 = arith.constant 0 : i32
      %dma_wait3A_390 = arith.constant 1664 : i32
      %dma_wait3A_391 = arith.constant 0 : i32
      %dma_wait3A_392 = tpu.memref_slice %arg9[%dma_wait3A_390, %dma_wait3A_391] : memref<2048x16xf32, #tpu.memory_space<vmem>> -> memref<128x16xf32, #tpu.memory_space<vmem>>
      %dma_wait3A_393 = arith.constant 0 : i32
      %dma_wait3A_394 = tpu.memref_slice %arg7[%dma_wait3A_388, %dma_wait3A_389, %dma_wait3A_393] : memref<16x1x128xi32, #tpu.memory_space<vmem>> -> memref<1x1x128xi32, #tpu.memory_space<vmem>>
      %dma_wait3A_395 = tpu.memref_squeeze %dma_wait3A_394 : memref<1x1x128xi32, #tpu.memory_space<vmem>> -> memref<128xi32, #tpu.memory_space<vmem>>
      %dma_wait3A_396 = arith.constant 0 : i32
      %dma_wait3A_397 = arith.constant 0 : i32
      %dma_wait3A_398 = tpu.memref_slice %arg3[%dma_wait3A_396, %dma_wait3A_397] : memref<4096000x16xf32, #tpu.memory_space<hbm>> -> memref<4096000x16xf32, #tpu.memory_space<hbm>>
      tpu.wait_indirect_dma semaphore(%arg12 : memref<!tpu.dma_semaphore, #tpu.memory_space<semaphore_mem>>) src(%dma_wait3A_398 : memref<4096000x16xf32, #tpu.memory_space<hbm>>) dst(%dma_wait3A_392 : memref<128x16xf32, #tpu.memory_space<vmem>>)
      %dma_wait3A_399 = arith.constant 14 : i32
      %dma_wait3A_400 = arith.constant 0 : i32
      %dma_wait3A_401 = arith.constant 1792 : i32
      %dma_wait3A_402 = arith.constant 0 : i32
      %dma_wait3A_403 = tpu.memref_slice %arg9[%dma_wait3A_401, %dma_wait3A_402] : memref<2048x16xf32, #tpu.memory_space<vmem>> -> memref<128x16xf32, #tpu.memory_space<vmem>>
      %dma_wait3A_404 = arith.constant 0 : i32
      %dma_wait3A_405 = tpu.memref_slice %arg7[%dma_wait3A_399, %dma_wait3A_400, %dma_wait3A_404] : memref<16x1x128xi32, #tpu.memory_space<vmem>> -> memref<1x1x128xi32, #tpu.memory_space<vmem>>
      %dma_wait3A_406 = tpu.memref_squeeze %dma_wait3A_405 : memref<1x1x128xi32, #tpu.memory_space<vmem>> -> memref<128xi32, #tpu.memory_space<vmem>>
      %dma_wait3A_407 = arith.constant 0 : i32
      %dma_wait3A_408 = arith.constant 0 : i32
      %dma_wait3A_409 = tpu.memref_slice %arg3[%dma_wait3A_407, %dma_wait3A_408] : memref<4096000x16xf32, #tpu.memory_space<hbm>> -> memref<4096000x16xf32, #tpu.memory_space<hbm>>
      tpu.wait_indirect_dma semaphore(%arg12 : memref<!tpu.dma_semaphore, #tpu.memory_space<semaphore_mem>>) src(%dma_wait3A_409 : memref<4096000x16xf32, #tpu.memory_space<hbm>>) dst(%dma_wait3A_403 : memref<128x16xf32, #tpu.memory_space<vmem>>)
      %dma_wait3A_410 = arith.constant 15 : i32
      %dma_wait3A_411 = arith.constant 0 : i32
      %dma_wait3A_412 = arith.constant 1920 : i32
      %dma_wait3A_413 = arith.constant 0 : i32
      %dma_wait3A_414 = tpu.memref_slice %arg9[%dma_wait3A_412, %dma_wait3A_413] : memref<2048x16xf32, #tpu.memory_space<vmem>> -> memref<128x16xf32, #tpu.memory_space<vmem>>
      %dma_wait3A_415 = arith.constant 0 : i32
      %dma_wait3A_416 = tpu.memref_slice %arg7[%dma_wait3A_410, %dma_wait3A_411, %dma_wait3A_415] : memref<16x1x128xi32, #tpu.memory_space<vmem>> -> memref<1x1x128xi32, #tpu.memory_space<vmem>>
      %dma_wait3A_417 = tpu.memref_squeeze %dma_wait3A_416 : memref<1x1x128xi32, #tpu.memory_space<vmem>> -> memref<128xi32, #tpu.memory_space<vmem>>
      %dma_wait3A_418 = arith.constant 0 : i32
      %dma_wait3A_419 = arith.constant 0 : i32
      %dma_wait3A_420 = tpu.memref_slice %arg3[%dma_wait3A_418, %dma_wait3A_419] : memref<4096000x16xf32, #tpu.memory_space<hbm>> -> memref<4096000x16xf32, #tpu.memory_space<hbm>>
      tpu.wait_indirect_dma semaphore(%arg12 : memref<!tpu.dma_semaphore, #tpu.memory_space<semaphore_mem>>) src(%dma_wait3A_420 : memref<4096000x16xf32, #tpu.memory_space<hbm>>) dst(%dma_wait3A_414 : memref<128x16xf32, #tpu.memory_space<vmem>>)
      %scan3A_421 = arith.constant 0 : i32
      %scan3A_422 = arith.constant 8 : i32
      %scan3A_423 = arith.addi %scan3A_421, %scan3A_422 : i32
      %scan3A_424 = arith.constant 1 : i32
      scf.for %scan3A_431 = %scan3A_421 to %scan3A_423 step %scan3A_424  : i32 {
        %mul3A_432 = arith.constant 1 : i32
        %mul3A_433 = arith.muli %scan3A_431, %mul3A_432 : i32
        %add3A_434 = arith.constant 0 : i32
        %add3A_435 = arith.addi %add3A_434, %mul3A_433 : i32
        %mul3A_436 = arith.constant 16 : i32
        %mul3A_437 = arith.muli %add3A_435, %mul3A_436 : i32
        %add3A_438 = arith.constant 0 : i32
        %add3A_439 = arith.addi %add3A_438, %mul3A_437 : i32
        %add3A_440 = vector.broadcast %add3A_439 : i32 to vector<16xi32>
        %add3A_441 = arith.addi %add3A_440, %iota3A : vector<16xi32>
        %broadcast_in_dim3A_442 = arith.constant 0.000000e+00 : f32
        %broadcast_in_dim3A_443 = vector.broadcast %broadcast_in_dim3A_442 : f32 to vector<16xf32>
        %broadcast_in_dim3A_444 = arith.constant 0.000000e+00 : f32
        %broadcast_in_dim3A_445 = vector.broadcast %broadcast_in_dim3A_444 : f32 to vector<16xf32>
        %broadcast_in_dim3A_446 = arith.constant 0.000000e+00 : f32
        %broadcast_in_dim3A_447 = vector.broadcast %broadcast_in_dim3A_446 : f32 to vector<16xf32>
        %broadcast_in_dim3A_448 = arith.constant 0.000000e+00 : f32
        %broadcast_in_dim3A_449 = vector.broadcast %broadcast_in_dim3A_448 : f32 to vector<16xf32>
        %broadcast_in_dim3A_450 = arith.constant 0.000000e+00 : f32
        %broadcast_in_dim3A_451 = vector.broadcast %broadcast_in_dim3A_450 : f32 to vector<16xf32>
        %broadcast_in_dim3A_452 = arith.constant 0.000000e+00 : f32
        %broadcast_in_dim3A_453 = vector.broadcast %broadcast_in_dim3A_452 : f32 to vector<16xf32>
        %broadcast_in_dim3A_454 = arith.constant 0.000000e+00 : f32
        %broadcast_in_dim3A_455 = vector.broadcast %broadcast_in_dim3A_454 : f32 to vector<16xf32>
        %broadcast_in_dim3A_456 = arith.constant 0.000000e+00 : f32
        %broadcast_in_dim3A_457 = vector.broadcast %broadcast_in_dim3A_456 : f32 to vector<16xf32>
        %broadcast_in_dim3A_458 = arith.constant 0.000000e+00 : f32
        %broadcast_in_dim3A_459 = vector.broadcast %broadcast_in_dim3A_458 : f32 to vector<16xf32>
        %broadcast_in_dim3A_460 = arith.constant 0.000000e+00 : f32
        %broadcast_in_dim3A_461 = vector.broadcast %broadcast_in_dim3A_460 : f32 to vector<16xf32>
        %broadcast_in_dim3A_462 = arith.constant 0.000000e+00 : f32
        %broadcast_in_dim3A_463 = vector.broadcast %broadcast_in_dim3A_462 : f32 to vector<16xf32>
        %broadcast_in_dim3A_464 = arith.constant 0.000000e+00 : f32
        %broadcast_in_dim3A_465 = vector.broadcast %broadcast_in_dim3A_464 : f32 to vector<16xf32>
        %broadcast_in_dim3A_466 = arith.constant 0.000000e+00 : f32
        %broadcast_in_dim3A_467 = vector.broadcast %broadcast_in_dim3A_466 : f32 to vector<16xf32>
        %broadcast_in_dim3A_468 = arith.constant 0.000000e+00 : f32
        %broadcast_in_dim3A_469 = vector.broadcast %broadcast_in_dim3A_468 : f32 to vector<16xf32>
        %broadcast_in_dim3A_470 = arith.constant 0.000000e+00 : f32
        %broadcast_in_dim3A_471 = vector.broadcast %broadcast_in_dim3A_470 : f32 to vector<16xf32>
        %broadcast_in_dim3A_472 = arith.constant 0.000000e+00 : f32
        %broadcast_in_dim3A_473 = vector.broadcast %broadcast_in_dim3A_472 : f32 to vector<16xf32>
        %mul3A_474 = arith.constant 16 : i32
        %mul3A_475 = arith.muli %add3A_435, %mul3A_474 : i32
        %add3A_476 = arith.constant 0 : i32
        %add3A_477 = arith.addi %add3A_476, %mul3A_475 : i32
        %get3A_478 = arith.index_cast %add3A_477 : i32 to index
        %get3A_479 = tpu.vector_load %arg8[%get3A_478] {strides = array<i32>} : memref<2048xf32, #tpu.memory_space<vmem>>, vector<16xf32>,
        %add3A_480 = arith.constant 0 : i32
        %add3A_481 = arith.addi %add3A_480, %add3A_439 : i32
        %add3A_482 = vector.broadcast %add3A_481 : i32 to vector<16xi32>
        %add3A_483 = arith.addi %add3A_482, %iota3A : vector<16xi32>
        %gather3A = tpu.vector_load_idx %arg9[%add3A_483, %broadcast_in_dim3A_3] : memref<2048x16xf32, #tpu.memory_space<vmem>>[vector<16xi32>, vector<16xi32>], vector<16xf32>,
        %mul3A_484 = arith.mulf %get3A_479, %gather3A : vector<16xf32>
        %add3A_485 = arith.addf %broadcast_in_dim3A_443, %mul3A_484 : vector<16xf32>
        %gather3A_486 = tpu.vector_load_idx %arg9[%add3A_483, %broadcast_in_dim3A_5] : memref<2048x16xf32, #tpu.memory_space<vmem>>[vector<16xi32>, vector<16xi32>], vector<16xf32>,
        %mul3A_487 = arith.mulf %get3A_479, %gather3A_486 : vector<16xf32>
        %add3A_488 = arith.addf %broadcast_in_dim3A_445, %mul3A_487 : vector<16xf32>
        %gather3A_489 = tpu.vector_load_idx %arg9[%add3A_483, %broadcast_in_dim3A_7] : memref<2048x16xf32, #tpu.memory_space<vmem>>[vector<16xi32>, vector<16xi32>], vector<16xf32>,
        %mul3A_490 = arith.mulf %get3A_479, %gather3A_489 : vector<16xf32>
        %add3A_491 = arith.addf %broadcast_in_dim3A_447, %mul3A_490 : vector<16xf32>
        %gather3A_492 = tpu.vector_load_idx %arg9[%add3A_483, %broadcast_in_dim3A_9] : memref<2048x16xf32, #tpu.memory_space<vmem>>[vector<16xi32>, vector<16xi32>], vector<16xf32>,
        %mul3A_493 = arith.mulf %get3A_479, %gather3A_492 : vector<16xf32>
        %add3A_494 = arith.addf %broadcast_in_dim3A_449, %mul3A_493 : vector<16xf32>
        %gather3A_495 = tpu.vector_load_idx %arg9[%add3A_483, %broadcast_in_dim3A_11] : memref<2048x16xf32, #tpu.memory_space<vmem>>[vector<16xi32>, vector<16xi32>], vector<16xf32>,
        %mul3A_496 = arith.mulf %get3A_479, %gather3A_495 : vector<16xf32>
        %add3A_497 = arith.addf %broadcast_in_dim3A_451, %mul3A_496 : vector<16xf32>
        %gather3A_498 = tpu.vector_load_idx %arg9[%add3A_483, %broadcast_in_dim3A_13] : memref<2048x16xf32, #tpu.memory_space<vmem>>[vector<16xi32>, vector<16xi32>], vector<16xf32>,
        %mul3A_499 = arith.mulf %get3A_479, %gather3A_498 : vector<16xf32>
        %add3A_500 = arith.addf %broadcast_in_dim3A_453, %mul3A_499 : vector<16xf32>
        %gather3A_501 = tpu.vector_load_idx %arg9[%add3A_483, %broadcast_in_dim3A_15] : memref<2048x16xf32, #tpu.memory_space<vmem>>[vector<16xi32>, vector<16xi32>], vector<16xf32>,
        %mul3A_502 = arith.mulf %get3A_479, %gather3A_501 : vector<16xf32>
        %add3A_503 = arith.addf %broadcast_in_dim3A_455, %mul3A_502 : vector<16xf32>
        %gather3A_504 = tpu.vector_load_idx %arg9[%add3A_483, %broadcast_in_dim3A_17] : memref<2048x16xf32, #tpu.memory_space<vmem>>[vector<16xi32>, vector<16xi32>], vector<16xf32>,
        %mul3A_505 = arith.mulf %get3A_479, %gather3A_504 : vector<16xf32>
        %add3A_506 = arith.addf %broadcast_in_dim3A_457, %mul3A_505 : vector<16xf32>
        %gather3A_507 = tpu.vector_load_idx %arg9[%add3A_483, %broadcast_in_dim3A_19] : memref<2048x16xf32, #tpu.memory_space<vmem>>[vector<16xi32>, vector<16xi32>], vector<16xf32>,
        %mul3A_508 = arith.mulf %get3A_479, %gather3A_507 : vector<16xf32>
        %add3A_509 = arith.addf %broadcast_in_dim3A_459, %mul3A_508 : vector<16xf32>
        %gather3A_510 = tpu.vector_load_idx %arg9[%add3A_483, %broadcast_in_dim3A_21] : memref<2048x16xf32, #tpu.memory_space<vmem>>[vector<16xi32>, vector<16xi32>], vector<16xf32>,
        %mul3A_511 = arith.mulf %get3A_479, %gather3A_510 : vector<16xf32>
        %add3A_512 = arith.addf %broadcast_in_dim3A_461, %mul3A_511 : vector<16xf32>
        %gather3A_513 = tpu.vector_load_idx %arg9[%add3A_483, %broadcast_in_dim3A_23] : memref<2048x16xf32, #tpu.memory_space<vmem>>[vector<16xi32>, vector<16xi32>], vector<16xf32>,
        %mul3A_514 = arith.mulf %get3A_479, %gather3A_513 : vector<16xf32>
        %add3A_515 = arith.addf %broadcast_in_dim3A_463, %mul3A_514 : vector<16xf32>
        %gather3A_516 = tpu.vector_load_idx %arg9[%add3A_483, %broadcast_in_dim3A_25] : memref<2048x16xf32, #tpu.memory_space<vmem>>[vector<16xi32>, vector<16xi32>], vector<16xf32>,
        %mul3A_517 = arith.mulf %get3A_479, %gather3A_516 : vector<16xf32>
        %add3A_518 = arith.addf %broadcast_in_dim3A_465, %mul3A_517 : vector<16xf32>
        %gather3A_519 = tpu.vector_load_idx %arg9[%add3A_483, %broadcast_in_dim3A_27] : memref<2048x16xf32, #tpu.memory_space<vmem>>[vector<16xi32>, vector<16xi32>], vector<16xf32>,
        %mul3A_520 = arith.mulf %get3A_479, %gather3A_519 : vector<16xf32>
        %add3A_521 = arith.addf %broadcast_in_dim3A_467, %mul3A_520 : vector<16xf32>
        %gather3A_522 = tpu.vector_load_idx %arg9[%add3A_483, %broadcast_in_dim3A_29] : memref<2048x16xf32, #tpu.memory_space<vmem>>[vector<16xi32>, vector<16xi32>], vector<16xf32>,
        %mul3A_523 = arith.mulf %get3A_479, %gather3A_522 : vector<16xf32>
        %add3A_524 = arith.addf %broadcast_in_dim3A_469, %mul3A_523 : vector<16xf32>
        %gather3A_525 = tpu.vector_load_idx %arg9[%add3A_483, %broadcast_in_dim3A_31] : memref<2048x16xf32, #tpu.memory_space<vmem>>[vector<16xi32>, vector<16xi32>], vector<16xf32>,
        %mul3A_526 = arith.mulf %get3A_479, %gather3A_525 : vector<16xf32>
        %add3A_527 = arith.addf %broadcast_in_dim3A_471, %mul3A_526 : vector<16xf32>
        %gather3A_528 = tpu.vector_load_idx %arg9[%add3A_483, %broadcast_in_dim3A_33] : memref<2048x16xf32, #tpu.memory_space<vmem>>[vector<16xi32>, vector<16xi32>], vector<16xf32>,
        %mul3A_529 = arith.mulf %get3A_479, %gather3A_528 : vector<16xf32>
        %add3A_530 = arith.addf %broadcast_in_dim3A_473, %mul3A_529 : vector<16xf32>
        %mul3A_531 = arith.constant 16 : i32
        %mul3A_532 = arith.muli %add3A_435, %mul3A_531 : i32
        %add3A_533 = arith.constant 256 : i32
        %add3A_534 = arith.addi %add3A_533, %mul3A_532 : i32
        %get3A_535 = arith.index_cast %add3A_534 : i32 to index
        %get3A_536 = tpu.vector_load %arg8[%get3A_535] {strides = array<i32>} : memref<2048xf32, #tpu.memory_space<vmem>>, vector<16xf32>,
        %add3A_537 = arith.constant 256 : i32
        %add3A_538 = arith.addi %add3A_537, %add3A_439 : i32
        %add3A_539 = vector.broadcast %add3A_538 : i32 to vector<16xi32>
        %add3A_540 = arith.addi %add3A_539, %iota3A : vector<16xi32>
        %gather3A_541 = tpu.vector_load_idx %arg9[%add3A_540, %broadcast_in_dim3A_3] : memref<2048x16xf32, #tpu.memory_space<vmem>>[vector<16xi32>, vector<16xi32>], vector<16xf32>,
        %mul3A_542 = arith.mulf %get3A_536, %gather3A_541 : vector<16xf32>
        %add3A_543 = arith.addf %add3A_485, %mul3A_542 : vector<16xf32>
        %gather3A_544 = tpu.vector_load_idx %arg9[%add3A_540, %broadcast_in_dim3A_5] : memref<2048x16xf32, #tpu.memory_space<vmem>>[vector<16xi32>, vector<16xi32>], vector<16xf32>,
        %mul3A_545 = arith.mulf %get3A_536, %gather3A_544 : vector<16xf32>
        %add3A_546 = arith.addf %add3A_488, %mul3A_545 : vector<16xf32>
        %gather3A_547 = tpu.vector_load_idx %arg9[%add3A_540, %broadcast_in_dim3A_7] : memref<2048x16xf32, #tpu.memory_space<vmem>>[vector<16xi32>, vector<16xi32>], vector<16xf32>,
        %mul3A_548 = arith.mulf %get3A_536, %gather3A_547 : vector<16xf32>
        %add3A_549 = arith.addf %add3A_491, %mul3A_548 : vector<16xf32>
        %gather3A_550 = tpu.vector_load_idx %arg9[%add3A_540, %broadcast_in_dim3A_9] : memref<2048x16xf32, #tpu.memory_space<vmem>>[vector<16xi32>, vector<16xi32>], vector<16xf32>,
        %mul3A_551 = arith.mulf %get3A_536, %gather3A_550 : vector<16xf32>
        %add3A_552 = arith.addf %add3A_494, %mul3A_551 : vector<16xf32>
        %gather3A_553 = tpu.vector_load_idx %arg9[%add3A_540, %broadcast_in_dim3A_11] : memref<2048x16xf32, #tpu.memory_space<vmem>>[vector<16xi32>, vector<16xi32>], vector<16xf32>,
        %mul3A_554 = arith.mulf %get3A_536, %gather3A_553 : vector<16xf32>
        %add3A_555 = arith.addf %add3A_497, %mul3A_554 : vector<16xf32>
        %gather3A_556 = tpu.vector_load_idx %arg9[%add3A_540, %broadcast_in_dim3A_13] : memref<2048x16xf32, #tpu.memory_space<vmem>>[vector<16xi32>, vector<16xi32>], vector<16xf32>,
        %mul3A_557 = arith.mulf %get3A_536, %gather3A_556 : vector<16xf32>
        %add3A_558 = arith.addf %add3A_500, %mul3A_557 : vector<16xf32>
        %gather3A_559 = tpu.vector_load_idx %arg9[%add3A_540, %broadcast_in_dim3A_15] : memref<2048x16xf32, #tpu.memory_space<vmem>>[vector<16xi32>, vector<16xi32>], vector<16xf32>,
        %mul3A_560 = arith.mulf %get3A_536, %gather3A_559 : vector<16xf32>
        %add3A_561 = arith.addf %add3A_503, %mul3A_560 : vector<16xf32>
        %gather3A_562 = tpu.vector_load_idx %arg9[%add3A_540, %broadcast_in_dim3A_17] : memref<2048x16xf32, #tpu.memory_space<vmem>>[vector<16xi32>, vector<16xi32>], vector<16xf32>,
        %mul3A_563 = arith.mulf %get3A_536, %gather3A_562 : vector<16xf32>
        %add3A_564 = arith.addf %add3A_506, %mul3A_563 : vector<16xf32>
        %gather3A_565 = tpu.vector_load_idx %arg9[%add3A_540, %broadcast_in_dim3A_19] : memref<2048x16xf32, #tpu.memory_space<vmem>>[vector<16xi32>, vector<16xi32>], vector<16xf32>,
        %mul3A_566 = arith.mulf %get3A_536, %gather3A_565 : vector<16xf32>
        %add3A_567 = arith.addf %add3A_509, %mul3A_566 : vector<16xf32>
        %gather3A_568 = tpu.vector_load_idx %arg9[%add3A_540, %broadcast_in_dim3A_21] : memref<2048x16xf32, #tpu.memory_space<vmem>>[vector<16xi32>, vector<16xi32>], vector<16xf32>,
        %mul3A_569 = arith.mulf %get3A_536, %gather3A_568 : vector<16xf32>
        %add3A_570 = arith.addf %add3A_512, %mul3A_569 : vector<16xf32>
        %gather3A_571 = tpu.vector_load_idx %arg9[%add3A_540, %broadcast_in_dim3A_23] : memref<2048x16xf32, #tpu.memory_space<vmem>>[vector<16xi32>, vector<16xi32>], vector<16xf32>,
        %mul3A_572 = arith.mulf %get3A_536, %gather3A_571 : vector<16xf32>
        %add3A_573 = arith.addf %add3A_515, %mul3A_572 : vector<16xf32>
        %gather3A_574 = tpu.vector_load_idx %arg9[%add3A_540, %broadcast_in_dim3A_25] : memref<2048x16xf32, #tpu.memory_space<vmem>>[vector<16xi32>, vector<16xi32>], vector<16xf32>,
        %mul3A_575 = arith.mulf %get3A_536, %gather3A_574 : vector<16xf32>
        %add3A_576 = arith.addf %add3A_518, %mul3A_575 : vector<16xf32>
        %gather3A_577 = tpu.vector_load_idx %arg9[%add3A_540, %broadcast_in_dim3A_27] : memref<2048x16xf32, #tpu.memory_space<vmem>>[vector<16xi32>, vector<16xi32>], vector<16xf32>,
        %mul3A_578 = arith.mulf %get3A_536, %gather3A_577 : vector<16xf32>
        %add3A_579 = arith.addf %add3A_521, %mul3A_578 : vector<16xf32>
        %gather3A_580 = tpu.vector_load_idx %arg9[%add3A_540, %broadcast_in_dim3A_29] : memref<2048x16xf32, #tpu.memory_space<vmem>>[vector<16xi32>, vector<16xi32>], vector<16xf32>,
        %mul3A_581 = arith.mulf %get3A_536, %gather3A_580 : vector<16xf32>
        %add3A_582 = arith.addf %add3A_524, %mul3A_581 : vector<16xf32>
        %gather3A_583 = tpu.vector_load_idx %arg9[%add3A_540, %broadcast_in_dim3A_31] : memref<2048x16xf32, #tpu.memory_space<vmem>>[vector<16xi32>, vector<16xi32>], vector<16xf32>,
        %mul3A_584 = arith.mulf %get3A_536, %gather3A_583 : vector<16xf32>
        %add3A_585 = arith.addf %add3A_527, %mul3A_584 : vector<16xf32>
        %gather3A_586 = tpu.vector_load_idx %arg9[%add3A_540, %broadcast_in_dim3A_33] : memref<2048x16xf32, #tpu.memory_space<vmem>>[vector<16xi32>, vector<16xi32>], vector<16xf32>,
        %mul3A_587 = arith.mulf %get3A_536, %gather3A_586 : vector<16xf32>
        %add3A_588 = arith.addf %add3A_530, %mul3A_587 : vector<16xf32>
        %mul3A_589 = arith.constant 16 : i32
        %mul3A_590 = arith.muli %add3A_435, %mul3A_589 : i32
        %add3A_591 = arith.constant 512 : i32
        %add3A_592 = arith.addi %add3A_591, %mul3A_590 : i32
        %get3A_593 = arith.index_cast %add3A_592 : i32 to index
        %get3A_594 = tpu.vector_load %arg8[%get3A_593] {strides = array<i32>} : memref<2048xf32, #tpu.memory_space<vmem>>, vector<16xf32>,
        %add3A_595 = arith.constant 512 : i32
        %add3A_596 = arith.addi %add3A_595, %add3A_439 : i32
        %add3A_597 = vector.broadcast %add3A_596 : i32 to vector<16xi32>
        %add3A_598 = arith.addi %add3A_597, %iota3A : vector<16xi32>
        %gather3A_599 = tpu.vector_load_idx %arg9[%add3A_598, %broadcast_in_dim3A_3] : memref<2048x16xf32, #tpu.memory_space<vmem>>[vector<16xi32>, vector<16xi32>], vector<16xf32>,
        %mul3A_600 = arith.mulf %get3A_594, %gather3A_599 : vector<16xf32>
        %add3A_601 = arith.addf %add3A_543, %mul3A_600 : vector<16xf32>
        %gather3A_602 = tpu.vector_load_idx %arg9[%add3A_598, %broadcast_in_dim3A_5] : memref<2048x16xf32, #tpu.memory_space<vmem>>[vector<16xi32>, vector<16xi32>], vector<16xf32>,
        %mul3A_603 = arith.mulf %get3A_594, %gather3A_602 : vector<16xf32>
        %add3A_604 = arith.addf %add3A_546, %mul3A_603 : vector<16xf32>
        %gather3A_605 = tpu.vector_load_idx %arg9[%add3A_598, %broadcast_in_dim3A_7] : memref<2048x16xf32, #tpu.memory_space<vmem>>[vector<16xi32>, vector<16xi32>], vector<16xf32>,
        %mul3A_606 = arith.mulf %get3A_594, %gather3A_605 : vector<16xf32>
        %add3A_607 = arith.addf %add3A_549, %mul3A_606 : vector<16xf32>
        %gather3A_608 = tpu.vector_load_idx %arg9[%add3A_598, %broadcast_in_dim3A_9] : memref<2048x16xf32, #tpu.memory_space<vmem>>[vector<16xi32>, vector<16xi32>], vector<16xf32>,
        %mul3A_609 = arith.mulf %get3A_594, %gather3A_608 : vector<16xf32>
        %add3A_610 = arith.addf %add3A_552, %mul3A_609 : vector<16xf32>
        %gather3A_611 = tpu.vector_load_idx %arg9[%add3A_598, %broadcast_in_dim3A_11] : memref<2048x16xf32, #tpu.memory_space<vmem>>[vector<16xi32>, vector<16xi32>], vector<16xf32>,
        %mul3A_612 = arith.mulf %get3A_594, %gather3A_611 : vector<16xf32>
        %add3A_613 = arith.addf %add3A_555, %mul3A_612 : vector<16xf32>
        %gather3A_614 = tpu.vector_load_idx %arg9[%add3A_598, %broadcast_in_dim3A_13] : memref<2048x16xf32, #tpu.memory_space<vmem>>[vector<16xi32>, vector<16xi32>], vector<16xf32>,
        %mul3A_615 = arith.mulf %get3A_594, %gather3A_614 : vector<16xf32>
        %add3A_616 = arith.addf %add3A_558, %mul3A_615 : vector<16xf32>
        %gather3A_617 = tpu.vector_load_idx %arg9[%add3A_598, %broadcast_in_dim3A_15] : memref<2048x16xf32, #tpu.memory_space<vmem>>[vector<16xi32>, vector<16xi32>], vector<16xf32>,
        %mul3A_618 = arith.mulf %get3A_594, %gather3A_617 : vector<16xf32>
        %add3A_619 = arith.addf %add3A_561, %mul3A_618 : vector<16xf32>
        %gather3A_620 = tpu.vector_load_idx %arg9[%add3A_598, %broadcast_in_dim3A_17] : memref<2048x16xf32, #tpu.memory_space<vmem>>[vector<16xi32>, vector<16xi32>], vector<16xf32>,
        %mul3A_621 = arith.mulf %get3A_594, %gather3A_620 : vector<16xf32>
        %add3A_622 = arith.addf %add3A_564, %mul3A_621 : vector<16xf32>
        %gather3A_623 = tpu.vector_load_idx %arg9[%add3A_598, %broadcast_in_dim3A_19] : memref<2048x16xf32, #tpu.memory_space<vmem>>[vector<16xi32>, vector<16xi32>], vector<16xf32>,
        %mul3A_624 = arith.mulf %get3A_594, %gather3A_623 : vector<16xf32>
        %add3A_625 = arith.addf %add3A_567, %mul3A_624 : vector<16xf32>
        %gather3A_626 = tpu.vector_load_idx %arg9[%add3A_598, %broadcast_in_dim3A_21] : memref<2048x16xf32, #tpu.memory_space<vmem>>[vector<16xi32>, vector<16xi32>], vector<16xf32>,
        %mul3A_627 = arith.mulf %get3A_594, %gather3A_626 : vector<16xf32>
        %add3A_628 = arith.addf %add3A_570, %mul3A_627 : vector<16xf32>
        %gather3A_629 = tpu.vector_load_idx %arg9[%add3A_598, %broadcast_in_dim3A_23] : memref<2048x16xf32, #tpu.memory_space<vmem>>[vector<16xi32>, vector<16xi32>], vector<16xf32>,
        %mul3A_630 = arith.mulf %get3A_594, %gather3A_629 : vector<16xf32>
        %add3A_631 = arith.addf %add3A_573, %mul3A_630 : vector<16xf32>
        %gather3A_632 = tpu.vector_load_idx %arg9[%add3A_598, %broadcast_in_dim3A_25] : memref<2048x16xf32, #tpu.memory_space<vmem>>[vector<16xi32>, vector<16xi32>], vector<16xf32>,
        %mul3A_633 = arith.mulf %get3A_594, %gather3A_632 : vector<16xf32>
        %add3A_634 = arith.addf %add3A_576, %mul3A_633 : vector<16xf32>
        %gather3A_635 = tpu.vector_load_idx %arg9[%add3A_598, %broadcast_in_dim3A_27] : memref<2048x16xf32, #tpu.memory_space<vmem>>[vector<16xi32>, vector<16xi32>], vector<16xf32>,
        %mul3A_636 = arith.mulf %get3A_594, %gather3A_635 : vector<16xf32>
        %add3A_637 = arith.addf %add3A_579, %mul3A_636 : vector<16xf32>
        %gather3A_638 = tpu.vector_load_idx %arg9[%add3A_598, %broadcast_in_dim3A_29] : memref<2048x16xf32, #tpu.memory_space<vmem>>[vector<16xi32>, vector<16xi32>], vector<16xf32>,
        %mul3A_639 = arith.mulf %get3A_594, %gather3A_638 : vector<16xf32>
        %add3A_640 = arith.addf %add3A_582, %mul3A_639 : vector<16xf32>
        %gather3A_641 = tpu.vector_load_idx %arg9[%add3A_598, %broadcast_in_dim3A_31] : memref<2048x16xf32, #tpu.memory_space<vmem>>[vector<16xi32>, vector<16xi32>], vector<16xf32>,
        %mul3A_642 = arith.mulf %get3A_594, %gather3A_641 : vector<16xf32>
        %add3A_643 = arith.addf %add3A_585, %mul3A_642 : vector<16xf32>
        %gather3A_644 = tpu.vector_load_idx %arg9[%add3A_598, %broadcast_in_dim3A_33] : memref<2048x16xf32, #tpu.memory_space<vmem>>[vector<16xi32>, vector<16xi32>], vector<16xf32>,
        %mul3A_645 = arith.mulf %get3A_594, %gather3A_644 : vector<16xf32>
        %add3A_646 = arith.addf %add3A_588, %mul3A_645 : vector<16xf32>
        %mul3A_647 = arith.constant 16 : i32
        %mul3A_648 = arith.muli %add3A_435, %mul3A_647 : i32
        %add3A_649 = arith.constant 768 : i32
        %add3A_650 = arith.addi %add3A_649, %mul3A_648 : i32
        %get3A_651 = arith.index_cast %add3A_650 : i32 to index
        %get3A_652 = tpu.vector_load %arg8[%get3A_651] {strides = array<i32>} : memref<2048xf32, #tpu.memory_space<vmem>>, vector<16xf32>,
        %add3A_653 = arith.constant 768 : i32
        %add3A_654 = arith.addi %add3A_653, %add3A_439 : i32
        %add3A_655 = vector.broadcast %add3A_654 : i32 to vector<16xi32>
        %add3A_656 = arith.addi %add3A_655, %iota3A : vector<16xi32>
        %gather3A_657 = tpu.vector_load_idx %arg9[%add3A_656, %broadcast_in_dim3A_3] : memref<2048x16xf32, #tpu.memory_space<vmem>>[vector<16xi32>, vector<16xi32>], vector<16xf32>,
        %mul3A_658 = arith.mulf %get3A_652, %gather3A_657 : vector<16xf32>
        %add3A_659 = arith.addf %add3A_601, %mul3A_658 : vector<16xf32>
        %gather3A_660 = tpu.vector_load_idx %arg9[%add3A_656, %broadcast_in_dim3A_5] : memref<2048x16xf32, #tpu.memory_space<vmem>>[vector<16xi32>, vector<16xi32>], vector<16xf32>,
        %mul3A_661 = arith.mulf %get3A_652, %gather3A_660 : vector<16xf32>
        %add3A_662 = arith.addf %add3A_604, %mul3A_661 : vector<16xf32>
        %gather3A_663 = tpu.vector_load_idx %arg9[%add3A_656, %broadcast_in_dim3A_7] : memref<2048x16xf32, #tpu.memory_space<vmem>>[vector<16xi32>, vector<16xi32>], vector<16xf32>,
        %mul3A_664 = arith.mulf %get3A_652, %gather3A_663 : vector<16xf32>
        %add3A_665 = arith.addf %add3A_607, %mul3A_664 : vector<16xf32>
        %gather3A_666 = tpu.vector_load_idx %arg9[%add3A_656, %broadcast_in_dim3A_9] : memref<2048x16xf32, #tpu.memory_space<vmem>>[vector<16xi32>, vector<16xi32>], vector<16xf32>,
        %mul3A_667 = arith.mulf %get3A_652, %gather3A_666 : vector<16xf32>
        %add3A_668 = arith.addf %add3A_610, %mul3A_667 : vector<16xf32>
        %gather3A_669 = tpu.vector_load_idx %arg9[%add3A_656, %broadcast_in_dim3A_11] : memref<2048x16xf32, #tpu.memory_space<vmem>>[vector<16xi32>, vector<16xi32>], vector<16xf32>,
        %mul3A_670 = arith.mulf %get3A_652, %gather3A_669 : vector<16xf32>
        %add3A_671 = arith.addf %add3A_613, %mul3A_670 : vector<16xf32>
        %gather3A_672 = tpu.vector_load_idx %arg9[%add3A_656, %broadcast_in_dim3A_13] : memref<2048x16xf32, #tpu.memory_space<vmem>>[vector<16xi32>, vector<16xi32>], vector<16xf32>,
        %mul3A_673 = arith.mulf %get3A_652, %gather3A_672 : vector<16xf32>
        %add3A_674 = arith.addf %add3A_616, %mul3A_673 : vector<16xf32>
        %gather3A_675 = tpu.vector_load_idx %arg9[%add3A_656, %broadcast_in_dim3A_15] : memref<2048x16xf32, #tpu.memory_space<vmem>>[vector<16xi32>, vector<16xi32>], vector<16xf32>,
        %mul3A_676 = arith.mulf %get3A_652, %gather3A_675 : vector<16xf32>
        %add3A_677 = arith.addf %add3A_619, %mul3A_676 : vector<16xf32>
        %gather3A_678 = tpu.vector_load_idx %arg9[%add3A_656, %broadcast_in_dim3A_17] : memref<2048x16xf32, #tpu.memory_space<vmem>>[vector<16xi32>, vector<16xi32>], vector<16xf32>,
        %mul3A_679 = arith.mulf %get3A_652, %gather3A_678 : vector<16xf32>
        %add3A_680 = arith.addf %add3A_622, %mul3A_679 : vector<16xf32>
        %gather3A_681 = tpu.vector_load_idx %arg9[%add3A_656, %broadcast_in_dim3A_19] : memref<2048x16xf32, #tpu.memory_space<vmem>>[vector<16xi32>, vector<16xi32>], vector<16xf32>,
        %mul3A_682 = arith.mulf %get3A_652, %gather3A_681 : vector<16xf32>
        %add3A_683 = arith.addf %add3A_625, %mul3A_682 : vector<16xf32>
        %gather3A_684 = tpu.vector_load_idx %arg9[%add3A_656, %broadcast_in_dim3A_21] : memref<2048x16xf32, #tpu.memory_space<vmem>>[vector<16xi32>, vector<16xi32>], vector<16xf32>,
        %mul3A_685 = arith.mulf %get3A_652, %gather3A_684 : vector<16xf32>
        %add3A_686 = arith.addf %add3A_628, %mul3A_685 : vector<16xf32>
        %gather3A_687 = tpu.vector_load_idx %arg9[%add3A_656, %broadcast_in_dim3A_23] : memref<2048x16xf32, #tpu.memory_space<vmem>>[vector<16xi32>, vector<16xi32>], vector<16xf32>,
        %mul3A_688 = arith.mulf %get3A_652, %gather3A_687 : vector<16xf32>
        %add3A_689 = arith.addf %add3A_631, %mul3A_688 : vector<16xf32>
        %gather3A_690 = tpu.vector_load_idx %arg9[%add3A_656, %broadcast_in_dim3A_25] : memref<2048x16xf32, #tpu.memory_space<vmem>>[vector<16xi32>, vector<16xi32>], vector<16xf32>,
        %mul3A_691 = arith.mulf %get3A_652, %gather3A_690 : vector<16xf32>
        %add3A_692 = arith.addf %add3A_634, %mul3A_691 : vector<16xf32>
        %gather3A_693 = tpu.vector_load_idx %arg9[%add3A_656, %broadcast_in_dim3A_27] : memref<2048x16xf32, #tpu.memory_space<vmem>>[vector<16xi32>, vector<16xi32>], vector<16xf32>,
        %mul3A_694 = arith.mulf %get3A_652, %gather3A_693 : vector<16xf32>
        %add3A_695 = arith.addf %add3A_637, %mul3A_694 : vector<16xf32>
        %gather3A_696 = tpu.vector_load_idx %arg9[%add3A_656, %broadcast_in_dim3A_29] : memref<2048x16xf32, #tpu.memory_space<vmem>>[vector<16xi32>, vector<16xi32>], vector<16xf32>,
        %mul3A_697 = arith.mulf %get3A_652, %gather3A_696 : vector<16xf32>
        %add3A_698 = arith.addf %add3A_640, %mul3A_697 : vector<16xf32>
        %gather3A_699 = tpu.vector_load_idx %arg9[%add3A_656, %broadcast_in_dim3A_31] : memref<2048x16xf32, #tpu.memory_space<vmem>>[vector<16xi32>, vector<16xi32>], vector<16xf32>,
        %mul3A_700 = arith.mulf %get3A_652, %gather3A_699 : vector<16xf32>
        %add3A_701 = arith.addf %add3A_643, %mul3A_700 : vector<16xf32>
        %gather3A_702 = tpu.vector_load_idx %arg9[%add3A_656, %broadcast_in_dim3A_33] : memref<2048x16xf32, #tpu.memory_space<vmem>>[vector<16xi32>, vector<16xi32>], vector<16xf32>,
        %mul3A_703 = arith.mulf %get3A_652, %gather3A_702 : vector<16xf32>
        %add3A_704 = arith.addf %add3A_646, %mul3A_703 : vector<16xf32>
        %mul3A_705 = arith.constant 16 : i32
        %mul3A_706 = arith.muli %add3A_435, %mul3A_705 : i32
        %add3A_707 = arith.constant 1024 : i32
        %add3A_708 = arith.addi %add3A_707, %mul3A_706 : i32
        %get3A_709 = arith.index_cast %add3A_708 : i32 to index
        %get3A_710 = tpu.vector_load %arg8[%get3A_709] {strides = array<i32>} : memref<2048xf32, #tpu.memory_space<vmem>>, vector<16xf32>,
        %add3A_711 = arith.constant 1024 : i32
        %add3A_712 = arith.addi %add3A_711, %add3A_439 : i32
        %add3A_713 = vector.broadcast %add3A_712 : i32 to vector<16xi32>
        %add3A_714 = arith.addi %add3A_713, %iota3A : vector<16xi32>
        %gather3A_715 = tpu.vector_load_idx %arg9[%add3A_714, %broadcast_in_dim3A_3] : memref<2048x16xf32, #tpu.memory_space<vmem>>[vector<16xi32>, vector<16xi32>], vector<16xf32>,
        %mul3A_716 = arith.mulf %get3A_710, %gather3A_715 : vector<16xf32>
        %add3A_717 = arith.addf %add3A_659, %mul3A_716 : vector<16xf32>
        %gather3A_718 = tpu.vector_load_idx %arg9[%add3A_714, %broadcast_in_dim3A_5] : memref<2048x16xf32, #tpu.memory_space<vmem>>[vector<16xi32>, vector<16xi32>], vector<16xf32>,
        %mul3A_719 = arith.mulf %get3A_710, %gather3A_718 : vector<16xf32>
        %add3A_720 = arith.addf %add3A_662, %mul3A_719 : vector<16xf32>
        %gather3A_721 = tpu.vector_load_idx %arg9[%add3A_714, %broadcast_in_dim3A_7] : memref<2048x16xf32, #tpu.memory_space<vmem>>[vector<16xi32>, vector<16xi32>], vector<16xf32>,
        %mul3A_722 = arith.mulf %get3A_710, %gather3A_721 : vector<16xf32>
        %add3A_723 = arith.addf %add3A_665, %mul3A_722 : vector<16xf32>
        %gather3A_724 = tpu.vector_load_idx %arg9[%add3A_714, %broadcast_in_dim3A_9] : memref<2048x16xf32, #tpu.memory_space<vmem>>[vector<16xi32>, vector<16xi32>], vector<16xf32>,
        %mul3A_725 = arith.mulf %get3A_710, %gather3A_724 : vector<16xf32>
        %add3A_726 = arith.addf %add3A_668, %mul3A_725 : vector<16xf32>
        %gather3A_727 = tpu.vector_load_idx %arg9[%add3A_714, %broadcast_in_dim3A_11] : memref<2048x16xf32, #tpu.memory_space<vmem>>[vector<16xi32>, vector<16xi32>], vector<16xf32>,
        %mul3A_728 = arith.mulf %get3A_710, %gather3A_727 : vector<16xf32>
        %add3A_729 = arith.addf %add3A_671, %mul3A_728 : vector<16xf32>
        %gather3A_730 = tpu.vector_load_idx %arg9[%add3A_714, %broadcast_in_dim3A_13] : memref<2048x16xf32, #tpu.memory_space<vmem>>[vector<16xi32>, vector<16xi32>], vector<16xf32>,
        %mul3A_731 = arith.mulf %get3A_710, %gather3A_730 : vector<16xf32>
        %add3A_732 = arith.addf %add3A_674, %mul3A_731 : vector<16xf32>
        %gather3A_733 = tpu.vector_load_idx %arg9[%add3A_714, %broadcast_in_dim3A_15] : memref<2048x16xf32, #tpu.memory_space<vmem>>[vector<16xi32>, vector<16xi32>], vector<16xf32>,
        %mul3A_734 = arith.mulf %get3A_710, %gather3A_733 : vector<16xf32>
        %add3A_735 = arith.addf %add3A_677, %mul3A_734 : vector<16xf32>
        %gather3A_736 = tpu.vector_load_idx %arg9[%add3A_714, %broadcast_in_dim3A_17] : memref<2048x16xf32, #tpu.memory_space<vmem>>[vector<16xi32>, vector<16xi32>], vector<16xf32>,
        %mul3A_737 = arith.mulf %get3A_710, %gather3A_736 : vector<16xf32>
        %add3A_738 = arith.addf %add3A_680, %mul3A_737 : vector<16xf32>
        %gather3A_739 = tpu.vector_load_idx %arg9[%add3A_714, %broadcast_in_dim3A_19] : memref<2048x16xf32, #tpu.memory_space<vmem>>[vector<16xi32>, vector<16xi32>], vector<16xf32>,
        %mul3A_740 = arith.mulf %get3A_710, %gather3A_739 : vector<16xf32>
        %add3A_741 = arith.addf %add3A_683, %mul3A_740 : vector<16xf32>
        %gather3A_742 = tpu.vector_load_idx %arg9[%add3A_714, %broadcast_in_dim3A_21] : memref<2048x16xf32, #tpu.memory_space<vmem>>[vector<16xi32>, vector<16xi32>], vector<16xf32>,
        %mul3A_743 = arith.mulf %get3A_710, %gather3A_742 : vector<16xf32>
        %add3A_744 = arith.addf %add3A_686, %mul3A_743 : vector<16xf32>
        %gather3A_745 = tpu.vector_load_idx %arg9[%add3A_714, %broadcast_in_dim3A_23] : memref<2048x16xf32, #tpu.memory_space<vmem>>[vector<16xi32>, vector<16xi32>], vector<16xf32>,
        %mul3A_746 = arith.mulf %get3A_710, %gather3A_745 : vector<16xf32>
        %add3A_747 = arith.addf %add3A_689, %mul3A_746 : vector<16xf32>
        %gather3A_748 = tpu.vector_load_idx %arg9[%add3A_714, %broadcast_in_dim3A_25] : memref<2048x16xf32, #tpu.memory_space<vmem>>[vector<16xi32>, vector<16xi32>], vector<16xf32>,
        %mul3A_749 = arith.mulf %get3A_710, %gather3A_748 : vector<16xf32>
        %add3A_750 = arith.addf %add3A_692, %mul3A_749 : vector<16xf32>
        %gather3A_751 = tpu.vector_load_idx %arg9[%add3A_714, %broadcast_in_dim3A_27] : memref<2048x16xf32, #tpu.memory_space<vmem>>[vector<16xi32>, vector<16xi32>], vector<16xf32>,
        %mul3A_752 = arith.mulf %get3A_710, %gather3A_751 : vector<16xf32>
        %add3A_753 = arith.addf %add3A_695, %mul3A_752 : vector<16xf32>
        %gather3A_754 = tpu.vector_load_idx %arg9[%add3A_714, %broadcast_in_dim3A_29] : memref<2048x16xf32, #tpu.memory_space<vmem>>[vector<16xi32>, vector<16xi32>], vector<16xf32>,
        %mul3A_755 = arith.mulf %get3A_710, %gather3A_754 : vector<16xf32>
        %add3A_756 = arith.addf %add3A_698, %mul3A_755 : vector<16xf32>
        %gather3A_757 = tpu.vector_load_idx %arg9[%add3A_714, %broadcast_in_dim3A_31] : memref<2048x16xf32, #tpu.memory_space<vmem>>[vector<16xi32>, vector<16xi32>], vector<16xf32>,
        %mul3A_758 = arith.mulf %get3A_710, %gather3A_757 : vector<16xf32>
        %add3A_759 = arith.addf %add3A_701, %mul3A_758 : vector<16xf32>
        %gather3A_760 = tpu.vector_load_idx %arg9[%add3A_714, %broadcast_in_dim3A_33] : memref<2048x16xf32, #tpu.memory_space<vmem>>[vector<16xi32>, vector<16xi32>], vector<16xf32>,
        %mul3A_761 = arith.mulf %get3A_710, %gather3A_760 : vector<16xf32>
        %add3A_762 = arith.addf %add3A_704, %mul3A_761 : vector<16xf32>
        %mul3A_763 = arith.constant 16 : i32
        %mul3A_764 = arith.muli %add3A_435, %mul3A_763 : i32
        %add3A_765 = arith.constant 1280 : i32
        %add3A_766 = arith.addi %add3A_765, %mul3A_764 : i32
        %get3A_767 = arith.index_cast %add3A_766 : i32 to index
        %get3A_768 = tpu.vector_load %arg8[%get3A_767] {strides = array<i32>} : memref<2048xf32, #tpu.memory_space<vmem>>, vector<16xf32>,
        %add3A_769 = arith.constant 1280 : i32
        %add3A_770 = arith.addi %add3A_769, %add3A_439 : i32
        %add3A_771 = vector.broadcast %add3A_770 : i32 to vector<16xi32>
        %add3A_772 = arith.addi %add3A_771, %iota3A : vector<16xi32>
        %gather3A_773 = tpu.vector_load_idx %arg9[%add3A_772, %broadcast_in_dim3A_3] : memref<2048x16xf32, #tpu.memory_space<vmem>>[vector<16xi32>, vector<16xi32>], vector<16xf32>,
        %mul3A_774 = arith.mulf %get3A_768, %gather3A_773 : vector<16xf32>
        %add3A_775 = arith.addf %add3A_717, %mul3A_774 : vector<16xf32>
        %gather3A_776 = tpu.vector_load_idx %arg9[%add3A_772, %broadcast_in_dim3A_5] : memref<2048x16xf32, #tpu.memory_space<vmem>>[vector<16xi32>, vector<16xi32>], vector<16xf32>,
        %mul3A_777 = arith.mulf %get3A_768, %gather3A_776 : vector<16xf32>
        %add3A_778 = arith.addf %add3A_720, %mul3A_777 : vector<16xf32>
        %gather3A_779 = tpu.vector_load_idx %arg9[%add3A_772, %broadcast_in_dim3A_7] : memref<2048x16xf32, #tpu.memory_space<vmem>>[vector<16xi32>, vector<16xi32>], vector<16xf32>,
        %mul3A_780 = arith.mulf %get3A_768, %gather3A_779 : vector<16xf32>
        %add3A_781 = arith.addf %add3A_723, %mul3A_780 : vector<16xf32>
        %gather3A_782 = tpu.vector_load_idx %arg9[%add3A_772, %broadcast_in_dim3A_9] : memref<2048x16xf32, #tpu.memory_space<vmem>>[vector<16xi32>, vector<16xi32>], vector<16xf32>,
        %mul3A_783 = arith.mulf %get3A_768, %gather3A_782 : vector<16xf32>
        %add3A_784 = arith.addf %add3A_726, %mul3A_783 : vector<16xf32>
        %gather3A_785 = tpu.vector_load_idx %arg9[%add3A_772, %broadcast_in_dim3A_11] : memref<2048x16xf32, #tpu.memory_space<vmem>>[vector<16xi32>, vector<16xi32>], vector<16xf32>,
        %mul3A_786 = arith.mulf %get3A_768, %gather3A_785 : vector<16xf32>
        %add3A_787 = arith.addf %add3A_729, %mul3A_786 : vector<16xf32>
        %gather3A_788 = tpu.vector_load_idx %arg9[%add3A_772, %broadcast_in_dim3A_13] : memref<2048x16xf32, #tpu.memory_space<vmem>>[vector<16xi32>, vector<16xi32>], vector<16xf32>,
        %mul3A_789 = arith.mulf %get3A_768, %gather3A_788 : vector<16xf32>
        %add3A_790 = arith.addf %add3A_732, %mul3A_789 : vector<16xf32>
        %gather3A_791 = tpu.vector_load_idx %arg9[%add3A_772, %broadcast_in_dim3A_15] : memref<2048x16xf32, #tpu.memory_space<vmem>>[vector<16xi32>, vector<16xi32>], vector<16xf32>,
        %mul3A_792 = arith.mulf %get3A_768, %gather3A_791 : vector<16xf32>
        %add3A_793 = arith.addf %add3A_735, %mul3A_792 : vector<16xf32>
        %gather3A_794 = tpu.vector_load_idx %arg9[%add3A_772, %broadcast_in_dim3A_17] : memref<2048x16xf32, #tpu.memory_space<vmem>>[vector<16xi32>, vector<16xi32>], vector<16xf32>,
        %mul3A_795 = arith.mulf %get3A_768, %gather3A_794 : vector<16xf32>
        %add3A_796 = arith.addf %add3A_738, %mul3A_795 : vector<16xf32>
        %gather3A_797 = tpu.vector_load_idx %arg9[%add3A_772, %broadcast_in_dim3A_19] : memref<2048x16xf32, #tpu.memory_space<vmem>>[vector<16xi32>, vector<16xi32>], vector<16xf32>,
        %mul3A_798 = arith.mulf %get3A_768, %gather3A_797 : vector<16xf32>
        %add3A_799 = arith.addf %add3A_741, %mul3A_798 : vector<16xf32>
        %gather3A_800 = tpu.vector_load_idx %arg9[%add3A_772, %broadcast_in_dim3A_21] : memref<2048x16xf32, #tpu.memory_space<vmem>>[vector<16xi32>, vector<16xi32>], vector<16xf32>,
        %mul3A_801 = arith.mulf %get3A_768, %gather3A_800 : vector<16xf32>
        %add3A_802 = arith.addf %add3A_744, %mul3A_801 : vector<16xf32>
        %gather3A_803 = tpu.vector_load_idx %arg9[%add3A_772, %broadcast_in_dim3A_23] : memref<2048x16xf32, #tpu.memory_space<vmem>>[vector<16xi32>, vector<16xi32>], vector<16xf32>,
        %mul3A_804 = arith.mulf %get3A_768, %gather3A_803 : vector<16xf32>
        %add3A_805 = arith.addf %add3A_747, %mul3A_804 : vector<16xf32>
        %gather3A_806 = tpu.vector_load_idx %arg9[%add3A_772, %broadcast_in_dim3A_25] : memref<2048x16xf32, #tpu.memory_space<vmem>>[vector<16xi32>, vector<16xi32>], vector<16xf32>,
        %mul3A_807 = arith.mulf %get3A_768, %gather3A_806 : vector<16xf32>
        %add3A_808 = arith.addf %add3A_750, %mul3A_807 : vector<16xf32>
        %gather3A_809 = tpu.vector_load_idx %arg9[%add3A_772, %broadcast_in_dim3A_27] : memref<2048x16xf32, #tpu.memory_space<vmem>>[vector<16xi32>, vector<16xi32>], vector<16xf32>,
        %mul3A_810 = arith.mulf %get3A_768, %gather3A_809 : vector<16xf32>
        %add3A_811 = arith.addf %add3A_753, %mul3A_810 : vector<16xf32>
        %gather3A_812 = tpu.vector_load_idx %arg9[%add3A_772, %broadcast_in_dim3A_29] : memref<2048x16xf32, #tpu.memory_space<vmem>>[vector<16xi32>, vector<16xi32>], vector<16xf32>,
        %mul3A_813 = arith.mulf %get3A_768, %gather3A_812 : vector<16xf32>
        %add3A_814 = arith.addf %add3A_756, %mul3A_813 : vector<16xf32>
        %gather3A_815 = tpu.vector_load_idx %arg9[%add3A_772, %broadcast_in_dim3A_31] : memref<2048x16xf32, #tpu.memory_space<vmem>>[vector<16xi32>, vector<16xi32>], vector<16xf32>,
        %mul3A_816 = arith.mulf %get3A_768, %gather3A_815 : vector<16xf32>
        %add3A_817 = arith.addf %add3A_759, %mul3A_816 : vector<16xf32>
        %gather3A_818 = tpu.vector_load_idx %arg9[%add3A_772, %broadcast_in_dim3A_33] : memref<2048x16xf32, #tpu.memory_space<vmem>>[vector<16xi32>, vector<16xi32>], vector<16xf32>,
        %mul3A_819 = arith.mulf %get3A_768, %gather3A_818 : vector<16xf32>
        %add3A_820 = arith.addf %add3A_762, %mul3A_819 : vector<16xf32>
        %mul3A_821 = arith.constant 16 : i32
        %mul3A_822 = arith.muli %add3A_435, %mul3A_821 : i32
        %add3A_823 = arith.constant 1536 : i32
        %add3A_824 = arith.addi %add3A_823, %mul3A_822 : i32
        %get3A_825 = arith.index_cast %add3A_824 : i32 to index
        %get3A_826 = tpu.vector_load %arg8[%get3A_825] {strides = array<i32>} : memref<2048xf32, #tpu.memory_space<vmem>>, vector<16xf32>,
        %add3A_827 = arith.constant 1536 : i32
        %add3A_828 = arith.addi %add3A_827, %add3A_439 : i32
        %add3A_829 = vector.broadcast %add3A_828 : i32 to vector<16xi32>
        %add3A_830 = arith.addi %add3A_829, %iota3A : vector<16xi32>
        %gather3A_831 = tpu.vector_load_idx %arg9[%add3A_830, %broadcast_in_dim3A_3] : memref<2048x16xf32, #tpu.memory_space<vmem>>[vector<16xi32>, vector<16xi32>], vector<16xf32>,
        %mul3A_832 = arith.mulf %get3A_826, %gather3A_831 : vector<16xf32>
        %add3A_833 = arith.addf %add3A_775, %mul3A_832 : vector<16xf32>
        %gather3A_834 = tpu.vector_load_idx %arg9[%add3A_830, %broadcast_in_dim3A_5] : memref<2048x16xf32, #tpu.memory_space<vmem>>[vector<16xi32>, vector<16xi32>], vector<16xf32>,
        %mul3A_835 = arith.mulf %get3A_826, %gather3A_834 : vector<16xf32>
        %add3A_836 = arith.addf %add3A_778, %mul3A_835 : vector<16xf32>
        %gather3A_837 = tpu.vector_load_idx %arg9[%add3A_830, %broadcast_in_dim3A_7] : memref<2048x16xf32, #tpu.memory_space<vmem>>[vector<16xi32>, vector<16xi32>], vector<16xf32>,
        %mul3A_838 = arith.mulf %get3A_826, %gather3A_837 : vector<16xf32>
        %add3A_839 = arith.addf %add3A_781, %mul3A_838 : vector<16xf32>
        %gather3A_840 = tpu.vector_load_idx %arg9[%add3A_830, %broadcast_in_dim3A_9] : memref<2048x16xf32, #tpu.memory_space<vmem>>[vector<16xi32>, vector<16xi32>], vector<16xf32>,
        %mul3A_841 = arith.mulf %get3A_826, %gather3A_840 : vector<16xf32>
        %add3A_842 = arith.addf %add3A_784, %mul3A_841 : vector<16xf32>
        %gather3A_843 = tpu.vector_load_idx %arg9[%add3A_830, %broadcast_in_dim3A_11] : memref<2048x16xf32, #tpu.memory_space<vmem>>[vector<16xi32>, vector<16xi32>], vector<16xf32>,
        %mul3A_844 = arith.mulf %get3A_826, %gather3A_843 : vector<16xf32>
        %add3A_845 = arith.addf %add3A_787, %mul3A_844 : vector<16xf32>
        %gather3A_846 = tpu.vector_load_idx %arg9[%add3A_830, %broadcast_in_dim3A_13] : memref<2048x16xf32, #tpu.memory_space<vmem>>[vector<16xi32>, vector<16xi32>], vector<16xf32>,
        %mul3A_847 = arith.mulf %get3A_826, %gather3A_846 : vector<16xf32>
        %add3A_848 = arith.addf %add3A_790, %mul3A_847 : vector<16xf32>
        %gather3A_849 = tpu.vector_load_idx %arg9[%add3A_830, %broadcast_in_dim3A_15] : memref<2048x16xf32, #tpu.memory_space<vmem>>[vector<16xi32>, vector<16xi32>], vector<16xf32>,
        %mul3A_850 = arith.mulf %get3A_826, %gather3A_849 : vector<16xf32>
        %add3A_851 = arith.addf %add3A_793, %mul3A_850 : vector<16xf32>
        %gather3A_852 = tpu.vector_load_idx %arg9[%add3A_830, %broadcast_in_dim3A_17] : memref<2048x16xf32, #tpu.memory_space<vmem>>[vector<16xi32>, vector<16xi32>], vector<16xf32>,
        %mul3A_853 = arith.mulf %get3A_826, %gather3A_852 : vector<16xf32>
        %add3A_854 = arith.addf %add3A_796, %mul3A_853 : vector<16xf32>
        %gather3A_855 = tpu.vector_load_idx %arg9[%add3A_830, %broadcast_in_dim3A_19] : memref<2048x16xf32, #tpu.memory_space<vmem>>[vector<16xi32>, vector<16xi32>], vector<16xf32>,
        %mul3A_856 = arith.mulf %get3A_826, %gather3A_855 : vector<16xf32>
        %add3A_857 = arith.addf %add3A_799, %mul3A_856 : vector<16xf32>
        %gather3A_858 = tpu.vector_load_idx %arg9[%add3A_830, %broadcast_in_dim3A_21] : memref<2048x16xf32, #tpu.memory_space<vmem>>[vector<16xi32>, vector<16xi32>], vector<16xf32>,
        %mul3A_859 = arith.mulf %get3A_826, %gather3A_858 : vector<16xf32>
        %add3A_860 = arith.addf %add3A_802, %mul3A_859 : vector<16xf32>
        %gather3A_861 = tpu.vector_load_idx %arg9[%add3A_830, %broadcast_in_dim3A_23] : memref<2048x16xf32, #tpu.memory_space<vmem>>[vector<16xi32>, vector<16xi32>], vector<16xf32>,
        %mul3A_862 = arith.mulf %get3A_826, %gather3A_861 : vector<16xf32>
        %add3A_863 = arith.addf %add3A_805, %mul3A_862 : vector<16xf32>
        %gather3A_864 = tpu.vector_load_idx %arg9[%add3A_830, %broadcast_in_dim3A_25] : memref<2048x16xf32, #tpu.memory_space<vmem>>[vector<16xi32>, vector<16xi32>], vector<16xf32>,
        %mul3A_865 = arith.mulf %get3A_826, %gather3A_864 : vector<16xf32>
        %add3A_866 = arith.addf %add3A_808, %mul3A_865 : vector<16xf32>
        %gather3A_867 = tpu.vector_load_idx %arg9[%add3A_830, %broadcast_in_dim3A_27] : memref<2048x16xf32, #tpu.memory_space<vmem>>[vector<16xi32>, vector<16xi32>], vector<16xf32>,
        %mul3A_868 = arith.mulf %get3A_826, %gather3A_867 : vector<16xf32>
        %add3A_869 = arith.addf %add3A_811, %mul3A_868 : vector<16xf32>
        %gather3A_870 = tpu.vector_load_idx %arg9[%add3A_830, %broadcast_in_dim3A_29] : memref<2048x16xf32, #tpu.memory_space<vmem>>[vector<16xi32>, vector<16xi32>], vector<16xf32>,
        %mul3A_871 = arith.mulf %get3A_826, %gather3A_870 : vector<16xf32>
        %add3A_872 = arith.addf %add3A_814, %mul3A_871 : vector<16xf32>
        %gather3A_873 = tpu.vector_load_idx %arg9[%add3A_830, %broadcast_in_dim3A_31] : memref<2048x16xf32, #tpu.memory_space<vmem>>[vector<16xi32>, vector<16xi32>], vector<16xf32>,
        %mul3A_874 = arith.mulf %get3A_826, %gather3A_873 : vector<16xf32>
        %add3A_875 = arith.addf %add3A_817, %mul3A_874 : vector<16xf32>
        %gather3A_876 = tpu.vector_load_idx %arg9[%add3A_830, %broadcast_in_dim3A_33] : memref<2048x16xf32, #tpu.memory_space<vmem>>[vector<16xi32>, vector<16xi32>], vector<16xf32>,
        %mul3A_877 = arith.mulf %get3A_826, %gather3A_876 : vector<16xf32>
        %add3A_878 = arith.addf %add3A_820, %mul3A_877 : vector<16xf32>
        %mul3A_879 = arith.constant 16 : i32
        %mul3A_880 = arith.muli %add3A_435, %mul3A_879 : i32
        %add3A_881 = arith.constant 1792 : i32
        %add3A_882 = arith.addi %add3A_881, %mul3A_880 : i32
        %get3A_883 = arith.index_cast %add3A_882 : i32 to index
        %get3A_884 = tpu.vector_load %arg8[%get3A_883] {strides = array<i32>} : memref<2048xf32, #tpu.memory_space<vmem>>, vector<16xf32>,
        %add3A_885 = arith.constant 1792 : i32
        %add3A_886 = arith.addi %add3A_885, %add3A_439 : i32
        %add3A_887 = vector.broadcast %add3A_886 : i32 to vector<16xi32>
        %add3A_888 = arith.addi %add3A_887, %iota3A : vector<16xi32>
        %gather3A_889 = tpu.vector_load_idx %arg9[%add3A_888, %broadcast_in_dim3A_3] : memref<2048x16xf32, #tpu.memory_space<vmem>>[vector<16xi32>, vector<16xi32>], vector<16xf32>,
        %mul3A_890 = arith.mulf %get3A_884, %gather3A_889 : vector<16xf32>
        %add3A_891 = arith.addf %add3A_833, %mul3A_890 : vector<16xf32>
        %gather3A_892 = tpu.vector_load_idx %arg9[%add3A_888, %broadcast_in_dim3A_5] : memref<2048x16xf32, #tpu.memory_space<vmem>>[vector<16xi32>, vector<16xi32>], vector<16xf32>,
        %mul3A_893 = arith.mulf %get3A_884, %gather3A_892 : vector<16xf32>
        %add3A_894 = arith.addf %add3A_836, %mul3A_893 : vector<16xf32>
        %gather3A_895 = tpu.vector_load_idx %arg9[%add3A_888, %broadcast_in_dim3A_7] : memref<2048x16xf32, #tpu.memory_space<vmem>>[vector<16xi32>, vector<16xi32>], vector<16xf32>,
        %mul3A_896 = arith.mulf %get3A_884, %gather3A_895 : vector<16xf32>
        %add3A_897 = arith.addf %add3A_839, %mul3A_896 : vector<16xf32>
        %gather3A_898 = tpu.vector_load_idx %arg9[%add3A_888, %broadcast_in_dim3A_9] : memref<2048x16xf32, #tpu.memory_space<vmem>>[vector<16xi32>, vector<16xi32>], vector<16xf32>,
        %mul3A_899 = arith.mulf %get3A_884, %gather3A_898 : vector<16xf32>
        %add3A_900 = arith.addf %add3A_842, %mul3A_899 : vector<16xf32>
        %gather3A_901 = tpu.vector_load_idx %arg9[%add3A_888, %broadcast_in_dim3A_11] : memref<2048x16xf32, #tpu.memory_space<vmem>>[vector<16xi32>, vector<16xi32>], vector<16xf32>,
        %mul3A_902 = arith.mulf %get3A_884, %gather3A_901 : vector<16xf32>
        %add3A_903 = arith.addf %add3A_845, %mul3A_902 : vector<16xf32>
        %gather3A_904 = tpu.vector_load_idx %arg9[%add3A_888, %broadcast_in_dim3A_13] : memref<2048x16xf32, #tpu.memory_space<vmem>>[vector<16xi32>, vector<16xi32>], vector<16xf32>,
        %mul3A_905 = arith.mulf %get3A_884, %gather3A_904 : vector<16xf32>
        %add3A_906 = arith.addf %add3A_848, %mul3A_905 : vector<16xf32>
        %gather3A_907 = tpu.vector_load_idx %arg9[%add3A_888, %broadcast_in_dim3A_15] : memref<2048x16xf32, #tpu.memory_space<vmem>>[vector<16xi32>, vector<16xi32>], vector<16xf32>,
        %mul3A_908 = arith.mulf %get3A_884, %gather3A_907 : vector<16xf32>
        %add3A_909 = arith.addf %add3A_851, %mul3A_908 : vector<16xf32>
        %gather3A_910 = tpu.vector_load_idx %arg9[%add3A_888, %broadcast_in_dim3A_17] : memref<2048x16xf32, #tpu.memory_space<vmem>>[vector<16xi32>, vector<16xi32>], vector<16xf32>,
        %mul3A_911 = arith.mulf %get3A_884, %gather3A_910 : vector<16xf32>
        %add3A_912 = arith.addf %add3A_854, %mul3A_911 : vector<16xf32>
        %gather3A_913 = tpu.vector_load_idx %arg9[%add3A_888, %broadcast_in_dim3A_19] : memref<2048x16xf32, #tpu.memory_space<vmem>>[vector<16xi32>, vector<16xi32>], vector<16xf32>,
        %mul3A_914 = arith.mulf %get3A_884, %gather3A_913 : vector<16xf32>
        %add3A_915 = arith.addf %add3A_857, %mul3A_914 : vector<16xf32>
        %gather3A_916 = tpu.vector_load_idx %arg9[%add3A_888, %broadcast_in_dim3A_21] : memref<2048x16xf32, #tpu.memory_space<vmem>>[vector<16xi32>, vector<16xi32>], vector<16xf32>,
        %mul3A_917 = arith.mulf %get3A_884, %gather3A_916 : vector<16xf32>
        %add3A_918 = arith.addf %add3A_860, %mul3A_917 : vector<16xf32>
        %gather3A_919 = tpu.vector_load_idx %arg9[%add3A_888, %broadcast_in_dim3A_23] : memref<2048x16xf32, #tpu.memory_space<vmem>>[vector<16xi32>, vector<16xi32>], vector<16xf32>,
        %mul3A_920 = arith.mulf %get3A_884, %gather3A_919 : vector<16xf32>
        %add3A_921 = arith.addf %add3A_863, %mul3A_920 : vector<16xf32>
        %gather3A_922 = tpu.vector_load_idx %arg9[%add3A_888, %broadcast_in_dim3A_25] : memref<2048x16xf32, #tpu.memory_space<vmem>>[vector<16xi32>, vector<16xi32>], vector<16xf32>,
        %mul3A_923 = arith.mulf %get3A_884, %gather3A_922 : vector<16xf32>
        %add3A_924 = arith.addf %add3A_866, %mul3A_923 : vector<16xf32>
        %gather3A_925 = tpu.vector_load_idx %arg9[%add3A_888, %broadcast_in_dim3A_27] : memref<2048x16xf32, #tpu.memory_space<vmem>>[vector<16xi32>, vector<16xi32>], vector<16xf32>,
        %mul3A_926 = arith.mulf %get3A_884, %gather3A_925 : vector<16xf32>
        %add3A_927 = arith.addf %add3A_869, %mul3A_926 : vector<16xf32>
        %gather3A_928 = tpu.vector_load_idx %arg9[%add3A_888, %broadcast_in_dim3A_29] : memref<2048x16xf32, #tpu.memory_space<vmem>>[vector<16xi32>, vector<16xi32>], vector<16xf32>,
        %mul3A_929 = arith.mulf %get3A_884, %gather3A_928 : vector<16xf32>
        %add3A_930 = arith.addf %add3A_872, %mul3A_929 : vector<16xf32>
        %gather3A_931 = tpu.vector_load_idx %arg9[%add3A_888, %broadcast_in_dim3A_31] : memref<2048x16xf32, #tpu.memory_space<vmem>>[vector<16xi32>, vector<16xi32>], vector<16xf32>,
        %mul3A_932 = arith.mulf %get3A_884, %gather3A_931 : vector<16xf32>
        %add3A_933 = arith.addf %add3A_875, %mul3A_932 : vector<16xf32>
        %gather3A_934 = tpu.vector_load_idx %arg9[%add3A_888, %broadcast_in_dim3A_33] : memref<2048x16xf32, #tpu.memory_space<vmem>>[vector<16xi32>, vector<16xi32>], vector<16xf32>,
        %mul3A_935 = arith.mulf %get3A_884, %gather3A_934 : vector<16xf32>
        %add3A_936 = arith.addf %add3A_878, %mul3A_935 : vector<16xf32>
        tpu.vector_store_idx %arg10[%add3A_441, %broadcast_in_dim3A_3], %add3A_891 : memref<256x16xf32, #tpu.memory_space<vmem>>[vector<16xi32>, vector<16xi32>], vector<16xf32>,
        tpu.vector_store_idx %arg10[%add3A_441, %broadcast_in_dim3A_5], %add3A_894 : memref<256x16xf32, #tpu.memory_space<vmem>>[vector<16xi32>, vector<16xi32>], vector<16xf32>,
        tpu.vector_store_idx %arg10[%add3A_441, %broadcast_in_dim3A_7], %add3A_897 : memref<256x16xf32, #tpu.memory_space<vmem>>[vector<16xi32>, vector<16xi32>], vector<16xf32>,
        tpu.vector_store_idx %arg10[%add3A_441, %broadcast_in_dim3A_9], %add3A_900 : memref<256x16xf32, #tpu.memory_space<vmem>>[vector<16xi32>, vector<16xi32>], vector<16xf32>,
        tpu.vector_store_idx %arg10[%add3A_441, %broadcast_in_dim3A_11], %add3A_903 : memref<256x16xf32, #tpu.memory_space<vmem>>[vector<16xi32>, vector<16xi32>], vector<16xf32>,
        tpu.vector_store_idx %arg10[%add3A_441, %broadcast_in_dim3A_13], %add3A_906 : memref<256x16xf32, #tpu.memory_space<vmem>>[vector<16xi32>, vector<16xi32>], vector<16xf32>,
        tpu.vector_store_idx %arg10[%add3A_441, %broadcast_in_dim3A_15], %add3A_909 : memref<256x16xf32, #tpu.memory_space<vmem>>[vector<16xi32>, vector<16xi32>], vector<16xf32>,
        tpu.vector_store_idx %arg10[%add3A_441, %broadcast_in_dim3A_17], %add3A_912 : memref<256x16xf32, #tpu.memory_space<vmem>>[vector<16xi32>, vector<16xi32>], vector<16xf32>,
        tpu.vector_store_idx %arg10[%add3A_441, %broadcast_in_dim3A_19], %add3A_915 : memref<256x16xf32, #tpu.memory_space<vmem>>[vector<16xi32>, vector<16xi32>], vector<16xf32>,
        tpu.vector_store_idx %arg10[%add3A_441, %broadcast_in_dim3A_21], %add3A_918 : memref<256x16xf32, #tpu.memory_space<vmem>>[vector<16xi32>, vector<16xi32>], vector<16xf32>,
        tpu.vector_store_idx %arg10[%add3A_441, %broadcast_in_dim3A_23], %add3A_921 : memref<256x16xf32, #tpu.memory_space<vmem>>[vector<16xi32>, vector<16xi32>], vector<16xf32>,
        tpu.vector_store_idx %arg10[%add3A_441, %broadcast_in_dim3A_25], %add3A_924 : memref<256x16xf32, #tpu.memory_space<vmem>>[vector<16xi32>, vector<16xi32>], vector<16xf32>,
        tpu.vector_store_idx %arg10[%add3A_441, %broadcast_in_dim3A_27], %add3A_927 : memref<256x16xf32, #tpu.memory_space<vmem>>[vector<16xi32>, vector<16xi32>], vector<16xf32>,
        tpu.vector_store_idx %arg10[%add3A_441, %broadcast_in_dim3A_29], %add3A_930 : memref<256x16xf32, #tpu.memory_space<vmem>>[vector<16xi32>, vector<16xi32>], vector<16xf32>,
        tpu.vector_store_idx %arg10[%add3A_441, %broadcast_in_dim3A_31], %add3A_933 : memref<256x16xf32, #tpu.memory_space<vmem>>[vector<16xi32>, vector<16xi32>], vector<16xf32>,
        tpu.vector_store_idx %arg10[%add3A_441, %broadcast_in_dim3A_33], %add3A_936 : memref<256x16xf32, #tpu.memory_space<vmem>>[vector<16xi32>, vector<16xi32>], vector<16xf32>,
      }
      %scan3A_425 = arith.constant 8 : i32
      %scan3A_426 = arith.constant 0 : i32
      %scan3A_427 = arith.constant 8 : i32
      %scan3A_428 = arith.addi %scan3A_426, %scan3A_427 : i32
      %scan3A_429 = arith.constant 1 : i32
      scf.for %scan3A_431 = %scan3A_426 to %scan3A_428 step %scan3A_429  : i32 {
        %mul3A_432 = arith.constant 1 : i32
        %mul3A_433 = arith.muli %scan3A_431, %mul3A_432 : i32
        %add3A_434 = arith.constant 0 : i32
        %add3A_435 = arith.addi %add3A_434, %mul3A_433 : i32
        %mul3A_436 = arith.constant 16 : i32
        %mul3A_437 = arith.muli %add3A_435, %mul3A_436 : i32
        %add3A_438 = arith.constant 128 : i32
        %add3A_439 = arith.addi %add3A_438, %mul3A_437 : i32
        %add3A_440 = vector.broadcast %add3A_439 : i32 to vector<16xi32>
        %add3A_441 = arith.addi %add3A_440, %iota3A : vector<16xi32>
        %broadcast_in_dim3A_442 = arith.constant 0.000000e+00 : f32
        %broadcast_in_dim3A_443 = vector.broadcast %broadcast_in_dim3A_442 : f32 to vector<16xf32>
        %broadcast_in_dim3A_444 = arith.constant 0.000000e+00 : f32
        %broadcast_in_dim3A_445 = vector.broadcast %broadcast_in_dim3A_444 : f32 to vector<16xf32>
        %broadcast_in_dim3A_446 = arith.constant 0.000000e+00 : f32
        %broadcast_in_dim3A_447 = vector.broadcast %broadcast_in_dim3A_446 : f32 to vector<16xf32>
        %broadcast_in_dim3A_448 = arith.constant 0.000000e+00 : f32
        %broadcast_in_dim3A_449 = vector.broadcast %broadcast_in_dim3A_448 : f32 to vector<16xf32>
        %broadcast_in_dim3A_450 = arith.constant 0.000000e+00 : f32
        %broadcast_in_dim3A_451 = vector.broadcast %broadcast_in_dim3A_450 : f32 to vector<16xf32>
        %broadcast_in_dim3A_452 = arith.constant 0.000000e+00 : f32
        %broadcast_in_dim3A_453 = vector.broadcast %broadcast_in_dim3A_452 : f32 to vector<16xf32>
        %broadcast_in_dim3A_454 = arith.constant 0.000000e+00 : f32
        %broadcast_in_dim3A_455 = vector.broadcast %broadcast_in_dim3A_454 : f32 to vector<16xf32>
        %broadcast_in_dim3A_456 = arith.constant 0.000000e+00 : f32
        %broadcast_in_dim3A_457 = vector.broadcast %broadcast_in_dim3A_456 : f32 to vector<16xf32>
        %broadcast_in_dim3A_458 = arith.constant 0.000000e+00 : f32
        %broadcast_in_dim3A_459 = vector.broadcast %broadcast_in_dim3A_458 : f32 to vector<16xf32>
        %broadcast_in_dim3A_460 = arith.constant 0.000000e+00 : f32
        %broadcast_in_dim3A_461 = vector.broadcast %broadcast_in_dim3A_460 : f32 to vector<16xf32>
        %broadcast_in_dim3A_462 = arith.constant 0.000000e+00 : f32
        %broadcast_in_dim3A_463 = vector.broadcast %broadcast_in_dim3A_462 : f32 to vector<16xf32>
        %broadcast_in_dim3A_464 = arith.constant 0.000000e+00 : f32
        %broadcast_in_dim3A_465 = vector.broadcast %broadcast_in_dim3A_464 : f32 to vector<16xf32>
        %broadcast_in_dim3A_466 = arith.constant 0.000000e+00 : f32
        %broadcast_in_dim3A_467 = vector.broadcast %broadcast_in_dim3A_466 : f32 to vector<16xf32>
        %broadcast_in_dim3A_468 = arith.constant 0.000000e+00 : f32
        %broadcast_in_dim3A_469 = vector.broadcast %broadcast_in_dim3A_468 : f32 to vector<16xf32>
        %broadcast_in_dim3A_470 = arith.constant 0.000000e+00 : f32
        %broadcast_in_dim3A_471 = vector.broadcast %broadcast_in_dim3A_470 : f32 to vector<16xf32>
        %broadcast_in_dim3A_472 = arith.constant 0.000000e+00 : f32
        %broadcast_in_dim3A_473 = vector.broadcast %broadcast_in_dim3A_472 : f32 to vector<16xf32>
        %mul3A_474 = arith.constant 16 : i32
        %mul3A_475 = arith.muli %add3A_435, %mul3A_474 : i32
        %add3A_476 = arith.constant 128 : i32
        %add3A_477 = arith.addi %add3A_476, %mul3A_475 : i32
        %get3A_478 = arith.index_cast %add3A_477 : i32 to index
        %get3A_479 = tpu.vector_load %arg8[%get3A_478] {strides = array<i32>} : memref<2048xf32, #tpu.memory_space<vmem>>, vector<16xf32>,
        %add3A_480 = arith.constant 0 : i32
        %add3A_481 = arith.addi %add3A_480, %add3A_439 : i32
        %add3A_482 = vector.broadcast %add3A_481 : i32 to vector<16xi32>
        %add3A_483 = arith.addi %add3A_482, %iota3A : vector<16xi32>
        %gather3A = tpu.vector_load_idx %arg9[%add3A_483, %broadcast_in_dim3A_3] : memref<2048x16xf32, #tpu.memory_space<vmem>>[vector<16xi32>, vector<16xi32>], vector<16xf32>,
        %mul3A_484 = arith.mulf %get3A_479, %gather3A : vector<16xf32>
        %add3A_485 = arith.addf %broadcast_in_dim3A_443, %mul3A_484 : vector<16xf32>
        %gather3A_486 = tpu.vector_load_idx %arg9[%add3A_483, %broadcast_in_dim3A_5] : memref<2048x16xf32, #tpu.memory_space<vmem>>[vector<16xi32>, vector<16xi32>], vector<16xf32>,
        %mul3A_487 = arith.mulf %get3A_479, %gather3A_486 : vector<16xf32>
        %add3A_488 = arith.addf %broadcast_in_dim3A_445, %mul3A_487 : vector<16xf32>
        %gather3A_489 = tpu.vector_load_idx %arg9[%add3A_483, %broadcast_in_dim3A_7] : memref<2048x16xf32, #tpu.memory_space<vmem>>[vector<16xi32>, vector<16xi32>], vector<16xf32>,
        %mul3A_490 = arith.mulf %get3A_479, %gather3A_489 : vector<16xf32>
        %add3A_491 = arith.addf %broadcast_in_dim3A_447, %mul3A_490 : vector<16xf32>
        %gather3A_492 = tpu.vector_load_idx %arg9[%add3A_483, %broadcast_in_dim3A_9] : memref<2048x16xf32, #tpu.memory_space<vmem>>[vector<16xi32>, vector<16xi32>], vector<16xf32>,
        %mul3A_493 = arith.mulf %get3A_479, %gather3A_492 : vector<16xf32>
        %add3A_494 = arith.addf %broadcast_in_dim3A_449, %mul3A_493 : vector<16xf32>
        %gather3A_495 = tpu.vector_load_idx %arg9[%add3A_483, %broadcast_in_dim3A_11] : memref<2048x16xf32, #tpu.memory_space<vmem>>[vector<16xi32>, vector<16xi32>], vector<16xf32>,
        %mul3A_496 = arith.mulf %get3A_479, %gather3A_495 : vector<16xf32>
        %add3A_497 = arith.addf %broadcast_in_dim3A_451, %mul3A_496 : vector<16xf32>
        %gather3A_498 = tpu.vector_load_idx %arg9[%add3A_483, %broadcast_in_dim3A_13] : memref<2048x16xf32, #tpu.memory_space<vmem>>[vector<16xi32>, vector<16xi32>], vector<16xf32>,
        %mul3A_499 = arith.mulf %get3A_479, %gather3A_498 : vector<16xf32>
        %add3A_500 = arith.addf %broadcast_in_dim3A_453, %mul3A_499 : vector<16xf32>
        %gather3A_501 = tpu.vector_load_idx %arg9[%add3A_483, %broadcast_in_dim3A_15] : memref<2048x16xf32, #tpu.memory_space<vmem>>[vector<16xi32>, vector<16xi32>], vector<16xf32>,
        %mul3A_502 = arith.mulf %get3A_479, %gather3A_501 : vector<16xf32>
        %add3A_503 = arith.addf %broadcast_in_dim3A_455, %mul3A_502 : vector<16xf32>
        %gather3A_504 = tpu.vector_load_idx %arg9[%add3A_483, %broadcast_in_dim3A_17] : memref<2048x16xf32, #tpu.memory_space<vmem>>[vector<16xi32>, vector<16xi32>], vector<16xf32>,
        %mul3A_505 = arith.mulf %get3A_479, %gather3A_504 : vector<16xf32>
        %add3A_506 = arith.addf %broadcast_in_dim3A_457, %mul3A_505 : vector<16xf32>
        %gather3A_507 = tpu.vector_load_idx %arg9[%add3A_483, %broadcast_in_dim3A_19] : memref<2048x16xf32, #tpu.memory_space<vmem>>[vector<16xi32>, vector<16xi32>], vector<16xf32>,
        %mul3A_508 = arith.mulf %get3A_479, %gather3A_507 : vector<16xf32>
        %add3A_509 = arith.addf %broadcast_in_dim3A_459, %mul3A_508 : vector<16xf32>
        %gather3A_510 = tpu.vector_load_idx %arg9[%add3A_483, %broadcast_in_dim3A_21] : memref<2048x16xf32, #tpu.memory_space<vmem>>[vector<16xi32>, vector<16xi32>], vector<16xf32>,
        %mul3A_511 = arith.mulf %get3A_479, %gather3A_510 : vector<16xf32>
        %add3A_512 = arith.addf %broadcast_in_dim3A_461, %mul3A_511 : vector<16xf32>
        %gather3A_513 = tpu.vector_load_idx %arg9[%add3A_483, %broadcast_in_dim3A_23] : memref<2048x16xf32, #tpu.memory_space<vmem>>[vector<16xi32>, vector<16xi32>], vector<16xf32>,
        %mul3A_514 = arith.mulf %get3A_479, %gather3A_513 : vector<16xf32>
        %add3A_515 = arith.addf %broadcast_in_dim3A_463, %mul3A_514 : vector<16xf32>
        %gather3A_516 = tpu.vector_load_idx %arg9[%add3A_483, %broadcast_in_dim3A_25] : memref<2048x16xf32, #tpu.memory_space<vmem>>[vector<16xi32>, vector<16xi32>], vector<16xf32>,
        %mul3A_517 = arith.mulf %get3A_479, %gather3A_516 : vector<16xf32>
        %add3A_518 = arith.addf %broadcast_in_dim3A_465, %mul3A_517 : vector<16xf32>
        %gather3A_519 = tpu.vector_load_idx %arg9[%add3A_483, %broadcast_in_dim3A_27] : memref<2048x16xf32, #tpu.memory_space<vmem>>[vector<16xi32>, vector<16xi32>], vector<16xf32>,
        %mul3A_520 = arith.mulf %get3A_479, %gather3A_519 : vector<16xf32>
        %add3A_521 = arith.addf %broadcast_in_dim3A_467, %mul3A_520 : vector<16xf32>
        %gather3A_522 = tpu.vector_load_idx %arg9[%add3A_483, %broadcast_in_dim3A_29] : memref<2048x16xf32, #tpu.memory_space<vmem>>[vector<16xi32>, vector<16xi32>], vector<16xf32>,
        %mul3A_523 = arith.mulf %get3A_479, %gather3A_522 : vector<16xf32>
        %add3A_524 = arith.addf %broadcast_in_dim3A_469, %mul3A_523 : vector<16xf32>
        %gather3A_525 = tpu.vector_load_idx %arg9[%add3A_483, %broadcast_in_dim3A_31] : memref<2048x16xf32, #tpu.memory_space<vmem>>[vector<16xi32>, vector<16xi32>], vector<16xf32>,
        %mul3A_526 = arith.mulf %get3A_479, %gather3A_525 : vector<16xf32>
        %add3A_527 = arith.addf %broadcast_in_dim3A_471, %mul3A_526 : vector<16xf32>
        %gather3A_528 = tpu.vector_load_idx %arg9[%add3A_483, %broadcast_in_dim3A_33] : memref<2048x16xf32, #tpu.memory_space<vmem>>[vector<16xi32>, vector<16xi32>], vector<16xf32>,
        %mul3A_529 = arith.mulf %get3A_479, %gather3A_528 : vector<16xf32>
        %add3A_530 = arith.addf %broadcast_in_dim3A_473, %mul3A_529 : vector<16xf32>
        %mul3A_531 = arith.constant 16 : i32
        %mul3A_532 = arith.muli %add3A_435, %mul3A_531 : i32
        %add3A_533 = arith.constant 384 : i32
        %add3A_534 = arith.addi %add3A_533, %mul3A_532 : i32
        %get3A_535 = arith.index_cast %add3A_534 : i32 to index
        %get3A_536 = tpu.vector_load %arg8[%get3A_535] {strides = array<i32>} : memref<2048xf32, #tpu.memory_space<vmem>>, vector<16xf32>,
        %add3A_537 = arith.constant 256 : i32
        %add3A_538 = arith.addi %add3A_537, %add3A_439 : i32
        %add3A_539 = vector.broadcast %add3A_538 : i32 to vector<16xi32>
        %add3A_540 = arith.addi %add3A_539, %iota3A : vector<16xi32>
        %gather3A_541 = tpu.vector_load_idx %arg9[%add3A_540, %broadcast_in_dim3A_3] : memref<2048x16xf32, #tpu.memory_space<vmem>>[vector<16xi32>, vector<16xi32>], vector<16xf32>,
        %mul3A_542 = arith.mulf %get3A_536, %gather3A_541 : vector<16xf32>
        %add3A_543 = arith.addf %add3A_485, %mul3A_542 : vector<16xf32>
        %gather3A_544 = tpu.vector_load_idx %arg9[%add3A_540, %broadcast_in_dim3A_5] : memref<2048x16xf32, #tpu.memory_space<vmem>>[vector<16xi32>, vector<16xi32>], vector<16xf32>,
        %mul3A_545 = arith.mulf %get3A_536, %gather3A_544 : vector<16xf32>
        %add3A_546 = arith.addf %add3A_488, %mul3A_545 : vector<16xf32>
        %gather3A_547 = tpu.vector_load_idx %arg9[%add3A_540, %broadcast_in_dim3A_7] : memref<2048x16xf32, #tpu.memory_space<vmem>>[vector<16xi32>, vector<16xi32>], vector<16xf32>,
        %mul3A_548 = arith.mulf %get3A_536, %gather3A_547 : vector<16xf32>
        %add3A_549 = arith.addf %add3A_491, %mul3A_548 : vector<16xf32>
        %gather3A_550 = tpu.vector_load_idx %arg9[%add3A_540, %broadcast_in_dim3A_9] : memref<2048x16xf32, #tpu.memory_space<vmem>>[vector<16xi32>, vector<16xi32>], vector<16xf32>,
        %mul3A_551 = arith.mulf %get3A_536, %gather3A_550 : vector<16xf32>
        %add3A_552 = arith.addf %add3A_494, %mul3A_551 : vector<16xf32>
        %gather3A_553 = tpu.vector_load_idx %arg9[%add3A_540, %broadcast_in_dim3A_11] : memref<2048x16xf32, #tpu.memory_space<vmem>>[vector<16xi32>, vector<16xi32>], vector<16xf32>,
        %mul3A_554 = arith.mulf %get3A_536, %gather3A_553 : vector<16xf32>
        %add3A_555 = arith.addf %add3A_497, %mul3A_554 : vector<16xf32>
        %gather3A_556 = tpu.vector_load_idx %arg9[%add3A_540, %broadcast_in_dim3A_13] : memref<2048x16xf32, #tpu.memory_space<vmem>>[vector<16xi32>, vector<16xi32>], vector<16xf32>,
        %mul3A_557 = arith.mulf %get3A_536, %gather3A_556 : vector<16xf32>
        %add3A_558 = arith.addf %add3A_500, %mul3A_557 : vector<16xf32>
        %gather3A_559 = tpu.vector_load_idx %arg9[%add3A_540, %broadcast_in_dim3A_15] : memref<2048x16xf32, #tpu.memory_space<vmem>>[vector<16xi32>, vector<16xi32>], vector<16xf32>,
        %mul3A_560 = arith.mulf %get3A_536, %gather3A_559 : vector<16xf32>
        %add3A_561 = arith.addf %add3A_503, %mul3A_560 : vector<16xf32>
        %gather3A_562 = tpu.vector_load_idx %arg9[%add3A_540, %broadcast_in_dim3A_17] : memref<2048x16xf32, #tpu.memory_space<vmem>>[vector<16xi32>, vector<16xi32>], vector<16xf32>,
        %mul3A_563 = arith.mulf %get3A_536, %gather3A_562 : vector<16xf32>
        %add3A_564 = arith.addf %add3A_506, %mul3A_563 : vector<16xf32>
        %gather3A_565 = tpu.vector_load_idx %arg9[%add3A_540, %broadcast_in_dim3A_19] : memref<2048x16xf32, #tpu.memory_space<vmem>>[vector<16xi32>, vector<16xi32>], vector<16xf32>,
        %mul3A_566 = arith.mulf %get3A_536, %gather3A_565 : vector<16xf32>
        %add3A_567 = arith.addf %add3A_509, %mul3A_566 : vector<16xf32>
        %gather3A_568 = tpu.vector_load_idx %arg9[%add3A_540, %broadcast_in_dim3A_21] : memref<2048x16xf32, #tpu.memory_space<vmem>>[vector<16xi32>, vector<16xi32>], vector<16xf32>,
        %mul3A_569 = arith.mulf %get3A_536, %gather3A_568 : vector<16xf32>
        %add3A_570 = arith.addf %add3A_512, %mul3A_569 : vector<16xf32>
        %gather3A_571 = tpu.vector_load_idx %arg9[%add3A_540, %broadcast_in_dim3A_23] : memref<2048x16xf32, #tpu.memory_space<vmem>>[vector<16xi32>, vector<16xi32>], vector<16xf32>,
        %mul3A_572 = arith.mulf %get3A_536, %gather3A_571 : vector<16xf32>
        %add3A_573 = arith.addf %add3A_515, %mul3A_572 : vector<16xf32>
        %gather3A_574 = tpu.vector_load_idx %arg9[%add3A_540, %broadcast_in_dim3A_25] : memref<2048x16xf32, #tpu.memory_space<vmem>>[vector<16xi32>, vector<16xi32>], vector<16xf32>,
        %mul3A_575 = arith.mulf %get3A_536, %gather3A_574 : vector<16xf32>
        %add3A_576 = arith.addf %add3A_518, %mul3A_575 : vector<16xf32>
        %gather3A_577 = tpu.vector_load_idx %arg9[%add3A_540, %broadcast_in_dim3A_27] : memref<2048x16xf32, #tpu.memory_space<vmem>>[vector<16xi32>, vector<16xi32>], vector<16xf32>,
        %mul3A_578 = arith.mulf %get3A_536, %gather3A_577 : vector<16xf32>
        %add3A_579 = arith.addf %add3A_521, %mul3A_578 : vector<16xf32>
        %gather3A_580 = tpu.vector_load_idx %arg9[%add3A_540, %broadcast_in_dim3A_29] : memref<2048x16xf32, #tpu.memory_space<vmem>>[vector<16xi32>, vector<16xi32>], vector<16xf32>,
        %mul3A_581 = arith.mulf %get3A_536, %gather3A_580 : vector<16xf32>
        %add3A_582 = arith.addf %add3A_524, %mul3A_581 : vector<16xf32>
        %gather3A_583 = tpu.vector_load_idx %arg9[%add3A_540, %broadcast_in_dim3A_31] : memref<2048x16xf32, #tpu.memory_space<vmem>>[vector<16xi32>, vector<16xi32>], vector<16xf32>,
        %mul3A_584 = arith.mulf %get3A_536, %gather3A_583 : vector<16xf32>
        %add3A_585 = arith.addf %add3A_527, %mul3A_584 : vector<16xf32>
        %gather3A_586 = tpu.vector_load_idx %arg9[%add3A_540, %broadcast_in_dim3A_33] : memref<2048x16xf32, #tpu.memory_space<vmem>>[vector<16xi32>, vector<16xi32>], vector<16xf32>,
        %mul3A_587 = arith.mulf %get3A_536, %gather3A_586 : vector<16xf32>
        %add3A_588 = arith.addf %add3A_530, %mul3A_587 : vector<16xf32>
        %mul3A_589 = arith.constant 16 : i32
        %mul3A_590 = arith.muli %add3A_435, %mul3A_589 : i32
        %add3A_591 = arith.constant 640 : i32
        %add3A_592 = arith.addi %add3A_591, %mul3A_590 : i32
        %get3A_593 = arith.index_cast %add3A_592 : i32 to index
        %get3A_594 = tpu.vector_load %arg8[%get3A_593] {strides = array<i32>} : memref<2048xf32, #tpu.memory_space<vmem>>, vector<16xf32>,
        %add3A_595 = arith.constant 512 : i32
        %add3A_596 = arith.addi %add3A_595, %add3A_439 : i32
        %add3A_597 = vector.broadcast %add3A_596 : i32 to vector<16xi32>
        %add3A_598 = arith.addi %add3A_597, %iota3A : vector<16xi32>
        %gather3A_599 = tpu.vector_load_idx %arg9[%add3A_598, %broadcast_in_dim3A_3] : memref<2048x16xf32, #tpu.memory_space<vmem>>[vector<16xi32>, vector<16xi32>], vector<16xf32>,
        %mul3A_600 = arith.mulf %get3A_594, %gather3A_599 : vector<16xf32>
        %add3A_601 = arith.addf %add3A_543, %mul3A_600 : vector<16xf32>
        %gather3A_602 = tpu.vector_load_idx %arg9[%add3A_598, %broadcast_in_dim3A_5] : memref<2048x16xf32, #tpu.memory_space<vmem>>[vector<16xi32>, vector<16xi32>], vector<16xf32>,
        %mul3A_603 = arith.mulf %get3A_594, %gather3A_602 : vector<16xf32>
        %add3A_604 = arith.addf %add3A_546, %mul3A_603 : vector<16xf32>
        %gather3A_605 = tpu.vector_load_idx %arg9[%add3A_598, %broadcast_in_dim3A_7] : memref<2048x16xf32, #tpu.memory_space<vmem>>[vector<16xi32>, vector<16xi32>], vector<16xf32>,
        %mul3A_606 = arith.mulf %get3A_594, %gather3A_605 : vector<16xf32>
        %add3A_607 = arith.addf %add3A_549, %mul3A_606 : vector<16xf32>
        %gather3A_608 = tpu.vector_load_idx %arg9[%add3A_598, %broadcast_in_dim3A_9] : memref<2048x16xf32, #tpu.memory_space<vmem>>[vector<16xi32>, vector<16xi32>], vector<16xf32>,
        %mul3A_609 = arith.mulf %get3A_594, %gather3A_608 : vector<16xf32>
        %add3A_610 = arith.addf %add3A_552, %mul3A_609 : vector<16xf32>
        %gather3A_611 = tpu.vector_load_idx %arg9[%add3A_598, %broadcast_in_dim3A_11] : memref<2048x16xf32, #tpu.memory_space<vmem>>[vector<16xi32>, vector<16xi32>], vector<16xf32>,
        %mul3A_612 = arith.mulf %get3A_594, %gather3A_611 : vector<16xf32>
        %add3A_613 = arith.addf %add3A_555, %mul3A_612 : vector<16xf32>
        %gather3A_614 = tpu.vector_load_idx %arg9[%add3A_598, %broadcast_in_dim3A_13] : memref<2048x16xf32, #tpu.memory_space<vmem>>[vector<16xi32>, vector<16xi32>], vector<16xf32>,
        %mul3A_615 = arith.mulf %get3A_594, %gather3A_614 : vector<16xf32>
        %add3A_616 = arith.addf %add3A_558, %mul3A_615 : vector<16xf32>
        %gather3A_617 = tpu.vector_load_idx %arg9[%add3A_598, %broadcast_in_dim3A_15] : memref<2048x16xf32, #tpu.memory_space<vmem>>[vector<16xi32>, vector<16xi32>], vector<16xf32>,
        %mul3A_618 = arith.mulf %get3A_594, %gather3A_617 : vector<16xf32>
        %add3A_619 = arith.addf %add3A_561, %mul3A_618 : vector<16xf32>
        %gather3A_620 = tpu.vector_load_idx %arg9[%add3A_598, %broadcast_in_dim3A_17] : memref<2048x16xf32, #tpu.memory_space<vmem>>[vector<16xi32>, vector<16xi32>], vector<16xf32>,
        %mul3A_621 = arith.mulf %get3A_594, %gather3A_620 : vector<16xf32>
        %add3A_622 = arith.addf %add3A_564, %mul3A_621 : vector<16xf32>
        %gather3A_623 = tpu.vector_load_idx %arg9[%add3A_598, %broadcast_in_dim3A_19] : memref<2048x16xf32, #tpu.memory_space<vmem>>[vector<16xi32>, vector<16xi32>], vector<16xf32>,
        %mul3A_624 = arith.mulf %get3A_594, %gather3A_623 : vector<16xf32>
        %add3A_625 = arith.addf %add3A_567, %mul3A_624 : vector<16xf32>
        %gather3A_626 = tpu.vector_load_idx %arg9[%add3A_598, %broadcast_in_dim3A_21] : memref<2048x16xf32, #tpu.memory_space<vmem>>[vector<16xi32>, vector<16xi32>], vector<16xf32>,
        %mul3A_627 = arith.mulf %get3A_594, %gather3A_626 : vector<16xf32>
        %add3A_628 = arith.addf %add3A_570, %mul3A_627 : vector<16xf32>
        %gather3A_629 = tpu.vector_load_idx %arg9[%add3A_598, %broadcast_in_dim3A_23] : memref<2048x16xf32, #tpu.memory_space<vmem>>[vector<16xi32>, vector<16xi32>], vector<16xf32>,
        %mul3A_630 = arith.mulf %get3A_594, %gather3A_629 : vector<16xf32>
        %add3A_631 = arith.addf %add3A_573, %mul3A_630 : vector<16xf32>
        %gather3A_632 = tpu.vector_load_idx %arg9[%add3A_598, %broadcast_in_dim3A_25] : memref<2048x16xf32, #tpu.memory_space<vmem>>[vector<16xi32>, vector<16xi32>], vector<16xf32>,
        %mul3A_633 = arith.mulf %get3A_594, %gather3A_632 : vector<16xf32>
        %add3A_634 = arith.addf %add3A_576, %mul3A_633 : vector<16xf32>
        %gather3A_635 = tpu.vector_load_idx %arg9[%add3A_598, %broadcast_in_dim3A_27] : memref<2048x16xf32, #tpu.memory_space<vmem>>[vector<16xi32>, vector<16xi32>], vector<16xf32>,
        %mul3A_636 = arith.mulf %get3A_594, %gather3A_635 : vector<16xf32>
        %add3A_637 = arith.addf %add3A_579, %mul3A_636 : vector<16xf32>
        %gather3A_638 = tpu.vector_load_idx %arg9[%add3A_598, %broadcast_in_dim3A_29] : memref<2048x16xf32, #tpu.memory_space<vmem>>[vector<16xi32>, vector<16xi32>], vector<16xf32>,
        %mul3A_639 = arith.mulf %get3A_594, %gather3A_638 : vector<16xf32>
        %add3A_640 = arith.addf %add3A_582, %mul3A_639 : vector<16xf32>
        %gather3A_641 = tpu.vector_load_idx %arg9[%add3A_598, %broadcast_in_dim3A_31] : memref<2048x16xf32, #tpu.memory_space<vmem>>[vector<16xi32>, vector<16xi32>], vector<16xf32>,
        %mul3A_642 = arith.mulf %get3A_594, %gather3A_641 : vector<16xf32>
        %add3A_643 = arith.addf %add3A_585, %mul3A_642 : vector<16xf32>
        %gather3A_644 = tpu.vector_load_idx %arg9[%add3A_598, %broadcast_in_dim3A_33] : memref<2048x16xf32, #tpu.memory_space<vmem>>[vector<16xi32>, vector<16xi32>], vector<16xf32>,
        %mul3A_645 = arith.mulf %get3A_594, %gather3A_644 : vector<16xf32>
        %add3A_646 = arith.addf %add3A_588, %mul3A_645 : vector<16xf32>
        %mul3A_647 = arith.constant 16 : i32
        %mul3A_648 = arith.muli %add3A_435, %mul3A_647 : i32
        %add3A_649 = arith.constant 896 : i32
        %add3A_650 = arith.addi %add3A_649, %mul3A_648 : i32
        %get3A_651 = arith.index_cast %add3A_650 : i32 to index
        %get3A_652 = tpu.vector_load %arg8[%get3A_651] {strides = array<i32>} : memref<2048xf32, #tpu.memory_space<vmem>>, vector<16xf32>,
        %add3A_653 = arith.constant 768 : i32
        %add3A_654 = arith.addi %add3A_653, %add3A_439 : i32
        %add3A_655 = vector.broadcast %add3A_654 : i32 to vector<16xi32>
        %add3A_656 = arith.addi %add3A_655, %iota3A : vector<16xi32>
        %gather3A_657 = tpu.vector_load_idx %arg9[%add3A_656, %broadcast_in_dim3A_3] : memref<2048x16xf32, #tpu.memory_space<vmem>>[vector<16xi32>, vector<16xi32>], vector<16xf32>,
        %mul3A_658 = arith.mulf %get3A_652, %gather3A_657 : vector<16xf32>
        %add3A_659 = arith.addf %add3A_601, %mul3A_658 : vector<16xf32>
        %gather3A_660 = tpu.vector_load_idx %arg9[%add3A_656, %broadcast_in_dim3A_5] : memref<2048x16xf32, #tpu.memory_space<vmem>>[vector<16xi32>, vector<16xi32>], vector<16xf32>,
        %mul3A_661 = arith.mulf %get3A_652, %gather3A_660 : vector<16xf32>
        %add3A_662 = arith.addf %add3A_604, %mul3A_661 : vector<16xf32>
        %gather3A_663 = tpu.vector_load_idx %arg9[%add3A_656, %broadcast_in_dim3A_7] : memref<2048x16xf32, #tpu.memory_space<vmem>>[vector<16xi32>, vector<16xi32>], vector<16xf32>,
        %mul3A_664 = arith.mulf %get3A_652, %gather3A_663 : vector<16xf32>
        %add3A_665 = arith.addf %add3A_607, %mul3A_664 : vector<16xf32>
        %gather3A_666 = tpu.vector_load_idx %arg9[%add3A_656, %broadcast_in_dim3A_9] : memref<2048x16xf32, #tpu.memory_space<vmem>>[vector<16xi32>, vector<16xi32>], vector<16xf32>,
        %mul3A_667 = arith.mulf %get3A_652, %gather3A_666 : vector<16xf32>
        %add3A_668 = arith.addf %add3A_610, %mul3A_667 : vector<16xf32>
        %gather3A_669 = tpu.vector_load_idx %arg9[%add3A_656, %broadcast_in_dim3A_11] : memref<2048x16xf32, #tpu.memory_space<vmem>>[vector<16xi32>, vector<16xi32>], vector<16xf32>,
        %mul3A_670 = arith.mulf %get3A_652, %gather3A_669 : vector<16xf32>
        %add3A_671 = arith.addf %add3A_613, %mul3A_670 : vector<16xf32>
        %gather3A_672 = tpu.vector_load_idx %arg9[%add3A_656, %broadcast_in_dim3A_13] : memref<2048x16xf32, #tpu.memory_space<vmem>>[vector<16xi32>, vector<16xi32>], vector<16xf32>,
        %mul3A_673 = arith.mulf %get3A_652, %gather3A_672 : vector<16xf32>
        %add3A_674 = arith.addf %add3A_616, %mul3A_673 : vector<16xf32>
        %gather3A_675 = tpu.vector_load_idx %arg9[%add3A_656, %broadcast_in_dim3A_15] : memref<2048x16xf32, #tpu.memory_space<vmem>>[vector<16xi32>, vector<16xi32>], vector<16xf32>,
        %mul3A_676 = arith.mulf %get3A_652, %gather3A_675 : vector<16xf32>
        %add3A_677 = arith.addf %add3A_619, %mul3A_676 : vector<16xf32>
        %gather3A_678 = tpu.vector_load_idx %arg9[%add3A_656, %broadcast_in_dim3A_17] : memref<2048x16xf32, #tpu.memory_space<vmem>>[vector<16xi32>, vector<16xi32>], vector<16xf32>,
        %mul3A_679 = arith.mulf %get3A_652, %gather3A_678 : vector<16xf32>
        %add3A_680 = arith.addf %add3A_622, %mul3A_679 : vector<16xf32>
        %gather3A_681 = tpu.vector_load_idx %arg9[%add3A_656, %broadcast_in_dim3A_19] : memref<2048x16xf32, #tpu.memory_space<vmem>>[vector<16xi32>, vector<16xi32>], vector<16xf32>,
        %mul3A_682 = arith.mulf %get3A_652, %gather3A_681 : vector<16xf32>
        %add3A_683 = arith.addf %add3A_625, %mul3A_682 : vector<16xf32>
        %gather3A_684 = tpu.vector_load_idx %arg9[%add3A_656, %broadcast_in_dim3A_21] : memref<2048x16xf32, #tpu.memory_space<vmem>>[vector<16xi32>, vector<16xi32>], vector<16xf32>,
        %mul3A_685 = arith.mulf %get3A_652, %gather3A_684 : vector<16xf32>
        %add3A_686 = arith.addf %add3A_628, %mul3A_685 : vector<16xf32>
        %gather3A_687 = tpu.vector_load_idx %arg9[%add3A_656, %broadcast_in_dim3A_23] : memref<2048x16xf32, #tpu.memory_space<vmem>>[vector<16xi32>, vector<16xi32>], vector<16xf32>,
        %mul3A_688 = arith.mulf %get3A_652, %gather3A_687 : vector<16xf32>
        %add3A_689 = arith.addf %add3A_631, %mul3A_688 : vector<16xf32>
        %gather3A_690 = tpu.vector_load_idx %arg9[%add3A_656, %broadcast_in_dim3A_25] : memref<2048x16xf32, #tpu.memory_space<vmem>>[vector<16xi32>, vector<16xi32>], vector<16xf32>,
        %mul3A_691 = arith.mulf %get3A_652, %gather3A_690 : vector<16xf32>
        %add3A_692 = arith.addf %add3A_634, %mul3A_691 : vector<16xf32>
        %gather3A_693 = tpu.vector_load_idx %arg9[%add3A_656, %broadcast_in_dim3A_27] : memref<2048x16xf32, #tpu.memory_space<vmem>>[vector<16xi32>, vector<16xi32>], vector<16xf32>,
        %mul3A_694 = arith.mulf %get3A_652, %gather3A_693 : vector<16xf32>
        %add3A_695 = arith.addf %add3A_637, %mul3A_694 : vector<16xf32>
        %gather3A_696 = tpu.vector_load_idx %arg9[%add3A_656, %broadcast_in_dim3A_29] : memref<2048x16xf32, #tpu.memory_space<vmem>>[vector<16xi32>, vector<16xi32>], vector<16xf32>,
        %mul3A_697 = arith.mulf %get3A_652, %gather3A_696 : vector<16xf32>
        %add3A_698 = arith.addf %add3A_640, %mul3A_697 : vector<16xf32>
        %gather3A_699 = tpu.vector_load_idx %arg9[%add3A_656, %broadcast_in_dim3A_31] : memref<2048x16xf32, #tpu.memory_space<vmem>>[vector<16xi32>, vector<16xi32>], vector<16xf32>,
        %mul3A_700 = arith.mulf %get3A_652, %gather3A_699 : vector<16xf32>
        %add3A_701 = arith.addf %add3A_643, %mul3A_700 : vector<16xf32>
        %gather3A_702 = tpu.vector_load_idx %arg9[%add3A_656, %broadcast_in_dim3A_33] : memref<2048x16xf32, #tpu.memory_space<vmem>>[vector<16xi32>, vector<16xi32>], vector<16xf32>,
        %mul3A_703 = arith.mulf %get3A_652, %gather3A_702 : vector<16xf32>
        %add3A_704 = arith.addf %add3A_646, %mul3A_703 : vector<16xf32>
        %mul3A_705 = arith.constant 16 : i32
        %mul3A_706 = arith.muli %add3A_435, %mul3A_705 : i32
        %add3A_707 = arith.constant 1152 : i32
        %add3A_708 = arith.addi %add3A_707, %mul3A_706 : i32
        %get3A_709 = arith.index_cast %add3A_708 : i32 to index
        %get3A_710 = tpu.vector_load %arg8[%get3A_709] {strides = array<i32>} : memref<2048xf32, #tpu.memory_space<vmem>>, vector<16xf32>,
        %add3A_711 = arith.constant 1024 : i32
        %add3A_712 = arith.addi %add3A_711, %add3A_439 : i32
        %add3A_713 = vector.broadcast %add3A_712 : i32 to vector<16xi32>
        %add3A_714 = arith.addi %add3A_713, %iota3A : vector<16xi32>
        %gather3A_715 = tpu.vector_load_idx %arg9[%add3A_714, %broadcast_in_dim3A_3] : memref<2048x16xf32, #tpu.memory_space<vmem>>[vector<16xi32>, vector<16xi32>], vector<16xf32>,
        %mul3A_716 = arith.mulf %get3A_710, %gather3A_715 : vector<16xf32>
        %add3A_717 = arith.addf %add3A_659, %mul3A_716 : vector<16xf32>
        %gather3A_718 = tpu.vector_load_idx %arg9[%add3A_714, %broadcast_in_dim3A_5] : memref<2048x16xf32, #tpu.memory_space<vmem>>[vector<16xi32>, vector<16xi32>], vector<16xf32>,
        %mul3A_719 = arith.mulf %get3A_710, %gather3A_718 : vector<16xf32>
        %add3A_720 = arith.addf %add3A_662, %mul3A_719 : vector<16xf32>
        %gather3A_721 = tpu.vector_load_idx %arg9[%add3A_714, %broadcast_in_dim3A_7] : memref<2048x16xf32, #tpu.memory_space<vmem>>[vector<16xi32>, vector<16xi32>], vector<16xf32>,
        %mul3A_722 = arith.mulf %get3A_710, %gather3A_721 : vector<16xf32>
        %add3A_723 = arith.addf %add3A_665, %mul3A_722 : vector<16xf32>
        %gather3A_724 = tpu.vector_load_idx %arg9[%add3A_714, %broadcast_in_dim3A_9] : memref<2048x16xf32, #tpu.memory_space<vmem>>[vector<16xi32>, vector<16xi32>], vector<16xf32>,
        %mul3A_725 = arith.mulf %get3A_710, %gather3A_724 : vector<16xf32>
        %add3A_726 = arith.addf %add3A_668, %mul3A_725 : vector<16xf32>
        %gather3A_727 = tpu.vector_load_idx %arg9[%add3A_714, %broadcast_in_dim3A_11] : memref<2048x16xf32, #tpu.memory_space<vmem>>[vector<16xi32>, vector<16xi32>], vector<16xf32>,
        %mul3A_728 = arith.mulf %get3A_710, %gather3A_727 : vector<16xf32>
        %add3A_729 = arith.addf %add3A_671, %mul3A_728 : vector<16xf32>
        %gather3A_730 = tpu.vector_load_idx %arg9[%add3A_714, %broadcast_in_dim3A_13] : memref<2048x16xf32, #tpu.memory_space<vmem>>[vector<16xi32>, vector<16xi32>], vector<16xf32>,
        %mul3A_731 = arith.mulf %get3A_710, %gather3A_730 : vector<16xf32>
        %add3A_732 = arith.addf %add3A_674, %mul3A_731 : vector<16xf32>
        %gather3A_733 = tpu.vector_load_idx %arg9[%add3A_714, %broadcast_in_dim3A_15] : memref<2048x16xf32, #tpu.memory_space<vmem>>[vector<16xi32>, vector<16xi32>], vector<16xf32>,
        %mul3A_734 = arith.mulf %get3A_710, %gather3A_733 : vector<16xf32>
        %add3A_735 = arith.addf %add3A_677, %mul3A_734 : vector<16xf32>
        %gather3A_736 = tpu.vector_load_idx %arg9[%add3A_714, %broadcast_in_dim3A_17] : memref<2048x16xf32, #tpu.memory_space<vmem>>[vector<16xi32>, vector<16xi32>], vector<16xf32>,
        %mul3A_737 = arith.mulf %get3A_710, %gather3A_736 : vector<16xf32>
        %add3A_738 = arith.addf %add3A_680, %mul3A_737 : vector<16xf32>
        %gather3A_739 = tpu.vector_load_idx %arg9[%add3A_714, %broadcast_in_dim3A_19] : memref<2048x16xf32, #tpu.memory_space<vmem>>[vector<16xi32>, vector<16xi32>], vector<16xf32>,
        %mul3A_740 = arith.mulf %get3A_710, %gather3A_739 : vector<16xf32>
        %add3A_741 = arith.addf %add3A_683, %mul3A_740 : vector<16xf32>
        %gather3A_742 = tpu.vector_load_idx %arg9[%add3A_714, %broadcast_in_dim3A_21] : memref<2048x16xf32, #tpu.memory_space<vmem>>[vector<16xi32>, vector<16xi32>], vector<16xf32>,
        %mul3A_743 = arith.mulf %get3A_710, %gather3A_742 : vector<16xf32>
        %add3A_744 = arith.addf %add3A_686, %mul3A_743 : vector<16xf32>
        %gather3A_745 = tpu.vector_load_idx %arg9[%add3A_714, %broadcast_in_dim3A_23] : memref<2048x16xf32, #tpu.memory_space<vmem>>[vector<16xi32>, vector<16xi32>], vector<16xf32>,
        %mul3A_746 = arith.mulf %get3A_710, %gather3A_745 : vector<16xf32>
        %add3A_747 = arith.addf %add3A_689, %mul3A_746 : vector<16xf32>
        %gather3A_748 = tpu.vector_load_idx %arg9[%add3A_714, %broadcast_in_dim3A_25] : memref<2048x16xf32, #tpu.memory_space<vmem>>[vector<16xi32>, vector<16xi32>], vector<16xf32>,
        %mul3A_749 = arith.mulf %get3A_710, %gather3A_748 : vector<16xf32>
        %add3A_750 = arith.addf %add3A_692, %mul3A_749 : vector<16xf32>
        %gather3A_751 = tpu.vector_load_idx %arg9[%add3A_714, %broadcast_in_dim3A_27] : memref<2048x16xf32, #tpu.memory_space<vmem>>[vector<16xi32>, vector<16xi32>], vector<16xf32>,
        %mul3A_752 = arith.mulf %get3A_710, %gather3A_751 : vector<16xf32>
        %add3A_753 = arith.addf %add3A_695, %mul3A_752 : vector<16xf32>
        %gather3A_754 = tpu.vector_load_idx %arg9[%add3A_714, %broadcast_in_dim3A_29] : memref<2048x16xf32, #tpu.memory_space<vmem>>[vector<16xi32>, vector<16xi32>], vector<16xf32>,
        %mul3A_755 = arith.mulf %get3A_710, %gather3A_754 : vector<16xf32>
        %add3A_756 = arith.addf %add3A_698, %mul3A_755 : vector<16xf32>
        %gather3A_757 = tpu.vector_load_idx %arg9[%add3A_714, %broadcast_in_dim3A_31] : memref<2048x16xf32, #tpu.memory_space<vmem>>[vector<16xi32>, vector<16xi32>], vector<16xf32>,
        %mul3A_758 = arith.mulf %get3A_710, %gather3A_757 : vector<16xf32>
        %add3A_759 = arith.addf %add3A_701, %mul3A_758 : vector<16xf32>
        %gather3A_760 = tpu.vector_load_idx %arg9[%add3A_714, %broadcast_in_dim3A_33] : memref<2048x16xf32, #tpu.memory_space<vmem>>[vector<16xi32>, vector<16xi32>], vector<16xf32>,
        %mul3A_761 = arith.mulf %get3A_710, %gather3A_760 : vector<16xf32>
        %add3A_762 = arith.addf %add3A_704, %mul3A_761 : vector<16xf32>
        %mul3A_763 = arith.constant 16 : i32
        %mul3A_764 = arith.muli %add3A_435, %mul3A_763 : i32
        %add3A_765 = arith.constant 1408 : i32
        %add3A_766 = arith.addi %add3A_765, %mul3A_764 : i32
        %get3A_767 = arith.index_cast %add3A_766 : i32 to index
        %get3A_768 = tpu.vector_load %arg8[%get3A_767] {strides = array<i32>} : memref<2048xf32, #tpu.memory_space<vmem>>, vector<16xf32>,
        %add3A_769 = arith.constant 1280 : i32
        %add3A_770 = arith.addi %add3A_769, %add3A_439 : i32
        %add3A_771 = vector.broadcast %add3A_770 : i32 to vector<16xi32>
        %add3A_772 = arith.addi %add3A_771, %iota3A : vector<16xi32>
        %gather3A_773 = tpu.vector_load_idx %arg9[%add3A_772, %broadcast_in_dim3A_3] : memref<2048x16xf32, #tpu.memory_space<vmem>>[vector<16xi32>, vector<16xi32>], vector<16xf32>,
        %mul3A_774 = arith.mulf %get3A_768, %gather3A_773 : vector<16xf32>
        %add3A_775 = arith.addf %add3A_717, %mul3A_774 : vector<16xf32>
        %gather3A_776 = tpu.vector_load_idx %arg9[%add3A_772, %broadcast_in_dim3A_5] : memref<2048x16xf32, #tpu.memory_space<vmem>>[vector<16xi32>, vector<16xi32>], vector<16xf32>,
        %mul3A_777 = arith.mulf %get3A_768, %gather3A_776 : vector<16xf32>
        %add3A_778 = arith.addf %add3A_720, %mul3A_777 : vector<16xf32>
        %gather3A_779 = tpu.vector_load_idx %arg9[%add3A_772, %broadcast_in_dim3A_7] : memref<2048x16xf32, #tpu.memory_space<vmem>>[vector<16xi32>, vector<16xi32>], vector<16xf32>,
        %mul3A_780 = arith.mulf %get3A_768, %gather3A_779 : vector<16xf32>
        %add3A_781 = arith.addf %add3A_723, %mul3A_780 : vector<16xf32>
        %gather3A_782 = tpu.vector_load_idx %arg9[%add3A_772, %broadcast_in_dim3A_9] : memref<2048x16xf32, #tpu.memory_space<vmem>>[vector<16xi32>, vector<16xi32>], vector<16xf32>,
        %mul3A_783 = arith.mulf %get3A_768, %gather3A_782 : vector<16xf32>
        %add3A_784 = arith.addf %add3A_726, %mul3A_783 : vector<16xf32>
        %gather3A_785 = tpu.vector_load_idx %arg9[%add3A_772, %broadcast_in_dim3A_11] : memref<2048x16xf32, #tpu.memory_space<vmem>>[vector<16xi32>, vector<16xi32>], vector<16xf32>,
        %mul3A_786 = arith.mulf %get3A_768, %gather3A_785 : vector<16xf32>
        %add3A_787 = arith.addf %add3A_729, %mul3A_786 : vector<16xf32>
        %gather3A_788 = tpu.vector_load_idx %arg9[%add3A_772, %broadcast_in_dim3A_13] : memref<2048x16xf32, #tpu.memory_space<vmem>>[vector<16xi32>, vector<16xi32>], vector<16xf32>,
        %mul3A_789 = arith.mulf %get3A_768, %gather3A_788 : vector<16xf32>
        %add3A_790 = arith.addf %add3A_732, %mul3A_789 : vector<16xf32>
        %gather3A_791 = tpu.vector_load_idx %arg9[%add3A_772, %broadcast_in_dim3A_15] : memref<2048x16xf32, #tpu.memory_space<vmem>>[vector<16xi32>, vector<16xi32>], vector<16xf32>,
        %mul3A_792 = arith.mulf %get3A_768, %gather3A_791 : vector<16xf32>
        %add3A_793 = arith.addf %add3A_735, %mul3A_792 : vector<16xf32>
        %gather3A_794 = tpu.vector_load_idx %arg9[%add3A_772, %broadcast_in_dim3A_17] : memref<2048x16xf32, #tpu.memory_space<vmem>>[vector<16xi32>, vector<16xi32>], vector<16xf32>,
        %mul3A_795 = arith.mulf %get3A_768, %gather3A_794 : vector<16xf32>
        %add3A_796 = arith.addf %add3A_738, %mul3A_795 : vector<16xf32>
        %gather3A_797 = tpu.vector_load_idx %arg9[%add3A_772, %broadcast_in_dim3A_19] : memref<2048x16xf32, #tpu.memory_space<vmem>>[vector<16xi32>, vector<16xi32>], vector<16xf32>,
        %mul3A_798 = arith.mulf %get3A_768, %gather3A_797 : vector<16xf32>
        %add3A_799 = arith.addf %add3A_741, %mul3A_798 : vector<16xf32>
        %gather3A_800 = tpu.vector_load_idx %arg9[%add3A_772, %broadcast_in_dim3A_21] : memref<2048x16xf32, #tpu.memory_space<vmem>>[vector<16xi32>, vector<16xi32>], vector<16xf32>,
        %mul3A_801 = arith.mulf %get3A_768, %gather3A_800 : vector<16xf32>
        %add3A_802 = arith.addf %add3A_744, %mul3A_801 : vector<16xf32>
        %gather3A_803 = tpu.vector_load_idx %arg9[%add3A_772, %broadcast_in_dim3A_23] : memref<2048x16xf32, #tpu.memory_space<vmem>>[vector<16xi32>, vector<16xi32>], vector<16xf32>,
        %mul3A_804 = arith.mulf %get3A_768, %gather3A_803 : vector<16xf32>
        %add3A_805 = arith.addf %add3A_747, %mul3A_804 : vector<16xf32>
        %gather3A_806 = tpu.vector_load_idx %arg9[%add3A_772, %broadcast_in_dim3A_25] : memref<2048x16xf32, #tpu.memory_space<vmem>>[vector<16xi32>, vector<16xi32>], vector<16xf32>,
        %mul3A_807 = arith.mulf %get3A_768, %gather3A_806 : vector<16xf32>
        %add3A_808 = arith.addf %add3A_750, %mul3A_807 : vector<16xf32>
        %gather3A_809 = tpu.vector_load_idx %arg9[%add3A_772, %broadcast_in_dim3A_27] : memref<2048x16xf32, #tpu.memory_space<vmem>>[vector<16xi32>, vector<16xi32>], vector<16xf32>,
        %mul3A_810 = arith.mulf %get3A_768, %gather3A_809 : vector<16xf32>
        %add3A_811 = arith.addf %add3A_753, %mul3A_810 : vector<16xf32>
        %gather3A_812 = tpu.vector_load_idx %arg9[%add3A_772, %broadcast_in_dim3A_29] : memref<2048x16xf32, #tpu.memory_space<vmem>>[vector<16xi32>, vector<16xi32>], vector<16xf32>,
        %mul3A_813 = arith.mulf %get3A_768, %gather3A_812 : vector<16xf32>
        %add3A_814 = arith.addf %add3A_756, %mul3A_813 : vector<16xf32>
        %gather3A_815 = tpu.vector_load_idx %arg9[%add3A_772, %broadcast_in_dim3A_31] : memref<2048x16xf32, #tpu.memory_space<vmem>>[vector<16xi32>, vector<16xi32>], vector<16xf32>,
        %mul3A_816 = arith.mulf %get3A_768, %gather3A_815 : vector<16xf32>
        %add3A_817 = arith.addf %add3A_759, %mul3A_816 : vector<16xf32>
        %gather3A_818 = tpu.vector_load_idx %arg9[%add3A_772, %broadcast_in_dim3A_33] : memref<2048x16xf32, #tpu.memory_space<vmem>>[vector<16xi32>, vector<16xi32>], vector<16xf32>,
        %mul3A_819 = arith.mulf %get3A_768, %gather3A_818 : vector<16xf32>
        %add3A_820 = arith.addf %add3A_762, %mul3A_819 : vector<16xf32>
        %mul3A_821 = arith.constant 16 : i32
        %mul3A_822 = arith.muli %add3A_435, %mul3A_821 : i32
        %add3A_823 = arith.constant 1664 : i32
        %add3A_824 = arith.addi %add3A_823, %mul3A_822 : i32
        %get3A_825 = arith.index_cast %add3A_824 : i32 to index
        %get3A_826 = tpu.vector_load %arg8[%get3A_825] {strides = array<i32>} : memref<2048xf32, #tpu.memory_space<vmem>>, vector<16xf32>,
        %add3A_827 = arith.constant 1536 : i32
        %add3A_828 = arith.addi %add3A_827, %add3A_439 : i32
        %add3A_829 = vector.broadcast %add3A_828 : i32 to vector<16xi32>
        %add3A_830 = arith.addi %add3A_829, %iota3A : vector<16xi32>
        %gather3A_831 = tpu.vector_load_idx %arg9[%add3A_830, %broadcast_in_dim3A_3] : memref<2048x16xf32, #tpu.memory_space<vmem>>[vector<16xi32>, vector<16xi32>], vector<16xf32>,
        %mul3A_832 = arith.mulf %get3A_826, %gather3A_831 : vector<16xf32>
        %add3A_833 = arith.addf %add3A_775, %mul3A_832 : vector<16xf32>
        %gather3A_834 = tpu.vector_load_idx %arg9[%add3A_830, %broadcast_in_dim3A_5] : memref<2048x16xf32, #tpu.memory_space<vmem>>[vector<16xi32>, vector<16xi32>], vector<16xf32>,
        %mul3A_835 = arith.mulf %get3A_826, %gather3A_834 : vector<16xf32>
        %add3A_836 = arith.addf %add3A_778, %mul3A_835 : vector<16xf32>
        %gather3A_837 = tpu.vector_load_idx %arg9[%add3A_830, %broadcast_in_dim3A_7] : memref<2048x16xf32, #tpu.memory_space<vmem>>[vector<16xi32>, vector<16xi32>], vector<16xf32>,
        %mul3A_838 = arith.mulf %get3A_826, %gather3A_837 : vector<16xf32>
        %add3A_839 = arith.addf %add3A_781, %mul3A_838 : vector<16xf32>
        %gather3A_840 = tpu.vector_load_idx %arg9[%add3A_830, %broadcast_in_dim3A_9] : memref<2048x16xf32, #tpu.memory_space<vmem>>[vector<16xi32>, vector<16xi32>], vector<16xf32>,
        %mul3A_841 = arith.mulf %get3A_826, %gather3A_840 : vector<16xf32>
        %add3A_842 = arith.addf %add3A_784, %mul3A_841 : vector<16xf32>
        %gather3A_843 = tpu.vector_load_idx %arg9[%add3A_830, %broadcast_in_dim3A_11] : memref<2048x16xf32, #tpu.memory_space<vmem>>[vector<16xi32>, vector<16xi32>], vector<16xf32>,
        %mul3A_844 = arith.mulf %get3A_826, %gather3A_843 : vector<16xf32>
        %add3A_845 = arith.addf %add3A_787, %mul3A_844 : vector<16xf32>
        %gather3A_846 = tpu.vector_load_idx %arg9[%add3A_830, %broadcast_in_dim3A_13] : memref<2048x16xf32, #tpu.memory_space<vmem>>[vector<16xi32>, vector<16xi32>], vector<16xf32>,
        %mul3A_847 = arith.mulf %get3A_826, %gather3A_846 : vector<16xf32>
        %add3A_848 = arith.addf %add3A_790, %mul3A_847 : vector<16xf32>
        %gather3A_849 = tpu.vector_load_idx %arg9[%add3A_830, %broadcast_in_dim3A_15] : memref<2048x16xf32, #tpu.memory_space<vmem>>[vector<16xi32>, vector<16xi32>], vector<16xf32>,
        %mul3A_850 = arith.mulf %get3A_826, %gather3A_849 : vector<16xf32>
        %add3A_851 = arith.addf %add3A_793, %mul3A_850 : vector<16xf32>
        %gather3A_852 = tpu.vector_load_idx %arg9[%add3A_830, %broadcast_in_dim3A_17] : memref<2048x16xf32, #tpu.memory_space<vmem>>[vector<16xi32>, vector<16xi32>], vector<16xf32>,
        %mul3A_853 = arith.mulf %get3A_826, %gather3A_852 : vector<16xf32>
        %add3A_854 = arith.addf %add3A_796, %mul3A_853 : vector<16xf32>
        %gather3A_855 = tpu.vector_load_idx %arg9[%add3A_830, %broadcast_in_dim3A_19] : memref<2048x16xf32, #tpu.memory_space<vmem>>[vector<16xi32>, vector<16xi32>], vector<16xf32>,
        %mul3A_856 = arith.mulf %get3A_826, %gather3A_855 : vector<16xf32>
        %add3A_857 = arith.addf %add3A_799, %mul3A_856 : vector<16xf32>
        %gather3A_858 = tpu.vector_load_idx %arg9[%add3A_830, %broadcast_in_dim3A_21] : memref<2048x16xf32, #tpu.memory_space<vmem>>[vector<16xi32>, vector<16xi32>], vector<16xf32>,
        %mul3A_859 = arith.mulf %get3A_826, %gather3A_858 : vector<16xf32>
        %add3A_860 = arith.addf %add3A_802, %mul3A_859 : vector<16xf32>
        %gather3A_861 = tpu.vector_load_idx %arg9[%add3A_830, %broadcast_in_dim3A_23] : memref<2048x16xf32, #tpu.memory_space<vmem>>[vector<16xi32>, vector<16xi32>], vector<16xf32>,
        %mul3A_862 = arith.mulf %get3A_826, %gather3A_861 : vector<16xf32>
        %add3A_863 = arith.addf %add3A_805, %mul3A_862 : vector<16xf32>
        %gather3A_864 = tpu.vector_load_idx %arg9[%add3A_830, %broadcast_in_dim3A_25] : memref<2048x16xf32, #tpu.memory_space<vmem>>[vector<16xi32>, vector<16xi32>], vector<16xf32>,
        %mul3A_865 = arith.mulf %get3A_826, %gather3A_864 : vector<16xf32>
        %add3A_866 = arith.addf %add3A_808, %mul3A_865 : vector<16xf32>
        %gather3A_867 = tpu.vector_load_idx %arg9[%add3A_830, %broadcast_in_dim3A_27] : memref<2048x16xf32, #tpu.memory_space<vmem>>[vector<16xi32>, vector<16xi32>], vector<16xf32>,
        %mul3A_868 = arith.mulf %get3A_826, %gather3A_867 : vector<16xf32>
        %add3A_869 = arith.addf %add3A_811, %mul3A_868 : vector<16xf32>
        %gather3A_870 = tpu.vector_load_idx %arg9[%add3A_830, %broadcast_in_dim3A_29] : memref<2048x16xf32, #tpu.memory_space<vmem>>[vector<16xi32>, vector<16xi32>], vector<16xf32>,
        %mul3A_871 = arith.mulf %get3A_826, %gather3A_870 : vector<16xf32>
        %add3A_872 = arith.addf %add3A_814, %mul3A_871 : vector<16xf32>
        %gather3A_873 = tpu.vector_load_idx %arg9[%add3A_830, %broadcast_in_dim3A_31] : memref<2048x16xf32, #tpu.memory_space<vmem>>[vector<16xi32>, vector<16xi32>], vector<16xf32>,
        %mul3A_874 = arith.mulf %get3A_826, %gather3A_873 : vector<16xf32>
        %add3A_875 = arith.addf %add3A_817, %mul3A_874 : vector<16xf32>
        %gather3A_876 = tpu.vector_load_idx %arg9[%add3A_830, %broadcast_in_dim3A_33] : memref<2048x16xf32, #tpu.memory_space<vmem>>[vector<16xi32>, vector<16xi32>], vector<16xf32>,
        %mul3A_877 = arith.mulf %get3A_826, %gather3A_876 : vector<16xf32>
        %add3A_878 = arith.addf %add3A_820, %mul3A_877 : vector<16xf32>
        %mul3A_879 = arith.constant 16 : i32
        %mul3A_880 = arith.muli %add3A_435, %mul3A_879 : i32
        %add3A_881 = arith.constant 1920 : i32
        %add3A_882 = arith.addi %add3A_881, %mul3A_880 : i32
        %get3A_883 = arith.index_cast %add3A_882 : i32 to index
        %get3A_884 = tpu.vector_load %arg8[%get3A_883] {strides = array<i32>} : memref<2048xf32, #tpu.memory_space<vmem>>, vector<16xf32>,
        %add3A_885 = arith.constant 1792 : i32
        %add3A_886 = arith.addi %add3A_885, %add3A_439 : i32
        %add3A_887 = vector.broadcast %add3A_886 : i32 to vector<16xi32>
        %add3A_888 = arith.addi %add3A_887, %iota3A : vector<16xi32>
        %gather3A_889 = tpu.vector_load_idx %arg9[%add3A_888, %broadcast_in_dim3A_3] : memref<2048x16xf32, #tpu.memory_space<vmem>>[vector<16xi32>, vector<16xi32>], vector<16xf32>,
        %mul3A_890 = arith.mulf %get3A_884, %gather3A_889 : vector<16xf32>
        %add3A_891 = arith.addf %add3A_833, %mul3A_890 : vector<16xf32>
        %gather3A_892 = tpu.vector_load_idx %arg9[%add3A_888, %broadcast_in_dim3A_5] : memref<2048x16xf32, #tpu.memory_space<vmem>>[vector<16xi32>, vector<16xi32>], vector<16xf32>,
        %mul3A_893 = arith.mulf %get3A_884, %gather3A_892 : vector<16xf32>
        %add3A_894 = arith.addf %add3A_836, %mul3A_893 : vector<16xf32>
        %gather3A_895 = tpu.vector_load_idx %arg9[%add3A_888, %broadcast_in_dim3A_7] : memref<2048x16xf32, #tpu.memory_space<vmem>>[vector<16xi32>, vector<16xi32>], vector<16xf32>,
        %mul3A_896 = arith.mulf %get3A_884, %gather3A_895 : vector<16xf32>
        %add3A_897 = arith.addf %add3A_839, %mul3A_896 : vector<16xf32>
        %gather3A_898 = tpu.vector_load_idx %arg9[%add3A_888, %broadcast_in_dim3A_9] : memref<2048x16xf32, #tpu.memory_space<vmem>>[vector<16xi32>, vector<16xi32>], vector<16xf32>,
        %mul3A_899 = arith.mulf %get3A_884, %gather3A_898 : vector<16xf32>
        %add3A_900 = arith.addf %add3A_842, %mul3A_899 : vector<16xf32>
        %gather3A_901 = tpu.vector_load_idx %arg9[%add3A_888, %broadcast_in_dim3A_11] : memref<2048x16xf32, #tpu.memory_space<vmem>>[vector<16xi32>, vector<16xi32>], vector<16xf32>,
        %mul3A_902 = arith.mulf %get3A_884, %gather3A_901 : vector<16xf32>
        %add3A_903 = arith.addf %add3A_845, %mul3A_902 : vector<16xf32>
        %gather3A_904 = tpu.vector_load_idx %arg9[%add3A_888, %broadcast_in_dim3A_13] : memref<2048x16xf32, #tpu.memory_space<vmem>>[vector<16xi32>, vector<16xi32>], vector<16xf32>,
        %mul3A_905 = arith.mulf %get3A_884, %gather3A_904 : vector<16xf32>
        %add3A_906 = arith.addf %add3A_848, %mul3A_905 : vector<16xf32>
        %gather3A_907 = tpu.vector_load_idx %arg9[%add3A_888, %broadcast_in_dim3A_15] : memref<2048x16xf32, #tpu.memory_space<vmem>>[vector<16xi32>, vector<16xi32>], vector<16xf32>,
        %mul3A_908 = arith.mulf %get3A_884, %gather3A_907 : vector<16xf32>
        %add3A_909 = arith.addf %add3A_851, %mul3A_908 : vector<16xf32>
        %gather3A_910 = tpu.vector_load_idx %arg9[%add3A_888, %broadcast_in_dim3A_17] : memref<2048x16xf32, #tpu.memory_space<vmem>>[vector<16xi32>, vector<16xi32>], vector<16xf32>,
        %mul3A_911 = arith.mulf %get3A_884, %gather3A_910 : vector<16xf32>
        %add3A_912 = arith.addf %add3A_854, %mul3A_911 : vector<16xf32>
        %gather3A_913 = tpu.vector_load_idx %arg9[%add3A_888, %broadcast_in_dim3A_19] : memref<2048x16xf32, #tpu.memory_space<vmem>>[vector<16xi32>, vector<16xi32>], vector<16xf32>,
        %mul3A_914 = arith.mulf %get3A_884, %gather3A_913 : vector<16xf32>
        %add3A_915 = arith.addf %add3A_857, %mul3A_914 : vector<16xf32>
        %gather3A_916 = tpu.vector_load_idx %arg9[%add3A_888, %broadcast_in_dim3A_21] : memref<2048x16xf32, #tpu.memory_space<vmem>>[vector<16xi32>, vector<16xi32>], vector<16xf32>,
        %mul3A_917 = arith.mulf %get3A_884, %gather3A_916 : vector<16xf32>
        %add3A_918 = arith.addf %add3A_860, %mul3A_917 : vector<16xf32>
        %gather3A_919 = tpu.vector_load_idx %arg9[%add3A_888, %broadcast_in_dim3A_23] : memref<2048x16xf32, #tpu.memory_space<vmem>>[vector<16xi32>, vector<16xi32>], vector<16xf32>,
        %mul3A_920 = arith.mulf %get3A_884, %gather3A_919 : vector<16xf32>
        %add3A_921 = arith.addf %add3A_863, %mul3A_920 : vector<16xf32>
        %gather3A_922 = tpu.vector_load_idx %arg9[%add3A_888, %broadcast_in_dim3A_25] : memref<2048x16xf32, #tpu.memory_space<vmem>>[vector<16xi32>, vector<16xi32>], vector<16xf32>,
        %mul3A_923 = arith.mulf %get3A_884, %gather3A_922 : vector<16xf32>
        %add3A_924 = arith.addf %add3A_866, %mul3A_923 : vector<16xf32>
        %gather3A_925 = tpu.vector_load_idx %arg9[%add3A_888, %broadcast_in_dim3A_27] : memref<2048x16xf32, #tpu.memory_space<vmem>>[vector<16xi32>, vector<16xi32>], vector<16xf32>,
        %mul3A_926 = arith.mulf %get3A_884, %gather3A_925 : vector<16xf32>
        %add3A_927 = arith.addf %add3A_869, %mul3A_926 : vector<16xf32>
        %gather3A_928 = tpu.vector_load_idx %arg9[%add3A_888, %broadcast_in_dim3A_29] : memref<2048x16xf32, #tpu.memory_space<vmem>>[vector<16xi32>, vector<16xi32>], vector<16xf32>,
        %mul3A_929 = arith.mulf %get3A_884, %gather3A_928 : vector<16xf32>
        %add3A_930 = arith.addf %add3A_872, %mul3A_929 : vector<16xf32>
        %gather3A_931 = tpu.vector_load_idx %arg9[%add3A_888, %broadcast_in_dim3A_31] : memref<2048x16xf32, #tpu.memory_space<vmem>>[vector<16xi32>, vector<16xi32>], vector<16xf32>,
        %mul3A_932 = arith.mulf %get3A_884, %gather3A_931 : vector<16xf32>
        %add3A_933 = arith.addf %add3A_875, %mul3A_932 : vector<16xf32>
        %gather3A_934 = tpu.vector_load_idx %arg9[%add3A_888, %broadcast_in_dim3A_33] : memref<2048x16xf32, #tpu.memory_space<vmem>>[vector<16xi32>, vector<16xi32>], vector<16xf32>,
        %mul3A_935 = arith.mulf %get3A_884, %gather3A_934 : vector<16xf32>
        %add3A_936 = arith.addf %add3A_878, %mul3A_935 : vector<16xf32>
        tpu.vector_store_idx %arg10[%add3A_441, %broadcast_in_dim3A_3], %add3A_891 : memref<256x16xf32, #tpu.memory_space<vmem>>[vector<16xi32>, vector<16xi32>], vector<16xf32>,
        tpu.vector_store_idx %arg10[%add3A_441, %broadcast_in_dim3A_5], %add3A_894 : memref<256x16xf32, #tpu.memory_space<vmem>>[vector<16xi32>, vector<16xi32>], vector<16xf32>,
        tpu.vector_store_idx %arg10[%add3A_441, %broadcast_in_dim3A_7], %add3A_897 : memref<256x16xf32, #tpu.memory_space<vmem>>[vector<16xi32>, vector<16xi32>], vector<16xf32>,
        tpu.vector_store_idx %arg10[%add3A_441, %broadcast_in_dim3A_9], %add3A_900 : memref<256x16xf32, #tpu.memory_space<vmem>>[vector<16xi32>, vector<16xi32>], vector<16xf32>,
        tpu.vector_store_idx %arg10[%add3A_441, %broadcast_in_dim3A_11], %add3A_903 : memref<256x16xf32, #tpu.memory_space<vmem>>[vector<16xi32>, vector<16xi32>], vector<16xf32>,
        tpu.vector_store_idx %arg10[%add3A_441, %broadcast_in_dim3A_13], %add3A_906 : memref<256x16xf32, #tpu.memory_space<vmem>>[vector<16xi32>, vector<16xi32>], vector<16xf32>,
        tpu.vector_store_idx %arg10[%add3A_441, %broadcast_in_dim3A_15], %add3A_909 : memref<256x16xf32, #tpu.memory_space<vmem>>[vector<16xi32>, vector<16xi32>], vector<16xf32>,
        tpu.vector_store_idx %arg10[%add3A_441, %broadcast_in_dim3A_17], %add3A_912 : memref<256x16xf32, #tpu.memory_space<vmem>>[vector<16xi32>, vector<16xi32>], vector<16xf32>,
        tpu.vector_store_idx %arg10[%add3A_441, %broadcast_in_dim3A_19], %add3A_915 : memref<256x16xf32, #tpu.memory_space<vmem>>[vector<16xi32>, vector<16xi32>], vector<16xf32>,
        tpu.vector_store_idx %arg10[%add3A_441, %broadcast_in_dim3A_21], %add3A_918 : memref<256x16xf32, #tpu.memory_space<vmem>>[vector<16xi32>, vector<16xi32>], vector<16xf32>,
        tpu.vector_store_idx %arg10[%add3A_441, %broadcast_in_dim3A_23], %add3A_921 : memref<256x16xf32, #tpu.memory_space<vmem>>[vector<16xi32>, vector<16xi32>], vector<16xf32>,
        tpu.vector_store_idx %arg10[%add3A_441, %broadcast_in_dim3A_25], %add3A_924 : memref<256x16xf32, #tpu.memory_space<vmem>>[vector<16xi32>, vector<16xi32>], vector<16xf32>,
        tpu.vector_store_idx %arg10[%add3A_441, %broadcast_in_dim3A_27], %add3A_927 : memref<256x16xf32, #tpu.memory_space<vmem>>[vector<16xi32>, vector<16xi32>], vector<16xf32>,
        tpu.vector_store_idx %arg10[%add3A_441, %broadcast_in_dim3A_29], %add3A_930 : memref<256x16xf32, #tpu.memory_space<vmem>>[vector<16xi32>, vector<16xi32>], vector<16xf32>,
        tpu.vector_store_idx %arg10[%add3A_441, %broadcast_in_dim3A_31], %add3A_933 : memref<256x16xf32, #tpu.memory_space<vmem>>[vector<16xi32>, vector<16xi32>], vector<16xf32>,
        tpu.vector_store_idx %arg10[%add3A_441, %broadcast_in_dim3A_33], %add3A_936 : memref<256x16xf32, #tpu.memory_space<vmem>>[vector<16xi32>, vector<16xi32>], vector<16xf32>,
      }
      %scan3A_430 = arith.constant 8 : i32
      "tpu.region"() ({
        %run_scoped3A = tpu.sem_alloc : memref<!tpu.dma_semaphore, #tpu.memory_space<semaphore_mem>>
        %dma_start3A_431 = arith.constant 0 : i32
        %dma_start3A_432 = tpu.memref_slice %arg5[%add3A_45, %dma_start3A_431] : memref<1048576x16xf32, #tpu.memory_space<hbm>> -> memref<256x16xf32, #tpu.memory_space<hbm>>
        %dma_start3A_433 = arith.constant 0 : i32
        %dma_start3A_434 = tpu.memref_slice %arg5[%add3A_45, %dma_start3A_433] : memref<1048576x16xf32, #tpu.memory_space<hbm>> -> memref<256x16xf32, #tpu.memory_space<hbm>>
        tpu.enqueue_dma source(%arg10 : memref<256x16xf32, #tpu.memory_space<vmem>>) target(%dma_start3A_434 : memref<256x16xf32, #tpu.memory_space<hbm>>) target_semaphore(%run_scoped3A : memref<!tpu.dma_semaphore, #tpu.memory_space<semaphore_mem>>)
        %dma_wait3A_435 = arith.constant 0 : i32
        %dma_wait3A_436 = tpu.memref_slice %arg5[%add3A_45, %dma_wait3A_435] : memref<1048576x16xf32, #tpu.memory_space<hbm>> -> memref<256x16xf32, #tpu.memory_space<hbm>>
        %dma_wait3A_437 = arith.constant 0 : i32
        %dma_wait3A_438 = tpu.memref_slice %arg5[%add3A_45, %dma_wait3A_437] : memref<1048576x16xf32, #tpu.memory_space<hbm>> -> memref<256x16xf32, #tpu.memory_space<hbm>>
        tpu.wait_dma2 semaphore(%run_scoped3A : memref<!tpu.dma_semaphore, #tpu.memory_space<semaphore_mem>>) src(%arg10 : memref<256x16xf32, #tpu.memory_space<vmem>>) dst(%dma_wait3A_438 : memref<256x16xf32, #tpu.memory_space<hbm>>)
        tpu.yield
      }) : () -> ()
    }
    %scan3A_37 = arith.constant 128 : i32
    return
  }
}

</mosaic_0001>

<sc_bundles>
// kernel: kernel.3.cloned.1.call-start
scs
__scs_entry_jumppad:
0x0: {  	(pc) =	sbr.rel $0x88, $3  }
0x1: {  	(tag) =	ssettag $0x0;
	lr =	simm.s32 $0x1  }
0x2: {  	[smem:$0x3F9D] =	sst lr;
	_ =	strace $0xD0000000  }
0x3: {  	_ = 	snop  }
0x4: {  	_ = 	snop  }
0x5: {  	_ = 	snop  }
0x6: {  	_ = 	snop  }
0x7: {  	_ = 	snop  }
__scs_overlays_trampoline_lowered:
0x8: {  	[smem:$0x3FAC] =	sst s0  }
0x9: {  	[smem:$0x3FAD] =	sst s1  }
0xa: {  	[smem:$0x3FAE] =	sst s2  }
0xb: {  	[smem:$0x3FAF] =	sst s3  }
0xc: {  	[smem:$0x3FB0] =	sst s4  }
0xd: {  	[smem:$0x3FB1] =	sst s5  }
0xe: {  	[smem:$0x3FB2] =	sst s6  }
0xf: {  	[smem:$0x3FB3] =	sst s7  }
0x10: {  	[smem:$0x3FB4] =	sst s8  }
0x11: {  	[smem:$0x3FB5] =	sst s9;
	s0 =	simm.s32 @!p0 $0x0  }
0x12: {  	s1 =	sld [smem:$0x3F9B];
	s0 =	simm.s32 @p0 $0x1  }
0x13: {  	[smem:$0x3FB6] =	sst s0;
	s0 =	simm.s32 @!p1 $0x0  }
0x14: {  	s2 =	sld [smem:$0x3F9A];
	s0 =	simm.s32 @p1 $0x1  }
0x15: {  	[smem:$0x3FB7] =	sst s0;
	s0 =	simm.s32 @!p2 $0x0  }
0x16: {  	s3 =	sld [smem:$0x3FDB];
	s0 =	simm.s32 @p2 $0x1  }
0x17: {  	s4 =	simm.s32 $0x1BF5;
	[smem:$0x3FB9] =	sst s0  }
0x18: {  	s0 =	sld [smem:$0x3F9C];
	_ =	swait.ge [sflag:s4], $0x0  }
0x19: {  	s7 =	sld [smem:$0x3F9D]  }
0x1a: {  	s8 =	sadd.s32 $0xFFFFE003, lr  }
0x1b: {  	s9 =	sadd.s32 $0xFFFFFEF7, lr;
	s5 =	simm.s32 $0xFFFFFFFF;
	p2 =	slt.u32 s8, $0xFFFFF086  }
0x1c: {  	p1 =	slt.u32 s9, $0xF7A;
	s5 =	simm.s32 @!p2 $0x0  }
0x1d: {  	s5 =	simm.s32 @p1 $0x1;
	p0 =	seq.s32 s7, s2  }
0x1e: {  	s7 =	smul.u32 @!p0 $0xF7A, s2;
	p2 =	seq.s32 @!p0 s5, $0x0  }
0x1f: {  	s9 =	smul.u32 $0xF7A, s1;
	s8 =	simm.s32 @!p0 $0x1BF5;
	p2 =	por !p2, p0  }
0x20: {  	[sflag:s8] =	ssyncset.s32 @!p0 $0xFFFFF086;
	s6 =	sadd.s32 @!p0 s3, s7;
	s7 =	simm.s32 @!p0 $0x108  }
0x21: {  	s3 =	sadd.s32 s3, s9;
	s6 =	sadd.s32 @!p0 $0x88, s6;
	s7 =	simm.s32 @p2 $0x1082  }
0x22: {  	[simem:s7], [sflag:s8] =	dma.local @!p0 [hbm:s6], $0xF7A  }
0x23: {  	s9 =	sor.u32 $0xD0000000, s2;
	s6 =	simm.s32 $0x108;
	_ =	swait.ge @!p0 [sflag:s8], $0x0  }
0x24: {  	s3 =	sadd.s32 $0x88, s3;
	s6 =	simm.s32 @!p1 $0x1082;
	[sflag:s4] =	ssyncset.s32 $0xFFFFF086  }
0x25: {  	[simem:s6], [sflag:s4] =	dma.local [hbm:s3], $0xF7A  }
0x26: {  	[smem:$0x3F9D] =	sst s1;
	(tag) =	ssettag s2;
	_ =	strace s9  }
0x27: {  	s1 =	sld [smem:$0x3FAD]  }
0x28: {  	s2 =	sld [smem:$0x3FAE]  }
0x29: {  	s4 =	sld [smem:$0x3FB0]  }
0x2a: {  	p0 =	seq.s32 s5, $0x0;
	s5 =	sld [smem:$0x3FB1]  }
0x2b: {  	s6 =	sld [smem:$0x3FB2]  }
0x2c: {  	s7 =	sld [smem:$0x3FB3]  }
0x2d: {  	s3 =	simm.s32 $0x108;
	s8 =	sld [smem:$0x3FB4]  }
0x2e: {  	s3 =	simm.s32 @!p0 $0x1082;
	s9 =	sld [smem:$0x3FB5]  }
0x2f: {  	lr =	sadd.s32 s0, s3;
	s0 =	sld [smem:$0x3FAC]  }
0x30: {  	s3 =	sld [smem:$0x3FAF]  }
0x31: {  	[smem:$0x3FB8] =	sst s10  }
0x32: {  	s10 =	sld [smem:$0x3FB6];
	_ =	sdelay $0x3  }
0x33: {  	p0 =	seq.s32 s10, $0x1;
	s10 =	sld [smem:$0x3FB8];
	_ =	sdelay $0x3  }
0x34: {  	[smem:$0x3FB8] =	sst s10  }
0x35: {  	s10 =	sld [smem:$0x3FB7];
	_ =	sdelay $0x3  }
0x36: {  	p1 =	seq.s32 s10, $0x1;
	s10 =	sld [smem:$0x3FB8];
	_ =	sdelay $0x3  }
0x37: {  	[smem:$0x3FB8] =	sst s10  }
0x38: {  	s10 =	sld [smem:$0x3FB9]  }
0x39: {  	_ = 	snop;
	(pc) =	sbr.ind lr, $3  }
0x3a: {  	_ = 	snop  }
0x3b: {  	_ = 	snop  }
0x3c: {  	p2 =	seq.s32 s10, $0x1;
	s10 =	sld [smem:$0x3FB8]  }
0x3d: {  	_ =	shalt  }
0x3e: {  	_ =	shalt  }
0x3f: {  	_ =	shalt  }
0x40: {  	_ =	shalt  }
0x41: {  	_ =	shalt  }
0x42: {  	_ =	shalt  }
0x43: {  	_ =	shalt  }
0x44: {  	_ =	shalt  }
0x45: {  	_ =	shalt  }
0x46: {  	_ =	shalt  }
0x47: {  	_ =	shalt  }
0x48: {  	_ =	shalt  }
0x49: {  	_ =	shalt  }
0x4a: {  	_ =	shalt  }
0x4b: {  	_ =	shalt  }
0x4c: {  	_ =	shalt  }
0x4d: {  	_ =	shalt  }
0x4e: {  	_ =	shalt  }
0x4f: {  	_ =	shalt  }
0x50: {  	_ =	shalt  }
0x51: {  	_ =	shalt  }
0x52: {  	_ =	shalt  }
0x53: {  	_ =	shalt  }
0x54: {  	_ =	shalt  }
0x55: {  	_ =	shalt  }
0x56: {  	_ =	shalt  }
0x57: {  	_ =	shalt  }
0x58: {  	_ =	shalt  }
0x59: {  	_ =	shalt  }
0x5a: {  	_ =	shalt  }
0x5b: {  	_ =	shalt  }
0x5c: {  	_ =	shalt  }
0x5d: {  	_ =	shalt  }
0x5e: {  	_ =	shalt  }
0x5f: {  	_ =	shalt  }
0x60: {  	_ =	shalt  }
0x61: {  	_ =	shalt  }
0x62: {  	_ =	shalt  }
0x63: {  	_ =	shalt  }
0x64: {  	_ =	shalt  }
0x65: {  	_ =	shalt  }
0x66: {  	_ =	shalt  }
0x67: {  	_ =	shalt  }
0x68: {  	_ =	shalt  }
0x69: {  	_ =	shalt  }
0x6a: {  	_ =	shalt  }
0x6b: {  	_ =	shalt  }
0x6c: {  	_ =	shalt  }
0x6d: {  	_ =	shalt  }
0x6e: {  	_ =	shalt  }
0x6f: {  	_ =	shalt  }
0x70: {  	_ =	shalt  }
0x71: {  	_ =	shalt  }
0x72: {  	_ =	shalt  }
0x73: {  	_ =	shalt  }
0x74: {  	_ =	shalt  }
0x75: {  	_ =	shalt  }
0x76: {  	_ =	shalt  }
0x77: {  	_ =	shalt  }
0x78: {  	_ =	shalt  }
0x79: {  	_ =	shalt  }
0x7a: {  	_ =	shalt  }
0x7b: {  	_ =	shalt  }
0x7c: {  	_ =	shalt  }
0x7d: {  	_ =	shalt  }
0x7e: {  	_ =	shalt  }
0x7f: {  	_ =	shalt  }
0x80: {  	_ =	shalt  }
0x81: {  	_ =	shalt  }
0x82: {  	_ =	shalt  }
0x83: {  	_ =	shalt  }
0x84: {  	_ =	shalt  }
0x85: {  	_ =	shalt  }
0x86: {  	_ =	shalt  }
0x87: {  	_ =	shalt  }
.Lfunc_end0:
.L_simem_size_0:
called_computation.1_lowered:
.L_overlay_start_0:
0x88: {  	s2 =	sld [smem:$0x3FD9]  }
0x89: {  	s3 =	sld [smem:$0x3FFE];
	_ =	sdelay $0x1  }
0x8a: {  	s1 =	srdreg.scid  }
0x8b: {  	s0 =	sand.u32 $0x1, s1  }
0x8c: {  	s17 =	sshll.u32 s0, $0xA;
	s2 =	sadd.s32 s3, s2  }
0x8d: {  	s2 =	sadd.s32 s2, s17  }
0x8e: {  	[smem:$0x3FC4] =	sst s2  }
0x8f: {  	_ = 	snop  }
0x90: {  	s2 =	sld [smem:$0x3FD0];
	(tm) =	ssettm $0x1  }
0x91: {  	s18 =	sld [smem:$0x3FFB];
	_ =	sdelay $0x3  }
0x92: {  	_ =	strace s18  }
0x93: {  	s3 =	sld [smem:$0x3FFC];
	_ =	sdelay $0x3  }
0x94: {  	_ =	strace s3  }
0x95: {  	s3 =	sld [smem:$0x3FFD];
	_ =	sdelay $0x3  }
0x96: {  	_ =	strace s3  }
0x97: {  	_ =	strace $0x8FFFFFFF  }
0x98: {  	s19 =	sld [smem:$0x3FDB];
	_ =	sdelay $0x1  }
0x99: {  	s4 =	simm.s32 $_scs_section_size  }
0x9a: {  	s5 =	simm.s32 $_size__tile_overlayer_lowered;
	s6 =	simm.s32 $_tile_overlayer_lowered  }
0x9b: {  	s22 =	simm.s32 $0x1BFF;
	s21 =	sshll.u32 s6, $0x1;
	s3 =	sadd.s32 s4, s19  }
0x9c: {  	s7 =	simm.s32 $0x0;
	s20 =	sshll.u32 s5, $0x1;
	s5 =	sadd.s32 s21, s3  }
0x9d: {  	[timem:s7], [sflag:s22] =	dma.local [hbm:s5], s20  }
0x9e: {  	_ =	swait.ge [sflag:s22], s20  }
0x9f: {  	s4 =	ssub.s32 $0x0, s20;
	[sflag:s22] =	ssyncset.done $0x0  }
0xa0: {  	[sflag:s22] =	ssyncadd.s32 s4;
	_ =	sdelay $0x1  }
0xa1: {  	s23 =	simm.s32 $0x1B8B  }
0xa2: {  	_ =	swait.ge [sflag:s23], $0x1  }
0xa3: {  	[sflag:s23] =	ssyncset.done $0x0  }
0xa4: {  	s25 =	simm.s32 $0x1B8E;
	s24 =	sld [smem:$0x3FFE];
	[sflag:s23] =	ssyncadd.s32 $0xFFFFFFFF  }
0xa5: {  	s26 =	simm.s32 $execute0_lowered;
	[smem:$0x3FD2] =	sst s25  }
0xa6: {  	s5 =	sshll.u32 s26, $0x1;
	_ =	strace $0x80000046;
	[dreg:$0x1] =	wrdreg $0xFFFFFFFF  }
0xa7: {  	s28 =	simm.s32 $_size_execute0_lowered;
	s3 =	sadd.s32 s3, s5;
	[dreg:$0x0] =	wrdreg $0x0  }
0xa8: {  	s5 =	sshll.u32 s28, $0x1;
	[dreg:$0x2] =	wrdreg s3  }
0xa9: {  	[dreg:$0x3] =	wrdreg s5  }
0xaa: {  	[dreg:$0x4] =	wrdreg $0xC0  }
0xab: {  	_ =	task [dreg:s7], $0x5FFFF  }
0xac: {  	[dreg:$0x1] =	wrdreg $0xFFFFFFFF  }
0xad: {  	[dreg:$0x0] =	wrdreg $0x60  }
0xae: {  	[dreg:$0x2] =	wrdreg s24  }
0xaf: {  	[dreg:$0x3] =	wrdreg s2  }
0xb0: {  	[dreg:$0x4] =	wrdreg $0x9  }
0xb1: {  	_ =	task.clear_ibuf [dreg:s7], $0x5FFFF;
	_ =	strace $0x90000046  }
0xb2: {  	s29 =	simm.s32 $0x9;
	_ =	strace $0x80000048  }
0xb3: {  	_ =	swait.ge [sflag:s29], $0x1  }
0xb4: {  	[sflag:s29] =	ssyncadd.s32 $0xFFFFFFFF  }
0xb5: {  	_ =	strace $0x90000048  }
0xb6: {  	_ =	sfence  }
0xb7: {  	s30 =	sld [smem:$0x0];
	_ =	sdelay $0x2  }
0xb8: {  	s31 =	sshll.u32 s1, $0xD;
	s1 =	sshrl.u32 s1, $0x2  }
0xb9: {  	s3 =	sand.u32 $0x4000, s31;
	s1 =	sadd.s32 s1, s30  }
0xba: {  	s0 =	sor.u32 s3, s0;
	s1 =	sshll.u32 s1, $0x11  }
0xbb: {  	s0 =	sor.u32 s1, s0  }
0xbc: {  	s0 =	sadd.s32 $0x8F2B, s0  }
0xbd: {  	[sflag:s0] =	ssyncadd.remote.s32 $0x1  }
0xbe: {  	_ =	sfence.sel $0xFFFF  }
0xbf: {  	[dreg:$0x0] =	wrdreg $0xFFFFFFFF;
	(pc) =	sbr.abs _section_cstart, $3  }
0xc0: {  	[dreg:$0x1] =	wrdreg $0xFFFFFFFF  }
0xc1: {  	_ =	task.clear_ibuf [dreg:s7], $0x2FFFF;
	_ =	strace $0x9FFFFFFF  }
0xc2: {  	(tm) =	ssettm $0x7FFFFFFF  }
0xc3: {  	_ =	shalt  }
tec
execute0_lowered:
.L_overlay_start_1:
0x0: {  	(tag) =	ssettag $0x1  }
0x1: {  	s0 =	rddreg [dreg:$0x0];
	s2 =	simm.s32 $0x0;
	s1 =	srdreg.scid  }
0x2: {  	s7 =	stileid.u32;
	s12 =	simm.s32 $0x2;
	s15 =	simm.s32 $0x80  }
0x3: {  	s17 =	simm.s32 $0x1300;
	s10 =	simm.s32 $0x800;
	s13 =	simm.s32 $0x880  }
0x4: {  	s14 =	simm.s32 $0x6B00;
	s16 =	simm.s32 $0x900;
	s18 =	simm.s32 $0x7300  }
0x5: {  	s19 =	simm.s32 $0x980;
	s20 =	simm.s32 $0x7B00;
	s21 =	simm.s32 $0xA00  }
0x6: {  	s22 =	simm.s32 $0x8300;
	s23 =	simm.s32 $0xA80;
	s24 =	simm.s32 $0x8B00  }
0x7: {  	s25 =	simm.s32 $0x1;
	s26 =	simm.s32 $0x9300;
	[smem:$0x7FF] =	sst s2  }
0x8: {  	s4 =	sadd.s32 $0x1200, s0;
	s1 =	sand.u32 $0x1, s1;
	s5 =	sadd.s32 $0x3E81200, s0  }
0x9: {  	s7 =	sshll.u32 s7, $0x10;
	s8 =	sadd.s32 $0x1000, s0;
	s3 =	ssub.s32 $0x2, s1  }
0xa: {  	v0 =	vlaneseq.u32;
	s9 =	sadd.s32 $0x41200, s0;
	_ =	strace $0x80000047;
	s6 =	sshrl.u32 s3, $0x1  }
0xb: {  	v54 =	vmul.u32 $0x10, v0;
	s1 =	sshll.u32 s1, $0xF;
	[dreg:$0x3] =	wrdreg s8;
	s3 =	ssub.s32 s3, s6  }
0xc: {  	s8 =	sadd.s32 $0x21200, s0;
	s7 =	sor.u32 s1, s7;
	s31 =	smax.u32 s3, $0x1  }
0xd: {  	s1 =	simm.s32 $0x6300;
	[tilespmem:$0x1FFF0] =	vst v54;
	s3 =	simm.s32 $0x0;
	[dreg:$0x4] =	wrdreg s31  }
.LBB2_1:
0xe: {  	[dreg:$0x5] =	wrdreg s3  }
0xf: {  	s0 =	rddreg [dreg:$0x3];
	s31 =	simm.s32 $0xA300  }
0x10: {  	[tilespmem:s31], [sflag:$0x2] =	stream.linear.gather [hbm4b:s0+s2], $0x80, $0x38;
	[tilespmem:$0xA380] =	vst v63  }
0x11: {  	_ =	swait.ge [sflag:s12], $0x80  }
0x12: {  	[sflag:s12] =	ssyncset.done $0x0  }
0x13: {  	s28 =	simm.s32 $0x0;
	[sflag:s12] =	ssyncadd.s32 $0xFFFFFF80  }
.LBB2_2:
0x14: {  	s0 =	sshll.u32 s28, $0x8  }
0x15: {  	s29 =	sadd.s32 s7, s0  }
0x16: {  	s0 =	sshrl.u32 s29, $0x3  }
0x17: {  	s6 =	simm.s32 $0x0;
	s3 =	sadd.s32 s4, s0  }
0x18: {  	[tilespmem:s6], [sflag:$0x2] =	stream.linear.gather [hbm4b:s3+s6], $0x100, $0x38;
	[tilespmem:$0xA380] =	vst v63  }
0x19: {  	_ =	swait.ge [sflag:s12], $0x100  }
0x1a: {  	[sflag:s12] =	ssyncset.done $0x0  }
0x1b: {  	s11 =	simm.s32 $0x100;
	s3 =	sadd.s32 s0, s8;
	[sflag:s12] =	ssyncadd.s32 $0xFFFFFF00  }
0x1c: {  	[tilespmem:s11], [sflag:$0x2] =	stream.linear.gather [hbm4b:s3+s6], $0x100, $0x38;
	[tilespmem:$0xA380] =	vst v63  }
0x1d: {  	_ =	swait.ge [sflag:s12], $0x100  }
0x1e: {  	[sflag:s12] =	ssyncset.done $0x0  }
0x1f: {  	s0 =	sadd.s32 s0, s9;
	s11 =	simm.s32 $0x200;
	[sflag:s12] =	ssyncadd.s32 $0xFFFFFF00  }
0x20: {  	[tilespmem:s11], [sflag:$0x2] =	stream.linear.gather [hbm4b:s0+s6], $0x100, $0x38;
	[tilespmem:$0xA380] =	vst v63  }
0x21: {  	_ =	swait.ge [sflag:s12], $0x100  }
0x22: {  	[sflag:s12] =	ssyncset.done $0x0  }
0x23: {  	[sflag:s12] =	ssyncadd.s32 $0xFFFFFF00  }
0x24: {  	v3 =	vld [tilespmem:$0xA300]  }
0x25: {  	v6 =	vld [tilespmem:$0xA310]  }
0x26: {  	s31 =	simm.s32 $0x0;
	v1 =	vld [tilespmem:$0xA320]  }
0x27: {  	v0 =	vld [tilespmem:s31+$0x100]  }
0x28: {  	v5 =	vld [tilespmem:$0xA340]  }
0x29: {  	v7 =	vld [tilespmem:s31+$0x0]  }
0x2a: {  	v4 =	vld [tilespmem:$0xA330]  }
0x2b: {  	v8 =	vld [tilespmem:s31+$0x200];
	_ =	sdelay $0x1  }
0x2c: {  	v2 =	vld [tilespmem:$0xA350];
	v0 =	vmul.f32 v0, v6  }
0x2d: {  	v7 =	vmul.f32 v7, v3  }
0x2e: {  	v0 =	vadd.f32 v0, v5  }
0x2f: {  	v8 =	vmul.f32 v8, v1;
	v7 =	vadd.f32 v7, v4  }
0x30: {  	v9 =	vtrunc.f32 v0  }
0x31: {  	v8 =	vadd.f32 v8, v2;
	v10 =	vtrunc.f32 v7;
	v9 =	vcvt.f32.s32 v9  }
0x32: {  	v10 =	vcvt.f32.s32 v10  }
0x33: {  	v12 =	vtrunc.f32 v8;
	v11 =	vcvt.s32.f32 v9  }
0x34: {  	v12 =	vcvt.f32.s32 v12;
	v13 =	vcvt.s32.f32 v10  }
0x35: {  	s30 =	simm.s32 $0x10;
	v9 =	vmul.u32 $0xA0, v9;
	v0 =	vsub.f32 v0, v11  }
0x36: {  	v10 =	vmul.u32 $0x6400, v10;
	v11 =	vld [tilespmem:s30+$0x100];
	v7 =	vsub.f32 v7, v13;
	v13 =	vcvt.s32.f32 v12  }
0x37: {  	v14 =	vsub.f32 $1.000000000e+00, v0  }
0x38: {  	v9 =	vadd.s32 v10, v9;
	v10 =	vld [tilespmem:s30+$0x0];
	v13 =	vsub.f32 v8, v13;
	v8 =	vsub.f32 $1.000000000e+00, v7  }
0x39: {  	v18 =	vadd.s32 v12, v9;
	v9 =	vmul.f32 v0, v7  }
0x3a: {  	v12 =	vld [tilespmem:s30+$0x200];
	v15 =	vmul.f32 v14, v7;
	v16 =	vsub.f32 $1.000000000e+00, v13;
	v7 =	vmul.f32 v14, v8  }
0x3b: {  	v0 =	vmul.f32 v0, v8;
	v11 =	vmul.f32 v11, v6  }
0x3c: {  	[tilespmem:s31+$0x300] =	vst v18;
	v20 =	vadd.s32 $0xA0, v18;
	v14 =	vmul.f32 v15, v13;
	v17 =	vmul.f32 v16, v7  }
0x3d: {  	[tilespmem:s31+$0x500] =	vst v20;
	v8 =	vadd.s32 $0x1, v18;
	v19 =	vmul.f32 v7, v13;
	v7 =	vmul.f32 v10, v3  }
0x3e: {  	v10 =	vmul.f32 v16, v0;
	v15 =	vmul.f32 v16, v15;
	[tilespmem:s31+$0x1000] =	vst v14;
	v14 =	vadd.f32 v11, v5  }
0x3f: {  	[tilespmem:s31+$0x400] =	vst v8;
	v8 =	vmul.f32 v12, v1;
	v16 =	vmul.f32 v16, v9  }
0x40: {  	v9 =	vmul.f32 v13, v9;
	[tilespmem:s31+$0xB00] =	vst v17;
	v7 =	vadd.f32 v7, v4;
	v12 =	vtrunc.f32 v14  }
0x41: {  	v11 =	vmul.f32 v13, v0;
	[tilespmem:s31+$0xC00] =	vst v19;
	v12 =	vcvt.f32.s32 v12  }
0x42: {  	v0 =	vadd.s32 $0xA1, v18;
	[tilespmem:s31+$0xD00] =	vst v10;
	v8 =	vadd.f32 v8, v2;
	v17 =	vtrunc.f32 v7  }
0x43: {  	v10 =	vadd.s32 $0x6400, v18;
	[tilespmem:s31+$0xF00] =	vst v15;
	v17 =	vcvt.f32.s32 v17;
	v19 =	vcvt.s32.f32 v12  }
0x44: {  	v13 =	vadd.s32 $0x6401, v18;
	[tilespmem:s31+$0x1100] =	vst v16;
	v15 =	vmul.u32 $0xA0, v12;
	v12 =	vtrunc.f32 v8  }
0x45: {  	s3 =	simm.s32 $0x20;
	[tilespmem:s31+$0x1200] =	vst v9;
	v16 =	vcvt.s32.f32 v17;
	v12 =	vcvt.f32.s32 v12;
	v9 =	vsub.f32 v14, v19  }
0x46: {  	s6 =	simm.s32 $0xC0;
	s11 =	simm.s32 $0x0;
	s0 =	simm.s32 $0x10;
	[tilespmem:s31+$0xE00] =	vst v11;
	v11 =	vadd.s32 $0x64A0, v18;
	v17 =	vmul.u32 $0x6400, v17;
	v14 =	vadd.s32 $0x64A1, v18  }
.LBB2_3:
0x47: {  	p0 =	sne.s32 s6, $0x1C0;
	v18 =	vld [tilespmem:s3+$0x100];
	v7 =	vsub.f32 v7, v16;
	v16 =	vcvt.s32.f32 v12;
	v19 =	vsub.f32 $1.000000000e+00, v9;
	[tilespmem:s11+$0x600] =	vst v0  }
0x48: {  	v0 =	vadd.s32 v17, v15;
	[tilespmem:s11+$0x700] =	vst v10  }
0x49: {  	v10 =	vld [tilespmem:s3+$0x0];
	v15 =	vsub.f32 v8, v16;
	v8 =	vsub.f32 $1.000000000e+00, v7;
	v16 =	vmul.f32 v19, v7;
	[tilespmem:s11+$0x800] =	vst v13  }
0x4a: {  	v20 =	vadd.s32 v12, v0;
	v12 =	vmul.f32 v9, v7;
	[tilespmem:s11+$0x900] =	vst v11  }
0x4b: {  	v11 =	vld [tilespmem:s3+$0x200];
	v13 =	vsub.f32 $1.000000000e+00, v15;
	v0 =	vmul.f32 v19, v8;
	v7 =	vmul.f32 v16, v15;
	[tilespmem:s11+$0xA00] =	vst v14;
	s11 =	smov.u32 s0;
	s0 =	smov.u32 s3  }
0x4c: {  	v8 =	vmul.f32 v9, v8;
	v9 =	vadd.s32 $0x1, v20;
	v14 =	vmul.f32 v18, v6;
	[tilespmem:s11+$0x300] =	vst v20  }
0x4d: {  	v18 =	vadd.s32 $0xA0, v20;
	v17 =	vmul.f32 v13, v0;
	v19 =	vmul.f32 v0, v15;
	[tilespmem:s11+$0x1000] =	vst v7  }
0x4e: {  	v21 =	vmul.f32 v13, v8;
	v7 =	vmul.f32 v10, v3;
	v14 =	vadd.f32 v14, v5;
	[tilespmem:s11+$0x400] =	vst v9  }
0x4f: {  	v0 =	vadd.s32 $0xA1, v20;
	v16 =	vmul.f32 v13, v16;
	v9 =	vmul.f32 v15, v8;
	[tilespmem:s11+$0xB00] =	vst v17  }
0x50: {  	v7 =	vadd.f32 v7, v4;
	v8 =	vmul.f32 v11, v1;
	v10 =	vtrunc.f32 v14;
	[tilespmem:s11+$0xC00] =	vst v19  }
0x51: {  	v17 =	vmul.f32 v13, v12;
	v11 =	vcvt.f32.s32 v10;
	v10 =	vadd.s32 $0x6400, v20;
	[tilespmem:s11+$0xD00] =	vst v21  }
.Ltmp0:
0x52: {  	v19 =	vmul.f32 v15, v12;
	v8 =	vadd.f32 v8, v2;
	v13 =	vtrunc.f32 v7;
	[tilespmem:s11+$0xE00] =	vst v9;
	(pc) =	sbr.rel @p0 .LBB2_3-.Ltmp0, $4  }
0x53: {  	v21 =	vcvt.f32.s32 v13;
	v9 =	vcvt.s32.f32 v11;
	v15 =	vmul.u32 $0xA0, v11;
	[tilespmem:s11+$0xF00] =	vst v16  }
0x54: {  	v13 =	vadd.s32 $0x6401, v20;
	v11 =	vadd.s32 $0x64A0, v20;
	v12 =	vtrunc.f32 v8;
	[tilespmem:s11+$0x1100] =	vst v17  }
0x55: {  	v12 =	vcvt.f32.s32 v12;
	v16 =	vcvt.s32.f32 v21;
	v9 =	vsub.f32 v14, v9;
	[tilespmem:s11+$0x1200] =	vst v19  }
0x56: {  	s3 =	sshra.s32 s6, $0x2;
	s6 =	sadd.s32 $0x40, s6;
	v17 =	vmul.u32 $0x6400, v21;
	v14 =	vadd.s32 $0x64A1, v20;
	[tilespmem:s11+$0x500] =	vst v18  }
0x57: {  	v18 =	vld [tilespmem:s3+$0x100];
	[tilespmem:s11+$0x600] =	vst v0;
	v0 =	vsub.f32 v7, v16;
	v7 =	vcvt.s32.f32 v12  }
0x58: {  	[tilespmem:s11+$0x700] =	vst v10;
	v10 =	vsub.f32 $1.000000000e+00, v9  }
0x59: {  	v16 =	vld [tilespmem:s3+$0x0];
	v15 =	vadd.s32 v17, v15;
	[tilespmem:s11+$0x800] =	vst v13;
	v7 =	vsub.f32 v8, v7;
	v8 =	vsub.f32 $1.000000000e+00, v0  }
0x5a: {  	[tilespmem:s11+$0x900] =	vst v11;
	v13 =	vmul.f32 v10, v0;
	v11 =	vadd.s32 v12, v15  }
0x5b: {  	v0 =	vmul.f32 v9, v0;
	v12 =	vld [tilespmem:s3+$0x200];
	[tilespmem:s11+$0xA00] =	vst v14;
	v15 =	vsub.f32 $1.000000000e+00, v7;
	v10 =	vmul.f32 v10, v8  }
0x5c: {  	[tilespmem:s0+$0x300] =	vst v11;
	v17 =	vmul.f32 v13, v7;
	v8 =	vmul.f32 v9, v8;
	v9 =	vadd.s32 $0x1, v11  }
0x5d: {  	v14 =	vmul.f32 v18, v6;
	[tilespmem:s0+$0x400] =	vst v9;
	v18 =	vmul.f32 v15, v10  }
0x5e: {  	v10 =	vmul.f32 v10, v7;
	[tilespmem:s0+$0x1000] =	vst v17;
	v16 =	vmul.f32 v16, v3  }
0x5f: {  	v17 =	vmul.f32 v15, v8;
	v8 =	vmul.f32 v7, v8;
	v14 =	vadd.f32 v14, v5;
	[tilespmem:s0+$0xB00] =	vst v18  }
0x60: {  	v9 =	vmul.f32 v15, v13;
	v12 =	vmul.f32 v12, v1;
	v13 =	vadd.f32 v16, v4;
	[tilespmem:s0+$0xC00] =	vst v10  }
0x61: {  	v15 =	vmul.f32 v15, v0;
	[tilespmem:s0+$0xD00] =	vst v17;
	v16 =	vtrunc.f32 v14  }
0x62: {  	[tilespmem:s0+$0xE00] =	vst v8;
	v12 =	vadd.f32 v12, v2;
	v10 =	vcvt.f32.s32 v16;
	v16 =	vtrunc.f32 v13  }
0x63: {  	v0 =	vmul.f32 v7, v0;
	[tilespmem:s0+$0xF00] =	vst v9;
	v7 =	vcvt.f32.s32 v16  }
0x64: {  	v9 =	vadd.s32 $0xA0, v11;
	[tilespmem:s0+$0x1100] =	vst v15;
	v17 =	vtrunc.f32 v12;
	v8 =	vcvt.s32.f32 v10  }
0x65: {  	[tilespmem:s0+$0x1200] =	vst v0;
	v0 =	vadd.s32 $0x6400, v11;
	v15 =	vcvt.f32.s32 v17;
	v17 =	vcvt.s32.f32 v7  }
0x66: {  	[tilespmem:s0+$0x500] =	vst v9;
	v16 =	vadd.s32 $0xA1, v11;
	v10 =	vmul.u32 $0xA0, v10;
	v8 =	vsub.f32 v14, v8  }
0x67: {  	[tilespmem:s0+$0x700] =	vst v0;
	v7 =	vmul.u32 $0x6400, v7;
	v9 =	vsub.f32 v13, v17;
	v13 =	vcvt.s32.f32 v15  }
0x68: {  	[tilespmem:s0+$0x600] =	vst v16;
	v16 =	vadd.s32 $0x6401, v11;
	v17 =	vadd.s32 $0x64A0, v11;
	v14 =	vsub.f32 $1.000000000e+00, v8  }
0x69: {  	[tilespmem:s0+$0x800] =	vst v16;
	v7 =	vadd.s32 v7, v10;
	v0 =	vsub.f32 v12, v13;
	v10 =	vsub.f32 $1.000000000e+00, v9  }
0x6a: {  	v11 =	vadd.s32 $0x64A1, v11;
	[tilespmem:s0+$0x900] =	vst v17;
	v12 =	vmul.f32 v14, v9  }
0x6b: {  	v7 =	vadd.s32 v15, v7;
	[tilespmem:s0+$0xA00] =	vst v11;
	v13 =	vsub.f32 $1.000000000e+00, v0;
	v14 =	vmul.f32 v14, v10  }
0x6c: {  	[tilespmem:s3+$0x300] =	vst v7;
	v11 =	vadd.s32 $0x1, v7;
	v15 =	vmul.f32 v12, v0  }
0x6d: {  	[tilespmem:s3+$0x400] =	vst v11;
	v10 =	vmul.f32 v8, v10;
	v16 =	vmul.f32 v13, v14  }
0x6e: {  	v14 =	vmul.f32 v14, v0;
	[tilespmem:s3+$0x1000] =	vst v15  }
0x6f: {  	v11 =	vmul.f32 v13, v10;
	[tilespmem:s3+$0xB00] =	vst v16  }
0x70: {  	v8 =	vmul.f32 v8, v9;
	v9 =	vmul.f32 v0, v10;
	[tilespmem:s3+$0xC00] =	vst v14  }
0x71: {  	v10 =	vmul.f32 v13, v12;
	[tilespmem:s3+$0xD00] =	vst v11  }
0x72: {  	v0 =	vmul.f32 v0, v8;
	[tilespmem:s3+$0xE00] =	vst v9  }
0x73: {  	[tilespmem:s3+$0xF00] =	vst v10  }
0x74: {  	v11 =	vmul.f32 v13, v8;
	v8 =	vadd.s32 $0xA0, v7;
	[tilespmem:s3+$0x1200] =	vst v0  }
0x75: {  	v0 =	vadd.s32 $0xA1, v7;
	[tilespmem:s3+$0x500] =	vst v8  }
0x76: {  	[tilespmem:s3+$0x600] =	vst v0  }
0x77: {  	v8 =	vadd.s32 $0x6400, v7;
	[tilespmem:s3+$0x1100] =	vst v11  }
0x78: {  	v0 =	vadd.s32 $0x6401, v7;
	[tilespmem:s3+$0x700] =	vst v8  }
0x79: {  	v8 =	vadd.s32 $0x64A0, v7;
	[tilespmem:s3+$0x800] =	vst v0  }
0x7a: {  	v0 =	vadd.s32 $0x64A1, v7;
	[tilespmem:s3+$0x900] =	vst v8  }
0x7b: {  	[tilespmem:s3+$0xA00] =	vst v0  }
0x7c: {  	v0 =	vld [tilespmem:s31+$0x180]  }
0x7d: {  	v7 =	vld [tilespmem:s31+$0x80];
	_ =	sdelay $0x1  }
0x7e: {  	v8 =	vld [tilespmem:s31+$0x280];
	_ =	sdelay $0x1  }
0x7f: {  	v0 =	vmul.f32 v0, v6  }
0x80: {  	v7 =	vmul.f32 v7, v3  }
0x81: {  	v0 =	vadd.f32 v0, v5  }
0x82: {  	v8 =	vmul.f32 v8, v1;
	v7 =	vadd.f32 v7, v4  }
0x83: {  	v9 =	vtrunc.f32 v0  }
0x84: {  	v8 =	vadd.f32 v8, v2;
	v10 =	vtrunc.f32 v7;
	v9 =	vcvt.f32.s32 v9  }
0x85: {  	v10 =	vcvt.f32.s32 v10  }
0x86: {  	v12 =	vtrunc.f32 v8;
	v11 =	vcvt.s32.f32 v9  }
0x87: {  	v12 =	vcvt.f32.s32 v12;
	v13 =	vcvt.s32.f32 v10  }
0x88: {  	v9 =	vmul.u32 $0xA0, v9;
	v0 =	vsub.f32 v0, v11  }
0x89: {  	v10 =	vmul.u32 $0x6400, v10;
	v11 =	vld [tilespmem:s30+$0x180];
	v7 =	vsub.f32 v7, v13;
	v13 =	vcvt.s32.f32 v12  }
0x8a: {  	v14 =	vsub.f32 $1.000000000e+00, v0  }
0x8b: {  	v9 =	vadd.s32 v10, v9;
	v10 =	vld [tilespmem:s30+$0x80];
	v13 =	vsub.f32 v8, v13;
	v8 =	vsub.f32 $1.000000000e+00, v7  }
0x8c: {  	v18 =	vadd.s32 v12, v9;
	v12 =	vld [tilespmem:s30+$0x280];
	v9 =	vmul.f32 v0, v7;
	v15 =	vmul.f32 v14, v7  }
0x8d: {  	v16 =	vsub.f32 $1.000000000e+00, v13;
	v7 =	vmul.f32 v14, v8;
	v0 =	vmul.f32 v0, v8  }
0x8e: {  	[tilespmem:s31+$0x380] =	vst v18;
	v21 =	vadd.s32 $0xA0, v18;
	v11 =	vmul.f32 v11, v6;
	v14 =	vmul.f32 v15, v13  }
0x8f: {  	[tilespmem:s31+$0x580] =	vst v21;
	v8 =	vadd.s32 $0x1, v18;
	v17 =	vmul.f32 v16, v7;
	v19 =	vmul.f32 v7, v13  }
0x90: {  	[tilespmem:s31+$0x480] =	vst v8;
	v7 =	vmul.f32 v10, v3;
	v10 =	vmul.f32 v16, v0;
	v20 =	vadd.f32 v11, v5  }
0x91: {  	v8 =	vmul.f32 v12, v1;
	v11 =	vmul.f32 v13, v0;
	[tilespmem:s31+$0x1080] =	vst v14  }
0x92: {  	v14 =	vmul.f32 v16, v15;
	[tilespmem:s31+$0xB80] =	vst v17;
	v7 =	vadd.f32 v7, v4;
	v12 =	vtrunc.f32 v20  }
0x93: {  	v0 =	vadd.s32 $0xA1, v18;
	[tilespmem:s31+$0xC80] =	vst v19;
	v15 =	vmul.f32 v16, v9;
	v12 =	vcvt.f32.s32 v12  }
0x94: {  	[tilespmem:s31+$0xD80] =	vst v10;
	v8 =	vadd.f32 v8, v2;
	v9 =	vmul.f32 v13, v9;
	v16 =	vtrunc.f32 v7  }
0x95: {  	v10 =	vadd.s32 $0x6400, v18;
	[tilespmem:s31+$0xE80] =	vst v11;
	v17 =	vcvt.f32.s32 v16;
	v19 =	vcvt.s32.f32 v12  }
0x96: {  	v13 =	vadd.s32 $0x6401, v18;
	[tilespmem:s31+$0xF80] =	vst v14;
	v14 =	vmul.u32 $0xA0, v12;
	v12 =	vtrunc.f32 v8  }
0x97: {  	[tilespmem:s31+$0x1280] =	vst v9;
	v12 =	vcvt.f32.s32 v12;
	v16 =	vcvt.s32.f32 v17;
	v9 =	vsub.f32 v20, v19  }
0x98: {  	s0 =	simm.s32 $0x20;
	s3 =	simm.s32 $0xC0;
	v11 =	vadd.s32 $0x64A0, v18;
	[tilespmem:s31+$0x1180] =	vst v15;
	v15 =	vadd.s32 $0x64A1, v18;
	v17 =	vmul.u32 $0x6400, v17  }
.LBB2_5:
0x99: {  	p0 =	sne.s32 s3, $0x1C0;
	v18 =	vld [tilespmem:s0+$0x180];
	v7 =	vsub.f32 v7, v16;
	v16 =	vcvt.s32.f32 v12;
	v19 =	vsub.f32 $1.000000000e+00, v9;
	[tilespmem:s31+$0x680] =	vst v0  }
0x9a: {  	v0 =	vadd.s32 v17, v14;
	[tilespmem:s31+$0x780] =	vst v10  }
0x9b: {  	v10 =	vld [tilespmem:s0+$0x80];
	v14 =	vsub.f32 v8, v16;
	v8 =	vsub.f32 $1.000000000e+00, v7;
	v16 =	vmul.f32 v19, v7;
	[tilespmem:s31+$0x880] =	vst v13  }
0x9c: {  	v20 =	vadd.s32 v12, v0;
	v12 =	vmul.f32 v9, v7;
	[tilespmem:s31+$0x980] =	vst v11  }
0x9d: {  	v11 =	vld [tilespmem:s0+$0x280];
	v13 =	vsub.f32 $1.000000000e+00, v14;
	v0 =	vmul.f32 v19, v8;
	v7 =	vmul.f32 v16, v14;
	[tilespmem:s31+$0xA80] =	vst v15;
	s31 =	smov.u32 s30;
	s30 =	smov.u32 s0  }
0x9e: {  	v8 =	vmul.f32 v9, v8;
	v9 =	vadd.s32 $0x1, v20;
	v15 =	vmul.f32 v18, v6;
	[tilespmem:s31+$0x380] =	vst v20  }
0x9f: {  	v18 =	vadd.s32 $0xA0, v20;
	v17 =	vmul.f32 v13, v0;
	v19 =	vmul.f32 v0, v14;
	[tilespmem:s31+$0x1080] =	vst v7  }
0xa0: {  	v21 =	vmul.f32 v13, v8;
	v7 =	vmul.f32 v10, v3;
	v15 =	vadd.f32 v15, v5;
	[tilespmem:s31+$0x480] =	vst v9  }
0xa1: {  	v0 =	vadd.s32 $0xA1, v20;
	v16 =	vmul.f32 v13, v16;
	v9 =	vmul.f32 v14, v8;
	[tilespmem:s31+$0xB80] =	vst v17  }
0xa2: {  	v7 =	vadd.f32 v7, v4;
	v8 =	vmul.f32 v11, v1;
	v10 =	vtrunc.f32 v15;
	[tilespmem:s31+$0xC80] =	vst v19  }
0xa3: {  	v17 =	vmul.f32 v13, v12;
	v11 =	vcvt.f32.s32 v10;
	v10 =	vadd.s32 $0x6400, v20;
	[tilespmem:s31+$0xD80] =	vst v21  }
.Ltmp1:
0xa4: {  	v19 =	vmul.f32 v14, v12;
	v8 =	vadd.f32 v8, v2;
	v13 =	vtrunc.f32 v7;
	[tilespmem:s31+$0xE80] =	vst v9;
	(pc) =	sbr.rel @p0 .LBB2_5-.Ltmp1, $4  }
0xa5: {  	v21 =	vcvt.f32.s32 v13;
	v9 =	vcvt.s32.f32 v11;
	v14 =	vmul.u32 $0xA0, v11;
	[tilespmem:s31+$0xF80] =	vst v16  }
0xa6: {  	v13 =	vadd.s32 $0x6401, v20;
	v11 =	vadd.s32 $0x64A0, v20;
	v12 =	vtrunc.f32 v8;
	[tilespmem:s31+$0x1180] =	vst v17  }
0xa7: {  	v12 =	vcvt.f32.s32 v12;
	v16 =	vcvt.s32.f32 v21;
	v9 =	vsub.f32 v15, v9;
	[tilespmem:s31+$0x1280] =	vst v19  }
0xa8: {  	s0 =	sshra.s32 s3, $0x2;
	s3 =	sadd.s32 $0x40, s3;
	v17 =	vmul.u32 $0x6400, v21;
	v15 =	vadd.s32 $0x64A1, v20;
	[tilespmem:s31+$0x580] =	vst v18  }
0xa9: {  	v18 =	vld [tilespmem:s0+$0x180];
	[tilespmem:s31+$0x680] =	vst v0  }
0xaa: {  	[tilespmem:s31+$0x780] =	vst v10  }
0xab: {  	v24 =	vld [tilespmem:s0+$0x80];
	[tilespmem:s31+$0x880] =	vst v13  }
0xac: {  	v21 =	vsub.f32 v7, v16;
	v22 =	vcvt.s32.f32 v12;
	v14 =	vadd.s32 v17, v14;
	[tilespmem:s31+$0x980] =	vst v11  }
0xad: {  	v23 =	vsub.f32 $1.000000000e+00, v9;
	v27 =	vadd.s32 v12, v14;
	v28 =	vld [tilespmem:s0+$0x280];
	[tilespmem:s31+$0xA80] =	vst v15  }
0xae: {  	v7 =	vsub.f32 v8, v22;
	v25 =	vsub.f32 $1.000000000e+00, v21;
	[tilespmem:s30+$0x380] =	vst v27;
	v31 =	vadd.s32 $0x1, v27  }
0xaf: {  	v26 =	vmul.f32 v23, v21;
	v0 =	vmul.f32 v9, v21;
	v39 =	vadd.s32 $0xA0, v27;
	[tilespmem:s30+$0x480] =	vst v31  }
0xb0: {  	v40 =	vadd.s32 $0xA1, v27;
	v43 =	vadd.s32 $0x6400, v27;
	v46 =	vadd.s32 $0x6401, v27;
	[tilespmem:s30+$0x580] =	vst v39  }
0xb1: {  	v29 =	vsub.f32 $1.000000000e+00, v7;
	v10 =	vmul.f32 v23, v25;
	v30 =	vmul.f32 v26, v7;
	[tilespmem:s30+$0x680] =	vst v40  }
0xb2: {  	v47 =	vadd.s32 $0x64A0, v27;
	v8 =	vmul.f32 v9, v25;
	[tilespmem:s30+$0x780] =	vst v43;
	v6 =	vmul.f32 v18, v6  }
0xb3: {  	v51 =	vadd.s32 $0x64A1, v27;
	[tilespmem:s30+$0x880] =	vst v46;
	v32 =	vmul.f32 v29, v10;
	v3 =	vmul.f32 v24, v3  }
0xb4: {  	[tilespmem:s30+$0x980] =	vst v47;
	v10 =	vmul.f32 v10, v7;
	v33 =	vmul.f32 v29, v8;
	v5 =	vadd.f32 v6, v5  }
0xb5: {  	[tilespmem:s30+$0xA80] =	vst v51;
	v8 =	vmul.f32 v7, v8;
	v1 =	vmul.f32 v28, v1;
	v3 =	vadd.f32 v3, v4  }
0xb6: {  	[tilespmem:s30+$0x1080] =	vst v30;
	v34 =	vmul.f32 v29, v26;
	v35 =	vtrunc.f32 v5  }
0xb7: {  	[tilespmem:s30+$0xB80] =	vst v32;
	v1 =	vadd.f32 v1, v2;
	v4 =	vcvt.f32.s32 v35;
	v37 =	vtrunc.f32 v3  }
0xb8: {  	v36 =	vmul.f32 v29, v0;
	[tilespmem:s30+$0xC80] =	vst v10;
	v2 =	vcvt.f32.s32 v37  }
0xb9: {  	[tilespmem:s30+$0xD80] =	vst v33;
	v41 =	vtrunc.f32 v1;
	v38 =	vcvt.s32.f32 v4  }
0xba: {  	[tilespmem:s30+$0xE80] =	vst v8;
	v4 =	vmul.u32 $0xA0, v4;
	v42 =	vcvt.s32.f32 v2;
	v2 =	vmul.u32 $0x6400, v2  }
0xbb: {  	v0 =	vmul.f32 v7, v0;
	[tilespmem:s30+$0xF80] =	vst v34;
	v9 =	vcvt.f32.s32 v41  }
0xbc: {  	[tilespmem:s30+$0x1180] =	vst v36;
	v2 =	vadd.s32 v2, v4  }
0xbd: {  	[tilespmem:s30+$0x1280] =	vst v0;
	v2 =	vadd.s32 v9, v2  }
0xbe: {  	v5 =	vsub.f32 v5, v38;
	[tilespmem:s0+$0x380] =	vst v2;
	v55 =	vadd.s32 $0x1, v2  }
0xbf: {  	v44 =	vcvt.s32.f32 v9;
	v58 =	vadd.s32 $0xA0, v2;
	[tilespmem:s0+$0x480] =	vst v55  }
0xc0: {  	v3 =	vsub.f32 v3, v42;
	v45 =	vsub.f32 $1.000000000e+00, v5;
	v59 =	vadd.s32 $0xA1, v2;
	[tilespmem:s0+$0x580] =	vst v58  }
0xc1: {  	v48 =	vsub.f32 v1, v44;
	v60 =	vadd.s32 $0x6400, v2;
	[tilespmem:s0+$0x680] =	vst v59  }
0xc2: {  	v61 =	vadd.s32 $0x6401, v2;
	v50 =	vmul.f32 v45, v3;
	[tilespmem:s0+$0x780] =	vst v60  }
0xc3: {  	v49 =	vsub.f32 $1.000000000e+00, v3;
	v62 =	vadd.s32 $0x64A0, v2;
	v52 =	vsub.f32 $1.000000000e+00, v48;
	[tilespmem:s0+$0x880] =	vst v61  }
0xc4: {  	v63 =	vadd.s32 $0x64A1, v2;
	v3 =	vmul.f32 v5, v3;
	[tilespmem:s0+$0x980] =	vst v62;
	v53 =	vmul.f32 v50, v48  }
0xc5: {  	[tilespmem:s0+$0xA80] =	vst v63;
	v7 =	vmul.f32 v45, v49;
	v4 =	vmul.f32 v52, v50  }
0xc6: {  	v1 =	vmul.f32 v5, v49;
	v5 =	vmul.f32 v52, v3;
	[tilespmem:s0+$0x1080] =	vst v53  }
0xc7: {  	v0 =	vmul.f32 v48, v3;
	[tilespmem:s0+$0xF80] =	vst v4  }
0xc8: {  	v56 =	vmul.f32 v52, v7;
	[tilespmem:s0+$0x1180] =	vst v5  }
0xc9: {  	v7 =	vmul.f32 v7, v48;
	[tilespmem:s0+$0x1280] =	vst v0  }
0xca: {  	v57 =	vmul.f32 v52, v1;
	[tilespmem:s0+$0xB80] =	vst v56  }
0xcb: {  	v1 =	vmul.f32 v48, v1;
	[tilespmem:s0+$0xC80] =	vst v7  }
0xcc: {  	[tilespmem:s0+$0xD80] =	vst v57  }
0xcd: {  	s6 =	simm.s32 $0x300;
	[tilespmem:s0+$0xE80] =	vst v1  }
0xce: {  	[tilespmem:s17], [sflag:$0x1] =	stream.indirect.gather [hbm4b:s5+s15], $0x10, s6, s15, $0xb8;
	[tilespmem:$0xA380] =	vst v63  }
0xcf: {  	s11 =	simm.s32 $0x380;
	s3 =	simm.s32 $0x1B00  }
0xd0: {  	[tilespmem:s3], [sflag:$0x1] =	stream.indirect.gather [hbm4b:s5+s15], $0x10, s11, s15, $0xb8;
	[tilespmem:$0xA380] =	vst v63  }
0xd1: {  	s6 =	simm.s32 $0x400;
	s11 =	simm.s32 $0x2300  }
0xd2: {  	[tilespmem:s11], [sflag:$0x1] =	stream.indirect.gather [hbm4b:s5+s15], $0x10, s6, s15, $0xb8;
	[tilespmem:$0xA380] =	vst v63  }
0xd3: {  	s6 =	simm.s32 $0x480;
	s11 =	simm.s32 $0x2B00  }
0xd4: {  	[tilespmem:s11], [sflag:$0x1] =	stream.indirect.gather [hbm4b:s5+s15], $0x10, s6, s15, $0xb8;
	[tilespmem:$0xA380] =	vst v63  }
0xd5: {  	s6 =	simm.s32 $0x500;
	s11 =	simm.s32 $0x3300  }
0xd6: {  	[tilespmem:s11], [sflag:$0x1] =	stream.indirect.gather [hbm4b:s5+s15], $0x10, s6, s15, $0xb8;
	[tilespmem:$0xA380] =	vst v63  }
0xd7: {  	s6 =	simm.s32 $0x580;
	s11 =	simm.s32 $0x3B00  }
0xd8: {  	[tilespmem:s11], [sflag:$0x1] =	stream.indirect.gather [hbm4b:s5+s15], $0x10, s6, s15, $0xb8;
	[tilespmem:$0xA380] =	vst v63  }
0xd9: {  	s6 =	simm.s32 $0x600;
	s11 =	simm.s32 $0x4300  }
0xda: {  	[tilespmem:s11], [sflag:$0x1] =	stream.indirect.gather [hbm4b:s5+s15], $0x10, s6, s15, $0xb8;
	[tilespmem:$0xA380] =	vst v63  }
0xdb: {  	s6 =	simm.s32 $0x680;
	s11 =	simm.s32 $0x4B00  }
0xdc: {  	[tilespmem:s11], [sflag:$0x1] =	stream.indirect.gather [hbm4b:s5+s15], $0x10, s6, s15, $0xb8;
	[tilespmem:$0xA380] =	vst v63  }
0xdd: {  	s30 =	simm.s32 $0x700;
	s3 =	simm.s32 $0x5300  }
0xde: {  	[tilespmem:s3], [sflag:$0x1] =	stream.indirect.gather [hbm4b:s5+s15], $0x10, s30, s15, $0xb8;
	[tilespmem:$0xA380] =	vst v63  }
0xdf: {  	s6 =	simm.s32 $0x780;
	s11 =	simm.s32 $0x5B00  }
0xe0: {  	[tilespmem:s11], [sflag:$0x1] =	stream.indirect.gather [hbm4b:s5+s15], $0x10, s6, s15, $0xb8;
	[tilespmem:$0xA380] =	vst v63  }
0xe1: {  	_ = 	snop  }
0xe2: {  	[tilespmem:s1], [sflag:$0x1] =	stream.indirect.gather [hbm4b:s5+s15], $0x10, s10, s15, $0xb8;
	[tilespmem:$0xA380] =	vst v63  }
0xe3: {  	_ = 	snop  }
0xe4: {  	[tilespmem:s14], [sflag:$0x1] =	stream.indirect.gather [hbm4b:s5+s15], $0x10, s13, s15, $0xb8;
	[tilespmem:$0xA380] =	vst v63  }
0xe5: {  	_ = 	snop  }
0xe6: {  	[tilespmem:s18], [sflag:$0x1] =	stream.indirect.gather [hbm4b:s5+s15], $0x10, s16, s15, $0xb8;
	[tilespmem:$0xA380] =	vst v63  }
0xe7: {  	_ = 	snop  }
0xe8: {  	[tilespmem:s20], [sflag:$0x1] =	stream.indirect.gather [hbm4b:s5+s15], $0x10, s19, s15, $0xb8;
	[tilespmem:$0xA380] =	vst v63  }
0xe9: {  	_ = 	snop  }
0xea: {  	[tilespmem:s22], [sflag:$0x1] =	stream.indirect.gather [hbm4b:s5+s15], $0x10, s21, s15, $0xb8;
	[tilespmem:$0xA380] =	vst v63  }
0xeb: {  	_ = 	snop  }
0xec: {  	[tilespmem:s24], [sflag:$0x1] =	stream.indirect.gather [hbm4b:s5+s15], $0x10, s23, s15, $0xb8;
	[tilespmem:$0xA380] =	vst v63  }
0xed: {  	_ =	swait.ge [sflag:s25], $0x800  }
0xee: {  	[sflag:s25] =	ssyncset.done $0x0  }
0xef: {  	[sflag:s25] =	ssyncadd.s32 $0xFFFFF800  }
0xf0: {  	_ =	swait.ge [sflag:s25], $0x800  }
0xf1: {  	[sflag:s25] =	ssyncset.done $0x0  }
0xf2: {  	[sflag:s25] =	ssyncadd.s32 $0xFFFFF800  }
0xf3: {  	_ =	swait.ge [sflag:s25], $0x800  }
0xf4: {  	[sflag:s25] =	ssyncset.done $0x0  }
0xf5: {  	[sflag:s25] =	ssyncadd.s32 $0xFFFFF800  }
0xf6: {  	_ =	swait.ge [sflag:s25], $0x800  }
0xf7: {  	[sflag:s25] =	ssyncset.done $0x0  }
0xf8: {  	[sflag:s25] =	ssyncadd.s32 $0xFFFFF800  }
0xf9: {  	_ =	swait.ge [sflag:s25], $0x800  }
0xfa: {  	[sflag:s25] =	ssyncset.done $0x0  }
0xfb: {  	[sflag:s25] =	ssyncadd.s32 $0xFFFFF800  }
0xfc: {  	_ =	swait.ge [sflag:s25], $0x800  }
0xfd: {  	[sflag:s25] =	ssyncset.done $0x0  }
0xfe: {  	[sflag:s25] =	ssyncadd.s32 $0xFFFFF800  }
0xff: {  	_ =	swait.ge [sflag:s25], $0x800  }
0x100: {  	[sflag:s25] =	ssyncset.done $0x0  }
0x101: {  	[sflag:s25] =	ssyncadd.s32 $0xFFFFF800  }
0x102: {  	_ =	swait.ge [sflag:s25], $0x800  }
0x103: {  	[sflag:s25] =	ssyncset.done $0x0  }
0x104: {  	[sflag:s25] =	ssyncadd.s32 $0xFFFFF800  }
0x105: {  	_ =	swait.ge [sflag:s25], $0x800  }
0x106: {  	[sflag:s25] =	ssyncset.done $0x0  }
0x107: {  	[sflag:s25] =	ssyncadd.s32 $0xFFFFF800  }
0x108: {  	_ =	swait.ge [sflag:s25], $0x800  }
0x109: {  	[sflag:s25] =	ssyncset.done $0x0  }
0x10a: {  	[sflag:s25] =	ssyncadd.s32 $0xFFFFF800  }
0x10b: {  	_ =	swait.ge [sflag:s25], $0x800  }
0x10c: {  	[sflag:s25] =	ssyncset.done $0x0  }
0x10d: {  	[sflag:s25] =	ssyncadd.s32 $0xFFFFF800  }
0x10e: {  	_ =	swait.ge [sflag:s25], $0x800  }
0x10f: {  	[sflag:s25] =	ssyncset.done $0x0  }
0x110: {  	[sflag:s25] =	ssyncadd.s32 $0xFFFFF800  }
0x111: {  	_ =	swait.ge [sflag:s25], $0x800  }
0x112: {  	[sflag:s25] =	ssyncset.done $0x0  }
0x113: {  	[sflag:s25] =	ssyncadd.s32 $0xFFFFF800  }
0x114: {  	_ =	swait.ge [sflag:s25], $0x800  }
0x115: {  	[sflag:s25] =	ssyncset.done $0x0  }
0x116: {  	[sflag:s25] =	ssyncadd.s32 $0xFFFFF800  }
0x117: {  	_ =	swait.ge [sflag:s25], $0x800  }
0x118: {  	[sflag:s25] =	ssyncset.done $0x0  }
0x119: {  	[sflag:s25] =	ssyncadd.s32 $0xFFFFF800  }
0x11a: {  	_ =	swait.ge [sflag:s25], $0x800  }
0x11b: {  	[sflag:s25] =	ssyncset.done $0x0  }
0x11c: {  	s31 =	simm.s32 $0xF00;
	[sflag:s25] =	ssyncadd.s32 $0xFFFFF800  }
.LBB2_7:
0x11d: {  	_ = 	snop  }
0x11e: {  	s0 =	sadd.s32 $0xFFFFFA00, s30  }
0x11f: {  	v0 =	vmov s0  }
0x120: {  	v0 =	vshll.u32 v0, $0x4  }
0x121: {  	v1 =	vor.u32 v54, v0  }
0x122: {  	v0 =	vor.u32 $0x1, v1  }
0x123: {  	v2 =	vor.u32 $0x2, v1  }
0x124: {  	v3 =	vor.u32 $0x3, v1  }
0x125: {  	v4 =	vor.u32 $0x4, v1  }
0x126: {  	v5 =	vor.u32 $0x5, v1;
	v7 =	vld.idx.msk [tilespmem:v1+s17+$0x0], $0xffff  }
0x127: {  	v6 =	vor.u32 $0x6, v1;
	v0 =	vld.idx.msk [tilespmem:v0+s17+$0x0], $0xffff  }
0x128: {  	v47 =	vor.u32 $0x7, v1;
	v9 =	vld.idx.msk [tilespmem:v2+s17+$0x0], $0xffff  }
0x129: {  	v48 =	vor.u32 $0x8, v1;
	v11 =	vld.idx.msk [tilespmem:v3+s17+$0x0], $0xffff  }
0x12a: {  	v49 =	vor.u32 $0x9, v1;
	v20 =	vld.idx.msk [tilespmem:v4+s17+$0x0], $0xffff  }
0x12b: {  	v50 =	vor.u32 $0xA, v1;
	v21 =	vld.idx.msk [tilespmem:v5+s17+$0x0], $0xffff  }
0x12c: {  	v51 =	vor.u32 $0xB, v1;
	v23 =	vld.idx.msk [tilespmem:v6+s17+$0x0], $0xffff  }
0x12d: {  	v52 =	vor.u32 $0xC, v1;
	v39 =	vld.idx.msk [tilespmem:v47+s17+$0x0], $0xffff  }
0x12e: {  	s3 =	sadd.s32 $0xFFFFFB00, s30;
	v53 =	vor.u32 $0xD, v1;
	v46 =	vld.idx.msk [tilespmem:v48+s17+$0x0], $0xffff  }
0x12f: {  	v8 =	vmov s3;
	v55 =	vor.u32 $0xE, v1;
	v57 =	vld.idx.msk [tilespmem:v49+s17+$0x0], $0xffff  }
0x130: {  	v58 =	vshll.u32 v8, $0x4;
	v1 =	vor.u32 $0xF, v1;
	v59 =	vld.idx.msk [tilespmem:v50+s17+$0x0], $0xffff  }
0x131: {  	v6 =	vld.idx.msk [tilespmem:v51+s17+$0x0], $0xffff;
	v5 =	vor.u32 v54, v58  }
0x132: {  	v2 =	vld.idx.msk [tilespmem:v52+s17+$0x0], $0xffff;
	v60 =	vor.u32 $0x1, v5  }
0x133: {  	v3 =	vld.idx.msk [tilespmem:v53+s17+$0x0], $0xffff;
	v61 =	vor.u32 $0x2, v5  }
0x134: {  	v4 =	vld.idx.msk [tilespmem:v55+s17+$0x0], $0xffff;
	v10 =	vor.u32 $0x5, v5  }
0x135: {  	v62 =	vor.u32 $0x3, v5;
	v1 =	vld.idx.msk [tilespmem:v1+s17+$0x0], $0xffff  }
0x136: {  	v12 =	vor.u32 $0x6, v5;
	v52 =	vld.idx.msk [tilespmem:v5+s17+$0x0], $0xffff  }
0x137: {  	v14 =	vor.u32 $0x8, v5;
	v48 =	vld.idx.msk [tilespmem:v60+s17+$0x0], $0xffff  }
0x138: {  	v63 =	vor.u32 $0x4, v5;
	v51 =	vld.idx.msk [tilespmem:v61+s17+$0x0], $0xffff  }
0x139: {  	v16 =	vor.u32 $0xA, v5;
	[tilespmem:$0x1FBF0] =	vst v6;
	v6 =	vld.idx.msk [tilespmem:v10+s17+$0x0], $0xffff  }
0x13a: {  	v13 =	vor.u32 $0x7, v5;
	v50 =	vld.idx.msk [tilespmem:v62+s17+$0x0], $0xffff  }
0x13b: {  	v19 =	vor.u32 $0xD, v5;
	[tilespmem:$0x1FC00] =	vst v2;
	v2 =	vld.idx.msk [tilespmem:v12+s17+$0x0], $0xffff  }
0x13c: {  	s11 =	sadd.s32 $0xFFFFFD00, s30;
	v18 =	vor.u32 $0xC, v5;
	[tilespmem:$0x1FC20] =	vst v4;
	v4 =	vld.idx.msk [tilespmem:v14+s17+$0x0], $0xffff  }
0x13d: {  	v15 =	vor.u32 $0x9, v5;
	v17 =	vor.u32 $0xB, v5;
	v14 =	vmov s11;
	[tilespmem:$0x1FC30] =	vst v1;
	v1 =	vld.idx.msk [tilespmem:v63+s17+$0x0], $0xffff  }
0x13e: {  	v22 =	vor.u32 $0xE, v5;
	v5 =	vor.u32 $0xF, v5;
	v14 =	vshll.u32 v14, $0x4;
	[tilespmem:$0x1FC50] =	vst v6;
	v6 =	vld.idx.msk [tilespmem:v16+s17+$0x0], $0xffff  }
0x13f: {  	[tilespmem:$0x1FC10] =	vst v3;
	v3 =	vld.idx.msk [tilespmem:v13+s17+$0x0], $0xffff;
	v58 =	vor.u32 v54, v14  }
0x140: {  	s6 =	sadd.s32 $0xFFFFFC00, s30;
	v28 =	vld.idx.msk [tilespmem:v19+s17+$0x0], $0xffff;
	v10 =	vor.u32 $0x4, v58  }
0x141: {  	v24 =	vmov s6;
	v26 =	vld.idx.msk [tilespmem:v18+s17+$0x0], $0xffff  }
0x142: {  	v25 =	vshll.u32 v24, $0x4;
	[tilespmem:$0x1FC40] =	vst v1;
	v1 =	vld.idx.msk [tilespmem:v15+s17+$0x0], $0xffff  }
0x143: {  	v31 =	vld.idx.msk [tilespmem:v5+s17+$0x0], $0xffff;
	[tilespmem:$0x1FCA0] =	vst v6;
	v6 =	vor.u32 v54, v25  }
0x144: {  	[tilespmem:$0x1FC60] =	vst v2;
	v2 =	vld.idx.msk [tilespmem:v17+s17+$0x0], $0xffff;
	v27 =	vor.u32 $0x1, v6  }
0x145: {  	[tilespmem:$0x1FCD0] =	vst v28;
	v28 =	vld.idx.msk [tilespmem:v10+s17+$0x0], $0xffff;
	v29 =	vor.u32 $0x2, v6  }
0x146: {  	v10 =	vld.idx.msk [tilespmem:v58+s17+$0x0], $0xffff;
	v30 =	vor.u32 $0x3, v6  }
0x147: {  	v32 =	vor.u32 $0x4, v6;
	[tilespmem:$0x1FC90] =	vst v1;
	v1 =	vld.idx.msk [tilespmem:v22+s17+$0x0], $0xffff  }
0x148: {  	v13 =	vor.u32 $0x5, v6;
	v16 =	vld.idx.msk [tilespmem:v6+s17+$0x0], $0xffff  }
0x149: {  	v33 =	vor.u32 $0x6, v6;
	v42 =	vld.idx.msk [tilespmem:v27+s17+$0x0], $0xffff  }
0x14a: {  	v34 =	vor.u32 $0x7, v6;
	v44 =	vld.idx.msk [tilespmem:v29+s17+$0x0], $0xffff  }
0x14b: {  	[tilespmem:$0x1FCC0] =	vst v26;
	v37 =	vor.u32 $0x9, v6;
	v26 =	vld.idx.msk [tilespmem:v30+s17+$0x0], $0xffff  }
0x14c: {  	v40 =	vor.u32 $0xA, v6;
	v36 =	vld.idx.msk [tilespmem:v32+s17+$0x0], $0xffff  }
0x14d: {  	v43 =	vor.u32 $0xB, v6;
	v38 =	vld.idx.msk [tilespmem:v13+s17+$0x0], $0xffff  }
0x14e: {  	v47 =	vor.u32 $0xC, v6;
	v41 =	vld.idx.msk [tilespmem:v33+s17+$0x0], $0xffff  }
0x14f: {  	v55 =	vor.u32 $0xE, v6;
	v45 =	vld.idx.msk [tilespmem:v34+s17+$0x0], $0xffff  }
0x150: {  	v14 =	vor.u32 $0x2, v58;
	v53 =	vld.idx.msk [tilespmem:v37+s17+$0x0], $0xffff  }
0x151: {  	v63 =	vor.u32 $0x3, v58;
	v56 =	vld.idx.msk [tilespmem:v40+s17+$0x0], $0xffff  }
0x152: {  	v15 =	vor.u32 $0x6, v58;
	v60 =	vld.idx.msk [tilespmem:v43+s17+$0x0], $0xffff  }
0x153: {  	v17 =	vor.u32 $0x7, v58;
	v62 =	vld.idx.msk [tilespmem:v47+s17+$0x0], $0xffff  }
0x154: {  	[tilespmem:$0x1FCF0] =	vst v31;
	v31 =	vor.u32 $0xA, v58;
	v8 =	vld.idx.msk [tilespmem:v55+s17+$0x0], $0xffff  }
0x155: {  	v35 =	vor.u32 $0x8, v6;
	v27 =	vld.idx.msk [tilespmem:v14+s17+$0x0], $0xffff  }
0x156: {  	v22 =	vor.u32 $0x5, v58;
	v40 =	vld.idx.msk [tilespmem:v63+s17+$0x0], $0xffff  }
0x157: {  	v49 =	vor.u32 $0xD, v6;
	v6 =	vor.u32 $0xF, v6;
	v32 =	vld.idx.msk [tilespmem:v15+s17+$0x0], $0xffff  }
0x158: {  	v61 =	vor.u32 $0x1, v58;
	v33 =	vld.idx.msk [tilespmem:v17+s17+$0x0], $0xffff  }
0x159: {  	v29 =	vor.u32 $0x9, v58;
	v43 =	vld.idx.msk [tilespmem:v31+s17+$0x0], $0xffff  }
0x15a: {  	v34 =	vor.u32 $0xB, v58;
	[tilespmem:$0x1FCE0] =	vst v1;
	v1 =	vld.idx.msk [tilespmem:v35+s17+$0x0], $0xffff  }
0x15b: {  	[tilespmem:$0x1FDC0] =	vst v28;
	v30 =	vld.idx.msk [tilespmem:v22+s17+$0x0], $0xffff  }
0x15c: {  	v35 =	vor.u32 $0xC, v58;
	v19 =	vld.idx.msk [tilespmem:v6+s17+$0x0], $0xffff;
	[tilespmem:$0x1FD00] =	vst v36  }
0x15d: {  	v13 =	vor.u32 $0xF, v58;
	[tilespmem:$0x1FD10] =	vst v38;
	v36 =	vld.idx.msk [tilespmem:v61+s17+$0x0], $0xffff  }
0x15e: {  	s3 =	sadd.s32 $0xFFFFFE00, s30;
	[tilespmem:$0x1FD20] =	vst v41;
	v37 =	vld.idx.msk [tilespmem:v29+s17+$0x0], $0xffff;
	v38 =	vor.u32 $0xD, v58  }
0x15f: {  	[tilespmem:$0x1FD30] =	vst v45;
	v41 =	vmov s3;
	v45 =	vor.u32 $0xE, v58;
	v47 =	vld.idx.msk [tilespmem:v34+s17+$0x0], $0xffff  }
0x160: {  	v25 =	vor.u32 $0x8, v58;
	v24 =	vshll.u32 v41, $0x4;
	[tilespmem:$0x1FD40] =	vst v1;
	v1 =	vld.idx.msk [tilespmem:v49+s17+$0x0], $0xffff  }
0x161: {  	[tilespmem:$0x1FD50] =	vst v53;
	v24 =	vor.u32 v54, v24;
	v53 =	vld.idx.msk [tilespmem:v35+s17+$0x0], $0xffff  }
0x162: {  	[tilespmem:$0x1FD70] =	vst v60;
	v60 =	vld.idx.msk [tilespmem:v13+s17+$0x0], $0xffff;
	v49 =	vor.u32 $0x1, v24  }
0x163: {  	[tilespmem:$0x1FD60] =	vst v56;
	v55 =	vor.u32 $0x2, v24;
	v56 =	vld.idx.msk [tilespmem:v38+s17+$0x0], $0xffff  }
0x164: {  	s6 =	sadd.s32 $0xFFFFFF00, s30;
	v28 =	vor.u32 $0x3, v24;
	[tilespmem:$0x1FE30] =	vst v47;
	v58 =	vld.idx.msk [tilespmem:v45+s17+$0x0], $0xffff  }
0x165: {  	v29 =	vor.u32 $0x4, v24;
	v47 =	vmov s6;
	[tilespmem:$0x1FD90] =	vst v1;
	v1 =	vld.idx.msk [tilespmem:v25+s17+$0x0], $0xffff  }
0x166: {  	v61 =	vor.u32 $0x5, v24;
	[tilespmem:$0x1FE40] =	vst v53;
	v53 =	vshll.u32 v47, $0x4;
	v47 =	vld.idx.msk [tilespmem:v24+s17+$0x0], $0xffff  }
0x167: {  	v31 =	vor.u32 $0x6, v24;
	v15 =	vld.idx.msk [tilespmem:v49+s17+$0x0], $0xffff  }
0x168: {  	[tilespmem:$0x1FD80] =	vst v62;
	v62 =	vor.u32 $0x7, v24;
	v18 =	vld.idx.msk [tilespmem:v55+s17+$0x0], $0xffff  }
0x169: {  	v63 =	vor.u32 $0x8, v24;
	[tilespmem:$0x1FDB0] =	vst v19;
	v19 =	vld.idx.msk [tilespmem:v28+s17+$0x0], $0xffff  }
0x16a: {  	[tilespmem:$0x1FC80] =	vst v4;
	v5 =	vor.u32 $0x9, v24;
	v4 =	vld.idx.msk [tilespmem:v29+s17+$0x0], $0xffff  }
0x16b: {  	[tilespmem:$0x1FDA0] =	vst v8;
	v8 =	vor.u32 $0xA, v24;
	v6 =	vld.idx.msk [tilespmem:v61+s17+$0x0], $0xffff  }
0x16c: {  	[tilespmem:$0x1FE20] =	vst v43;
	v43 =	vor.u32 $0xD, v24;
	v14 =	vld.idx.msk [tilespmem:v31+s17+$0x0], $0xffff  }
0x16d: {  	v22 =	vor.u32 $0xB, v24;
	v17 =	vld.idx.msk [tilespmem:v62+s17+$0x0], $0xffff  }
0x16e: {  	[tilespmem:$0x1FE10] =	vst v37;
	v38 =	vor.u32 $0xC, v24;
	v37 =	vld.idx.msk [tilespmem:v63+s17+$0x0], $0xffff  }
0x16f: {  	v41 =	vld.idx.msk [tilespmem:v5+s17+$0x0], $0xffff;
	v55 =	vor.u32 $0xE, v24  }
0x170: {  	[tilespmem:$0x1FDE0] =	vst v32;
	v49 =	vld.idx.msk [tilespmem:v8+s17+$0x0], $0xffff;
	v24 =	vor.u32 $0xF, v24  }
0x171: {  	[tilespmem:$0x1FE70] =	vst v60;
	v32 =	vor.u32 v54, v53;
	v61 =	vld.idx.msk [tilespmem:v43+s17+$0x0], $0xffff  }
0x172: {  	v13 =	vor.u32 $0x1, v32;
	[tilespmem:$0x1FE50] =	vst v56;
	v56 =	vld.idx.msk [tilespmem:v22+s17+$0x0], $0xffff  }
0x173: {  	v60 =	vor.u32 $0x2, v32;
	[tilespmem:$0x1FE60] =	vst v58;
	v58 =	vld.idx.msk [tilespmem:v38+s17+$0x0], $0xffff  }
0x174: {  	v62 =	vor.u32 $0x3, v32;
	v63 =	vld.idx.msk [tilespmem:v55+s17+$0x0], $0xffff  }
0x175: {  	[tilespmem:$0x1FC70] =	vst v3;
	v8 =	vor.u32 $0x6, v32;
	v5 =	vld.idx.msk [tilespmem:v24+s17+$0x0], $0xffff  }
0x176: {  	[tilespmem:$0x1FDF0] =	vst v33;
	v33 =	vor.u32 $0x7, v32;
	v24 =	vld.idx.msk [tilespmem:v32+s17+$0x0], $0xffff  }
0x177: {  	[tilespmem:$0x1FCB0] =	vst v2;
	v45 =	vor.u32 $0xB, v32;
	v43 =	vld.idx.msk [tilespmem:v13+s17+$0x0], $0xffff  }
0x178: {  	v12 =	vor.u32 $0x8, v32;
	[tilespmem:$0x1FEB0] =	vst v17;
	v17 =	vld.idx.msk [tilespmem:v60+s17+$0x0], $0xffff  }
0x179: {  	v22 =	vor.u32 $0x9, v32;
	[tilespmem:$0x1FE80] =	vst v4;
	v13 =	vld.idx.msk [tilespmem:v62+s17+$0x0], $0xffff  }
0x17a: {  	v38 =	vor.u32 $0xA, v32;
	[tilespmem:$0x1FED0] =	vst v41;
	v41 =	vld.idx.msk [tilespmem:v8+s17+$0x0], $0xffff  }
0x17b: {  	[tilespmem:$0x1FE90] =	vst v6;
	v4 =	vor.u32 $0x4, v32;
	v53 =	vld.idx.msk [tilespmem:v33+s17+$0x0], $0xffff  }
0x17c: {  	s11 =	sadd.s32 $0xFFFFF900, s30;
	v6 =	vor.u32 $0x5, v32;
	v62 =	vld.idx.msk [tilespmem:v45+s17+$0x0], $0xffff;
	[tilespmem:$0x1FEF0] =	vst v56  }
0x17d: {  	v55 =	vor.u32 $0xC, v32;
	v8 =	vmov s30;
	[tilespmem:$0x1FF00] =	vst v58;
	v56 =	vld.idx.msk [tilespmem:v12+s17+$0x0], $0xffff;
	v58 =	vmov s11  }
0x17e: {  	[tilespmem:$0x1FEE0] =	vst v49;
	v60 =	vld.idx.msk [tilespmem:v22+s17+$0x0], $0xffff;
	v12 =	vshll.u32 v8, $0x4;
	v28 =	vshll.u32 v58, $0x4  }
0x17f: {  	[tilespmem:$0x1FF10] =	vst v61;
	v61 =	vld.idx.msk [tilespmem:v38+s17+$0x0], $0xffff;
	v22 =	vor.u32 v54, v12;
	v49 =	vor.u32 v54, v28  }
0x180: {  	[tilespmem:$0x1FEA0] =	vst v14;
	v25 =	vor.u32 $0x1, v22;
	v14 =	vld.idx.msk [tilespmem:v4+s17+$0x0], $0xffff  }
0x181: {  	[tilespmem:$0x1FEC0] =	vst v37;
	v37 =	vld.idx.msk [tilespmem:v6+s17+$0x0], $0xffff  }
0x182: {  	[tilespmem:$0x1FF20] =	vst v63;
	v63 =	vld.idx.msk [tilespmem:v55+s17+$0x0], $0xffff;
	v45 =	vor.u32 $0x1, v49  }
0x183: {  	v38 =	vor.u32 $0x2, v49;
	[tilespmem:$0x1FF60] =	vst v41;
	v41 =	vld [tilespmem:s31+$0xFFFFFD00]  }
0x184: {  	[tilespmem:$0x1FF30] =	vst v5;
	v5 =	vor.u32 $0xE, v32;
	v6 =	vld.idx.msk [tilespmem:v49+s17+$0x0], $0xffff  }
0x185: {  	[tilespmem:$0x1FF80] =	vst v56;
	v56 =	vor.u32 $0x4, v49;
	v58 =	vld.idx.msk [tilespmem:v25+s17+$0x0], $0xffff  }
0x186: {  	v34 =	vor.u32 $0xD, v32;
	[tilespmem:$0x1FF50] =	vst v37;
	v37 =	vld [tilespmem:s31+$0xFFFFFC00]  }
0x187: {  	v35 =	vor.u32 $0x3, v49;
	[tilespmem:$0x1FF40] =	vst v14;
	v14 =	vld.idx.msk [tilespmem:v45+s17+$0x0], $0xffff  }
0x188: {  	[tilespmem:$0x1FE00] =	vst v1;
	v12 =	vor.u32 $0x8, v49;
	v2 =	vld.idx.msk [tilespmem:v38+s17+$0x0], $0xffff  }
0x189: {  	v32 =	vor.u32 $0xF, v32;
	[tilespmem:$0x1FFC0] =	vst v63;
	v63 =	vld.idx.msk [tilespmem:v5+s17+$0x0], $0xffff  }
0x18a: {  	v3 =	vor.u32 $0x2, v22;
	v1 =	vor.u32 $0x8, v22;
	v54 =	vor.u32 $0x5, v49;
	[tilespmem:$0x1FF70] =	vst v53;
	v25 =	vld.idx.msk [tilespmem:v56+s17+$0x0], $0xffff  }
0x18b: {  	v4 =	vld.idx.msk [tilespmem:v34+s17+$0x0], $0xffff;
	v55 =	vor.u32 $0x6, v49;
	[tilespmem:$0x1FFB0] =	vst v62;
	v7 =	vmul.f32 v7, v41;
	v53 =	vmul.f32 v6, v37  }
0x18c: {  	[tilespmem:$0x1FF90] =	vst v60;
	v60 =	vld.idx.msk [tilespmem:v35+s17+$0x0], $0xffff;
	v5 =	vor.u32 $0x3, v22;
	v62 =	vmul.f32 v0, v41;
	v31 =	vmul.f32 v14, v37  }
0x18d: {  	[tilespmem:$0x1FFA0] =	vst v61;
	v0 =	vld.idx.msk [tilespmem:v12+s17+$0x0], $0xffff;
	v14 =	vor.u32 $0x7, v49;
	v28 =	vmul.f32 v2, v37;
	v53 =	vadd.f32 $0.0e+00, v53  }
0x18e: {  	v61 =	vmul.f32 v11, v41;
	v11 =	vor.u32 $0xA, v49;
	[tilespmem:$0x1FFE0] =	vst v63;
	v63 =	vld.idx.msk [tilespmem:v32+s17+$0x0], $0xffff;
	v31 =	vadd.f32 $0.0e+00, v31  }
0x18f: {  	[tilespmem:$0x1FDD0] =	vst v30;
	v28 =	vadd.f32 $0.0e+00, v28;
	v25 =	vmul.f32 v25, v37;
	v30 =	vadd.f32 v7, v53;
	v53 =	vld.idx.msk [tilespmem:v54+s17+$0x0], $0xffff  }
0x190: {  	v8 =	vadd.f32 v62, v31;
	v31 =	vld.idx.msk [tilespmem:v55+s17+$0x0], $0xffff;
	v7 =	vmul.f32 v9, v41;
	v9 =	vor.u32 $0x9, v49  }
0x191: {  	v20 =	vmul.f32 v20, v41;
	v32 =	vld.idx.msk [tilespmem:v3+s17+$0x0], $0xffff;
	v2 =	vor.u32 $0x6, v22;
	v25 =	vadd.f32 $0.0e+00, v25  }
0x192: {  	v6 =	vmul.f32 v60, v37;
	v60 =	vor.u32 $0x4, v22;
	v7 =	vadd.f32 v7, v28;
	v28 =	vld.idx.msk [tilespmem:v14+s17+$0x0], $0xffff  }
0x193: {  	[tilespmem:$0x1FFD0] =	vst v4;
	v4 =	vor.u32 $0x7, v22;
	v21 =	vmul.f32 v21, v41;
	v62 =	vadd.f32 v20, v25;
	v25 =	vld.idx.msk [tilespmem:v11+s17+$0x0], $0xffff  }
0x194: {  	v23 =	vmul.f32 v23, v41;
	v33 =	vld.idx.msk [tilespmem:v5+s17+$0x0], $0xffff;
	v29 =	vadd.f32 $0.0e+00, v6;
	v53 =	vmul.f32 v53, v37  }
0x195: {  	v34 =	vor.u32 $0x5, v22;
	v39 =	vmul.f32 v39, v41;
	v31 =	vmul.f32 v31, v37;
	v3 =	vld.idx.msk [tilespmem:v9+s17+$0x0], $0xffff  }
0x196: {  	v6 =	vadd.f32 v61, v29;
	v29 =	vld.idx.msk [tilespmem:v2+s17+$0x0], $0xffff;
	v2 =	vor.u32 $0x9, v22;
	v53 =	vadd.f32 $0.0e+00, v53  }
0x197: {  	v46 =	vmul.f32 v46, v41;
	v61 =	vld.idx.msk [tilespmem:v60+s17+$0x0], $0xffff;
	v60 =	vadd.f32 $0.0e+00, v31;
	v5 =	vmul.f32 v28, v37  }
0x198: {  	v0 =	vmul.f32 v0, v37;
	v28 =	vld.idx.msk [tilespmem:v4+s17+$0x0], $0xffff;
	v4 =	vmul.f32 v25, v37;
	v31 =	vadd.f32 v21, v53  }
0x199: {  	v20 =	vadd.f32 v23, v60;
	v53 =	vadd.f32 $0.0e+00, v5;
	v60 =	vld [tilespmem:s31+$0xFFFFFE00];
	v5 =	vor.u32 $0xA, v22  }
0x19a: {  	v0 =	vadd.f32 $0.0e+00, v0;
	v25 =	vmul.f32 v57, v41;
	v57 =	vld.idx.msk [tilespmem:v1+s17+$0x0], $0xffff;
	v3 =	vmul.f32 v3, v37  }
0x19b: {  	v1 =	vadd.f32 $0.0e+00, v4;
	v4 =	vmul.f32 v59, v41;
	v59 =	vld.idx.msk [tilespmem:v2+s17+$0x0], $0xffff;
	v2 =	vor.u32 $0xC, v22  }
0x19c: {  	v23 =	vor.u32 $0xB, v22;
	v39 =	vadd.f32 v39, v53;
	v53 =	vld [tilespmem:s31+$0xFFFFFF00];
	v21 =	vadd.f32 $0.0e+00, v3  }
0x19d: {  	v34 =	vld.idx.msk [tilespmem:v34+s17+$0x0], $0xffff;
	v46 =	vadd.f32 v46, v0  }
0x19e: {  	v25 =	vadd.f32 v25, v21;
	v0 =	vmul.f32 v52, v60;
	v21 =	vmul.f32 v48, v60;
	v48 =	vld.idx.msk [tilespmem:v5+s17+$0x0], $0xffff  }
0x19f: {  	v52 =	vadd.f32 v4, v1;
	v1 =	vmul.f32 v51, v60;
	v4 =	vmul.f32 v50, v60;
	v51 =	vld [tilespmem:s31+$0x0]  }
0x1a0: {  	v5 =	vld.idx.msk [tilespmem:v2+s17+$0x0], $0xffff;
	v2 =	vor.u32 $0xB, v49;
	v0 =	vadd.f32 v0, v30;
	v3 =	vadd.f32 v21, v8  }
0x1a1: {  	v30 =	vmul.f32 v16, v53;
	v21 =	vld.idx.msk [tilespmem:v23+s17+$0x0], $0xffff;
	v4 =	vadd.f32 v4, v6;
	v6 =	vor.u32 $0xD, v22  }
0x1a2: {  	v7 =	vadd.f32 v1, v7;
	v23 =	vld [tilespmem:s31+$0x100];
	v50 =	vmul.f32 v42, v53;
	v16 =	vmul.f32 v44, v53  }
0x1a3: {  	v42 =	vor.u32 $0xE, v22;
	v0 =	vadd.f32 v30, v0;
	v30 =	vmul.f32 v26, v53;
	v26 =	vld [tilespmem:s31+$0x200]  }
0x1a4: {  	v44 =	vadd.f32 v50, v3;
	v50 =	vld.idx.msk [tilespmem:v22+s17+$0x0], $0xffff;
	v22 =	vor.u32 $0xF, v22;
	v3 =	vmul.f32 v10, v51  }
0x1a5: {  	v8 =	vor.u32 $0xC, v49;
	v7 =	vadd.f32 v16, v7;
	v16 =	vld [tilespmem:s31+$0x300];
	v10 =	vor.u32 $0xD, v49  }
0x1a6: {  	v27 =	vmul.f32 v27, v51;
	v30 =	vadd.f32 v30, v4;
	v4 =	vadd.f32 v3, v0;
	v1 =	vld.idx.msk [tilespmem:v6+s17+$0x0], $0xffff  }
0x1a7: {  	v47 =	vmul.f32 v47, v23;
	v6 =	vmul.f32 v36, v51;
	v36 =	vld.idx.msk [tilespmem:v2+s17+$0x0], $0xffff;
	v3 =	vor.u32 $0xE, v49  }
0x1a8: {  	v7 =	vadd.f32 v27, v7;
	v18 =	vmul.f32 v18, v23;
	v0 =	vmul.f32 v24, v26;
	v24 =	vld.idx.msk [tilespmem:v42+s17+$0x0], $0xffff  }
0x1a9: {  	v27 =	vmul.f32 v15, v23;
	v47 =	vadd.f32 v47, v4;
	v4 =	vor.u32 $0xF, v49;
	v15 =	vld.idx.msk [tilespmem:v22+s17+$0x0], $0xffff  }
0x1aa: {  	v6 =	vadd.f32 v6, v44;
	v22 =	vmul.f32 v40, v51;
	v42 =	vld.idx.msk [tilespmem:v8+s17+$0x0], $0xffff;
	v7 =	vadd.f32 v18, v7  }
0x1ab: {  	v0 =	vadd.f32 v0, v47;
	v47 =	vmul.f32 v50, v16;
	v50 =	vmul.f32 v43, v26;
	v43 =	vld.idx.msk [tilespmem:v10+s17+$0x0], $0xffff  }
0x1ac: {  	v6 =	vadd.f32 v27, v6;
	v22 =	vadd.f32 v22, v30;
	v30 =	vld [tilespmem:$0x1FBF0]  }
0x1ad: {  	v17 =	vmul.f32 v17, v26;
	v44 =	vmul.f32 v36, v37;
	v36 =	vld.idx.msk [tilespmem:v3+s17+$0x0], $0xffff;
	v0 =	vadd.f32 v47, v0  }
0x1ae: {  	v40 =	vmul.f32 v58, v16;
	v6 =	vadd.f32 v50, v6;
	v47 =	vmul.f32 v19, v23;
	v19 =	vld.idx.msk [tilespmem:v4+s17+$0x0], $0xffff  }
0x1af: {  	v7 =	vadd.f32 v17, v7;
	v42 =	vmul.f32 v42, v37;
	[tilespmem:v49+s26+$0x0] =	vst.idx.msk $0xffff, v0;
	v49 =	vld [tilespmem:$0x1FC00]  }
0x1b0: {  	v50 =	vadd.f32 $0.0e+00, v44;
	v44 =	vmul.f32 v32, v16;
	v6 =	vadd.f32 v40, v6;
	v40 =	vld [tilespmem:$0x1FC40]  }
0x1b1: {  	v18 =	vadd.f32 v47, v22;
	v47 =	vadd.f32 $0.0e+00, v42;
	v42 =	vld [tilespmem:$0x1FC60]  }
0x1b2: {  	v7 =	vadd.f32 v44, v7;
	v44 =	vld [tilespmem:$0x1FC70]  }
0x1b3: {  	v27 =	vmul.f32 v30, v41;
	v30 =	vmul.f32 v36, v37;
	v36 =	vld [tilespmem:$0x1FC20]  }
0x1b4: {  	v58 =	vmul.f32 v43, v37;
	[tilespmem:v45+s26+$0x0] =	vst.idx.msk $0xffff, v6;
	v45 =	vld [tilespmem:$0x1FC80]  }
0x1b5: {  	v13 =	vmul.f32 v13, v26;
	v0 =	vadd.f32 v27, v50;
	v50 =	vmul.f32 v33, v16;
	v33 =	vld [tilespmem:$0x1FC10]  }
0x1b6: {  	v32 =	vadd.f32 $0.0e+00, v58;
	v58 =	vld [tilespmem:$0x1FCC0]  }
0x1b7: {  	v13 =	vadd.f32 v13, v18;
	v19 =	vmul.f32 v19, v37;
	v37 =	vld [tilespmem:$0x1FC30]  }
0x1b8: {  	v18 =	vmul.f32 v49, v41;
	v49 =	vld [tilespmem:$0x1FCA0]  }
0x1b9: {  	v13 =	vadd.f32 v50, v13;
	v50 =	vld [tilespmem:$0x1FCB0]  }
0x1ba: {  	[tilespmem:v38+s26+$0x0] =	vst.idx.msk $0xffff, v7;
	v6 =	vadd.f32 v18, v47;
	v47 =	vld [tilespmem:$0x1FC90]  }
0x1bb: {  	[tilespmem:v35+s26+$0x0] =	vst.idx.msk $0xffff, v13;
	v35 =	vld [tilespmem:$0x1FCE0]  }
0x1bc: {  	v18 =	vmul.f32 v36, v41;
	v36 =	vld [tilespmem:$0x1FCF0]  }
0x1bd: {  	v38 =	vadd.f32 $0.0e+00, v30;
	v17 =	vmul.f32 v33, v41;
	v13 =	vmul.f32 v37, v41;
	v41 =	vld [tilespmem:$0x1FC50]  }
0x1be: {  	v37 =	vld [tilespmem:$0x1FD00]  }
0x1bf: {  	v18 =	vadd.f32 v18, v38;
	v38 =	vld [tilespmem:$0x1FD10]  }
0x1c0: {  	v19 =	vadd.f32 $0.0e+00, v19;
	v7 =	vadd.f32 v17, v32;
	v17 =	vmul.f32 v40, v60;
	v40 =	vld [tilespmem:$0x1FD30]  }
0x1c1: {  	v32 =	vmul.f32 v50, v60;
	v50 =	vld [tilespmem:$0x1FDC0]  }
0x1c2: {  	v13 =	vadd.f32 v13, v19;
	v19 =	vmul.f32 v42, v60;
	v42 =	vld [tilespmem:$0x1FD50]  }
0x1c3: {  	v17 =	vadd.f32 v17, v62;
	v62 =	vld [tilespmem:$0x1FCD0]  }
0x1c4: {  	v30 =	vmul.f32 v47, v60;
	v47 =	vld [tilespmem:$0x1FDA0];
	v27 =	vmul.f32 v41, v60  }
0x1c5: {  	v33 =	vmul.f32 v36, v60;
	v36 =	vld [tilespmem:$0x1FE20];
	v19 =	vadd.f32 v19, v20  }
0x1c6: {  	v20 =	vmul.f32 v45, v60;
	v45 =	vld [tilespmem:$0x1FD80];
	v43 =	vadd.f32 v27, v31;
	v27 =	vmul.f32 v44, v60  }
0x1c7: {  	v25 =	vadd.f32 v30, v25;
	v30 =	vmul.f32 v58, v60;
	v41 =	vld [tilespmem:$0x1FD40]  }
0x1c8: {  	v27 =	vadd.f32 v27, v39;
	v39 =	vld [tilespmem:$0x1FD20]  }
0x1c9: {  	v58 =	vld [tilespmem:$0x1FDF0];
	v6 =	vadd.f32 v30, v6;
	v30 =	vmul.f32 v35, v60;
	v35 =	vmul.f32 v38, v53  }
0x1ca: {  	v0 =	vadd.f32 v32, v0;
	v20 =	vadd.f32 v20, v46;
	v46 =	vld [tilespmem:$0x1FD90];
	v32 =	vmul.f32 v62, v60  }
0x1cb: {  	v22 =	vadd.f32 v35, v43;
	v43 =	vld [tilespmem:$0x1FD60]  }
0x1cc: {  	v44 =	vld [tilespmem:$0x1FD70];
	v7 =	vadd.f32 v32, v7;
	v32 =	vmul.f32 v37, v53  }
0x1cd: {  	v31 =	vmul.f32 v49, v60;
	v49 =	vld [tilespmem:$0x1FDB0];
	v18 =	vadd.f32 v30, v18;
	v30 =	vmul.f32 v39, v53  }
0x1ce: {  	v13 =	vadd.f32 v33, v13;
	v38 =	vld [tilespmem:$0x1FE40];
	v17 =	vadd.f32 v32, v17;
	v32 =	vmul.f32 v40, v53  }
0x1cf: {  	v33 =	vmul.f32 v42, v53;
	v42 =	vld [tilespmem:$0x1FE80];
	v19 =	vadd.f32 v30, v19;
	v30 =	vmul.f32 v41, v53  }
0x1d0: {  	v60 =	vld [tilespmem:$0x1FE00];
	v31 =	vadd.f32 v31, v52;
	v27 =	vadd.f32 v32, v27;
	v32 =	vmul.f32 v43, v53  }
0x1d1: {  	v25 =	vadd.f32 v33, v25;
	v52 =	vld [tilespmem:$0x1FDD0];
	v20 =	vadd.f32 v30, v20;
	v30 =	vmul.f32 v45, v53  }
0x1d2: {  	v62 =	vld [tilespmem:$0x1FE10];
	v35 =	vmul.f32 v44, v53;
	v33 =	vmul.f32 v49, v53;
	v31 =	vadd.f32 v32, v31  }
0x1d3: {  	v32 =	vmul.f32 v46, v53;
	v6 =	vadd.f32 v30, v6;
	v30 =	vmul.f32 v47, v53;
	v53 =	vld [tilespmem:$0x1FDE0]  }
0x1d4: {  	v37 =	vld [tilespmem:$0x1FE30]  }
0x1d5: {  	v21 =	vmul.f32 v21, v16;
	v40 =	vld [tilespmem:$0x1FE60]  }
0x1d6: {  	v5 =	vmul.f32 v5, v16;
	v44 =	vld [tilespmem:$0x1FEA0];
	v0 =	vadd.f32 v35, v0;
	v35 =	vmul.f32 v52, v51  }
0x1d7: {  	v1 =	vmul.f32 v1, v16;
	v13 =	vadd.f32 v33, v13;
	v33 =	vmul.f32 v62, v51;
	v43 =	vld [tilespmem:$0x1FE90]  }
0x1d8: {  	v22 =	vadd.f32 v35, v22;
	v41 =	vld [tilespmem:$0x1FE70];
	v18 =	vadd.f32 v30, v18;
	v30 =	vmul.f32 v53, v51  }
0x1d9: {  	v49 =	vld [tilespmem:$0x1FEE0];
	v35 =	vmul.f32 v37, v51;
	v7 =	vadd.f32 v32, v7;
	v32 =	vmul.f32 v50, v51  }
0x1da: {  	v39 =	vld [tilespmem:$0x1FE50];
	v25 =	vadd.f32 v33, v25;
	v19 =	vadd.f32 v30, v19;
	v30 =	vmul.f32 v60, v51  }
0x1db: {  	v0 =	vadd.f32 v35, v0;
	v50 =	vld [tilespmem:$0x1FEF0];
	v17 =	vadd.f32 v32, v17;
	v32 =	vmul.f32 v58, v51  }
0x1dc: {  	v35 =	vmul.f32 v43, v23;
	v47 =	vld [tilespmem:$0x1FED0];
	v20 =	vadd.f32 v30, v20;
	v30 =	vmul.f32 v38, v51  }
0x1dd: {  	v46 =	vld [tilespmem:$0x1FEC0];
	v33 =	vmul.f32 v41, v51;
	v27 =	vadd.f32 v32, v27;
	v32 =	vmul.f32 v36, v51  }
0x1de: {  	v45 =	vld [tilespmem:$0x1FEB0];
	v22 =	vadd.f32 v35, v22;
	v6 =	vadd.f32 v30, v6;
	v30 =	vmul.f32 v40, v51  }
0x1df: {  	v13 =	vadd.f32 v33, v13;
	v31 =	vadd.f32 v32, v31;
	v32 =	vmul.f32 v39, v51;
	v51 =	vld [tilespmem:$0x1FF00]  }
0x1e0: {  	v62 =	vld [tilespmem:$0x1FF50];
	v35 =	vmul.f32 v50, v23;
	v18 =	vadd.f32 v30, v18;
	v30 =	vmul.f32 v44, v23  }
0x1e1: {  	v33 =	vmul.f32 v47, v23;
	v53 =	vld [tilespmem:$0x1FF20];
	v7 =	vadd.f32 v32, v7;
	v32 =	vmul.f32 v42, v23  }
0x1e2: {  	v39 =	vld [tilespmem:$0x1FFB0];
	v0 =	vadd.f32 v35, v0;
	v19 =	vadd.f32 v30, v19;
	v30 =	vmul.f32 v46, v23  }
0x1e3: {  	v52 =	vld [tilespmem:$0x1FF10];
	v47 =	vmul.f32 v28, v16;
	v17 =	vadd.f32 v32, v17;
	v32 =	vmul.f32 v45, v23  }
0x1e4: {  	v25 =	vadd.f32 v33, v25;
	v20 =	vadd.f32 v30, v20;
	v30 =	vmul.f32 v51, v23  }
0x1e5: {  	v60 =	vld [tilespmem:$0x1FF40];
	v33 =	vmul.f32 v62, v26;
	v45 =	vmul.f32 v34, v16;
	v27 =	vadd.f32 v32, v27  }
0x1e6: {  	v58 =	vld [tilespmem:$0x1FF30];
	v32 =	vmul.f32 v49, v23;
	v6 =	vadd.f32 v30, v6;
	v30 =	vmul.f32 v53, v23  }
0x1e7: {  	v37 =	vld [tilespmem:$0x1FF90];
	v22 =	vadd.f32 v33, v22;
	v33 =	vmul.f32 v39, v26;
	v49 =	vmul.f32 v57, v16  }
0x1e8: {  	v31 =	vadd.f32 v32, v31;
	v32 =	vmul.f32 v52, v23;
	v18 =	vadd.f32 v30, v18;
	v30 =	vld [tilespmem:$0x1FF60]  }
0x1e9: {  	v35 =	vld [tilespmem:$0x1FF70];
	v57 =	vmul.f32 v48, v16;
	v0 =	vadd.f32 v33, v0;
	v22 =	vadd.f32 v45, v22  }
0x1ea: {  	v36 =	vld [tilespmem:$0x1FF80];
	v44 =	vmul.f32 v61, v16;
	v7 =	vadd.f32 v32, v7;
	v32 =	vmul.f32 v60, v26  }
0x1eb: {  	v41 =	vld [tilespmem:$0x1FFC0];
	v0 =	vadd.f32 v21, v0;
	v61 =	vmul.f32 v15, v16;
	v23 =	vmul.f32 v58, v23  }
0x1ec: {  	v38 =	vld [tilespmem:$0x1FFA0];
	v60 =	vmul.f32 v24, v16;
	v46 =	vmul.f32 v29, v16;
	v17 =	vadd.f32 v32, v17  }
0x1ed: {  	v32 =	vmul.f32 v37, v26;
	v13 =	vadd.f32 v23, v13;
	v23 =	vmul.f32 v30, v26  }
0x1ee: {  	v51 =	vmul.f32 v59, v16;
	v17 =	vadd.f32 v44, v17;
	v30 =	vmul.f32 v35, v26  }
0x1ef: {  	v42 =	vld [tilespmem:$0x1FFD0];
	v40 =	vadd.f32 v32, v25;
	v19 =	vadd.f32 v23, v19;
	v23 =	vmul.f32 v36, v26  }
0x1f0: {  	v43 =	vld [tilespmem:$0x1FFE0];
	v25 =	vmul.f32 v41, v26;
	[tilespmem:v56+s26+$0x0] =	vst.idx.msk $0xffff, v17;
	v27 =	vadd.f32 v30, v27  }
0x1f1: {  	v30 =	vmul.f32 v38, v26;
	v20 =	vadd.f32 v23, v20;
	v19 =	vadd.f32 v46, v19  }
0x1f2: {  	v58 =	vadd.f32 v51, v40;
	[tilespmem:v54+s26+$0x0] =	vst.idx.msk $0xffff, v22;
	v50 =	vadd.f32 v47, v27  }
0x1f3: {  	v30 =	vadd.f32 v30, v31;
	v20 =	vadd.f32 v49, v20;
	[tilespmem:v55+s26+$0x0] =	vst.idx.msk $0xffff, v19  }
0x1f4: {  	v6 =	vadd.f32 v25, v6;
	v31 =	vmul.f32 v42, v26;
	[tilespmem:v14+s26+$0x0] =	vst.idx.msk $0xffff, v50  }
0x1f5: {  	v25 =	vmul.f32 v43, v26;
	v59 =	vadd.f32 v57, v30;
	[tilespmem:v12+s26+$0x0] =	vst.idx.msk $0xffff, v20  }
0x1f6: {  	v26 =	vmul.f32 v63, v26;
	v7 =	vadd.f32 v31, v7;
	[tilespmem:v9+s26+$0x0] =	vst.idx.msk $0xffff, v58  }
0x1f7: {  	p0 =	sne.s32 s30, $0x770;
	v18 =	vadd.f32 v25, v18;
	v5 =	vadd.f32 v5, v6;
	[tilespmem:v11+s26+$0x0] =	vst.idx.msk $0xffff, v59  }
.Ltmp2:
0x1f8: {  	v13 =	vadd.f32 v26, v13;
	v1 =	vadd.f32 v1, v7;
	[tilespmem:v2+s26+$0x0] =	vst.idx.msk $0xffff, v0;
	(pc) =	sbr.rel @p0 .LBB2_7-.Ltmp2, $4  }
0x1f9: {  	v62 =	vadd.f32 v60, v18;
	[tilespmem:v8+s26+$0x0] =	vst.idx.msk $0xffff, v5  }
0x1fa: {  	v63 =	vadd.f32 v61, v13;
	[tilespmem:v10+s26+$0x0] =	vst.idx.msk $0xffff, v1  }
0x1fb: {  	[tilespmem:v3+s26+$0x0] =	vst.idx.msk $0xffff, v62  }
0x1fc: {  	s30 =	sadd.s32 $0x10, s30;
	s31 =	sadd.s32 $0x10, s31;
	v54 =	vld [tilespmem:$0x1FFF0];
	[tilespmem:v4+s26+$0x0] =	vst.idx.msk $0xffff, v63  }
0x1fd: {  	s30 =	simm.s32 $0x780;
	s31 =	simm.s32 $0xF80  }
.LBB2_9:
0x1fe: {  	_ = 	snop  }
0x1ff: {  	s0 =	sadd.s32 $0xFFFFFA00, s30  }
0x200: {  	v0 =	vmov s0  }
0x201: {  	v0 =	vshll.u32 v0, $0x4  }
0x202: {  	v1 =	vor.u32 v54, v0  }
0x203: {  	v0 =	vor.u32 $0x1, v1  }
0x204: {  	v2 =	vor.u32 $0x2, v1  }
0x205: {  	v3 =	vor.u32 $0x3, v1  }
0x206: {  	v4 =	vor.u32 $0x4, v1  }
0x207: {  	v5 =	vor.u32 $0x5, v1;
	v8 =	vld.idx.msk [tilespmem:v1+s17+$0x0], $0xffff  }
0x208: {  	v6 =	vor.u32 $0x6, v1;
	v0 =	vld.idx.msk [tilespmem:v0+s17+$0x0], $0xffff  }
0x209: {  	v48 =	vor.u32 $0x7, v1;
	v10 =	vld.idx.msk [tilespmem:v2+s17+$0x0], $0xffff  }
0x20a: {  	v49 =	vor.u32 $0x8, v1;
	v12 =	vld.idx.msk [tilespmem:v3+s17+$0x0], $0xffff  }
0x20b: {  	v50 =	vor.u32 $0x9, v1;
	v20 =	vld.idx.msk [tilespmem:v4+s17+$0x0], $0xffff  }
0x20c: {  	v51 =	vor.u32 $0xA, v1;
	v29 =	vld.idx.msk [tilespmem:v5+s17+$0x0], $0xffff  }
0x20d: {  	v52 =	vor.u32 $0xB, v1;
	v23 =	vld.idx.msk [tilespmem:v6+s17+$0x0], $0xffff  }
0x20e: {  	v53 =	vor.u32 $0xC, v1;
	v33 =	vld.idx.msk [tilespmem:v48+s17+$0x0], $0xffff  }
0x20f: {  	s3 =	sadd.s32 $0xFFFFFB00, s30;
	v55 =	vor.u32 $0xD, v1;
	v37 =	vld.idx.msk [tilespmem:v49+s17+$0x0], $0xffff  }
0x210: {  	v7 =	vmov s3;
	v60 =	vor.u32 $0xE, v1;
	v41 =	vld.idx.msk [tilespmem:v50+s17+$0x0], $0xffff  }
0x211: {  	v61 =	vshll.u32 v7, $0x4;
	v1 =	vor.u32 $0xF, v1;
	v58 =	vld.idx.msk [tilespmem:v51+s17+$0x0], $0xffff  }
0x212: {  	v6 =	vld.idx.msk [tilespmem:v52+s17+$0x0], $0xffff;
	v5 =	vor.u32 v54, v61  }
0x213: {  	v2 =	vld.idx.msk [tilespmem:v53+s17+$0x0], $0xffff;
	v62 =	vor.u32 $0x1, v5  }
0x214: {  	v3 =	vld.idx.msk [tilespmem:v55+s17+$0x0], $0xffff;
	v63 =	vor.u32 $0x2, v5  }
0x215: {  	v4 =	vld.idx.msk [tilespmem:v60+s17+$0x0], $0xffff;
	v13 =	vor.u32 $0x5, v5  }
0x216: {  	v9 =	vor.u32 $0x3, v5;
	v1 =	vld.idx.msk [tilespmem:v1+s17+$0x0], $0xffff  }
0x217: {  	v14 =	vor.u32 $0x6, v5;
	v53 =	vld.idx.msk [tilespmem:v5+s17+$0x0], $0xffff  }
0x218: {  	v15 =	vor.u32 $0x7, v5;
	v51 =	vld.idx.msk [tilespmem:v62+s17+$0x0], $0xffff  }
0x219: {  	v11 =	vor.u32 $0x4, v5;
	v52 =	vld.idx.msk [tilespmem:v63+s17+$0x0], $0xffff  }
0x21a: {  	v18 =	vor.u32 $0xA, v5;
	[tilespmem:$0x1F800] =	vst v6;
	v6 =	vld.idx.msk [tilespmem:v13+s17+$0x0], $0xffff  }
0x21b: {  	v16 =	vor.u32 $0x8, v5;
	v49 =	vld.idx.msk [tilespmem:v9+s17+$0x0], $0xffff  }
0x21c: {  	v21 =	vor.u32 $0xC, v5;
	[tilespmem:$0x1F810] =	vst v2;
	v2 =	vld.idx.msk [tilespmem:v14+s17+$0x0], $0xffff  }
0x21d: {  	v22 =	vor.u32 $0xD, v5;
	[tilespmem:$0x1F820] =	vst v3;
	v3 =	vld.idx.msk [tilespmem:v15+s17+$0x0], $0xffff  }
0x21e: {  	s11 =	sadd.s32 $0xFFFFFD00, s30;
	v17 =	vor.u32 $0x9, v5;
	v19 =	vor.u32 $0xB, v5;
	[tilespmem:$0x1F840] =	vst v1;
	v1 =	vld.idx.msk [tilespmem:v11+s17+$0x0], $0xffff  }
0x21f: {  	v24 =	vor.u32 $0xE, v5;
	v5 =	vor.u32 $0xF, v5;
	v14 =	vmov s11;
	[tilespmem:$0x1F860] =	vst v6;
	v6 =	vld.idx.msk [tilespmem:v18+s17+$0x0], $0xffff  }
0x220: {  	[tilespmem:$0x1F830] =	vst v4;
	v4 =	vld.idx.msk [tilespmem:v16+s17+$0x0], $0xffff;
	v14 =	vshll.u32 v14, $0x4  }
0x221: {  	s6 =	sadd.s32 $0xFFFFFC00, s30;
	v27 =	vld.idx.msk [tilespmem:v21+s17+$0x0], $0xffff;
	v61 =	vor.u32 v54, v14  }
0x222: {  	v25 =	vmov s6;
	v30 =	vld.idx.msk [tilespmem:v22+s17+$0x0], $0xffff;
	v14 =	vor.u32 $0x2, v61  }
0x223: {  	v26 =	vshll.u32 v25, $0x4;
	[tilespmem:$0x1F850] =	vst v1;
	v1 =	vld.idx.msk [tilespmem:v17+s17+$0x0], $0xffff  }
0x224: {  	v34 =	vld.idx.msk [tilespmem:v5+s17+$0x0], $0xffff;
	[tilespmem:$0x1F8B0] =	vst v6;
	v6 =	vor.u32 v54, v26  }
0x225: {  	[tilespmem:$0x1F870] =	vst v2;
	v2 =	vld.idx.msk [tilespmem:v19+s17+$0x0], $0xffff;
	v28 =	vor.u32 $0x1, v6  }
0x226: {  	v16 =	vld.idx.msk [tilespmem:v61+s17+$0x0], $0xffff;
	v31 =	vor.u32 $0x2, v6  }
0x227: {  	v22 =	vld.idx.msk [tilespmem:v14+s17+$0x0], $0xffff;
	v32 =	vor.u32 $0x3, v6  }
0x228: {  	v35 =	vor.u32 $0x4, v6;
	[tilespmem:$0x1F8A0] =	vst v1;
	v1 =	vld.idx.msk [tilespmem:v24+s17+$0x0], $0xffff  }
0x229: {  	v13 =	vor.u32 $0x5, v6;
	v25 =	vld.idx.msk [tilespmem:v6+s17+$0x0], $0xffff  }
0x22a: {  	v36 =	vor.u32 $0x6, v6;
	v43 =	vld.idx.msk [tilespmem:v28+s17+$0x0], $0xffff  }
0x22b: {  	v38 =	vor.u32 $0x7, v6;
	v45 =	vld.idx.msk [tilespmem:v31+s17+$0x0], $0xffff  }
0x22c: {  	v42 =	vor.u32 $0x9, v6;
	v26 =	vld.idx.msk [tilespmem:v32+s17+$0x0], $0xffff  }
0x22d: {  	v46 =	vor.u32 $0xA, v6;
	v40 =	vld.idx.msk [tilespmem:v35+s17+$0x0], $0xffff  }
0x22e: {  	v48 =	vor.u32 $0xB, v6;
	v44 =	vld.idx.msk [tilespmem:v13+s17+$0x0], $0xffff  }
0x22f: {  	v55 =	vor.u32 $0xC, v6;
	v47 =	vld.idx.msk [tilespmem:v36+s17+$0x0], $0xffff  }
0x230: {  	v59 =	vor.u32 $0xE, v6;
	v50 =	vld.idx.msk [tilespmem:v38+s17+$0x0], $0xffff  }
0x231: {  	v63 =	vor.u32 $0x1, v61;
	v57 =	vld.idx.msk [tilespmem:v42+s17+$0x0], $0xffff  }
0x232: {  	v11 =	vor.u32 $0x3, v61;
	v60 =	vld.idx.msk [tilespmem:v46+s17+$0x0], $0xffff  }
0x233: {  	[tilespmem:$0x1F8D0] =	vst v27;
	v27 =	vor.u32 $0x4, v61;
	v62 =	vld.idx.msk [tilespmem:v48+s17+$0x0], $0xffff  }
0x234: {  	[tilespmem:$0x1F8E0] =	vst v30;
	v30 =	vor.u32 $0x5, v61;
	v9 =	vld.idx.msk [tilespmem:v55+s17+$0x0], $0xffff  }
0x235: {  	v17 =	vor.u32 $0x7, v61;
	v24 =	vld.idx.msk [tilespmem:v59+s17+$0x0], $0xffff  }
0x236: {  	v39 =	vor.u32 $0x8, v6;
	v35 =	vld.idx.msk [tilespmem:v63+s17+$0x0], $0xffff  }
0x237: {  	v56 =	vor.u32 $0xD, v6;
	v6 =	vor.u32 $0xF, v6;
	v38 =	vld.idx.msk [tilespmem:v11+s17+$0x0], $0xffff  }
0x238: {  	v15 =	vor.u32 $0x6, v61;
	[tilespmem:$0x1F900] =	vst v34;
	v32 =	vld.idx.msk [tilespmem:v27+s17+$0x0], $0xffff  }
0x239: {  	v34 =	vor.u32 $0x9, v61;
	v36 =	vld.idx.msk [tilespmem:v30+s17+$0x0], $0xffff;
	[tilespmem:$0x1F8F0] =	vst v1  }
0x23a: {  	v42 =	vld.idx.msk [tilespmem:v17+s17+$0x0], $0xffff;
	v46 =	vor.u32 $0xC, v61;
	[tilespmem:$0x1F910] =	vst v40  }
0x23b: {  	v1 =	vld.idx.msk [tilespmem:v39+s17+$0x0], $0xffff;
	[tilespmem:$0x1F920] =	vst v44  }
0x23c: {  	v48 =	vor.u32 $0xD, v61;
	v28 =	vld.idx.msk [tilespmem:v6+s17+$0x0], $0xffff;
	[tilespmem:$0x1F930] =	vst v47  }
0x23d: {  	v13 =	vor.u32 $0xF, v61;
	[tilespmem:$0x1F940] =	vst v50;
	v40 =	vld.idx.msk [tilespmem:v15+s17+$0x0], $0xffff  }
0x23e: {  	v39 =	vor.u32 $0xA, v61;
	[tilespmem:$0x1F970] =	vst v60;
	v47 =	vld.idx.msk [tilespmem:v34+s17+$0x0], $0xffff  }
0x23f: {  	s3 =	sadd.s32 $0xFFFFFE00, s30;
	[tilespmem:$0x1F980] =	vst v62;
	v44 =	vor.u32 $0xB, v61;
	v60 =	vld.idx.msk [tilespmem:v46+s17+$0x0], $0xffff  }
0x240: {  	v31 =	vor.u32 $0x8, v61;
	v50 =	vmov s3;
	[tilespmem:$0x1F950] =	vst v1;
	v1 =	vld.idx.msk [tilespmem:v56+s17+$0x0], $0xffff  }
0x241: {  	[tilespmem:$0x1F9B0] =	vst v24;
	v62 =	vld.idx.msk [tilespmem:v48+s17+$0x0], $0xffff;
	v24 =	vshll.u32 v50, $0x4;
	v56 =	vor.u32 $0xE, v61  }
0x242: {  	[tilespmem:$0x1F890] =	vst v4;
	v4 =	vld.idx.msk [tilespmem:v13+s17+$0x0], $0xffff;
	v24 =	vor.u32 v54, v24  }
0x243: {  	v55 =	vld.idx.msk [tilespmem:v39+s17+$0x0], $0xffff;
	v59 =	vor.u32 $0x1, v24  }
0x244: {  	[tilespmem:$0x1F960] =	vst v57;
	v61 =	vor.u32 $0x2, v24;
	v57 =	vld.idx.msk [tilespmem:v44+s17+$0x0], $0xffff  }
0x245: {  	v27 =	vor.u32 $0x3, v24;
	[tilespmem:$0x1F9A0] =	vst v1;
	v1 =	vld.idx.msk [tilespmem:v31+s17+$0x0], $0xffff  }
0x246: {  	v5 =	vor.u32 $0x5, v24;
	v63 =	vld.idx.msk [tilespmem:v56+s17+$0x0], $0xffff  }
0x247: {  	v30 =	vor.u32 $0x6, v24;
	v48 =	vld.idx.msk [tilespmem:v24+s17+$0x0], $0xffff  }
0x248: {  	[tilespmem:$0x1F990] =	vst v9;
	v6 =	vor.u32 $0x7, v24;
	v18 =	vld.idx.msk [tilespmem:v59+s17+$0x0], $0xffff  }
0x249: {  	[tilespmem:$0x1F9D0] =	vst v32;
	v7 =	vor.u32 $0x8, v24;
	v19 =	vld.idx.msk [tilespmem:v61+s17+$0x0], $0xffff  }
0x24a: {  	[tilespmem:$0x1F9E0] =	vst v36;
	v11 =	vor.u32 $0x9, v24;
	v21 =	vld.idx.msk [tilespmem:v27+s17+$0x0], $0xffff  }
0x24b: {  	[tilespmem:$0x1FA00] =	vst v42;
	v34 =	vor.u32 $0xA, v24;
	v32 =	vld.idx.msk [tilespmem:v5+s17+$0x0], $0xffff  }
0x24c: {  	[tilespmem:$0x1F9C0] =	vst v28;
	v28 =	vor.u32 $0x4, v24;
	v36 =	vld.idx.msk [tilespmem:v30+s17+$0x0], $0xffff  }
0x24d: {  	[tilespmem:$0x1F9F0] =	vst v40;
	v40 =	vor.u32 $0xB, v24;
	v39 =	vld.idx.msk [tilespmem:v6+s17+$0x0], $0xffff  }
0x24e: {  	[tilespmem:$0x1FA20] =	vst v47;
	v44 =	vor.u32 $0xC, v24;
	v42 =	vld.idx.msk [tilespmem:v7+s17+$0x0], $0xffff  }
0x24f: {  	s6 =	sadd.s32 $0xFFFFFF00, s30;
	[tilespmem:$0x1FA50] =	vst v60;
	v47 =	vor.u32 $0xD, v24;
	v46 =	vld.idx.msk [tilespmem:v11+s17+$0x0], $0xffff  }
0x250: {  	[tilespmem:$0x1FA30] =	vst v55;
	v55 =	vmov s6;
	v56 =	vld.idx.msk [tilespmem:v34+s17+$0x0], $0xffff;
	v59 =	vor.u32 $0xE, v24  }
0x251: {  	v24 =	vor.u32 $0xF, v24;
	v9 =	vld.idx.msk [tilespmem:v28+s17+$0x0], $0xffff;
	[tilespmem:$0x1FA40] =	vst v57;
	v57 =	vshll.u32 v55, $0x4  }
0x252: {  	[tilespmem:$0x1FA60] =	vst v62;
	v60 =	vld.idx.msk [tilespmem:v40+s17+$0x0], $0xffff;
	v13 =	vor.u32 v54, v57  }
0x253: {  	[tilespmem:$0x1FA80] =	vst v4;
	v62 =	vld.idx.msk [tilespmem:v44+s17+$0x0], $0xffff;
	v61 =	vor.u32 $0x1, v13  }
0x254: {  	v4 =	vld.idx.msk [tilespmem:v47+s17+$0x0], $0xffff;
	[tilespmem:$0x1FA70] =	vst v63;
	v63 =	vor.u32 $0x2, v13  }
0x255: {  	v5 =	vor.u32 $0x3, v13;
	v6 =	vld.idx.msk [tilespmem:v59+s17+$0x0], $0xffff  }
0x256: {  	v7 =	vor.u32 $0x4, v13;
	[tilespmem:$0x1FA90] =	vst v9;
	v9 =	vld.idx.msk [tilespmem:v24+s17+$0x0], $0xffff  }
0x257: {  	v11 =	vor.u32 $0x5, v13;
	v24 =	vld.idx.msk [tilespmem:v13+s17+$0x0], $0xffff  }
0x258: {  	[tilespmem:$0x1F880] =	vst v3;
	v14 =	vor.u32 $0x7, v13;
	v44 =	vld.idx.msk [tilespmem:v61+s17+$0x0], $0xffff  }
0x259: {  	[tilespmem:$0x1F8C0] =	vst v2;
	v31 =	vor.u32 $0x6, v13;
	v17 =	vld.idx.msk [tilespmem:v63+s17+$0x0], $0xffff  }
0x25a: {  	v15 =	vor.u32 $0x8, v13;
	[tilespmem:$0x1FAA0] =	vst v32;
	v34 =	vld.idx.msk [tilespmem:v5+s17+$0x0], $0xffff  }
0x25b: {  	v47 =	vor.u32 $0xB, v13;
	[tilespmem:$0x1FAB0] =	vst v36;
	v36 =	vld.idx.msk [tilespmem:v7+s17+$0x0], $0xffff  }
0x25c: {  	v55 =	vor.u32 $0xC, v13;
	[tilespmem:$0x1FAC0] =	vst v39;
	v40 =	vld.idx.msk [tilespmem:v11+s17+$0x0], $0xffff  }
0x25d: {  	[tilespmem:$0x1FAD0] =	vst v42;
	v39 =	vor.u32 $0x9, v13;
	v50 =	vld.idx.msk [tilespmem:v14+s17+$0x0], $0xffff  }
0x25e: {  	[tilespmem:$0x1FAE0] =	vst v46;
	v42 =	vor.u32 $0xA, v13;
	v46 =	vld.idx.msk [tilespmem:v31+s17+$0x0], $0xffff  }
0x25f: {  	s11 =	sadd.s32 $0xFFFFF900, s30;
	[tilespmem:$0x1FAF0] =	vst v56;
	v32 =	vor.u32 $0xD, v13;
	v56 =	vld.idx.msk [tilespmem:v15+s17+$0x0], $0xffff  }
0x260: {  	v57 =	vmov s11;
	[tilespmem:$0x1FB00] =	vst v60;
	v61 =	vld.idx.msk [tilespmem:v47+s17+$0x0], $0xffff  }
0x261: {  	v28 =	vshll.u32 v57, $0x4;
	[tilespmem:$0x1FB10] =	vst v62;
	v62 =	vld.idx.msk [tilespmem:v55+s17+$0x0], $0xffff  }
0x262: {  	v59 =	vld.idx.msk [tilespmem:v39+s17+$0x0], $0xffff;
	[tilespmem:$0x1FB80] =	vst v50;
	v50 =	vor.u32 v54, v28  }
0x263: {  	v60 =	vld.idx.msk [tilespmem:v42+s17+$0x0], $0xffff;
	[tilespmem:$0x1FB70] =	vst v46;
	v46 =	vor.u32 $0x1, v50  }
0x264: {  	v63 =	vld.idx.msk [tilespmem:v32+s17+$0x0], $0xffff;
	[tilespmem:$0x1FB60] =	vst v40;
	v40 =	vor.u32 $0x2, v50  }
0x265: {  	v2 =	vmov s30;
	v39 =	vld [tilespmem:s31+$0xFFFFFC00];
	[tilespmem:$0x1FB50] =	vst v36;
	v36 =	vor.u32 $0x3, v50  }
0x266: {  	v3 =	vshll.u32 v2, $0x4;
	[tilespmem:$0x1FA10] =	vst v1;
	v1 =	vor.u32 $0xE, v13;
	v42 =	vld [tilespmem:s31+$0xFFFFFD00]  }
0x267: {  	v30 =	vor.u32 v54, v3;
	[tilespmem:$0x1FB20] =	vst v4;
	v13 =	vor.u32 $0xF, v13;
	v28 =	vld.idx.msk [tilespmem:v50+s17+$0x0], $0xffff  }
0x268: {  	v57 =	vor.u32 $0x1, v30;
	[tilespmem:$0x1FB90] =	vst v56;
	v4 =	vld.idx.msk [tilespmem:v46+s17+$0x0], $0xffff  }
0x269: {  	[tilespmem:$0x1FBC0] =	vst v61;
	v56 =	vor.u32 $0x4, v50;
	v5 =	vld.idx.msk [tilespmem:v40+s17+$0x0], $0xffff  }
0x26a: {  	[tilespmem:$0x1FBD0] =	vst v62;
	v54 =	vor.u32 $0x5, v50;
	v61 =	vld.idx.msk [tilespmem:v36+s17+$0x0], $0xffff  }
0x26b: {  	v62 =	vld.idx.msk [tilespmem:v1+s17+$0x0], $0xffff;
	[tilespmem:$0x1FBB0] =	vst v60;
	v14 =	vor.u32 $0x8, v50  }
0x26c: {  	[tilespmem:$0x1FBE0] =	vst v63;
	v55 =	vor.u32 $0x6, v50;
	v60 =	vld.idx.msk [tilespmem:v13+s17+$0x0], $0xffff;
	v8 =	vmul.f32 v8, v42;
	v63 =	vmul.f32 v0, v42  }
0x26d: {  	v47 =	vor.u32 $0x2, v30;
	[tilespmem:$0x1FBA0] =	vst v59;
	v59 =	vld.idx.msk [tilespmem:v57+s17+$0x0], $0xffff;
	v7 =	vmul.f32 v10, v42;
	v28 =	vmul.f32 v28, v39  }
0x26e: {  	v15 =	vor.u32 $0x7, v50;
	v2 =	vld.idx.msk [tilespmem:v56+s17+$0x0], $0xffff;
	v31 =	vmul.f32 v4, v39;
	v27 =	vmul.f32 v5, v39  }
0x26f: {  	v32 =	vld.idx.msk [tilespmem:v54+s17+$0x0], $0xffff;
	v4 =	vor.u32 $0x3, v30;
	v5 =	vmul.f32 v61, v39;
	v28 =	vadd.f32 $0.0e+00, v28  }
0x270: {  	[tilespmem:$0x1FB30] =	vst v6;
	v11 =	vor.u32 $0x9, v50;
	v0 =	vld.idx.msk [tilespmem:v14+s17+$0x0], $0xffff;
	v31 =	vadd.f32 $0.0e+00, v31;
	v6 =	vadd.f32 $0.0e+00, v27  }
0x271: {  	[tilespmem:$0x1FB40] =	vst v9;
	v57 =	vor.u32 $0x5, v30;
	v61 =	vld.idx.msk [tilespmem:v55+s17+$0x0], $0xffff;
	v10 =	vadd.f32 $0.0e+00, v5;
	v9 =	vadd.f32 v8, v28  }
0x272: {  	v28 =	vld.idx.msk [tilespmem:v47+s17+$0x0], $0xffff;
	v47 =	vmul.f32 v12, v42;
	v12 =	vor.u32 $0xA, v50;
	v8 =	vadd.f32 v63, v31  }
0x273: {  	v63 =	vor.u32 $0x4, v30;
	v7 =	vadd.f32 v7, v6;
	v6 =	vmul.f32 v2, v39;
	v2 =	vld.idx.msk [tilespmem:v15+s17+$0x0], $0xffff  }
0x274: {  	v3 =	vor.u32 $0x6, v30;
	v20 =	vmul.f32 v20, v42;
	v29 =	vmul.f32 v29, v42;
	v27 =	vld.idx.msk [tilespmem:v4+s17+$0x0], $0xffff  }
0x275: {  	v0 =	vmul.f32 v0, v39;
	v13 =	vadd.f32 v47, v10;
	v10 =	vmul.f32 v32, v39;
	v4 =	vld.idx.msk [tilespmem:v11+s17+$0x0], $0xffff  }
0x276: {  	v5 =	vor.u32 $0x7, v30;
	v61 =	vmul.f32 v61, v39;
	v32 =	vld.idx.msk [tilespmem:v57+s17+$0x0], $0xffff;
	v57 =	vmul.f32 v33, v42  }
0x277: {  	v1 =	vadd.f32 $0.0e+00, v6;
	v31 =	vadd.f32 $0.0e+00, v10;
	v10 =	vmul.f32 v23, v42;
	v23 =	vld.idx.msk [tilespmem:v12+s17+$0x0], $0xffff  }
0x278: {  	v33 =	vor.u32 $0xA, v30;
	v61 =	vadd.f32 $0.0e+00, v61;
	v47 =	vld.idx.msk [tilespmem:v63+s17+$0x0], $0xffff;
	v2 =	vmul.f32 v2, v39  }
0x279: {  	v63 =	vadd.f32 v20, v1;
	v29 =	vadd.f32 v29, v31;
	v31 =	vld.idx.msk [tilespmem:v3+s17+$0x0], $0xffff;
	v3 =	vor.u32 $0x9, v30  }
0x27a: {  	v6 =	vor.u32 $0x8, v30;
	v10 =	vadd.f32 v10, v61;
	v61 =	vld [tilespmem:s31+$0xFFFFFE00];
	v2 =	vadd.f32 $0.0e+00, v2  }
0x27b: {  	v1 =	vadd.f32 $0.0e+00, v0;
	v0 =	vmul.f32 v37, v42;
	v37 =	vld.idx.msk [tilespmem:v5+s17+$0x0], $0xffff;
	v4 =	vmul.f32 v4, v39  }
0x27c: {  	v20 =	vor.u32 $0xB, v30;
	v5 =	vadd.f32 v57, v2;
	v2 =	vmul.f32 v23, v39;
	v57 =	vld [tilespmem:s31+$0xFFFFFF00]  }
0x27d: {  	v0 =	vadd.f32 v0, v1;
	v1 =	vadd.f32 $0.0e+00, v4;
	v4 =	vmul.f32 v41, v42  }
0x27e: {  	v23 =	vmul.f32 v58, v42;
	v41 =	vld.idx.msk [tilespmem:v3+s17+$0x0], $0xffff;
	v3 =	vor.u32 $0xC, v30;
	v2 =	vadd.f32 $0.0e+00, v2  }
0x27f: {  	v58 =	vadd.f32 v4, v1;
	v1 =	vmul.f32 v53, v61;
	v4 =	vmul.f32 v51, v61  }
0x280: {  	v51 =	vadd.f32 v23, v2;
	v2 =	vmul.f32 v52, v61;
	v23 =	vmul.f32 v49, v61;
	v52 =	vld [tilespmem:s31+$0x0]  }
0x281: {  	v1 =	vadd.f32 v1, v9;
	v4 =	vadd.f32 v4, v8;
	v49 =	vmul.f32 v25, v57;
	v25 =	vld.idx.msk [tilespmem:v20+s17+$0x0], $0xffff  }
0x282: {  	v53 =	vmul.f32 v43, v57;
	v43 =	vmul.f32 v26, v57;
	v9 =	vadd.f32 v23, v13;
	v23 =	vld [tilespmem:s31+$0x100]  }
0x283: {  	v7 =	vadd.f32 v2, v7;
	v13 =	vor.u32 $0xD, v30;
	v20 =	vld.idx.msk [tilespmem:v3+s17+$0x0], $0xffff;
	v3 =	vmul.f32 v45, v57  }
0x284: {  	v26 =	vld [tilespmem:s31+$0x200];
	v2 =	vor.u32 $0xB, v50;
	v45 =	vor.u32 $0xE, v30;
	v1 =	vadd.f32 v49, v1  }
0x285: {  	v49 =	vadd.f32 v53, v4;
	v53 =	vld.idx.msk [tilespmem:v30+s17+$0x0], $0xffff;
	v30 =	vor.u32 $0xF, v30;
	v8 =	vadd.f32 v3, v7  }
0x286: {  	v43 =	vadd.f32 v43, v9;
	v7 =	vor.u32 $0xC, v50;
	v4 =	vmul.f32 v16, v52;
	v16 =	vld [tilespmem:s31+$0x300]  }
0x287: {  	v33 =	vld.idx.msk [tilespmem:v33+s17+$0x0], $0xffff;
	v9 =	vor.u32 $0xD, v50;
	v3 =	vor.u32 $0xE, v50;
	v35 =	vmul.f32 v35, v52  }
0x288: {  	v6 =	vld.idx.msk [tilespmem:v6+s17+$0x0], $0xffff;
	v22 =	vmul.f32 v22, v52;
	v1 =	vadd.f32 v4, v1;
	v4 =	vmul.f32 v48, v23  }
0x289: {  	v24 =	vmul.f32 v24, v26;
	v13 =	vld.idx.msk [tilespmem:v13+s17+$0x0], $0xffff;
	v35 =	vadd.f32 v35, v49;
	v18 =	vmul.f32 v18, v23  }
0x28a: {  	v48 =	vld.idx.msk [tilespmem:v2+s17+$0x0], $0xffff;
	v22 =	vadd.f32 v22, v8;
	v19 =	vmul.f32 v19, v23;
	v1 =	vadd.f32 v4, v1  }
0x28b: {  	v45 =	vld.idx.msk [tilespmem:v45+s17+$0x0], $0xffff;
	v4 =	vor.u32 $0xF, v50;
	v18 =	vadd.f32 v18, v35;
	v49 =	vmul.f32 v53, v16  }
0x28c: {  	v53 =	vmul.f32 v44, v26;
	v1 =	vadd.f32 v24, v1;
	v24 =	vmul.f32 v38, v52;
	v38 =	vld.idx.msk [tilespmem:v7+s17+$0x0], $0xffff  }
0x28d: {  	v17 =	vmul.f32 v17, v26;
	v8 =	vld.idx.msk [tilespmem:v30+s17+$0x0], $0xffff  }
0x28e: {  	v19 =	vadd.f32 v19, v22;
	v44 =	vld.idx.msk [tilespmem:v9+s17+$0x0], $0xffff;
	v18 =	vadd.f32 v53, v18;
	v53 =	vmul.f32 v59, v16  }
0x28f: {  	v21 =	vmul.f32 v21, v23;
	v24 =	vadd.f32 v24, v43;
	v1 =	vadd.f32 v49, v1;
	v43 =	vld.idx.msk [tilespmem:v3+s17+$0x0], $0xffff  }
0x290: {  	v17 =	vadd.f32 v17, v19;
	v48 =	vmul.f32 v48, v39;
	v22 =	vld.idx.msk [tilespmem:v4+s17+$0x0], $0xffff;
	v18 =	vadd.f32 v53, v18  }
0x291: {  	v59 =	vmul.f32 v34, v26;
	[tilespmem:v50+s26+$0x0] =	vst.idx.msk $0xffff, v1;
	v50 =	vld [tilespmem:$0x1F800];
	v34 =	vmul.f32 v38, v39  }
0x292: {  	v21 =	vadd.f32 v21, v24;
	v38 =	vmul.f32 v28, v16;
	[tilespmem:v46+s26+$0x0] =	vst.idx.msk $0xffff, v18;
	v46 =	vld [tilespmem:$0x1F8A0]  }
0x293: {  	v49 =	vadd.f32 $0.0e+00, v48;
	v48 =	vadd.f32 $0.0e+00, v34;
	v34 =	vld [tilespmem:$0x1F830]  }
0x294: {  	v27 =	vmul.f32 v27, v16;
	v35 =	vadd.f32 v59, v21;
	v17 =	vadd.f32 v38, v17;
	v38 =	vld [tilespmem:$0x1F850]  }
0x295: {  	v53 =	vmul.f32 v43, v39;
	v43 =	vld [tilespmem:$0x1F880]  }
0x296: {  	v22 =	vmul.f32 v22, v39;
	v19 =	vadd.f32 v27, v35;
	v35 =	vld [tilespmem:$0x1F840]  }
0x297: {  	v30 =	vmul.f32 v50, v42;
	v50 =	vmul.f32 v44, v39;
	v39 =	vld [tilespmem:$0x1F860]  }
0x298: {  	[tilespmem:v40+s26+$0x0] =	vst.idx.msk $0xffff, v17;
	v40 =	vld [tilespmem:$0x1F870]  }
0x299: {  	v44 =	vld [tilespmem:$0x1F890]  }
0x29a: {  	v1 =	vadd.f32 v30, v49;
	v49 =	vld [tilespmem:$0x1F810]  }
0x29b: {  	v30 =	vld [tilespmem:$0x1F820]  }
0x29c: {  	[tilespmem:v36+s26+$0x0] =	vst.idx.msk $0xffff, v19;
	v36 =	vadd.f32 $0.0e+00, v53;
	v22 =	vadd.f32 $0.0e+00, v22;
	v53 =	vld [tilespmem:$0x1F8D0];
	v19 =	vmul.f32 v35, v42  }
0x29d: {  	v28 =	vmul.f32 v39, v61;
	v39 =	vld [tilespmem:$0x1F930]  }
0x29e: {  	v19 =	vadd.f32 v19, v22;
	v22 =	vmul.f32 v40, v61;
	v40 =	vld [tilespmem:$0x1F940]  }
0x29f: {  	v59 =	vadd.f32 $0.0e+00, v50;
	v24 =	vmul.f32 v49, v42;
	v49 =	vld [tilespmem:$0x1F8C0]  }
0x2a0: {  	v21 =	vmul.f32 v30, v42;
	v10 =	vadd.f32 v22, v10;
	v22 =	vmul.f32 v44, v61;
	v44 =	vld [tilespmem:$0x1F970]  }
0x2a1: {  	v18 =	vadd.f32 v24, v48;
	v48 =	vld [tilespmem:$0x1F8B0]  }
0x2a2: {  	v17 =	vadd.f32 v21, v59;
	v59 =	vld [tilespmem:$0x1F8F0]  }
0x2a3: {  	v24 =	vmul.f32 v34, v42;
	v21 =	vmul.f32 v38, v61;
	v38 =	vld [tilespmem:$0x1F920]  }
0x2a4: {  	v42 =	vadd.f32 v28, v29;
	v28 =	vmul.f32 v43, v61;
	v29 =	vmul.f32 v46, v61;
	v43 =	vld [tilespmem:$0x1F960]  }
0x2a5: {  	v46 =	vld [tilespmem:$0x1F980]  }
0x2a6: {  	v50 =	vadd.f32 v29, v58;
	v58 =	vld [tilespmem:$0x1F8E0]  }
0x2a7: {  	v21 =	vadd.f32 v21, v63;
	v63 =	vld [tilespmem:$0x1F900]  }
0x2a8: {  	v24 =	vadd.f32 v24, v36;
	v36 =	vld [tilespmem:$0x1F910]  }
0x2a9: {  	v29 =	vmul.f32 v53, v61;
	v53 =	vld [tilespmem:$0x1F9D0];
	v30 =	vmul.f32 v49, v61  }
0x2aa: {  	v5 =	vadd.f32 v28, v5;
	v49 =	vld [tilespmem:$0x1F9A0];
	v35 =	vmul.f32 v38, v57  }
0x2ab: {  	v28 =	vmul.f32 v48, v61;
	v1 =	vadd.f32 v30, v1;
	v48 =	vld [tilespmem:$0x1F990];
	v30 =	vmul.f32 v58, v61  }
0x2ac: {  	v0 =	vadd.f32 v22, v0;
	v34 =	vmul.f32 v63, v61;
	v27 =	vadd.f32 v35, v42;
	v42 =	vld [tilespmem:$0x1F950]  }
0x2ad: {  	v18 =	vadd.f32 v29, v18;
	v29 =	vmul.f32 v59, v61;
	v59 =	vld [tilespmem:$0x1FA00];
	v17 =	vadd.f32 v30, v17  }
0x2ae: {  	v38 =	vld [tilespmem:$0x1FA50];
	v30 =	vmul.f32 v36, v57;
	v19 =	vadd.f32 v34, v19;
	v34 =	vmul.f32 v43, v57  }
0x2af: {  	v28 =	vadd.f32 v28, v51;
	v24 =	vadd.f32 v29, v24;
	v29 =	vmul.f32 v39, v57;
	v51 =	vld [tilespmem:$0x1F9C0]  }
0x2b0: {  	v21 =	vadd.f32 v30, v21;
	v30 =	vmul.f32 v40, v57;
	v22 =	vadd.f32 v34, v50;
	v50 =	vld [tilespmem:$0x1F9B0]  }
0x2b1: {  	v58 =	vld [tilespmem:$0x1F9F0];
	v10 =	vadd.f32 v29, v10;
	v29 =	vmul.f32 v42, v57  }
0x2b2: {  	v61 =	vld [tilespmem:$0x1FA10];
	v5 =	vadd.f32 v30, v5;
	v30 =	vmul.f32 v44, v57  }
0x2b3: {  	v63 =	vld [tilespmem:$0x1FA20];
	v0 =	vadd.f32 v29, v0;
	v29 =	vmul.f32 v48, v57  }
0x2b4: {  	v35 =	vmul.f32 v46, v57;
	v39 =	vld [tilespmem:$0x1FA60];
	v34 =	vmul.f32 v51, v57;
	v28 =	vadd.f32 v30, v28  }
0x2b5: {  	v30 =	vmul.f32 v49, v57;
	v18 =	vadd.f32 v29, v18;
	v29 =	vmul.f32 v50, v57;
	v57 =	vld [tilespmem:$0x1F9E0]  }
0x2b6: {  	v46 =	vld [tilespmem:$0x1FAB0]  }
0x2b7: {  	v36 =	vld [tilespmem:$0x1FA40]  }
0x2b8: {  	v42 =	vld [tilespmem:$0x1FA80];
	v24 =	vadd.f32 v29, v24;
	v29 =	vmul.f32 v58, v52  }
0x2b9: {  	v1 =	vadd.f32 v35, v1;
	v40 =	vld [tilespmem:$0x1FA70];
	v19 =	vadd.f32 v34, v19  }
0x2ba: {  	v50 =	vld [tilespmem:$0x1FAE0];
	v10 =	vadd.f32 v29, v10;
	v29 =	vmul.f32 v61, v52;
	v35 =	vmul.f32 v57, v52  }
0x2bb: {  	v34 =	vmul.f32 v63, v52;
	v63 =	vld [tilespmem:$0x1FB60];
	v17 =	vadd.f32 v30, v17;
	v30 =	vmul.f32 v53, v52  }
0x2bc: {  	v0 =	vadd.f32 v29, v0;
	v29 =	vmul.f32 v38, v52;
	v27 =	vadd.f32 v35, v27;
	v35 =	vld [tilespmem:$0x1FA30]  }
0x2bd: {  	v49 =	vld [tilespmem:$0x1FAD0];
	v22 =	vadd.f32 v34, v22;
	v34 =	vmul.f32 v42, v52;
	v21 =	vadd.f32 v30, v21  }
0x2be: {  	v43 =	vld [tilespmem:$0x1FA90];
	v30 =	vmul.f32 v59, v52;
	v18 =	vadd.f32 v29, v18;
	v29 =	vmul.f32 v40, v52  }
0x2bf: {  	v6 =	vmul.f32 v6, v16;
	v53 =	vld [tilespmem:$0x1FB10];
	v19 =	vadd.f32 v34, v19;
	v34 =	vmul.f32 v50, v23  }
0x2c0: {  	v44 =	vld [tilespmem:$0x1FAA0];
	v5 =	vadd.f32 v30, v5;
	v24 =	vadd.f32 v29, v24;
	v29 =	vmul.f32 v46, v23  }
0x2c1: {  	v48 =	vld [tilespmem:$0x1FAC0];
	v50 =	vmul.f32 v37, v16;
	v22 =	vadd.f32 v34, v22;
	v30 =	vmul.f32 v35, v52  }
0x2c2: {  	v58 =	vld [tilespmem:$0x1FB30];
	v34 =	vmul.f32 v63, v26;
	v10 =	vadd.f32 v29, v10;
	v29 =	vmul.f32 v49, v23  }
0x2c3: {  	v35 =	vmul.f32 v36, v52;
	v28 =	vadd.f32 v30, v28;
	v30 =	vmul.f32 v39, v52;
	v52 =	vld [tilespmem:$0x1FB00]  }
0x2c4: {  	v51 =	vld [tilespmem:$0x1FAF0];
	v46 =	vmul.f32 v47, v16;
	v0 =	vadd.f32 v29, v0;
	v29 =	vmul.f32 v53, v23  }
0x2c5: {  	v40 =	vld [tilespmem:$0x1FBC0];
	v47 =	vmul.f32 v32, v16;
	v17 =	vadd.f32 v30, v17;
	v30 =	vmul.f32 v43, v23  }
0x2c6: {  	v57 =	vld [tilespmem:$0x1FB20];
	v1 =	vadd.f32 v35, v1;
	v35 =	vmul.f32 v44, v23;
	v18 =	vadd.f32 v29, v18  }
0x2c7: {  	v59 =	vld [tilespmem:$0x1FB40];
	v29 =	vmul.f32 v58, v23;
	v21 =	vadd.f32 v30, v21;
	v30 =	vmul.f32 v48, v23  }
0x2c8: {  	v61 =	vld [tilespmem:$0x1FB50];
	v44 =	vmul.f32 v62, v26;
	v27 =	vadd.f32 v35, v27;
	v35 =	vmul.f32 v52, v23  }
0x2c9: {  	v24 =	vadd.f32 v29, v24;
	v29 =	vld [tilespmem:$0x1FB70];
	v5 =	vadd.f32 v30, v5;
	v30 =	vmul.f32 v51, v23  }
0x2ca: {  	v27 =	vadd.f32 v34, v27;
	v34 =	vmul.f32 v40, v26;
	v1 =	vadd.f32 v35, v1;
	v35 =	vld [tilespmem:$0x1FB80]  }
0x2cb: {  	v36 =	vld [tilespmem:$0x1FB90];
	v48 =	vmul.f32 v31, v16;
	v28 =	vadd.f32 v30, v28;
	v30 =	vmul.f32 v57, v23  }
0x2cc: {  	v38 =	vld [tilespmem:$0x1FBA0];
	v52 =	vmul.f32 v33, v16;
	v49 =	vadd.f32 v47, v27;
	v23 =	vmul.f32 v59, v23  }
0x2cd: {  	v39 =	vld [tilespmem:$0x1FBB0];
	v51 =	vmul.f32 v41, v16;
	v57 =	vmul.f32 v20, v16;
	v17 =	vadd.f32 v30, v17  }
0x2ce: {  	v42 =	vld [tilespmem:$0x1FBD0];
	v30 =	vmul.f32 v61, v26;
	v19 =	vadd.f32 v23, v19;
	v23 =	vmul.f32 v29, v26  }
0x2cf: {  	v43 =	vld [tilespmem:$0x1FBE0];
	v59 =	vmul.f32 v13, v16;
	v1 =	vadd.f32 v34, v1;
	v29 =	vmul.f32 v35, v26  }
0x2d0: {  	v21 =	vadd.f32 v30, v21;
	v10 =	vadd.f32 v23, v10;
	v23 =	vmul.f32 v36, v26  }
0x2d1: {  	v61 =	vmul.f32 v8, v16;
	v30 =	vmul.f32 v38, v26;
	v5 =	vadd.f32 v29, v5  }
0x2d2: {  	v29 =	vmul.f32 v39, v26;
	v0 =	vadd.f32 v23, v0;
	v21 =	vadd.f32 v46, v21  }
0x2d3: {  	v22 =	vadd.f32 v30, v22;
	v23 =	vmul.f32 v42, v26;
	v10 =	vadd.f32 v48, v10  }
0x2d4: {  	v28 =	vadd.f32 v29, v28;
	v29 =	vmul.f32 v43, v26;
	[tilespmem:v56+s26+$0x0] =	vst.idx.msk $0xffff, v21  }
0x2d5: {  	v18 =	vadd.f32 v23, v18;
	v5 =	vadd.f32 v50, v5;
	[tilespmem:v54+s26+$0x0] =	vst.idx.msk $0xffff, v49  }
0x2d6: {  	v26 =	vmul.f32 v60, v26;
	v0 =	vadd.f32 v6, v0;
	[tilespmem:v55+s26+$0x0] =	vst.idx.msk $0xffff, v10  }
0x2d7: {  	v53 =	vadd.f32 v51, v22;
	v55 =	vmul.f32 v25, v16;
	[tilespmem:v15+s26+$0x0] =	vst.idx.msk $0xffff, v5  }
0x2d8: {  	v23 =	vadd.f32 v44, v24;
	v56 =	vadd.f32 v52, v28;
	[tilespmem:v14+s26+$0x0] =	vst.idx.msk $0xffff, v0  }
0x2d9: {  	v17 =	vadd.f32 v29, v17;
	v58 =	vadd.f32 v55, v1;
	[tilespmem:v11+s26+$0x0] =	vst.idx.msk $0xffff, v53  }
0x2da: {  	p0 =	sne.s32 s30, $0x7F0;
	v60 =	vmul.f32 v45, v16;
	v6 =	vadd.f32 v57, v18;
	[tilespmem:v12+s26+$0x0] =	vst.idx.msk $0xffff, v56  }
.Ltmp3:
0x2db: {  	v19 =	vadd.f32 v26, v19;
	v1 =	vadd.f32 v59, v17;
	[tilespmem:v2+s26+$0x0] =	vst.idx.msk $0xffff, v58;
	(pc) =	sbr.rel @p0 .LBB2_9-.Ltmp3, $4  }
0x2dc: {  	v62 =	vadd.f32 v60, v23;
	[tilespmem:v7+s26+$0x0] =	vst.idx.msk $0xffff, v6  }
0x2dd: {  	v63 =	vadd.f32 v61, v19;
	[tilespmem:v9+s26+$0x0] =	vst.idx.msk $0xffff, v1  }
0x2de: {  	[tilespmem:v3+s26+$0x0] =	vst.idx.msk $0xffff, v62  }
0x2df: {  	s30 =	sadd.s32 $0x10, s30;
	s31 =	sadd.s32 $0x10, s31;
	v54 =	vld [tilespmem:$0x1FFF0];
	[tilespmem:v4+s26+$0x0] =	vst.idx.msk $0xffff, v63  }
0x2e0: {  	s28 =	sadd.s32 $0x1, s28  }
0x2e1: {  	s0 =	sshll.u32 s29, $0x1;
	s3 =	rddreg [dreg:$0x1];
	p0 =	sne.s32 s28, $0x80  }
.Ltmp4:
0x2e2: {  	s0 =	sadd.s32 s3, s0;
	(pc) =	sbr.rel @p0 .LBB2_2-.Ltmp4, $4  }
0x2e3: {  	[hbm4b:s0+s2] =	stream.linear.scatter [tilespmem:s26], [sflag:$0x2], $0x1000, $0x38;
	[tilespmem:$0xA380] =	vst v63  }
0x2e4: {  	_ =	swait.ge [sflag:s12], $0x1000  }
0x2e5: {  	[sflag:s12] =	ssyncset.done $0x0  }
0x2e6: {  	[sflag:s12] =	ssyncadd.s32 $0xFFFFF000  }
0x2e7: {  	s3 =	rddreg [dreg:$0x5]  }
0x2e8: {  	s0 =	rddreg [dreg:$0x4];
	s3 =	sadd.s32 $0x1, s3  }
0x2e9: {  	p0 =	sne.s32 s3, s0  }
.Ltmp5:
0x2ea: {  	_ = 	snop;
	(pc) =	sbr.rel @p0 .LBB2_1-.Ltmp5, $1  }
0x2eb: {  	_ =	sdelay $0x3  }
0x2ec: {  	_ =	sfence.sel $0x180000  }
0x2ed: {  	[bflag:$0x0] =	sbarrier.arrive $0xFFFF  }
0x2ee: {  	_ =	strace $0x90000047  }
0x2ef: {  	s0 =	stileid.u32;
	[bflag:$0x2] =	sbarrier.arrive $0xFFFF  }
0x2f0: {  	p0 =	sne.s32 s0, $0x0;
	s0 =	rddreg [dreg:$0x2]  }
0x2f1: {  	s0 =	sadd.s32 @!p0 $0x100000, s0  }
0x2f2: {  	[sflag:s0] =	ssyncadd.tile.s32 @!p0 $0x1;
	_ =	shalt  }
.Lfunc_end2:
_tile_overlayer_lowered:
.L_overlay_start_2:
0x2f3: {  	(tag) =	ssettag $0x2  }
0x2f4: {  	s0 =	rddreg [dreg:$0x0];
	s2 =	stileid.u32  }
0x2f5: {  	s1 =	rddreg [dreg:$0x1];
	p0 =	sne.s32 s2, $0x0  }
0x2f6: {  	s3 =	rddreg [dreg:$0x2];
	[bflag:$0x3] =	sbarrier.arrive $0xFFFF;
	s2 =	simm.s32 @!p0 $0x1C02  }
0x2f7: {  	[timem:s3], [sflag:s2] =	dma.local @!p0 [hbm:s0], s1  }
0x2f8: {  	s0 =	simm.s32 @!p0 $0x2  }
0x2f9: {  	_ =	swait.ge @!p0 [sflag:s0], s1  }
0x2fa: {  	s1 =	ssub.s32 @!p0 $0x0, s1;
	[sflag:s0] =	ssyncset.done @!p0 $0x0  }
0x2fb: {  	[sflag:s0] =	ssyncadd.s32 @!p0 s1  }
0x2fc: {  	[bflag:$0x3] =	sbarrier.arrive $0xFFFF  }
0x2fd: {  	_ =	shalt  }

// kernel: sparse-core-data-format-call.cloned.1.call-start
scs
called_computation_lowered:
.L_overlay_start_0:
0x0: {  	s2 =	sld [smem:$0x3FD9]  }
0x1: {  	s3 =	sld [smem:$0x3FFE];
	_ =	sdelay $0x1  }
0x2: {  	s1 =	srdreg.scid  }
0x3: {  	s0 =	sand.u32 $0x1, s1  }
0x4: {  	s18 =	sshll.u32 s0, $0xA;
	s2 =	sadd.s32 s3, s2  }
0x5: {  	s2 =	sadd.s32 s2, s18  }
0x6: {  	[smem:$0x3FC4] =	sst s2  }
0x7: {  	_ = 	snop  }
0x8: {  	s2 =	sld [smem:$0x3FD0];
	(tm) =	ssettm $0x1  }
0x9: {  	s19 =	sld [smem:$0x3FFB];
	_ =	sdelay $0x3  }
0xa: {  	_ =	strace s19  }
0xb: {  	s3 =	sld [smem:$0x3FFC];
	_ =	sdelay $0x3  }
0xc: {  	_ =	strace s3  }
0xd: {  	s3 =	sld [smem:$0x3FFD];
	_ =	sdelay $0x3  }
0xe: {  	_ =	strace s3  }
0xf: {  	_ =	strace $0x8FFFFFFF  }
0x10: {  	s20 =	sld [smem:$0x3FDB];
	_ =	sdelay $0x1  }
0x11: {  	s4 =	simm.s32 $_scs_section_size  }
0x12: {  	s5 =	simm.s32 $_size__tile_overlayer_lowered;
	s6 =	simm.s32 $_tile_overlayer_lowered  }
0x13: {  	s23 =	simm.s32 $0x1BFF;
	s22 =	sshll.u32 s6, $0x1;
	s3 =	sadd.s32 s4, s20  }
0x14: {  	s7 =	simm.s32 $0x0;
	s21 =	sshll.u32 s5, $0x1;
	s5 =	sadd.s32 s22, s3  }
0x15: {  	[timem:s7], [sflag:s23] =	dma.local [hbm:s5], s21  }
0x16: {  	_ =	swait.ge [sflag:s23], s21  }
0x17: {  	s4 =	ssub.s32 $0x0, s21;
	[sflag:s23] =	ssyncset.done $0x0  }
0x18: {  	[sflag:s23] =	ssyncadd.s32 s4;
	_ =	sdelay $0x1  }
0x19: {  	s24 =	simm.s32 $0x1B8B  }
0x1a: {  	_ =	swait.ge [sflag:s24], $0x1  }
0x1b: {  	[sflag:s24] =	ssyncset.done $0x0  }
0x1c: {  	s26 =	simm.s32 $0x1B8E;
	s25 =	sld [smem:$0x3FFE];
	[sflag:s24] =	ssyncadd.s32 $0xFFFFFFFF  }
0x1d: {  	s27 =	simm.s32 $execute0_lowered;
	[smem:$0x3FD2] =	sst s26  }
0x1e: {  	s5 =	sshll.u32 s27, $0x1;
	_ =	strace $0x80000049;
	[dreg:$0x1] =	wrdreg $0xFFFFFFFF  }
0x1f: {  	s28 =	simm.s32 $_size_execute0_lowered;
	s3 =	sadd.s32 s3, s5;
	[dreg:$0x0] =	wrdreg $0x0  }
0x20: {  	s5 =	sshll.u32 s28, $0x1;
	[dreg:$0x2] =	wrdreg s3  }
0x21: {  	[dreg:$0x3] =	wrdreg s5  }
0x22: {  	[dreg:$0x4] =	wrdreg $0xC0  }
0x23: {  	_ =	task [dreg:s7], $0x5FFFF  }
0x24: {  	[dreg:$0x1] =	wrdreg $0xFFFFFFFF  }
0x25: {  	[dreg:$0x0] =	wrdreg $0x60  }
0x26: {  	[dreg:$0x2] =	wrdreg s25  }
0x27: {  	[dreg:$0x3] =	wrdreg s2  }
0x28: {  	[dreg:$0x4] =	wrdreg $0x9  }
0x29: {  	_ =	task.clear_ibuf [dreg:s7], $0x5FFFF;
	_ =	strace $0x90000049  }
0x2a: {  	s29 =	simm.s32 $0x9;
	_ =	strace $0x8000004B  }
0x2b: {  	_ =	swait.ge [sflag:s29], $0x1  }
0x2c: {  	[sflag:s29] =	ssyncadd.s32 $0xFFFFFFFF  }
0x2d: {  	_ =	strace $0x9000004B  }
0x2e: {  	_ =	sfence  }
0x2f: {  	s30 =	sld [smem:$0x0];
	_ =	sdelay $0x2  }
0x30: {  	s31 =	sshll.u32 s1, $0xD;
	s1 =	sshrl.u32 s1, $0x2  }
0x31: {  	s3 =	sand.u32 $0x4000, s31;
	s1 =	sadd.s32 s1, s30  }
0x32: {  	s0 =	sor.u32 s3, s0;
	s1 =	sshll.u32 s1, $0x11  }
0x33: {  	s0 =	sor.u32 s1, s0  }
0x34: {  	s0 =	sadd.s32 $0x8F2B, s0  }
0x35: {  	[sflag:s0] =	ssyncadd.remote.s32 $0x1  }
0x36: {  	_ =	sfence.sel $0xFFFF  }
0x37: {  	[dreg:$0x0] =	wrdreg $0xFFFFFFFF;
	(pc) =	sbr.abs _section_cstart, $3  }
0x38: {  	[dreg:$0x1] =	wrdreg $0xFFFFFFFF  }
0x39: {  	_ =	task.clear_ibuf [dreg:s7], $0x2FFFF;
	_ =	strace $0x9FFFFFFF  }
0x3a: {  	(tm) =	ssettm $0x7FFFFFFF  }
0x3b: {  	_ =	shalt  }
tec
execute0_lowered:
.L_overlay_start_1:
0x0: {  	(tag) =	ssettag $0x1  }
0x1: {  	s0 =	srdreg.scid  }
0x2: {  	s1 =	sshll.u32 s0, $0x4  }
0x3: {  	s4 =	rddreg [dreg:$0x0];
	s0 =	stileid.u32;
	s1 =	sand.u32 $0x10, s1  }
0x4: {  	s2 =	rddreg [dreg:$0x1];
	s7 =	simm.s32 $0x1;
	s1 =	sor.u32 s0, s1  }
0x5: {  	s8 =	simm.s32 $0x2;
	s11 =	simm.s32 $0x0;
	s3 =	sshll.u32 s1, $0x7  }
0x6: {  	s10 =	simm.s32 $0x0;
	s4 =	sadd.s32 $0x1000, s4;
	s6 =	ssub.s32 $0x100000, s3  }
.Ltmp0:
0x7: {  	s1 =	rddreg [dreg:$0x2];
	s5 =	sand.u32 $0xF80, s6;
	(pc) =	sbr.rel .LBB1_1-.Ltmp0, $4  }
0x8: {  	_ =	strace $0x8000004A;
	s9 =	smov.u32 s3;
	p0 =	sne.s32 s5, $0x0  }
0x9: {  	s6 =	sshrl.u32 s6, $0xC;
	s5 =	simm.s32 $0x1;
	s7 =	simm.s32 @!p0 $0x0  }
0xa: {  	[sflag:s5] =	ssyncpa.u1 $0x0;
	p0 =	por $0x0, $0x0;
	s6 =	sadd.s32 s7, s6  }
0xb: {  	[sflag:s8] =	ssyncpa.u1 $0x0;
	s8 =	simm.s32 $0x800000;
	s7 =	sadd.s32 $0x1, s6  }
.LBB1_4:
0xc: {  	[tilespmem:s12+$0xFFFFFFFC ss:$0x81] =	vst.msk $0xffff, v2;
	s14 =	sshll.u32 s11, $0x3  }
0xd: {  	[tilespmem:s12+$0xFFFFFFFD ss:$0x81] =	vst.msk $0xffff, v3;
	s15 =	sand.u32 $0x78, s11;
	s14 =	sand.u32 $0xFFC00, s14  }
0xe: {  	[tilespmem:s12+$0xFFFFFFFE ss:$0x81] =	vst.msk $0xffff, v1;
	s29 =	sand.u32 $0x1E0000, s11;
	s30 =	sand.u32 $0x7, s11;
	s14 =	sor.u32 s15, s14  }
0xf: {  	[tilespmem:s12+$0xFFFFFFFF ss:$0x81] =	vst.msk $0xffff, v4;
	s11 =	sshll.u32 s30, $0x12;
	s15 =	sadd.s32 s2, s29;
	s14 =	sshrl.u32 s14, $0x3  }
0x10: {  	[tilespmem:s12+$0xFFFFFFF9 ss:$0x81] =	vst.msk $0xffff, v0;
	s11 =	sor.u32 $0x400, s11;
	s31 =	sadd.s32 s14, s15  }
0x11: {  	[hbm4b:s31+s11] =	stream.strided.scatter [tilespmem:s13], [sflag:$0x2], $0x800, s8, s11, $0x20;
	[tilespmem:$0x2020] =	vst v63  }
.LBB1_5:
0x12: {  	s13 =	sadd.s32 $0x1000, s9  }
0x13: {  	p2 =	sgt.s32 s13, $0xFFFFF  }
0x14: {  	s13 =	smov.u32 @p2 s3;
	p2 =	sne.s32 s10, s7  }
.Ltmp1:
0x15: {  	p1 =	slt.u32 s10, $0x2;
	(pc) =	sbr.rel @!p2 .LBB1_6-.Ltmp1, $4  }
0x16: {  	s12 =	simm.s32 @!p1 $0x2  }
0x17: {  	s14 =	sadd.s32 $0x1, s10;
	_ =	swait.ge @!p1 [sflag:s12], $0x800  }
0x18: {  	s11 =	smov.u32 s9;
	p0 =	por !p0, !p0;
	[sflag:s12] =	ssyncset.done @!p1 $0x0  }
0x19: {  	s10 =	smov.u32 s14;
	s9 =	smov.u32 s13;
	[sflag:s12] =	ssyncadd.s32 @!p1 $0xFFFFF800  }
.LBB1_1:
0x1a: {  	p1 =	sge.u32 s10, s6  }
0x1b: {  	s31 =	sadd.s32 $0xFFFFFFFF, s10;
	s12 =	sxor.u32 @!p1 $0xFFFFFFFF, s10;
	s13 =	sshll.u32 @!p1 s9, $0x4  }
0x1c: {  	s14 =	simm.s32 @!p1 $0x10;
	s12 =	sshll.u32 @!p1 s12, $0xB;
	s13 =	sand.u32 @!p1 $0xFFFFF0, s13  }
0x1d: {  	s15 =	simm.s32 @!p1 $0x80;
	s12 =	sand.u32 @!p1 $0x800, s12;
	s13 =	sadd.s32 @!p1 s4, s13  }
0x1e: {  	[tilespmem:s12], [sflag:$0x1] =	stream.strided.gather @!p1 [hbm4b:s13+s14], $0x800, s15, s14, $0x38;
	[tilespmem:$0x2020] =	vst v63  }
0x1f: {  	p1 =	sge.u32 s31, s6  }
.Ltmp2:
0x20: {  	_ = 	snop;
	(pc) =	sbr.rel @p1 .LBB1_5-.Ltmp2, $1  }
0x21: {  	_ =	sdelay $0x3  }
0x22: {  	s12 =	simm.s32 $0x1  }
0x23: {  	_ =	swait.ge [sflag:s5], $0x800;
	s12 =	simm.s32 @!p0 $0x0  }
0x24: {  	[sflag:s5] =	ssyncset.done $0x0;
	s13 =	sshll.u32 s12, $0xB  }
0x25: {  	[sflag:s5] =	ssyncadd.s32 $0xFFFFF800;
	s15 =	sor.u32 $0x40, s13  }
0x26: {  	v0 =	vld [tilespmem:s15+$0x30]  }
0x27: {  	s12 =	smul.u32 $0x2040, s12;
	v4 =	vld [tilespmem:s15+$0xFFFFFFD0]  }
0x28: {  	v5 =	vld [tilespmem:s15+$0xFFFFFFE0]  }
0x29: {  	s31 =	sand.u32 $0x1, s10;
	s12 =	sshrl.u32 s12, $0x2;
	v2 =	vld [tilespmem:s15+$0xFFFFFFF0]  }
0x2a: {  	s13 =	smul.u32 $0x2040, s31;
	v3 =	vld [tilespmem:s15+$0x0];
	s12 =	sor.u32 $0x1007, s12  }
0x2b: {  	v1 =	vld [tilespmem:s15+$0x10];
	[tilespmem:s12+$0x0 ss:$0x81] =	vst.msk $0xffff, v0  }
0x2c: {  	s13 =	sshrl.u32 s13, $0x2;
	[tilespmem:s12+$0xFFFFFFFA ss:$0x81] =	vst.msk $0xffff, v4;
	v4 =	vld [tilespmem:s15+$0x20]  }
0x2d: {  	s14 =	simm.s32 $0x0;
	s13 =	sor.u32 $0x1000, s13;
	v0 =	vld [tilespmem:s15+$0xFFFFFFC0];
	[tilespmem:s12+$0xFFFFFFFB ss:$0x81] =	vst.msk $0xffff, v5;
	s15 =	sadd.s32 $0x80, s15  }
.LBB1_3:
0x2e: {  	v5 =	vld [tilespmem:s15+$0x30];
	s14 =	sadd.s32 $0x8, s14;
	[tilespmem:s12+$0xFFFFFFFC ss:$0x81] =	vst.msk $0xffff, v2  }
0x2f: {  	v6 =	vld [tilespmem:s15+$0xFFFFFFD0];
	p1 =	slt.u32 s14, $0x78;
	[tilespmem:s12+$0xFFFFFFFD ss:$0x81] =	vst.msk $0xffff, v3  }
0x30: {  	v7 =	vld [tilespmem:s15+$0xFFFFFFE0];
	[tilespmem:s12+$0xFFFFFFFE ss:$0x81] =	vst.msk $0xffff, v1  }
.Ltmp3:
0x31: {  	v2 =	vld [tilespmem:s15+$0xFFFFFFF0];
	[tilespmem:s12+$0xFFFFFFFF ss:$0x81] =	vst.msk $0xffff, v4;
	(pc) =	sbr.rel @p1 .LBB1_3-.Ltmp3, $4  }
0x32: {  	v3 =	vld [tilespmem:s15+$0x0];
	[tilespmem:s12+$0xFFFFFFF9 ss:$0x81] =	vst.msk $0xffff, v0;
	s12 =	sadd.s32 $0x8, s12  }
0x33: {  	v1 =	vld [tilespmem:s15+$0x10];
	[tilespmem:s12+$0x0 ss:$0x81] =	vst.msk $0xffff, v5  }
0x34: {  	[tilespmem:s12+$0xFFFFFFFA ss:$0x81] =	vst.msk $0xffff, v6;
	v4 =	vld [tilespmem:s15+$0x20]  }
0x35: {  	v0 =	vld [tilespmem:s15+$0xFFFFFFC0];
	[tilespmem:s12+$0xFFFFFFFB ss:$0x81] =	vst.msk $0xffff, v7;
	s15 =	sadd.s32 $0x80, s15  }
.Ltmp4:
0x36: {  	_ = 	snop;
	(pc) =	sbr.rel .LBB1_4-.Ltmp4, $1  }
0x37: {  	_ =	sdelay $0x3  }
.LBB1_6:
0x38: {  	_ =	sfence.sel $0x180000  }
0x39: {  	s2 =	simm.s32 $0x1;
	[bflag:$0x0] =	sbarrier.arrive $0xFFFF  }
0x3a: {  	s31 =	simm.s32 $0x2;
	[sflag:s2] =	ssyncpa.u1 $0x1  }
0x3b: {  	[sflag:s31] =	ssyncpa.u1 $0x1  }
0x3c: {  	p0 =	sne.s32 s0, $0x0;
	_ =	strace $0x9000004A  }
0x3d: {  	s0 =	sadd.s32 @!p0 $0x100000, s1;
	[bflag:$0x2] =	sbarrier.arrive $0xFFFF  }
0x3e: {  	[sflag:s0] =	ssyncadd.tile.s32 @!p0 $0x1;
	_ =	shalt  }
.Lfunc_end1:
_tile_overlayer_lowered:
.L_overlay_start_2:
0x3f: {  	(tag) =	ssettag $0x2  }
0x40: {  	s0 =	rddreg [dreg:$0x0];
	s2 =	stileid.u32  }
0x41: {  	s1 =	rddreg [dreg:$0x1];
	p0 =	sne.s32 s2, $0x0  }
0x42: {  	s3 =	rddreg [dreg:$0x2];
	[bflag:$0x3] =	sbarrier.arrive $0xFFFF;
	s2 =	simm.s32 @!p0 $0x1C01  }
0x43: {  	[timem:s3], [sflag:s2] =	dma.local @!p0 [hbm:s0], s1  }
0x44: {  	s0 =	simm.s32 @!p0 $0x1  }
0x45: {  	_ =	swait.ge @!p0 [sflag:s0], s1  }
0x46: {  	s1 =	ssub.s32 @!p0 $0x0, s1;
	[sflag:s0] =	ssyncset.done @!p0 $0x0  }
0x47: {  	[sflag:s0] =	ssyncadd.s32 @!p0 s1  }
0x48: {  	[bflag:$0x3] =	sbarrier.arrive $0xFFFF  }
0x49: {  	_ =	shalt  }

</sc_bundles>
